<compile_context>
chip_gen: v7x
topology: tpu7x:2x2x1
jax: 0.10.2.dev20260603
libtpu: 0.0.44.dev20260713+nightly
codegen_flags: <defaults>
</compile_context>

<pallas_src>
import functools

import jax
import jax.numpy as jnp
from jax import lax
from jax.experimental import pallas as pl
from jax.experimental.pallas import tpu as pltpu
from jax.experimental.pallas import tpu_sc as plsc

_F32 = jnp.float32
_NW = 32
_CHUNK = 100
_NBUF = 3


def _sc_mesh():
    return plsc.VectorSubcoreMesh(core_axis_name="c", subcore_axis_name="s")


def _make_deg(N, e_pt):

    @functools.partial(
        pl.kernel,
        out_type=jax.ShapeDtypeStruct((2, N), _F32),
        mesh=_sc_mesh(),
        scratch_types=[
            pltpu.VMEM((e_pt,), jnp.int32),
            pltpu.VMEM((1, N), _F32),
            pltpu.VMEM((1,), jnp.int32),
            pltpu.VMEM_SHARED((1, N), _F32),
        ],
        compiler_params=pltpu.CompilerParams(
            use_tc_tiling_on_sc=False, needs_layout_passes=False),
    )
    def deg_kernel(dst_hbm, zeros_hbm, zi_hbm, out_hbm, dst_v, hist, zidx, acc):
        cid = lax.axis_index("c")
        sid = lax.axis_index("s")
        wid = sid * 2 + cid
        pltpu.sync_copy(dst_hbm.at[wid], dst_v)
        pltpu.sync_copy(zi_hbm, zidx)

        @pl.when(sid == 0)
        def _():
            pltpu.sync_copy(zeros_hbm, acc)

        zv = jnp.zeros((16,), _F32)

        @pl.loop(0, N // 16)
        def _(r):
            hist[0, pl.ds(r * 16, 16)] = zv

        ones = jnp.ones((16,), _F32)

        @pl.loop(0, e_pt // 16)
        def _(j):
            idxv = dst_v[pl.ds(j * 16, 16)]
            plsc.addupdate_scatter(hist.at[0], [idxv], ones)

        plsc.subcore_barrier()
        pltpu.sync_copy(hist, acc.at[zidx], add=True)
        plsc.subcore_barrier()

        @pl.when(sid == 0)
        def _():
            pltpu.sync_copy(acc.at[0], out_hbm.at[cid])

    return deg_kernel


def _make_hop(N, H, nchunk):
    rows_pt = N // 16

    @functools.partial(
        pl.kernel,
        out_type=jax.ShapeDtypeStruct((2, N, H), _F32),
        mesh=_sc_mesh(),
        scratch_types=[
            pltpu.VMEM((_NBUF, 2, _CHUNK), jnp.int32),
        ]
        + [pltpu.VMEM((_CHUNK, H), _F32) for _ in range(_NBUF)]
        + [
            pltpu.VMEM_SHARED((N, H), _F32),
        ]
        + [pltpu.SemaphoreType.DMA for _ in range(2 * _NBUF + 2)],
    )
    def hop_kernel(ei_hbm, cs_hbm, zeros_hbm, out_hbm, idx_v, *rest):
        rows = rest[:_NBUF]
        acc = rest[_NBUF]
        gsems = rest[_NBUF + 1:2 * _NBUF + 1]
        isems = rest[2 * _NBUF + 1:3 * _NBUF + 1]
        zsem = rest[3 * _NBUF + 1]
        ssem = rest[3 * _NBUF + 2]
        cid = lax.axis_index("c")
        sid = lax.axis_index("s")
        wid = sid * 2 + cid
        zdesc = pltpu.async_copy(
            zeros_hbm, acc.at[pl.ds(sid * rows_pt, rows_pt)], zsem)

        def start(j, b):
            pltpu.async_copy(ei_hbm.at[wid, j], idx_v.at[b], isems[b])

        def wait_idx_and_gather(j, b):
            pltpu.make_async_copy(ei_hbm.at[wid, j], idx_v.at[b], isems[b]).wait()
            pltpu.async_copy(cs_hbm.at[idx_v.at[b, 0]], rows[b], gsems[b])

        def wait_scatter(b):
            pltpu.make_async_copy(rows[b], acc.at[idx_v.at[b, 1]], ssem).wait()

        for b in range(_NBUF):
            start(b, b)
        for b in range(_NBUF):
            wait_idx_and_gather(b, b)
        zdesc.wait()
        plsc.subcore_barrier()

        niter = -(-nchunk // _NBUF) * _NBUF

        @pl.loop(0, niter, step=_NBUF)
        def _(i):
            for b in range(_NBUF):
                j = i + b
                pb = (b - 1) % _NBUF

                @pl.when(j < nchunk)
                def _():
                    pltpu.make_async_copy(
                        cs_hbm.at[idx_v.at[b, 0]], rows[b], gsems[b]).wait()

                    @pl.when(j > 0)
                    def _():
                        wait_scatter(b)

                    pltpu.async_copy(
                        rows[b], acc.at[idx_v.at[b, 1]], ssem, add=True)

                jp = j + _NBUF - 1

                @pl.when(jnp.logical_and(j > 0, jp < nchunk))
                def _():
                    start(jp, pb)
                    wait_idx_and_gather(jp, pb)

        wait_scatter(0)
        plsc.subcore_barrier()
        pltpu.sync_copy(
            acc.at[pl.ds(sid * rows_pt, rows_pt)],
            out_hbm.at[cid, pl.ds(sid * rows_pt, rows_pt)],
        )

    return hop_kernel


def _combine(parts, norm2d, rows_blk=1000):
    _, N, H = parts.shape

    def body(p_ref, n_ref, f_ref, s_ref):
        p = p_ref[...]
        nv = n_ref[...]
        f = (p[0] + p[1]) * nv
        f_ref[...] = f
        s_ref[...] = f * nv

    return pl.pallas_call(
        body,
        grid=(N // rows_blk,),
        in_specs=[
            pl.BlockSpec((2, rows_blk, H), lambda i: (0, i, 0)),
            pl.BlockSpec((rows_blk, 1), lambda i: (i, 0)),
        ],
        out_specs=[
            pl.BlockSpec((rows_blk, H), lambda i: (i, 0)),
            pl.BlockSpec((rows_blk, H), lambda i: (i, 0)),
        ],
        out_shape=[jax.ShapeDtypeStruct((N, H), _F32)] * 2,
    )(parts, norm2d)


def _mm_relu(feats, W, b, rows_blk=1000):
    N, H = feats[0].shape
    nf = len(feats)

    def body(*refs):
        f_refs = refs[:nf]
        w_ref, b_ref, o_ref = refs[nf], refs[nf + 1], refs[nf + 2]
        w = w_ref[...]
        acc = b_ref[...].astype(_F32)
        for k in range(nf):
            acc = acc + jnp.dot(
                f_refs[k][...],
                w[k * H:(k + 1) * H, :],
                precision=lax.Precision.HIGHEST,
                preferred_element_type=_F32,
            )
        o_ref[...] = jnp.maximum(acc, 0.0)

    return pl.pallas_call(
        body,
        grid=(N // rows_blk,),
        in_specs=[pl.BlockSpec((rows_blk, H), lambda i: (i, 0)) for _ in range(nf)]
        + [
            pl.BlockSpec(W.shape, lambda i: (0, 0)),
            pl.BlockSpec((1, W.shape[1]), lambda i: (0, 0)),
        ],
        out_specs=pl.BlockSpec((rows_blk, W.shape[1]), lambda i: (i, 0)),
        out_shape=jax.ShapeDtypeStruct((N, W.shape[1]), _F32),
    )(*feats, W, b.reshape(1, -1))


def kernel(x, edge_index, W1, b1, W2, b2):
    N, D = x.shape
    H = W1.shape[1]
    E = edge_index.shape[1]
    nchunk = E // (_NW * _CHUNK)
    assert E == _NW * nchunk * _CHUNK

    Np = -(-N // 128) * 128
    blk = Np // 8
    x = jnp.pad(x, ((0, Np - N), (0, 0)))

    ei3 = jnp.stack(
        (edge_index[0].reshape(_NW, nchunk, _CHUNK),
         edge_index[1].reshape(_NW, nchunk, _CHUNK)), axis=2)
    zeros_h = jnp.zeros((Np // 16, H), _F32)
    e_pt = E // _NW
    dst2 = edge_index[1].reshape(_NW, e_pt)
    zeros_n = jnp.zeros((1, Np), _F32)
    zi = jnp.zeros((1,), jnp.int32)

    deg_parts = _make_deg(Np, e_pt)(dst2, zeros_n, zi)
    deg = deg_parts[0] + deg_parts[1]
    norm = jnp.clip(deg, 1.0) ** -0.5
    norm2d = norm[:, None]

    hop = _make_hop(Np, H, nchunk)
    h = x
    for (W, b) in ((W1, b1), (W2, b2)):
        s = h * norm2d
        feats = [h]
        for _ in range(3):
            parts = hop(ei3, s, zeros_h)
            f, s = _combine(parts, norm2d, rows_blk=blk)
            feats.append(f)
        h = _mm_relu(feats, W, b, rows_blk=blk)
    return h[:N]

# --- scband reference (transcript-rebuilt; emitter-appended) ---
"""Pipeline reference for scband-encoder-9680856285475 (READ-ONLY COPY).

The authoritative reference and input builder live on the scoring server;
editing this copy changes nothing except your own understanding.
"""

import jax, jax.numpy as jnp
import numpy as np

N = 10000
E = 320000
D_IN = 128
H = 128
K = 3


def setup_inputs(seed: int = 0) -> dict:
    key = jax.random.key(seed)
    k1, k2, k3, k4 = jax.random.split(key, 4)
    x = jax.random.normal(k1, (N, D_IN), dtype=jnp.float32)
    edge_index = jax.random.randint(k2, (2, E), 0, N, dtype=jnp.int32)
    # TAGConv layer 1: Linear((K+1)*D_IN -> H), layer 2: Linear((K+1)*H -> H)
    W1 = jax.random.normal(k3, ((K + 1) * D_IN, H), dtype=jnp.float32) * 0.05
    b1 = jnp.zeros((H,), dtype=jnp.float32)
    W2 = jax.random.normal(k4, ((K + 1) * H, H), dtype=jnp.float32) * 0.05
    b2 = jnp.zeros((H,), dtype=jnp.float32)
    return {"x": x, "edge_index": edge_index, "W1": W1, "b1": b1, "W2": W2, "b2": b2}


def _tagconv(h, src, dst, norm, W, b):
    # DGL TAGConv: fstack = [h, A_norm h, ..., A_norm^K h]; out = cat(fstack) @ W + b
    fstack = [h]
    cur = h
    for _ in range(K):
        cur = cur * norm[:, None]
        agg = jnp.zeros_like(cur).at[dst].add(cur[src])
        cur = agg * norm[:, None]
        fstack.append(cur)
    return jnp.concatenate(fstack, axis=-1) @ W + b


def reference(x, edge_index, W1, b1, W2, b2):
    src = edge_index[0]
    dst = edge_index[1]
    deg = jnp.zeros((N,), dtype=jnp.float32).at[dst].add(1.0)
    deg = jnp.clip(deg, 1.0)
    norm = deg ** (-0.5)
    h = _tagconv(x, src, dst, norm, W1, b1)
    h = jax.nn.relu(h)  # dropout p=0 is identity
    h = _tagconv(h, src, dst, norm, W2, b2)
    h = jax.nn.relu(h)
    return h

if __name__ == "__main__":
    import jax
    _d = setup_inputs()
    print(jax.jit(kernel)(*tuple(_d.values())))

</pallas_src>

<mosaic_0001>
#map = affine_map<(d0, d1) -> (0, 0, 0, 0)>
#map1 = affine_map<(d0, d1) -> (0, 0)>
#map2 = affine_map<(d0, d1) -> (0, 0, 0)>
module attributes {stable_mosaic.version = 14 : i64} {
  func.func @hop_kernel(%arg0: i32, %arg1: i32, %arg2: memref<32x100x2x100xi32, #tpu.memory_space<hbm>>, %arg3: memref<10112x128xf32, #tpu.memory_space<hbm>>, %arg4: memref<632x128xf32, #tpu.memory_space<hbm>>, %arg5: memref<2x10112x128xf32, #tpu.memory_space<hbm>>, %arg6: memref<3x2x100xi32, #tpu.memory_space<vmem>>, %arg7: memref<100x128xf32, #tpu.memory_space<vmem>>, %arg8: memref<100x128xf32, #tpu.memory_space<vmem>>, %arg9: memref<100x128xf32, #tpu.memory_space<vmem>>, %arg10: memref<10112x128xf32, #tpu.memory_space<vmem_shared>>, %arg11: memref<!tpu.dma_semaphore, #tpu.memory_space<semaphore_mem>>, %arg12: memref<!tpu.dma_semaphore, #tpu.memory_space<semaphore_mem>>, %arg13: memref<!tpu.dma_semaphore, #tpu.memory_space<semaphore_mem>>, %arg14: memref<!tpu.dma_semaphore, #tpu.memory_space<semaphore_mem>>, %arg15: memref<!tpu.dma_semaphore, #tpu.memory_space<semaphore_mem>>, %arg16: memref<!tpu.dma_semaphore, #tpu.memory_space<semaphore_mem>>, %arg17: memref<!tpu.dma_semaphore, #tpu.memory_space<semaphore_mem>>, %arg18: memref<!tpu.dma_semaphore, #tpu.memory_space<semaphore_mem>>) attributes {dimension_semantics = [#tpu.dimension_semantics<core_parallel>, #tpu.dimension_semantics<subcore_parallel>], iteration_bounds = array<i64: 2, 16>, scalar_prefetch = 0 : i64, scratch_operands = 13 : i64, tpu.core_type = #tpu.core_type<sc_vector_subcore>, window_params = [{transform_indices = #map}, {transform_indices = #map1}, {transform_indices = #map1}, {transform_indices = #map2}]} {
    %mul3A = arith.constant 2 : i32
    %mul3A_0 = arith.muli %arg1, %mul3A : i32
    %add3A = arith.addi %mul3A_0, %arg0 : i32
    %mul3A_1 = arith.constant 632 : i32
    %mul3A_2 = arith.muli %arg1, %mul3A_1 : i32
    %dma_start3A = arith.constant 0 : i32
    %dma_start3A_3 = tpu.memref_slice %arg10[%mul3A_2, %dma_start3A] : memref<10112x128xf32, #tpu.memory_space<vmem_shared>> -> memref<632x128xf32, #tpu.memory_space<vmem_shared>>
    tpu.enqueue_dma source(%arg4 : memref<632x128xf32, #tpu.memory_space<hbm>>) target(%dma_start3A_3 : memref<632x128xf32, #tpu.memory_space<vmem_shared>>) target_semaphore(%arg17 : memref<!tpu.dma_semaphore, #tpu.memory_space<semaphore_mem>>)
    %dma_start3A_4 = arith.constant 0 : i32
    %dma_start3A_5 = arith.constant 0 : i32
    %dma_start3A_6 = arith.constant 0 : i32
    %dma_start3A_7 = arith.constant 0 : i32
    %dma_start3A_8 = tpu.memref_slice %arg6[%dma_start3A_5, %dma_start3A_6, %dma_start3A_7] : memref<3x2x100xi32, #tpu.memory_space<vmem>> -> memref<1x2x100xi32, #tpu.memory_space<vmem>>
    %dma_start3A_9 = tpu.memref_squeeze %dma_start3A_8 : memref<1x2x100xi32, #tpu.memory_space<vmem>> -> memref<2x100xi32, #tpu.memory_space<vmem>>
    %dma_start3A_10 = arith.constant 0 : i32
    %dma_start3A_11 = arith.constant 0 : i32
    %dma_start3A_12 = tpu.memref_slice %arg2[%add3A, %dma_start3A_4, %dma_start3A_10, %dma_start3A_11] : memref<32x100x2x100xi32, #tpu.memory_space<hbm>> -> memref<1x1x2x100xi32, #tpu.memory_space<hbm>>
    %dma_start3A_13 = tpu.memref_squeeze %dma_start3A_12 : memref<1x1x2x100xi32, #tpu.memory_space<hbm>> -> memref<2x100xi32, #tpu.memory_space<hbm>>
    %dma_start3A_14 = arith.constant 0 : i32
    %dma_start3A_15 = arith.constant 0 : i32
    %dma_start3A_16 = tpu.memref_slice %arg6[%dma_start3A_5, %dma_start3A_14, %dma_start3A_15] : memref<3x2x100xi32, #tpu.memory_space<vmem>> -> memref<1x2x100xi32, #tpu.memory_space<vmem>>
    %dma_start3A_17 = tpu.memref_squeeze %dma_start3A_16 : memref<1x2x100xi32, #tpu.memory_space<vmem>> -> memref<2x100xi32, #tpu.memory_space<vmem>>
    %dma_start3A_18 = arith.constant 0 : i32
    %dma_start3A_19 = arith.constant 0 : i32
    %dma_start3A_20 = tpu.memref_slice %arg2[%add3A, %dma_start3A_4, %dma_start3A_18, %dma_start3A_19] : memref<32x100x2x100xi32, #tpu.memory_space<hbm>> -> memref<1x1x2x100xi32, #tpu.memory_space<hbm>>
    %dma_start3A_21 = tpu.memref_squeeze %dma_start3A_20 : memref<1x1x2x100xi32, #tpu.memory_space<hbm>> -> memref<2x100xi32, #tpu.memory_space<hbm>>
    tpu.enqueue_dma source(%dma_start3A_21 : memref<2x100xi32, #tpu.memory_space<hbm>>) target(%dma_start3A_17 : memref<2x100xi32, #tpu.memory_space<vmem>>) target_semaphore(%arg14 : memref<!tpu.dma_semaphore, #tpu.memory_space<semaphore_mem>>)
    %dma_start3A_22 = arith.constant 1 : i32
    %dma_start3A_23 = arith.constant 1 : i32
    %dma_start3A_24 = arith.constant 0 : i32
    %dma_start3A_25 = arith.constant 0 : i32
    %dma_start3A_26 = tpu.memref_slice %arg6[%dma_start3A_23, %dma_start3A_24, %dma_start3A_25] : memref<3x2x100xi32, #tpu.memory_space<vmem>> -> memref<1x2x100xi32, #tpu.memory_space<vmem>>
    %dma_start3A_27 = tpu.memref_squeeze %dma_start3A_26 : memref<1x2x100xi32, #tpu.memory_space<vmem>> -> memref<2x100xi32, #tpu.memory_space<vmem>>
    %dma_start3A_28 = arith.constant 0 : i32
    %dma_start3A_29 = arith.constant 0 : i32
    %dma_start3A_30 = tpu.memref_slice %arg2[%add3A, %dma_start3A_22, %dma_start3A_28, %dma_start3A_29] : memref<32x100x2x100xi32, #tpu.memory_space<hbm>> -> memref<1x1x2x100xi32, #tpu.memory_space<hbm>>
    %dma_start3A_31 = tpu.memref_squeeze %dma_start3A_30 : memref<1x1x2x100xi32, #tpu.memory_space<hbm>> -> memref<2x100xi32, #tpu.memory_space<hbm>>
    %dma_start3A_32 = arith.constant 0 : i32
    %dma_start3A_33 = arith.constant 0 : i32
    %dma_start3A_34 = tpu.memref_slice %arg6[%dma_start3A_23, %dma_start3A_32, %dma_start3A_33] : memref<3x2x100xi32, #tpu.memory_space<vmem>> -> memref<1x2x100xi32, #tpu.memory_space<vmem>>
    %dma_start3A_35 = tpu.memref_squeeze %dma_start3A_34 : memref<1x2x100xi32, #tpu.memory_space<vmem>> -> memref<2x100xi32, #tpu.memory_space<vmem>>
    %dma_start3A_36 = arith.constant 0 : i32
    %dma_start3A_37 = arith.constant 0 : i32
    %dma_start3A_38 = tpu.memref_slice %arg2[%add3A, %dma_start3A_22, %dma_start3A_36, %dma_start3A_37] : memref<32x100x2x100xi32, #tpu.memory_space<hbm>> -> memref<1x1x2x100xi32, #tpu.memory_space<hbm>>
    %dma_start3A_39 = tpu.memref_squeeze %dma_start3A_38 : memref<1x1x2x100xi32, #tpu.memory_space<hbm>> -> memref<2x100xi32, #tpu.memory_space<hbm>>
    tpu.enqueue_dma source(%dma_start3A_39 : memref<2x100xi32, #tpu.memory_space<hbm>>) target(%dma_start3A_35 : memref<2x100xi32, #tpu.memory_space<vmem>>) target_semaphore(%arg15 : memref<!tpu.dma_semaphore, #tpu.memory_space<semaphore_mem>>)
    %dma_start3A_40 = arith.constant 2 : i32
    %dma_start3A_41 = arith.constant 2 : i32
    %dma_start3A_42 = arith.constant 0 : i32
    %dma_start3A_43 = arith.constant 0 : i32
    %dma_start3A_44 = tpu.memref_slice %arg6[%dma_start3A_41, %dma_start3A_42, %dma_start3A_43] : memref<3x2x100xi32, #tpu.memory_space<vmem>> -> memref<1x2x100xi32, #tpu.memory_space<vmem>>
    %dma_start3A_45 = tpu.memref_squeeze %dma_start3A_44 : memref<1x2x100xi32, #tpu.memory_space<vmem>> -> memref<2x100xi32, #tpu.memory_space<vmem>>
    %dma_start3A_46 = arith.constant 0 : i32
    %dma_start3A_47 = arith.constant 0 : i32
    %dma_start3A_48 = tpu.memref_slice %arg2[%add3A, %dma_start3A_40, %dma_start3A_46, %dma_start3A_47] : memref<32x100x2x100xi32, #tpu.memory_space<hbm>> -> memref<1x1x2x100xi32, #tpu.memory_space<hbm>>
    %dma_start3A_49 = tpu.memref_squeeze %dma_start3A_48 : memref<1x1x2x100xi32, #tpu.memory_space<hbm>> -> memref<2x100xi32, #tpu.memory_space<hbm>>
    %dma_start3A_50 = arith.constant 0 : i32
    %dma_start3A_51 = arith.constant 0 : i32
    %dma_start3A_52 = tpu.memref_slice %arg6[%dma_start3A_41, %dma_start3A_50, %dma_start3A_51] : memref<3x2x100xi32, #tpu.memory_space<vmem>> -> memref<1x2x100xi32, #tpu.memory_space<vmem>>
    %dma_start3A_53 = tpu.memref_squeeze %dma_start3A_52 : memref<1x2x100xi32, #tpu.memory_space<vmem>> -> memref<2x100xi32, #tpu.memory_space<vmem>>
    %dma_start3A_54 = arith.constant 0 : i32
    %dma_start3A_55 = arith.constant 0 : i32
    %dma_start3A_56 = tpu.memref_slice %arg2[%add3A, %dma_start3A_40, %dma_start3A_54, %dma_start3A_55] : memref<32x100x2x100xi32, #tpu.memory_space<hbm>> -> memref<1x1x2x100xi32, #tpu.memory_space<hbm>>
    %dma_start3A_57 = tpu.memref_squeeze %dma_start3A_56 : memref<1x1x2x100xi32, #tpu.memory_space<hbm>> -> memref<2x100xi32, #tpu.memory_space<hbm>>
    tpu.enqueue_dma source(%dma_start3A_57 : memref<2x100xi32, #tpu.memory_space<hbm>>) target(%dma_start3A_53 : memref<2x100xi32, #tpu.memory_space<vmem>>) target_semaphore(%arg16 : memref<!tpu.dma_semaphore, #tpu.memory_space<semaphore_mem>>)
    %dma_wait3A = arith.constant 0 : i32
    %dma_wait3A_58 = arith.constant 0 : i32
    %dma_wait3A_59 = arith.constant 0 : i32
    %dma_wait3A_60 = arith.constant 0 : i32
    %dma_wait3A_61 = tpu.memref_slice %arg6[%dma_wait3A_58, %dma_wait3A_59, %dma_wait3A_60] : memref<3x2x100xi32, #tpu.memory_space<vmem>> -> memref<1x2x100xi32, #tpu.memory_space<vmem>>
    %dma_wait3A_62 = tpu.memref_squeeze %dma_wait3A_61 : memref<1x2x100xi32, #tpu.memory_space<vmem>> -> memref<2x100xi32, #tpu.memory_space<vmem>>
    %dma_wait3A_63 = arith.constant 0 : i32
    %dma_wait3A_64 = arith.constant 0 : i32
    %dma_wait3A_65 = tpu.memref_slice %arg2[%add3A, %dma_wait3A, %dma_wait3A_63, %dma_wait3A_64] : memref<32x100x2x100xi32, #tpu.memory_space<hbm>> -> memref<1x1x2x100xi32, #tpu.memory_space<hbm>>
    %dma_wait3A_66 = tpu.memref_squeeze %dma_wait3A_65 : memref<1x1x2x100xi32, #tpu.memory_space<hbm>> -> memref<2x100xi32, #tpu.memory_space<hbm>>
    %dma_wait3A_67 = arith.constant 0 : i32
    %dma_wait3A_68 = arith.constant 0 : i32
    %dma_wait3A_69 = tpu.memref_slice %arg6[%dma_wait3A_58, %dma_wait3A_67, %dma_wait3A_68] : memref<3x2x100xi32, #tpu.memory_space<vmem>> -> memref<1x2x100xi32, #tpu.memory_space<vmem>>
    %dma_wait3A_70 = tpu.memref_squeeze %dma_wait3A_69 : memref<1x2x100xi32, #tpu.memory_space<vmem>> -> memref<2x100xi32, #tpu.memory_space<vmem>>
    %dma_wait3A_71 = arith.constant 0 : i32
    %dma_wait3A_72 = arith.constant 0 : i32
    %dma_wait3A_73 = tpu.memref_slice %arg2[%add3A, %dma_wait3A, %dma_wait3A_71, %dma_wait3A_72] : memref<32x100x2x100xi32, #tpu.memory_space<hbm>> -> memref<1x1x2x100xi32, #tpu.memory_space<hbm>>
    %dma_wait3A_74 = tpu.memref_squeeze %dma_wait3A_73 : memref<1x1x2x100xi32, #tpu.memory_space<hbm>> -> memref<2x100xi32, #tpu.memory_space<hbm>>
    tpu.wait_dma2 semaphore(%arg14 : memref<!tpu.dma_semaphore, #tpu.memory_space<semaphore_mem>>) src(%dma_wait3A_74 : memref<2x100xi32, #tpu.memory_space<hbm>>) dst(%dma_wait3A_70 : memref<2x100xi32, #tpu.memory_space<vmem>>)
    %dma_start3A_75 = arith.constant 0 : i32
    %dma_start3A_76 = arith.constant 0 : i32
    %dma_start3A_77 = arith.constant 0 : i32
    %dma_start3A_78 = tpu.memref_slice %arg6[%dma_start3A_75, %dma_start3A_76, %dma_start3A_77] : memref<3x2x100xi32, #tpu.memory_space<vmem>> -> memref<1x1x100xi32, #tpu.memory_space<vmem>>
    %dma_start3A_79 = tpu.memref_squeeze %dma_start3A_78 : memref<1x1x100xi32, #tpu.memory_space<vmem>> -> memref<100xi32, #tpu.memory_space<vmem>>
    %dma_start3A_80 = arith.constant 0 : i32
    %dma_start3A_81 = arith.constant 0 : i32
    %dma_start3A_82 = tpu.memref_slice %arg3[%dma_start3A_80, %dma_start3A_81] : memref<10112x128xf32, #tpu.memory_space<hbm>> -> memref<10112x128xf32, #tpu.memory_space<hbm>>
    tpu.enqueue_indirect_dma source(%dma_start3A_82 : memref<10112x128xf32, #tpu.memory_space<hbm>>) target(%arg7 : memref<100x128xf32, #tpu.memory_space<vmem>>) offsets(%dma_start3A_79 : memref<100xi32, #tpu.memory_space<vmem>>) semaphore(%arg11 : memref<!tpu.dma_semaphore, #tpu.memory_space<semaphore_mem>>)
    %dma_wait3A_83 = arith.constant 1 : i32
    %dma_wait3A_84 = arith.constant 1 : i32
    %dma_wait3A_85 = arith.constant 0 : i32
    %dma_wait3A_86 = arith.constant 0 : i32
    %dma_wait3A_87 = tpu.memref_slice %arg6[%dma_wait3A_84, %dma_wait3A_85, %dma_wait3A_86] : memref<3x2x100xi32, #tpu.memory_space<vmem>> -> memref<1x2x100xi32, #tpu.memory_space<vmem>>
    %dma_wait3A_88 = tpu.memref_squeeze %dma_wait3A_87 : memref<1x2x100xi32, #tpu.memory_space<vmem>> -> memref<2x100xi32, #tpu.memory_space<vmem>>
    %dma_wait3A_89 = arith.constant 0 : i32
    %dma_wait3A_90 = arith.constant 0 : i32
    %dma_wait3A_91 = tpu.memref_slice %arg2[%add3A, %dma_wait3A_83, %dma_wait3A_89, %dma_wait3A_90] : memref<32x100x2x100xi32, #tpu.memory_space<hbm>> -> memref<1x1x2x100xi32, #tpu.memory_space<hbm>>
    %dma_wait3A_92 = tpu.memref_squeeze %dma_wait3A_91 : memref<1x1x2x100xi32, #tpu.memory_space<hbm>> -> memref<2x100xi32, #tpu.memory_space<hbm>>
    %dma_wait3A_93 = arith.constant 0 : i32
    %dma_wait3A_94 = arith.constant 0 : i32
    %dma_wait3A_95 = tpu.memref_slice %arg6[%dma_wait3A_84, %dma_wait3A_93, %dma_wait3A_94] : memref<3x2x100xi32, #tpu.memory_space<vmem>> -> memref<1x2x100xi32, #tpu.memory_space<vmem>>
    %dma_wait3A_96 = tpu.memref_squeeze %dma_wait3A_95 : memref<1x2x100xi32, #tpu.memory_space<vmem>> -> memref<2x100xi32, #tpu.memory_space<vmem>>
    %dma_wait3A_97 = arith.constant 0 : i32
    %dma_wait3A_98 = arith.constant 0 : i32
    %dma_wait3A_99 = tpu.memref_slice %arg2[%add3A, %dma_wait3A_83, %dma_wait3A_97, %dma_wait3A_98] : memref<32x100x2x100xi32, #tpu.memory_space<hbm>> -> memref<1x1x2x100xi32, #tpu.memory_space<hbm>>
    %dma_wait3A_100 = tpu.memref_squeeze %dma_wait3A_99 : memref<1x1x2x100xi32, #tpu.memory_space<hbm>> -> memref<2x100xi32, #tpu.memory_space<hbm>>
    tpu.wait_dma2 semaphore(%arg15 : memref<!tpu.dma_semaphore, #tpu.memory_space<semaphore_mem>>) src(%dma_wait3A_100 : memref<2x100xi32, #tpu.memory_space<hbm>>) dst(%dma_wait3A_96 : memref<2x100xi32, #tpu.memory_space<vmem>>)
    %dma_start3A_101 = arith.constant 1 : i32
    %dma_start3A_102 = arith.constant 0 : i32
    %dma_start3A_103 = arith.constant 0 : i32
    %dma_start3A_104 = tpu.memref_slice %arg6[%dma_start3A_101, %dma_start3A_102, %dma_start3A_103] : memref<3x2x100xi32, #tpu.memory_space<vmem>> -> memref<1x1x100xi32, #tpu.memory_space<vmem>>
    %dma_start3A_105 = tpu.memref_squeeze %dma_start3A_104 : memref<1x1x100xi32, #tpu.memory_space<vmem>> -> memref<100xi32, #tpu.memory_space<vmem>>
    %dma_start3A_106 = arith.constant 0 : i32
    %dma_start3A_107 = arith.constant 0 : i32
    %dma_start3A_108 = tpu.memref_slice %arg3[%dma_start3A_106, %dma_start3A_107] : memref<10112x128xf32, #tpu.memory_space<hbm>> -> memref<10112x128xf32, #tpu.memory_space<hbm>>
    tpu.enqueue_indirect_dma source(%dma_start3A_108 : memref<10112x128xf32, #tpu.memory_space<hbm>>) target(%arg8 : memref<100x128xf32, #tpu.memory_space<vmem>>) offsets(%dma_start3A_105 : memref<100xi32, #tpu.memory_space<vmem>>) semaphore(%arg12 : memref<!tpu.dma_semaphore, #tpu.memory_space<semaphore_mem>>)
    %dma_wait3A_109 = arith.constant 2 : i32
    %dma_wait3A_110 = arith.constant 2 : i32
    %dma_wait3A_111 = arith.constant 0 : i32
    %dma_wait3A_112 = arith.constant 0 : i32
    %dma_wait3A_113 = tpu.memref_slice %arg6[%dma_wait3A_110, %dma_wait3A_111, %dma_wait3A_112] : memref<3x2x100xi32, #tpu.memory_space<vmem>> -> memref<1x2x100xi32, #tpu.memory_space<vmem>>
    %dma_wait3A_114 = tpu.memref_squeeze %dma_wait3A_113 : memref<1x2x100xi32, #tpu.memory_space<vmem>> -> memref<2x100xi32, #tpu.memory_space<vmem>>
    %dma_wait3A_115 = arith.constant 0 : i32
    %dma_wait3A_116 = arith.constant 0 : i32
    %dma_wait3A_117 = tpu.memref_slice %arg2[%add3A, %dma_wait3A_109, %dma_wait3A_115, %dma_wait3A_116] : memref<32x100x2x100xi32, #tpu.memory_space<hbm>> -> memref<1x1x2x100xi32, #tpu.memory_space<hbm>>
    %dma_wait3A_118 = tpu.memref_squeeze %dma_wait3A_117 : memref<1x1x2x100xi32, #tpu.memory_space<hbm>> -> memref<2x100xi32, #tpu.memory_space<hbm>>
    %dma_wait3A_119 = arith.constant 0 : i32
    %dma_wait3A_120 = arith.constant 0 : i32
    %dma_wait3A_121 = tpu.memref_slice %arg6[%dma_wait3A_110, %dma_wait3A_119, %dma_wait3A_120] : memref<3x2x100xi32, #tpu.memory_space<vmem>> -> memref<1x2x100xi32, #tpu.memory_space<vmem>>
    %dma_wait3A_122 = tpu.memref_squeeze %dma_wait3A_121 : memref<1x2x100xi32, #tpu.memory_space<vmem>> -> memref<2x100xi32, #tpu.memory_space<vmem>>
    %dma_wait3A_123 = arith.constant 0 : i32
    %dma_wait3A_124 = arith.constant 0 : i32
    %dma_wait3A_125 = tpu.memref_slice %arg2[%add3A, %dma_wait3A_109, %dma_wait3A_123, %dma_wait3A_124] : memref<32x100x2x100xi32, #tpu.memory_space<hbm>> -> memref<1x1x2x100xi32, #tpu.memory_space<hbm>>
    %dma_wait3A_126 = tpu.memref_squeeze %dma_wait3A_125 : memref<1x1x2x100xi32, #tpu.memory_space<hbm>> -> memref<2x100xi32, #tpu.memory_space<hbm>>
    tpu.wait_dma2 semaphore(%arg16 : memref<!tpu.dma_semaphore, #tpu.memory_space<semaphore_mem>>) src(%dma_wait3A_126 : memref<2x100xi32, #tpu.memory_space<hbm>>) dst(%dma_wait3A_122 : memref<2x100xi32, #tpu.memory_space<vmem>>)
    %dma_start3A_127 = arith.constant 2 : i32
    %dma_start3A_128 = arith.constant 0 : i32
    %dma_start3A_129 = arith.constant 0 : i32
    %dma_start3A_130 = tpu.memref_slice %arg6[%dma_start3A_127, %dma_start3A_128, %dma_start3A_129] : memref<3x2x100xi32, #tpu.memory_space<vmem>> -> memref<1x1x100xi32, #tpu.memory_space<vmem>>
    %dma_start3A_131 = tpu.memref_squeeze %dma_start3A_130 : memref<1x1x100xi32, #tpu.memory_space<vmem>> -> memref<100xi32, #tpu.memory_space<vmem>>
    %dma_start3A_132 = arith.constant 0 : i32
    %dma_start3A_133 = arith.constant 0 : i32
    %dma_start3A_134 = tpu.memref_slice %arg3[%dma_start3A_132, %dma_start3A_133] : memref<10112x128xf32, #tpu.memory_space<hbm>> -> memref<10112x128xf32, #tpu.memory_space<hbm>>
    tpu.enqueue_indirect_dma source(%dma_start3A_134 : memref<10112x128xf32, #tpu.memory_space<hbm>>) target(%arg9 : memref<100x128xf32, #tpu.memory_space<vmem>>) offsets(%dma_start3A_131 : memref<100xi32, #tpu.memory_space<vmem>>) semaphore(%arg13 : memref<!tpu.dma_semaphore, #tpu.memory_space<semaphore_mem>>)
    %dma_wait3A_135 = arith.constant 0 : i32
    %dma_wait3A_136 = tpu.memref_slice %arg10[%mul3A_2, %dma_wait3A_135] : memref<10112x128xf32, #tpu.memory_space<vmem_shared>> -> memref<632x128xf32, #tpu.memory_space<vmem_shared>>
    tpu.wait_dma2 semaphore(%arg17 : memref<!tpu.dma_semaphore, #tpu.memory_space<semaphore_mem>>) src(%arg4 : memref<632x128xf32, #tpu.memory_space<hbm>>) dst(%dma_wait3A_136 : memref<632x128xf32, #tpu.memory_space<vmem_shared>>)
    %barrier3A = arith.constant 0 : index
    tpu.barrier barrier_id(%barrier3A)
    %scan3A = arith.constant 0 : i32
    %scan3A_137 = arith.constant 34 : i32
    %scan3A_138 = arith.addi %scan3A, %scan3A_137 : i32
    %scan3A_139 = arith.constant 1 : i32
    scf.for %scan3A_154 = %scan3A to %scan3A_138 step %scan3A_139  : i32 {
      %mul3A_155 = arith.constant 3 : i32
      %mul3A_156 = arith.muli %scan3A_154, %mul3A_155 : i32
      %add3A_157 = arith.constant 0 : i32
      %add3A_158 = arith.addi %add3A_157, %mul3A_156 : i32
      %add3A_159 = arith.constant 0 : i32
      %add3A_160 = arith.addi %add3A_158, %add3A_159 : i32
      %lt3A = arith.constant 100 : i32
      %lt3A_161 = arith.cmpi slt, %add3A_160, %lt3A : i32
      %convert_element_type3A = arith.extui %lt3A_161 : i1 to i32
      %cond3A = arith.constant 0 : i32
      %cond3A_162 = arith.cmpi ne, %convert_element_type3A, %cond3A : i32
      scf.if %cond3A_162 {
        %dma_wait3A_210 = arith.constant 0 : i32
        %dma_wait3A_211 = arith.constant 0 : i32
        %dma_wait3A_212 = arith.constant 0 : i32
        %dma_wait3A_213 = tpu.memref_slice %arg6[%dma_wait3A_210, %dma_wait3A_211, %dma_wait3A_212] : memref<3x2x100xi32, #tpu.memory_space<vmem>> -> memref<1x1x100xi32, #tpu.memory_space<vmem>>
        %dma_wait3A_214 = tpu.memref_squeeze %dma_wait3A_213 : memref<1x1x100xi32, #tpu.memory_space<vmem>> -> memref<100xi32, #tpu.memory_space<vmem>>
        %dma_wait3A_215 = arith.constant 0 : i32
        %dma_wait3A_216 = arith.constant 0 : i32
        %dma_wait3A_217 = tpu.memref_slice %arg3[%dma_wait3A_215, %dma_wait3A_216] : memref<10112x128xf32, #tpu.memory_space<hbm>> -> memref<10112x128xf32, #tpu.memory_space<hbm>>
        tpu.wait_indirect_dma semaphore(%arg11 : memref<!tpu.dma_semaphore, #tpu.memory_space<semaphore_mem>>) src(%dma_wait3A_217 : memref<10112x128xf32, #tpu.memory_space<hbm>>) dst(%arg7 : memref<100x128xf32, #tpu.memory_space<vmem>>)
        %gt3A_218 = arith.constant 0 : i32
        %gt3A_219 = arith.cmpi sgt, %add3A_160, %gt3A_218 : i32
        %convert_element_type3A_220 = arith.extui %gt3A_219 : i1 to i32
        %cond3A_221 = arith.constant 0 : i32
        %cond3A_222 = arith.cmpi ne, %convert_element_type3A_220, %cond3A_221 : i32
        scf.if %cond3A_222 {
          %dma_wait3A_231 = arith.constant 0 : i32
          %dma_wait3A_232 = arith.constant 1 : i32
          %dma_wait3A_233 = arith.constant 0 : i32
          %dma_wait3A_234 = tpu.memref_slice %arg6[%dma_wait3A_231, %dma_wait3A_232, %dma_wait3A_233] : memref<3x2x100xi32, #tpu.memory_space<vmem>> -> memref<1x1x100xi32, #tpu.memory_space<vmem>>
          %dma_wait3A_235 = tpu.memref_squeeze %dma_wait3A_234 : memref<1x1x100xi32, #tpu.memory_space<vmem>> -> memref<100xi32, #tpu.memory_space<vmem>>
          %dma_wait3A_236 = arith.constant 0 : i32
          %dma_wait3A_237 = arith.constant 0 : i32
          %dma_wait3A_238 = tpu.memref_slice %arg10[%dma_wait3A_236, %dma_wait3A_237] : memref<10112x128xf32, #tpu.memory_space<vmem_shared>> -> memref<10112x128xf32, #tpu.memory_space<vmem_shared>>
          tpu.wait_indirect_dma semaphore(%arg18 : memref<!tpu.dma_semaphore, #tpu.memory_space<semaphore_mem>>) src(%arg7 : memref<100x128xf32, #tpu.memory_space<vmem>>) dst(%dma_wait3A_238 : memref<10112x128xf32, #tpu.memory_space<vmem_shared>>)
        } else {
        }
        %dma_start3A_223 = arith.constant 0 : i32
        %dma_start3A_224 = arith.constant 1 : i32
        %dma_start3A_225 = arith.constant 0 : i32
        %dma_start3A_226 = tpu.memref_slice %arg6[%dma_start3A_223, %dma_start3A_224, %dma_start3A_225] : memref<3x2x100xi32, #tpu.memory_space<vmem>> -> memref<1x1x100xi32, #tpu.memory_space<vmem>>
        %dma_start3A_227 = tpu.memref_squeeze %dma_start3A_226 : memref<1x1x100xi32, #tpu.memory_space<vmem>> -> memref<100xi32, #tpu.memory_space<vmem>>
        %dma_start3A_228 = arith.constant 0 : i32
        %dma_start3A_229 = arith.constant 0 : i32
        %dma_start3A_230 = tpu.memref_slice %arg10[%dma_start3A_228, %dma_start3A_229] : memref<10112x128xf32, #tpu.memory_space<vmem_shared>> -> memref<10112x128xf32, #tpu.memory_space<vmem_shared>>
        tpu.enqueue_indirect_dma source(%arg7 : memref<100x128xf32, #tpu.memory_space<vmem>>) target(%dma_start3A_230 : memref<10112x128xf32, #tpu.memory_space<vmem_shared>>) offsets(%dma_start3A_227 : memref<100xi32, #tpu.memory_space<vmem>>) semaphore(%arg18 : memref<!tpu.dma_semaphore, #tpu.memory_space<semaphore_mem>>) {add = true}
      } else {
      }
      %add3A_163 = arith.constant 3 : i32
      %add3A_164 = arith.addi %add3A_160, %add3A_163 : i32
      %sub3A = arith.constant 1 : i32
      %sub3A_165 = arith.subi %add3A_164, %sub3A : i32
      %gt3A = arith.constant 0 : i32
      %gt3A_166 = arith.cmpi sgt, %add3A_160, %gt3A : i32
      %lt3A_167 = arith.constant 100 : i32
      %lt3A_168 = arith.cmpi slt, %sub3A_165, %lt3A_167 : i32
      %and3A = arith.andi %gt3A_166, %lt3A_168 : i1
      %convert_element_type3A_169 = arith.extui %and3A : i1 to i32
      %cond3A_170 = arith.constant 0 : i32
      %cond3A_171 = arith.cmpi ne, %convert_element_type3A_169, %cond3A_170 : i32
      scf.if %cond3A_171 {
        %dma_start3A_210 = arith.constant 2 : i32
        %dma_start3A_211 = arith.constant 0 : i32
        %dma_start3A_212 = arith.constant 0 : i32
        %dma_start3A_213 = tpu.memref_slice %arg6[%dma_start3A_210, %dma_start3A_211, %dma_start3A_212] : memref<3x2x100xi32, #tpu.memory_space<vmem>> -> memref<1x2x100xi32, #tpu.memory_space<vmem>>
        %dma_start3A_214 = tpu.memref_squeeze %dma_start3A_213 : memref<1x2x100xi32, #tpu.memory_space<vmem>> -> memref<2x100xi32, #tpu.memory_space<vmem>>
        %dma_start3A_215 = arith.constant 0 : i32
        %dma_start3A_216 = arith.constant 0 : i32
        %dma_start3A_217 = tpu.memref_slice %arg2[%add3A, %sub3A_165, %dma_start3A_215, %dma_start3A_216] : memref<32x100x2x100xi32, #tpu.memory_space<hbm>> -> memref<1x1x2x100xi32, #tpu.memory_space<hbm>>
        %dma_start3A_218 = tpu.memref_squeeze %dma_start3A_217 : memref<1x1x2x100xi32, #tpu.memory_space<hbm>> -> memref<2x100xi32, #tpu.memory_space<hbm>>
        %dma_start3A_219 = arith.constant 0 : i32
        %dma_start3A_220 = arith.constant 0 : i32
        %dma_start3A_221 = tpu.memref_slice %arg6[%dma_start3A_210, %dma_start3A_219, %dma_start3A_220] : memref<3x2x100xi32, #tpu.memory_space<vmem>> -> memref<1x2x100xi32, #tpu.memory_space<vmem>>
        %dma_start3A_222 = tpu.memref_squeeze %dma_start3A_221 : memref<1x2x100xi32, #tpu.memory_space<vmem>> -> memref<2x100xi32, #tpu.memory_space<vmem>>
        %dma_start3A_223 = arith.constant 0 : i32
        %dma_start3A_224 = arith.constant 0 : i32
        %dma_start3A_225 = tpu.memref_slice %arg2[%add3A, %sub3A_165, %dma_start3A_223, %dma_start3A_224] : memref<32x100x2x100xi32, #tpu.memory_space<hbm>> -> memref<1x1x2x100xi32, #tpu.memory_space<hbm>>
        %dma_start3A_226 = tpu.memref_squeeze %dma_start3A_225 : memref<1x1x2x100xi32, #tpu.memory_space<hbm>> -> memref<2x100xi32, #tpu.memory_space<hbm>>
        tpu.enqueue_dma source(%dma_start3A_226 : memref<2x100xi32, #tpu.memory_space<hbm>>) target(%dma_start3A_222 : memref<2x100xi32, #tpu.memory_space<vmem>>) target_semaphore(%arg16 : memref<!tpu.dma_semaphore, #tpu.memory_space<semaphore_mem>>)
        %dma_wait3A_227 = arith.constant 2 : i32
        %dma_wait3A_228 = arith.constant 0 : i32
        %dma_wait3A_229 = arith.constant 0 : i32
        %dma_wait3A_230 = tpu.memref_slice %arg6[%dma_wait3A_227, %dma_wait3A_228, %dma_wait3A_229] : memref<3x2x100xi32, #tpu.memory_space<vmem>> -> memref<1x2x100xi32, #tpu.memory_space<vmem>>
        %dma_wait3A_231 = tpu.memref_squeeze %dma_wait3A_230 : memref<1x2x100xi32, #tpu.memory_space<vmem>> -> memref<2x100xi32, #tpu.memory_space<vmem>>
        %dma_wait3A_232 = arith.constant 0 : i32
        %dma_wait3A_233 = arith.constant 0 : i32
        %dma_wait3A_234 = tpu.memref_slice %arg2[%add3A, %sub3A_165, %dma_wait3A_232, %dma_wait3A_233] : memref<32x100x2x100xi32, #tpu.memory_space<hbm>> -> memref<1x1x2x100xi32, #tpu.memory_space<hbm>>
        %dma_wait3A_235 = tpu.memref_squeeze %dma_wait3A_234 : memref<1x1x2x100xi32, #tpu.memory_space<hbm>> -> memref<2x100xi32, #tpu.memory_space<hbm>>
        %dma_wait3A_236 = arith.constant 0 : i32
        %dma_wait3A_237 = arith.constant 0 : i32
        %dma_wait3A_238 = tpu.memref_slice %arg6[%dma_wait3A_227, %dma_wait3A_236, %dma_wait3A_237] : memref<3x2x100xi32, #tpu.memory_space<vmem>> -> memref<1x2x100xi32, #tpu.memory_space<vmem>>
        %dma_wait3A_239 = tpu.memref_squeeze %dma_wait3A_238 : memref<1x2x100xi32, #tpu.memory_space<vmem>> -> memref<2x100xi32, #tpu.memory_space<vmem>>
        %dma_wait3A_240 = arith.constant 0 : i32
        %dma_wait3A_241 = arith.constant 0 : i32
        %dma_wait3A_242 = tpu.memref_slice %arg2[%add3A, %sub3A_165, %dma_wait3A_240, %dma_wait3A_241] : memref<32x100x2x100xi32, #tpu.memory_space<hbm>> -> memref<1x1x2x100xi32, #tpu.memory_space<hbm>>
        %dma_wait3A_243 = tpu.memref_squeeze %dma_wait3A_242 : memref<1x1x2x100xi32, #tpu.memory_space<hbm>> -> memref<2x100xi32, #tpu.memory_space<hbm>>
        tpu.wait_dma2 semaphore(%arg16 : memref<!tpu.dma_semaphore, #tpu.memory_space<semaphore_mem>>) src(%dma_wait3A_243 : memref<2x100xi32, #tpu.memory_space<hbm>>) dst(%dma_wait3A_239 : memref<2x100xi32, #tpu.memory_space<vmem>>)
        %dma_start3A_244 = arith.constant 2 : i32
        %dma_start3A_245 = arith.constant 0 : i32
        %dma_start3A_246 = arith.constant 0 : i32
        %dma_start3A_247 = tpu.memref_slice %arg6[%dma_start3A_244, %dma_start3A_245, %dma_start3A_246] : memref<3x2x100xi32, #tpu.memory_space<vmem>> -> memref<1x1x100xi32, #tpu.memory_space<vmem>>
        %dma_start3A_248 = tpu.memref_squeeze %dma_start3A_247 : memref<1x1x100xi32, #tpu.memory_space<vmem>> -> memref<100xi32, #tpu.memory_space<vmem>>
        %dma_start3A_249 = arith.constant 0 : i32
        %dma_start3A_250 = arith.constant 0 : i32
        %dma_start3A_251 = tpu.memref_slice %arg3[%dma_start3A_249, %dma_start3A_250] : memref<10112x128xf32, #tpu.memory_space<hbm>> -> memref<10112x128xf32, #tpu.memory_space<hbm>>
        tpu.enqueue_indirect_dma source(%dma_start3A_251 : memref<10112x128xf32, #tpu.memory_space<hbm>>) target(%arg9 : memref<100x128xf32, #tpu.memory_space<vmem>>) offsets(%dma_start3A_248 : memref<100xi32, #tpu.memory_space<vmem>>) semaphore(%arg13 : memref<!tpu.dma_semaphore, #tpu.memory_space<semaphore_mem>>)
      } else {
      }
      %add3A_172 = arith.constant 1 : i32
      %add3A_173 = arith.addi %add3A_158, %add3A_172 : i32
      %lt3A_174 = arith.constant 100 : i32
      %lt3A_175 = arith.cmpi slt, %add3A_173, %lt3A_174 : i32
      %convert_element_type3A_176 = arith.extui %lt3A_175 : i1 to i32
      %cond3A_177 = arith.constant 0 : i32
      %cond3A_178 = arith.cmpi ne, %convert_element_type3A_176, %cond3A_177 : i32
      scf.if %cond3A_178 {
        %dma_wait3A_210 = arith.constant 1 : i32
        %dma_wait3A_211 = arith.constant 0 : i32
        %dma_wait3A_212 = arith.constant 0 : i32
        %dma_wait3A_213 = tpu.memref_slice %arg6[%dma_wait3A_210, %dma_wait3A_211, %dma_wait3A_212] : memref<3x2x100xi32, #tpu.memory_space<vmem>> -> memref<1x1x100xi32, #tpu.memory_space<vmem>>
        %dma_wait3A_214 = tpu.memref_squeeze %dma_wait3A_213 : memref<1x1x100xi32, #tpu.memory_space<vmem>> -> memref<100xi32, #tpu.memory_space<vmem>>
        %dma_wait3A_215 = arith.constant 0 : i32
        %dma_wait3A_216 = arith.constant 0 : i32
        %dma_wait3A_217 = tpu.memref_slice %arg3[%dma_wait3A_215, %dma_wait3A_216] : memref<10112x128xf32, #tpu.memory_space<hbm>> -> memref<10112x128xf32, #tpu.memory_space<hbm>>
        tpu.wait_indirect_dma semaphore(%arg12 : memref<!tpu.dma_semaphore, #tpu.memory_space<semaphore_mem>>) src(%dma_wait3A_217 : memref<10112x128xf32, #tpu.memory_space<hbm>>) dst(%arg8 : memref<100x128xf32, #tpu.memory_space<vmem>>)
        %gt3A_218 = arith.constant 0 : i32
        %gt3A_219 = arith.cmpi sgt, %add3A_173, %gt3A_218 : i32
        %convert_element_type3A_220 = arith.extui %gt3A_219 : i1 to i32
        %cond3A_221 = arith.constant 0 : i32
        %cond3A_222 = arith.cmpi ne, %convert_element_type3A_220, %cond3A_221 : i32
        scf.if %cond3A_222 {
          %dma_wait3A_231 = arith.constant 1 : i32
          %dma_wait3A_232 = arith.constant 1 : i32
          %dma_wait3A_233 = arith.constant 0 : i32
          %dma_wait3A_234 = tpu.memref_slice %arg6[%dma_wait3A_231, %dma_wait3A_232, %dma_wait3A_233] : memref<3x2x100xi32, #tpu.memory_space<vmem>> -> memref<1x1x100xi32, #tpu.memory_space<vmem>>
          %dma_wait3A_235 = tpu.memref_squeeze %dma_wait3A_234 : memref<1x1x100xi32, #tpu.memory_space<vmem>> -> memref<100xi32, #tpu.memory_space<vmem>>
          %dma_wait3A_236 = arith.constant 0 : i32
          %dma_wait3A_237 = arith.constant 0 : i32
          %dma_wait3A_238 = tpu.memref_slice %arg10[%dma_wait3A_236, %dma_wait3A_237] : memref<10112x128xf32, #tpu.memory_space<vmem_shared>> -> memref<10112x128xf32, #tpu.memory_space<vmem_shared>>
          tpu.wait_indirect_dma semaphore(%arg18 : memref<!tpu.dma_semaphore, #tpu.memory_space<semaphore_mem>>) src(%arg8 : memref<100x128xf32, #tpu.memory_space<vmem>>) dst(%dma_wait3A_238 : memref<10112x128xf32, #tpu.memory_space<vmem_shared>>)
        } else {
        }
        %dma_start3A_223 = arith.constant 1 : i32
        %dma_start3A_224 = arith.constant 1 : i32
        %dma_start3A_225 = arith.constant 0 : i32
        %dma_start3A_226 = tpu.memref_slice %arg6[%dma_start3A_223, %dma_start3A_224, %dma_start3A_225] : memref<3x2x100xi32, #tpu.memory_space<vmem>> -> memref<1x1x100xi32, #tpu.memory_space<vmem>>
        %dma_start3A_227 = tpu.memref_squeeze %dma_start3A_226 : memref<1x1x100xi32, #tpu.memory_space<vmem>> -> memref<100xi32, #tpu.memory_space<vmem>>
        %dma_start3A_228 = arith.constant 0 : i32
        %dma_start3A_229 = arith.constant 0 : i32
        %dma_start3A_230 = tpu.memref_slice %arg10[%dma_start3A_228, %dma_start3A_229] : memref<10112x128xf32, #tpu.memory_space<vmem_shared>> -> memref<10112x128xf32, #tpu.memory_space<vmem_shared>>
        tpu.enqueue_indirect_dma source(%arg8 : memref<100x128xf32, #tpu.memory_space<vmem>>) target(%dma_start3A_230 : memref<10112x128xf32, #tpu.memory_space<vmem_shared>>) offsets(%dma_start3A_227 : memref<100xi32, #tpu.memory_space<vmem>>) semaphore(%arg18 : memref<!tpu.dma_semaphore, #tpu.memory_space<semaphore_mem>>) {add = true}
      } else {
      }
      %add3A_179 = arith.constant 3 : i32
      %add3A_180 = arith.addi %add3A_173, %add3A_179 : i32
      %sub3A_181 = arith.constant 1 : i32
      %sub3A_182 = arith.subi %add3A_180, %sub3A_181 : i32
      %gt3A_183 = arith.constant 0 : i32
      %gt3A_184 = arith.cmpi sgt, %add3A_173, %gt3A_183 : i32
      %lt3A_185 = arith.constant 100 : i32
      %lt3A_186 = arith.cmpi slt, %sub3A_182, %lt3A_185 : i32
      %and3A_187 = arith.andi %gt3A_184, %lt3A_186 : i1
      %convert_element_type3A_188 = arith.extui %and3A_187 : i1 to i32
      %cond3A_189 = arith.constant 0 : i32
      %cond3A_190 = arith.cmpi ne, %convert_element_type3A_188, %cond3A_189 : i32
      scf.if %cond3A_190 {
        %dma_start3A_210 = arith.constant 0 : i32
        %dma_start3A_211 = arith.constant 0 : i32
        %dma_start3A_212 = arith.constant 0 : i32
        %dma_start3A_213 = tpu.memref_slice %arg6[%dma_start3A_210, %dma_start3A_211, %dma_start3A_212] : memref<3x2x100xi32, #tpu.memory_space<vmem>> -> memref<1x2x100xi32, #tpu.memory_space<vmem>>
        %dma_start3A_214 = tpu.memref_squeeze %dma_start3A_213 : memref<1x2x100xi32, #tpu.memory_space<vmem>> -> memref<2x100xi32, #tpu.memory_space<vmem>>
        %dma_start3A_215 = arith.constant 0 : i32
        %dma_start3A_216 = arith.constant 0 : i32
        %dma_start3A_217 = tpu.memref_slice %arg2[%add3A, %sub3A_182, %dma_start3A_215, %dma_start3A_216] : memref<32x100x2x100xi32, #tpu.memory_space<hbm>> -> memref<1x1x2x100xi32, #tpu.memory_space<hbm>>
        %dma_start3A_218 = tpu.memref_squeeze %dma_start3A_217 : memref<1x1x2x100xi32, #tpu.memory_space<hbm>> -> memref<2x100xi32, #tpu.memory_space<hbm>>
        %dma_start3A_219 = arith.constant 0 : i32
        %dma_start3A_220 = arith.constant 0 : i32
        %dma_start3A_221 = tpu.memref_slice %arg6[%dma_start3A_210, %dma_start3A_219, %dma_start3A_220] : memref<3x2x100xi32, #tpu.memory_space<vmem>> -> memref<1x2x100xi32, #tpu.memory_space<vmem>>
        %dma_start3A_222 = tpu.memref_squeeze %dma_start3A_221 : memref<1x2x100xi32, #tpu.memory_space<vmem>> -> memref<2x100xi32, #tpu.memory_space<vmem>>
        %dma_start3A_223 = arith.constant 0 : i32
        %dma_start3A_224 = arith.constant 0 : i32
        %dma_start3A_225 = tpu.memref_slice %arg2[%add3A, %sub3A_182, %dma_start3A_223, %dma_start3A_224] : memref<32x100x2x100xi32, #tpu.memory_space<hbm>> -> memref<1x1x2x100xi32, #tpu.memory_space<hbm>>
        %dma_start3A_226 = tpu.memref_squeeze %dma_start3A_225 : memref<1x1x2x100xi32, #tpu.memory_space<hbm>> -> memref<2x100xi32, #tpu.memory_space<hbm>>
        tpu.enqueue_dma source(%dma_start3A_226 : memref<2x100xi32, #tpu.memory_space<hbm>>) target(%dma_start3A_222 : memref<2x100xi32, #tpu.memory_space<vmem>>) target_semaphore(%arg14 : memref<!tpu.dma_semaphore, #tpu.memory_space<semaphore_mem>>)
        %dma_wait3A_227 = arith.constant 0 : i32
        %dma_wait3A_228 = arith.constant 0 : i32
        %dma_wait3A_229 = arith.constant 0 : i32
        %dma_wait3A_230 = tpu.memref_slice %arg6[%dma_wait3A_227, %dma_wait3A_228, %dma_wait3A_229] : memref<3x2x100xi32, #tpu.memory_space<vmem>> -> memref<1x2x100xi32, #tpu.memory_space<vmem>>
        %dma_wait3A_231 = tpu.memref_squeeze %dma_wait3A_230 : memref<1x2x100xi32, #tpu.memory_space<vmem>> -> memref<2x100xi32, #tpu.memory_space<vmem>>
        %dma_wait3A_232 = arith.constant 0 : i32
        %dma_wait3A_233 = arith.constant 0 : i32
        %dma_wait3A_234 = tpu.memref_slice %arg2[%add3A, %sub3A_182, %dma_wait3A_232, %dma_wait3A_233] : memref<32x100x2x100xi32, #tpu.memory_space<hbm>> -> memref<1x1x2x100xi32, #tpu.memory_space<hbm>>
        %dma_wait3A_235 = tpu.memref_squeeze %dma_wait3A_234 : memref<1x1x2x100xi32, #tpu.memory_space<hbm>> -> memref<2x100xi32, #tpu.memory_space<hbm>>
        %dma_wait3A_236 = arith.constant 0 : i32
        %dma_wait3A_237 = arith.constant 0 : i32
        %dma_wait3A_238 = tpu.memref_slice %arg6[%dma_wait3A_227, %dma_wait3A_236, %dma_wait3A_237] : memref<3x2x100xi32, #tpu.memory_space<vmem>> -> memref<1x2x100xi32, #tpu.memory_space<vmem>>
        %dma_wait3A_239 = tpu.memref_squeeze %dma_wait3A_238 : memref<1x2x100xi32, #tpu.memory_space<vmem>> -> memref<2x100xi32, #tpu.memory_space<vmem>>
        %dma_wait3A_240 = arith.constant 0 : i32
        %dma_wait3A_241 = arith.constant 0 : i32
        %dma_wait3A_242 = tpu.memref_slice %arg2[%add3A, %sub3A_182, %dma_wait3A_240, %dma_wait3A_241] : memref<32x100x2x100xi32, #tpu.memory_space<hbm>> -> memref<1x1x2x100xi32, #tpu.memory_space<hbm>>
        %dma_wait3A_243 = tpu.memref_squeeze %dma_wait3A_242 : memref<1x1x2x100xi32, #tpu.memory_space<hbm>> -> memref<2x100xi32, #tpu.memory_space<hbm>>
        tpu.wait_dma2 semaphore(%arg14 : memref<!tpu.dma_semaphore, #tpu.memory_space<semaphore_mem>>) src(%dma_wait3A_243 : memref<2x100xi32, #tpu.memory_space<hbm>>) dst(%dma_wait3A_239 : memref<2x100xi32, #tpu.memory_space<vmem>>)
        %dma_start3A_244 = arith.constant 0 : i32
        %dma_start3A_245 = arith.constant 0 : i32
        %dma_start3A_246 = arith.constant 0 : i32
        %dma_start3A_247 = tpu.memref_slice %arg6[%dma_start3A_244, %dma_start3A_245, %dma_start3A_246] : memref<3x2x100xi32, #tpu.memory_space<vmem>> -> memref<1x1x100xi32, #tpu.memory_space<vmem>>
        %dma_start3A_248 = tpu.memref_squeeze %dma_start3A_247 : memref<1x1x100xi32, #tpu.memory_space<vmem>> -> memref<100xi32, #tpu.memory_space<vmem>>
        %dma_start3A_249 = arith.constant 0 : i32
        %dma_start3A_250 = arith.constant 0 : i32
        %dma_start3A_251 = tpu.memref_slice %arg3[%dma_start3A_249, %dma_start3A_250] : memref<10112x128xf32, #tpu.memory_space<hbm>> -> memref<10112x128xf32, #tpu.memory_space<hbm>>
        tpu.enqueue_indirect_dma source(%dma_start3A_251 : memref<10112x128xf32, #tpu.memory_space<hbm>>) target(%arg7 : memref<100x128xf32, #tpu.memory_space<vmem>>) offsets(%dma_start3A_248 : memref<100xi32, #tpu.memory_space<vmem>>) semaphore(%arg11 : memref<!tpu.dma_semaphore, #tpu.memory_space<semaphore_mem>>)
      } else {
      }
      %add3A_191 = arith.constant 2 : i32
      %add3A_192 = arith.addi %add3A_158, %add3A_191 : i32
      %lt3A_193 = arith.constant 100 : i32
      %lt3A_194 = arith.cmpi slt, %add3A_192, %lt3A_193 : i32
      %convert_element_type3A_195 = arith.extui %lt3A_194 : i1 to i32
      %cond3A_196 = arith.constant 0 : i32
      %cond3A_197 = arith.cmpi ne, %convert_element_type3A_195, %cond3A_196 : i32
      scf.if %cond3A_197 {
        %dma_wait3A_210 = arith.constant 2 : i32
        %dma_wait3A_211 = arith.constant 0 : i32
        %dma_wait3A_212 = arith.constant 0 : i32
        %dma_wait3A_213 = tpu.memref_slice %arg6[%dma_wait3A_210, %dma_wait3A_211, %dma_wait3A_212] : memref<3x2x100xi32, #tpu.memory_space<vmem>> -> memref<1x1x100xi32, #tpu.memory_space<vmem>>
        %dma_wait3A_214 = tpu.memref_squeeze %dma_wait3A_213 : memref<1x1x100xi32, #tpu.memory_space<vmem>> -> memref<100xi32, #tpu.memory_space<vmem>>
        %dma_wait3A_215 = arith.constant 0 : i32
        %dma_wait3A_216 = arith.constant 0 : i32
        %dma_wait3A_217 = tpu.memref_slice %arg3[%dma_wait3A_215, %dma_wait3A_216] : memref<10112x128xf32, #tpu.memory_space<hbm>> -> memref<10112x128xf32, #tpu.memory_space<hbm>>
        tpu.wait_indirect_dma semaphore(%arg13 : memref<!tpu.dma_semaphore, #tpu.memory_space<semaphore_mem>>) src(%dma_wait3A_217 : memref<10112x128xf32, #tpu.memory_space<hbm>>) dst(%arg9 : memref<100x128xf32, #tpu.memory_space<vmem>>)
        %gt3A_218 = arith.constant 0 : i32
        %gt3A_219 = arith.cmpi sgt, %add3A_192, %gt3A_218 : i32
        %convert_element_type3A_220 = arith.extui %gt3A_219 : i1 to i32
        %cond3A_221 = arith.constant 0 : i32
        %cond3A_222 = arith.cmpi ne, %convert_element_type3A_220, %cond3A_221 : i32
        scf.if %cond3A_222 {
          %dma_wait3A_231 = arith.constant 2 : i32
          %dma_wait3A_232 = arith.constant 1 : i32
          %dma_wait3A_233 = arith.constant 0 : i32
          %dma_wait3A_234 = tpu.memref_slice %arg6[%dma_wait3A_231, %dma_wait3A_232, %dma_wait3A_233] : memref<3x2x100xi32, #tpu.memory_space<vmem>> -> memref<1x1x100xi32, #tpu.memory_space<vmem>>
          %dma_wait3A_235 = tpu.memref_squeeze %dma_wait3A_234 : memref<1x1x100xi32, #tpu.memory_space<vmem>> -> memref<100xi32, #tpu.memory_space<vmem>>
          %dma_wait3A_236 = arith.constant 0 : i32
          %dma_wait3A_237 = arith.constant 0 : i32
          %dma_wait3A_238 = tpu.memref_slice %arg10[%dma_wait3A_236, %dma_wait3A_237] : memref<10112x128xf32, #tpu.memory_space<vmem_shared>> -> memref<10112x128xf32, #tpu.memory_space<vmem_shared>>
          tpu.wait_indirect_dma semaphore(%arg18 : memref<!tpu.dma_semaphore, #tpu.memory_space<semaphore_mem>>) src(%arg9 : memref<100x128xf32, #tpu.memory_space<vmem>>) dst(%dma_wait3A_238 : memref<10112x128xf32, #tpu.memory_space<vmem_shared>>)
        } else {
        }
        %dma_start3A_223 = arith.constant 2 : i32
        %dma_start3A_224 = arith.constant 1 : i32
        %dma_start3A_225 = arith.constant 0 : i32
        %dma_start3A_226 = tpu.memref_slice %arg6[%dma_start3A_223, %dma_start3A_224, %dma_start3A_225] : memref<3x2x100xi32, #tpu.memory_space<vmem>> -> memref<1x1x100xi32, #tpu.memory_space<vmem>>
        %dma_start3A_227 = tpu.memref_squeeze %dma_start3A_226 : memref<1x1x100xi32, #tpu.memory_space<vmem>> -> memref<100xi32, #tpu.memory_space<vmem>>
        %dma_start3A_228 = arith.constant 0 : i32
        %dma_start3A_229 = arith.constant 0 : i32
        %dma_start3A_230 = tpu.memref_slice %arg10[%dma_start3A_228, %dma_start3A_229] : memref<10112x128xf32, #tpu.memory_space<vmem_shared>> -> memref<10112x128xf32, #tpu.memory_space<vmem_shared>>
        tpu.enqueue_indirect_dma source(%arg9 : memref<100x128xf32, #tpu.memory_space<vmem>>) target(%dma_start3A_230 : memref<10112x128xf32, #tpu.memory_space<vmem_shared>>) offsets(%dma_start3A_227 : memref<100xi32, #tpu.memory_space<vmem>>) semaphore(%arg18 : memref<!tpu.dma_semaphore, #tpu.memory_space<semaphore_mem>>) {add = true}
      } else {
      }
      %add3A_198 = arith.constant 3 : i32
      %add3A_199 = arith.addi %add3A_192, %add3A_198 : i32
      %sub3A_200 = arith.constant 1 : i32
      %sub3A_201 = arith.subi %add3A_199, %sub3A_200 : i32
      %gt3A_202 = arith.constant 0 : i32
      %gt3A_203 = arith.cmpi sgt, %add3A_192, %gt3A_202 : i32
      %lt3A_204 = arith.constant 100 : i32
      %lt3A_205 = arith.cmpi slt, %sub3A_201, %lt3A_204 : i32
      %and3A_206 = arith.andi %gt3A_203, %lt3A_205 : i1
      %convert_element_type3A_207 = arith.extui %and3A_206 : i1 to i32
      %cond3A_208 = arith.constant 0 : i32
      %cond3A_209 = arith.cmpi ne, %convert_element_type3A_207, %cond3A_208 : i32
      scf.if %cond3A_209 {
        %dma_start3A_210 = arith.constant 1 : i32
        %dma_start3A_211 = arith.constant 0 : i32
        %dma_start3A_212 = arith.constant 0 : i32
        %dma_start3A_213 = tpu.memref_slice %arg6[%dma_start3A_210, %dma_start3A_211, %dma_start3A_212] : memref<3x2x100xi32, #tpu.memory_space<vmem>> -> memref<1x2x100xi32, #tpu.memory_space<vmem>>
        %dma_start3A_214 = tpu.memref_squeeze %dma_start3A_213 : memref<1x2x100xi32, #tpu.memory_space<vmem>> -> memref<2x100xi32, #tpu.memory_space<vmem>>
        %dma_start3A_215 = arith.constant 0 : i32
        %dma_start3A_216 = arith.constant 0 : i32
        %dma_start3A_217 = tpu.memref_slice %arg2[%add3A, %sub3A_201, %dma_start3A_215, %dma_start3A_216] : memref<32x100x2x100xi32, #tpu.memory_space<hbm>> -> memref<1x1x2x100xi32, #tpu.memory_space<hbm>>
        %dma_start3A_218 = tpu.memref_squeeze %dma_start3A_217 : memref<1x1x2x100xi32, #tpu.memory_space<hbm>> -> memref<2x100xi32, #tpu.memory_space<hbm>>
        %dma_start3A_219 = arith.constant 0 : i32
        %dma_start3A_220 = arith.constant 0 : i32
        %dma_start3A_221 = tpu.memref_slice %arg6[%dma_start3A_210, %dma_start3A_219, %dma_start3A_220] : memref<3x2x100xi32, #tpu.memory_space<vmem>> -> memref<1x2x100xi32, #tpu.memory_space<vmem>>
        %dma_start3A_222 = tpu.memref_squeeze %dma_start3A_221 : memref<1x2x100xi32, #tpu.memory_space<vmem>> -> memref<2x100xi32, #tpu.memory_space<vmem>>
        %dma_start3A_223 = arith.constant 0 : i32
        %dma_start3A_224 = arith.constant 0 : i32
        %dma_start3A_225 = tpu.memref_slice %arg2[%add3A, %sub3A_201, %dma_start3A_223, %dma_start3A_224] : memref<32x100x2x100xi32, #tpu.memory_space<hbm>> -> memref<1x1x2x100xi32, #tpu.memory_space<hbm>>
        %dma_start3A_226 = tpu.memref_squeeze %dma_start3A_225 : memref<1x1x2x100xi32, #tpu.memory_space<hbm>> -> memref<2x100xi32, #tpu.memory_space<hbm>>
        tpu.enqueue_dma source(%dma_start3A_226 : memref<2x100xi32, #tpu.memory_space<hbm>>) target(%dma_start3A_222 : memref<2x100xi32, #tpu.memory_space<vmem>>) target_semaphore(%arg15 : memref<!tpu.dma_semaphore, #tpu.memory_space<semaphore_mem>>)
        %dma_wait3A_227 = arith.constant 1 : i32
        %dma_wait3A_228 = arith.constant 0 : i32
        %dma_wait3A_229 = arith.constant 0 : i32
        %dma_wait3A_230 = tpu.memref_slice %arg6[%dma_wait3A_227, %dma_wait3A_228, %dma_wait3A_229] : memref<3x2x100xi32, #tpu.memory_space<vmem>> -> memref<1x2x100xi32, #tpu.memory_space<vmem>>
        %dma_wait3A_231 = tpu.memref_squeeze %dma_wait3A_230 : memref<1x2x100xi32, #tpu.memory_space<vmem>> -> memref<2x100xi32, #tpu.memory_space<vmem>>
        %dma_wait3A_232 = arith.constant 0 : i32
        %dma_wait3A_233 = arith.constant 0 : i32
        %dma_wait3A_234 = tpu.memref_slice %arg2[%add3A, %sub3A_201, %dma_wait3A_232, %dma_wait3A_233] : memref<32x100x2x100xi32, #tpu.memory_space<hbm>> -> memref<1x1x2x100xi32, #tpu.memory_space<hbm>>
        %dma_wait3A_235 = tpu.memref_squeeze %dma_wait3A_234 : memref<1x1x2x100xi32, #tpu.memory_space<hbm>> -> memref<2x100xi32, #tpu.memory_space<hbm>>
        %dma_wait3A_236 = arith.constant 0 : i32
        %dma_wait3A_237 = arith.constant 0 : i32
        %dma_wait3A_238 = tpu.memref_slice %arg6[%dma_wait3A_227, %dma_wait3A_236, %dma_wait3A_237] : memref<3x2x100xi32, #tpu.memory_space<vmem>> -> memref<1x2x100xi32, #tpu.memory_space<vmem>>
        %dma_wait3A_239 = tpu.memref_squeeze %dma_wait3A_238 : memref<1x2x100xi32, #tpu.memory_space<vmem>> -> memref<2x100xi32, #tpu.memory_space<vmem>>
        %dma_wait3A_240 = arith.constant 0 : i32
        %dma_wait3A_241 = arith.constant 0 : i32
        %dma_wait3A_242 = tpu.memref_slice %arg2[%add3A, %sub3A_201, %dma_wait3A_240, %dma_wait3A_241] : memref<32x100x2x100xi32, #tpu.memory_space<hbm>> -> memref<1x1x2x100xi32, #tpu.memory_space<hbm>>
        %dma_wait3A_243 = tpu.memref_squeeze %dma_wait3A_242 : memref<1x1x2x100xi32, #tpu.memory_space<hbm>> -> memref<2x100xi32, #tpu.memory_space<hbm>>
        tpu.wait_dma2 semaphore(%arg15 : memref<!tpu.dma_semaphore, #tpu.memory_space<semaphore_mem>>) src(%dma_wait3A_243 : memref<2x100xi32, #tpu.memory_space<hbm>>) dst(%dma_wait3A_239 : memref<2x100xi32, #tpu.memory_space<vmem>>)
        %dma_start3A_244 = arith.constant 1 : i32
        %dma_start3A_245 = arith.constant 0 : i32
        %dma_start3A_246 = arith.constant 0 : i32
        %dma_start3A_247 = tpu.memref_slice %arg6[%dma_start3A_244, %dma_start3A_245, %dma_start3A_246] : memref<3x2x100xi32, #tpu.memory_space<vmem>> -> memref<1x1x100xi32, #tpu.memory_space<vmem>>
        %dma_start3A_248 = tpu.memref_squeeze %dma_start3A_247 : memref<1x1x100xi32, #tpu.memory_space<vmem>> -> memref<100xi32, #tpu.memory_space<vmem>>
        %dma_start3A_249 = arith.constant 0 : i32
        %dma_start3A_250 = arith.constant 0 : i32
        %dma_start3A_251 = tpu.memref_slice %arg3[%dma_start3A_249, %dma_start3A_250] : memref<10112x128xf32, #tpu.memory_space<hbm>> -> memref<10112x128xf32, #tpu.memory_space<hbm>>
        tpu.enqueue_indirect_dma source(%dma_start3A_251 : memref<10112x128xf32, #tpu.memory_space<hbm>>) target(%arg8 : memref<100x128xf32, #tpu.memory_space<vmem>>) offsets(%dma_start3A_248 : memref<100xi32, #tpu.memory_space<vmem>>) semaphore(%arg12 : memref<!tpu.dma_semaphore, #tpu.memory_space<semaphore_mem>>)
      } else {
      }
    }
    %scan3A_140 = arith.constant 34 : i32
    %dma_wait3A_141 = arith.constant 0 : i32
    %dma_wait3A_142 = arith.constant 1 : i32
    %dma_wait3A_143 = arith.constant 0 : i32
    %dma_wait3A_144 = tpu.memref_slice %arg6[%dma_wait3A_141, %dma_wait3A_142, %dma_wait3A_143] : memref<3x2x100xi32, #tpu.memory_space<vmem>> -> memref<1x1x100xi32, #tpu.memory_space<vmem>>
    %dma_wait3A_145 = tpu.memref_squeeze %dma_wait3A_144 : memref<1x1x100xi32, #tpu.memory_space<vmem>> -> memref<100xi32, #tpu.memory_space<vmem>>
    %dma_wait3A_146 = arith.constant 0 : i32
    %dma_wait3A_147 = arith.constant 0 : i32
    %dma_wait3A_148 = tpu.memref_slice %arg10[%dma_wait3A_146, %dma_wait3A_147] : memref<10112x128xf32, #tpu.memory_space<vmem_shared>> -> memref<10112x128xf32, #tpu.memory_space<vmem_shared>>
    tpu.wait_indirect_dma semaphore(%arg18 : memref<!tpu.dma_semaphore, #tpu.memory_space<semaphore_mem>>) src(%arg7 : memref<100x128xf32, #tpu.memory_space<vmem>>) dst(%dma_wait3A_148 : memref<10112x128xf32, #tpu.memory_space<vmem_shared>>)
    %barrier3A_149 = arith.constant 0 : index
    tpu.barrier barrier_id(%barrier3A_149)
    %mul3A_150 = arith.constant 632 : i32
    %mul3A_151 = arith.muli %arg1, %mul3A_150 : i32
    %mul3A_152 = arith.constant 632 : i32
    %mul3A_153 = arith.muli %arg1, %mul3A_152 : i32
    "tpu.region"() ({
      %run_scoped3A = tpu.sem_alloc : memref<!tpu.dma_semaphore, #tpu.memory_space<semaphore_mem>>
      %dma_start3A_154 = arith.constant 0 : i32
      %dma_start3A_155 = tpu.memref_slice %arg5[%arg0, %mul3A_153, %dma_start3A_154] : memref<2x10112x128xf32, #tpu.memory_space<hbm>> -> memref<1x632x128xf32, #tpu.memory_space<hbm>>
      %dma_start3A_156 = tpu.memref_squeeze %dma_start3A_155 : memref<1x632x128xf32, #tpu.memory_space<hbm>> -> memref<632x128xf32, #tpu.memory_space<hbm>>
      %dma_start3A_157 = arith.constant 0 : i32
      %dma_start3A_158 = tpu.memref_slice %arg10[%mul3A_151, %dma_start3A_157] : memref<10112x128xf32, #tpu.memory_space<vmem_shared>> -> memref<632x128xf32, #tpu.memory_space<vmem_shared>>
      tpu.enqueue_dma source(%dma_start3A_158 : memref<632x128xf32, #tpu.memory_space<vmem_shared>>) target(%dma_start3A_156 : memref<632x128xf32, #tpu.memory_space<hbm>>) target_semaphore(%run_scoped3A : memref<!tpu.dma_semaphore, #tpu.memory_space<semaphore_mem>>)
      %dma_wait3A_159 = arith.constant 0 : i32
      %dma_wait3A_160 = tpu.memref_slice %arg5[%arg0, %mul3A_153, %dma_wait3A_159] : memref<2x10112x128xf32, #tpu.memory_space<hbm>> -> memref<1x632x128xf32, #tpu.memory_space<hbm>>
      %dma_wait3A_161 = tpu.memref_squeeze %dma_wait3A_160 : memref<1x632x128xf32, #tpu.memory_space<hbm>> -> memref<632x128xf32, #tpu.memory_space<hbm>>
      %dma_wait3A_162 = arith.constant 0 : i32
      %dma_wait3A_163 = tpu.memref_slice %arg10[%mul3A_151, %dma_wait3A_162] : memref<10112x128xf32, #tpu.memory_space<vmem_shared>> -> memref<632x128xf32, #tpu.memory_space<vmem_shared>>
      tpu.wait_dma2 semaphore(%run_scoped3A : memref<!tpu.dma_semaphore, #tpu.memory_space<semaphore_mem>>) src(%dma_wait3A_163 : memref<632x128xf32, #tpu.memory_space<vmem_shared>>) dst(%dma_wait3A_161 : memref<632x128xf32, #tpu.memory_space<hbm>>)
      tpu.yield
    }) : () -> ()
    return
  }
}

#map = affine_map<(d0, d1) -> (0, 0)>
#map1 = affine_map<(d0, d1) -> (0)>
module attributes {stable_mosaic.version = 14 : i64} {
  func.func @deg_kernel(%arg0: i32, %arg1: i32, %arg2: memref<32x10000xi32, #tpu.memory_space<hbm>>, %arg3: memref<1x10112xf32, #tpu.memory_space<hbm>>, %arg4: memref<1xi32, #tpu.memory_space<hbm>>, %arg5: memref<2x10112xf32, #tpu.memory_space<hbm>>, %arg6: memref<10000xi32, #tpu.memory_space<vmem>>, %arg7: memref<1x10112xf32, #tpu.memory_space<vmem>>, %arg8: memref<1xi32, #tpu.memory_space<vmem>>, %arg9: memref<1x10112xf32, #tpu.memory_space<vmem_shared>>) attributes {dimension_semantics = [#tpu.dimension_semantics<core_parallel>, #tpu.dimension_semantics<subcore_parallel>], iteration_bounds = array<i64: 2, 16>, scalar_prefetch = 0 : i64, scratch_operands = 4 : i64, tpu.core_type = #tpu.core_type<sc_vector_subcore>, window_params = [{transform_indices = #map}, {transform_indices = #map}, {transform_indices = #map1}, {transform_indices = #map}]} {
    %mul3A = arith.constant 2 : i32
    %mul3A_0 = arith.muli %arg1, %mul3A : i32
    %add3A = arith.addi %mul3A_0, %arg0 : i32
    "tpu.region"() ({
      %run_scoped3A = tpu.sem_alloc : memref<!tpu.dma_semaphore, #tpu.memory_space<semaphore_mem>>
      %dma_start3A = arith.constant 0 : i32
      %dma_start3A_21 = tpu.memref_slice %arg2[%add3A, %dma_start3A] : memref<32x10000xi32, #tpu.memory_space<hbm>> -> memref<1x10000xi32, #tpu.memory_space<hbm>>
      %dma_start3A_22 = tpu.memref_squeeze %dma_start3A_21 : memref<1x10000xi32, #tpu.memory_space<hbm>> -> memref<10000xi32, #tpu.memory_space<hbm>>
      %dma_start3A_23 = arith.constant 0 : i32
      %dma_start3A_24 = tpu.memref_slice %arg2[%add3A, %dma_start3A_23] : memref<32x10000xi32, #tpu.memory_space<hbm>> -> memref<1x10000xi32, #tpu.memory_space<hbm>>
      %dma_start3A_25 = tpu.memref_squeeze %dma_start3A_24 : memref<1x10000xi32, #tpu.memory_space<hbm>> -> memref<10000xi32, #tpu.memory_space<hbm>>
      tpu.enqueue_dma source(%dma_start3A_25 : memref<10000xi32, #tpu.memory_space<hbm>>) target(%arg6 : memref<10000xi32, #tpu.memory_space<vmem>>) target_semaphore(%run_scoped3A : memref<!tpu.dma_semaphore, #tpu.memory_space<semaphore_mem>>)
      %dma_wait3A = arith.constant 0 : i32
      %dma_wait3A_26 = tpu.memref_slice %arg2[%add3A, %dma_wait3A] : memref<32x10000xi32, #tpu.memory_space<hbm>> -> memref<1x10000xi32, #tpu.memory_space<hbm>>
      %dma_wait3A_27 = tpu.memref_squeeze %dma_wait3A_26 : memref<1x10000xi32, #tpu.memory_space<hbm>> -> memref<10000xi32, #tpu.memory_space<hbm>>
      %dma_wait3A_28 = arith.constant 0 : i32
      %dma_wait3A_29 = tpu.memref_slice %arg2[%add3A, %dma_wait3A_28] : memref<32x10000xi32, #tpu.memory_space<hbm>> -> memref<1x10000xi32, #tpu.memory_space<hbm>>
      %dma_wait3A_30 = tpu.memref_squeeze %dma_wait3A_29 : memref<1x10000xi32, #tpu.memory_space<hbm>> -> memref<10000xi32, #tpu.memory_space<hbm>>
      tpu.wait_dma2 semaphore(%run_scoped3A : memref<!tpu.dma_semaphore, #tpu.memory_space<semaphore_mem>>) src(%dma_wait3A_30 : memref<10000xi32, #tpu.memory_space<hbm>>) dst(%arg6 : memref<10000xi32, #tpu.memory_space<vmem>>)
      tpu.yield
    }) : () -> ()
    "tpu.region"() ({
      %run_scoped3A = tpu.sem_alloc : memref<!tpu.dma_semaphore, #tpu.memory_space<semaphore_mem>>
      tpu.enqueue_dma source(%arg4 : memref<1xi32, #tpu.memory_space<hbm>>) target(%arg8 : memref<1xi32, #tpu.memory_space<vmem>>) target_semaphore(%run_scoped3A : memref<!tpu.dma_semaphore, #tpu.memory_space<semaphore_mem>>)
      tpu.wait_dma2 semaphore(%run_scoped3A : memref<!tpu.dma_semaphore, #tpu.memory_space<semaphore_mem>>) src(%arg4 : memref<1xi32, #tpu.memory_space<hbm>>) dst(%arg8 : memref<1xi32, #tpu.memory_space<vmem>>)
      tpu.yield
    }) : () -> ()
    %eq3A = arith.constant 0 : i32
    %eq3A_1 = arith.cmpi eq, %arg1, %eq3A : i32
    %convert_element_type3A = arith.extui %eq3A_1 : i1 to i32
    %cond3A = arith.constant 0 : i32
    %cond3A_2 = arith.cmpi ne, %convert_element_type3A, %cond3A : i32
    scf.if %cond3A_2 {
      "tpu.region"() ({
        %run_scoped3A = tpu.sem_alloc : memref<!tpu.dma_semaphore, #tpu.memory_space<semaphore_mem>>
        tpu.enqueue_dma source(%arg3 : memref<1x10112xf32, #tpu.memory_space<hbm>>) target(%arg9 : memref<1x10112xf32, #tpu.memory_space<vmem_shared>>) target_semaphore(%run_scoped3A : memref<!tpu.dma_semaphore, #tpu.memory_space<semaphore_mem>>)
        tpu.wait_dma2 semaphore(%run_scoped3A : memref<!tpu.dma_semaphore, #tpu.memory_space<semaphore_mem>>) src(%arg3 : memref<1x10112xf32, #tpu.memory_space<hbm>>) dst(%arg9 : memref<1x10112xf32, #tpu.memory_space<vmem_shared>>)
        tpu.yield
      }) : () -> ()
    } else {
    }
    %broadcast_in_dim3A = arith.constant 0.000000e+00 : f32
    %broadcast_in_dim3A_3 = vector.broadcast %broadcast_in_dim3A : f32 to vector<16xf32>
    %scan3A = arith.constant 0 : i32
    %scan3A_4 = arith.constant 632 : i32
    %scan3A_5 = arith.addi %scan3A, %scan3A_4 : i32
    %scan3A_6 = arith.constant 1 : i32
    scf.for %scan3A_21 = %scan3A to %scan3A_5 step %scan3A_6  : i32 {
      %mul3A_22 = arith.constant 1 : i32
      %mul3A_23 = arith.muli %scan3A_21, %mul3A_22 : i32
      %add3A_24 = arith.constant 0 : i32
      %add3A_25 = arith.addi %add3A_24, %mul3A_23 : i32
      %mul3A_26 = arith.constant 16 : i32
      %mul3A_27 = arith.muli %add3A_25, %mul3A_26 : i32
      %swap3A = arith.constant 0 : i32
      %swap3A_28 = arith.index_cast %swap3A : i32 to index
      %swap3A_29 = arith.index_cast %mul3A_27 : i32 to index
      %swap3A_30 = tpu.vector_load %arg7[%swap3A_28, %swap3A_29] {strides = array<i32>} : memref<1x10112xf32, #tpu.memory_space<vmem>>, vector<16xf32>,
      tpu.vector_store %arg7[%swap3A_28, %swap3A_29], %broadcast_in_dim3A_3 {strides = array<i32>} : memref<1x10112xf32, #tpu.memory_space<vmem>>, vector<16xf32>,
    }
    %scan3A_7 = arith.constant 632 : i32
    %broadcast_in_dim3A_8 = arith.constant 1.000000e+00 : f32
    %broadcast_in_dim3A_9 = vector.broadcast %broadcast_in_dim3A_8 : f32 to vector<16xf32>
    %scan3A_10 = arith.constant 0 : i32
    %scan3A_11 = arith.constant 625 : i32
    %scan3A_12 = arith.addi %scan3A_10, %scan3A_11 : i32
    %scan3A_13 = arith.constant 1 : i32
    scf.for %scan3A_21 = %scan3A_10 to %scan3A_12 step %scan3A_13  : i32 {
      %mul3A_22 = arith.constant 1 : i32
      %mul3A_23 = arith.muli %scan3A_21, %mul3A_22 : i32
      %add3A_24 = arith.constant 0 : i32
      %add3A_25 = arith.addi %add3A_24, %mul3A_23 : i32
      %mul3A_26 = arith.constant 16 : i32
      %mul3A_27 = arith.muli %add3A_25, %mul3A_26 : i32
      %get3A = arith.index_cast %mul3A_27 : i32 to index
      %get3A_28 = tpu.vector_load %arg6[%get3A] {strides = array<i32>} : memref<10000xi32, #tpu.memory_space<vmem>>, vector<16xi32>,
      %scatter3A = arith.constant 0 : i32
      %scatter3A_29 = arith.constant 0 : i32
      %scatter3A_30 = tpu.memref_slice %arg7[%scatter3A, %scatter3A_29] : memref<1x10112xf32, #tpu.memory_space<vmem>> -> memref<1x10112xf32, #tpu.memory_space<vmem>>
      %scatter3A_31 = tpu.memref_squeeze %scatter3A_30 : memref<1x10112xf32, #tpu.memory_space<vmem>> -> memref<10112xf32, #tpu.memory_space<vmem>>
      tpu.vector_store_idx %scatter3A_31[%get3A_28], %broadcast_in_dim3A_9 {add = true} : memref<10112xf32, #tpu.memory_space<vmem>>[vector<16xi32>], vector<16xf32>,
    }
    %scan3A_14 = arith.constant 625 : i32
    %barrier3A = arith.constant 0 : index
    tpu.barrier barrier_id(%barrier3A)
    "tpu.region"() ({
      %run_scoped3A = tpu.sem_alloc : memref<!tpu.dma_semaphore, #tpu.memory_space<semaphore_mem>>
      %dma_start3A = arith.constant 0 : i32
      %dma_start3A_21 = arith.constant 0 : i32
      %dma_start3A_22 = tpu.memref_slice %arg9[%dma_start3A, %dma_start3A_21] : memref<1x10112xf32, #tpu.memory_space<vmem_shared>> -> memref<1x10112xf32, #tpu.memory_space<vmem_shared>>
      tpu.enqueue_indirect_dma source(%arg7 : memref<1x10112xf32, #tpu.memory_space<vmem>>) target(%dma_start3A_22 : memref<1x10112xf32, #tpu.memory_space<vmem_shared>>) offsets(%arg8 : memref<1xi32, #tpu.memory_space<vmem>>) semaphore(%run_scoped3A : memref<!tpu.dma_semaphore, #tpu.memory_space<semaphore_mem>>) {add = true}
      %dma_wait3A = arith.constant 0 : i32
      %dma_wait3A_23 = arith.constant 0 : i32
      %dma_wait3A_24 = tpu.memref_slice %arg9[%dma_wait3A, %dma_wait3A_23] : memref<1x10112xf32, #tpu.memory_space<vmem_shared>> -> memref<1x10112xf32, #tpu.memory_space<vmem_shared>>
      tpu.wait_indirect_dma semaphore(%run_scoped3A : memref<!tpu.dma_semaphore, #tpu.memory_space<semaphore_mem>>) src(%arg7 : memref<1x10112xf32, #tpu.memory_space<vmem>>) dst(%dma_wait3A_24 : memref<1x10112xf32, #tpu.memory_space<vmem_shared>>)
      tpu.yield
    }) : () -> ()
    %barrier3A_15 = arith.constant 0 : index
    tpu.barrier barrier_id(%barrier3A_15)
    %eq3A_16 = arith.constant 0 : i32
    %eq3A_17 = arith.cmpi eq, %arg1, %eq3A_16 : i32
    %convert_element_type3A_18 = arith.extui %eq3A_17 : i1 to i32
    %cond3A_19 = arith.constant 0 : i32
    %cond3A_20 = arith.cmpi ne, %convert_element_type3A_18, %cond3A_19 : i32
    scf.if %cond3A_20 {
      %run_scoped3A = arith.constant 0 : i32
      "tpu.region"() ({
        %run_scoped3A_21 = tpu.sem_alloc : memref<!tpu.dma_semaphore, #tpu.memory_space<semaphore_mem>>
        %dma_start3A = arith.constant 0 : i32
        %dma_start3A_22 = tpu.memref_slice %arg5[%arg0, %dma_start3A] : memref<2x10112xf32, #tpu.memory_space<hbm>> -> memref<1x10112xf32, #tpu.memory_space<hbm>>
        %dma_start3A_23 = tpu.memref_squeeze %dma_start3A_22 : memref<1x10112xf32, #tpu.memory_space<hbm>> -> memref<10112xf32, #tpu.memory_space<hbm>>
        %dma_start3A_24 = arith.constant 0 : i32
        %dma_start3A_25 = tpu.memref_slice %arg9[%run_scoped3A, %dma_start3A_24] : memref<1x10112xf32, #tpu.memory_space<vmem_shared>> -> memref<1x10112xf32, #tpu.memory_space<vmem_shared>>
        %dma_start3A_26 = tpu.memref_squeeze %dma_start3A_25 : memref<1x10112xf32, #tpu.memory_space<vmem_shared>> -> memref<10112xf32, #tpu.memory_space<vmem_shared>>
        tpu.enqueue_dma source(%dma_start3A_26 : memref<10112xf32, #tpu.memory_space<vmem_shared>>) target(%dma_start3A_23 : memref<10112xf32, #tpu.memory_space<hbm>>) target_semaphore(%run_scoped3A_21 : memref<!tpu.dma_semaphore, #tpu.memory_space<semaphore_mem>>)
        %dma_wait3A = arith.constant 0 : i32
        %dma_wait3A_27 = tpu.memref_slice %arg5[%arg0, %dma_wait3A] : memref<2x10112xf32, #tpu.memory_space<hbm>> -> memref<1x10112xf32, #tpu.memory_space<hbm>>
        %dma_wait3A_28 = tpu.memref_squeeze %dma_wait3A_27 : memref<1x10112xf32, #tpu.memory_space<hbm>> -> memref<10112xf32, #tpu.memory_space<hbm>>
        %dma_wait3A_29 = arith.constant 0 : i32
        %dma_wait3A_30 = tpu.memref_slice %arg9[%run_scoped3A, %dma_wait3A_29] : memref<1x10112xf32, #tpu.memory_space<vmem_shared>> -> memref<1x10112xf32, #tpu.memory_space<vmem_shared>>
        %dma_wait3A_31 = tpu.memref_squeeze %dma_wait3A_30 : memref<1x10112xf32, #tpu.memory_space<vmem_shared>> -> memref<10112xf32, #tpu.memory_space<vmem_shared>>
        tpu.wait_dma2 semaphore(%run_scoped3A_21 : memref<!tpu.dma_semaphore, #tpu.memory_space<semaphore_mem>>) src(%dma_wait3A_31 : memref<10112xf32, #tpu.memory_space<vmem_shared>>) dst(%dma_wait3A_28 : memref<10112xf32, #tpu.memory_space<hbm>>)
        tpu.yield
      }) : () -> ()
    } else {
    }
    return
  }
}

#map = affine_map<(d0, d1) -> (0, 0, 0, 0)>
#map1 = affine_map<(d0, d1) -> (0, 0)>
#map2 = affine_map<(d0, d1) -> (0, 0, 0)>
module attributes {stable_mosaic.version = 14 : i64} {
  func.func @hop_kernel(%arg0: i32, %arg1: i32, %arg2: memref<32x100x2x100xi32, #tpu.memory_space<hbm>>, %arg3: memref<10112x128xf32, #tpu.memory_space<hbm>>, %arg4: memref<632x128xf32, #tpu.memory_space<hbm>>, %arg5: memref<2x10112x128xf32, #tpu.memory_space<hbm>>, %arg6: memref<3x2x100xi32, #tpu.memory_space<vmem>>, %arg7: memref<100x128xf32, #tpu.memory_space<vmem>>, %arg8: memref<100x128xf32, #tpu.memory_space<vmem>>, %arg9: memref<100x128xf32, #tpu.memory_space<vmem>>, %arg10: memref<10112x128xf32, #tpu.memory_space<vmem_shared>>, %arg11: memref<!tpu.dma_semaphore, #tpu.memory_space<semaphore_mem>>, %arg12: memref<!tpu.dma_semaphore, #tpu.memory_space<semaphore_mem>>, %arg13: memref<!tpu.dma_semaphore, #tpu.memory_space<semaphore_mem>>, %arg14: memref<!tpu.dma_semaphore, #tpu.memory_space<semaphore_mem>>, %arg15: memref<!tpu.dma_semaphore, #tpu.memory_space<semaphore_mem>>, %arg16: memref<!tpu.dma_semaphore, #tpu.memory_space<semaphore_mem>>, %arg17: memref<!tpu.dma_semaphore, #tpu.memory_space<semaphore_mem>>, %arg18: memref<!tpu.dma_semaphore, #tpu.memory_space<semaphore_mem>>) attributes {dimension_semantics = [#tpu.dimension_semantics<core_parallel>, #tpu.dimension_semantics<subcore_parallel>], iteration_bounds = array<i64: 2, 16>, scalar_prefetch = 0 : i64, scratch_operands = 13 : i64, tpu.core_type = #tpu.core_type<sc_vector_subcore>, window_params = [{transform_indices = #map}, {transform_indices = #map1}, {transform_indices = #map1}, {transform_indices = #map2}]} {
    %mul3A = arith.constant 2 : i32
    %mul3A_0 = arith.muli %arg1, %mul3A : i32
    %add3A = arith.addi %mul3A_0, %arg0 : i32
    %mul3A_1 = arith.constant 632 : i32
    %mul3A_2 = arith.muli %arg1, %mul3A_1 : i32
    %dma_start3A = arith.constant 0 : i32
    %dma_start3A_3 = tpu.memref_slice %arg10[%mul3A_2, %dma_start3A] : memref<10112x128xf32, #tpu.memory_space<vmem_shared>> -> memref<632x128xf32, #tpu.memory_space<vmem_shared>>
    tpu.enqueue_dma source(%arg4 : memref<632x128xf32, #tpu.memory_space<hbm>>) target(%dma_start3A_3 : memref<632x128xf32, #tpu.memory_space<vmem_shared>>) target_semaphore(%arg17 : memref<!tpu.dma_semaphore, #tpu.memory_space<semaphore_mem>>)
    %dma_start3A_4 = arith.constant 0 : i32
    %dma_start3A_5 = arith.constant 0 : i32
    %dma_start3A_6 = arith.constant 0 : i32
    %dma_start3A_7 = arith.constant 0 : i32
    %dma_start3A_8 = tpu.memref_slice %arg6[%dma_start3A_5, %dma_start3A_6, %dma_start3A_7] : memref<3x2x100xi32, #tpu.memory_space<vmem>> -> memref<1x2x100xi32, #tpu.memory_space<vmem>>
    %dma_start3A_9 = tpu.memref_squeeze %dma_start3A_8 : memref<1x2x100xi32, #tpu.memory_space<vmem>> -> memref<2x100xi32, #tpu.memory_space<vmem>>
    %dma_start3A_10 = arith.constant 0 : i32
    %dma_start3A_11 = arith.constant 0 : i32
    %dma_start3A_12 = tpu.memref_slice %arg2[%add3A, %dma_start3A_4, %dma_start3A_10, %dma_start3A_11] : memref<32x100x2x100xi32, #tpu.memory_space<hbm>> -> memref<1x1x2x100xi32, #tpu.memory_space<hbm>>
    %dma_start3A_13 = tpu.memref_squeeze %dma_start3A_12 : memref<1x1x2x100xi32, #tpu.memory_space<hbm>> -> memref<2x100xi32, #tpu.memory_space<hbm>>
    %dma_start3A_14 = arith.constant 0 : i32
    %dma_start3A_15 = arith.constant 0 : i32
    %dma_start3A_16 = tpu.memref_slice %arg6[%dma_start3A_5, %dma_start3A_14, %dma_start3A_15] : memref<3x2x100xi32, #tpu.memory_space<vmem>> -> memref<1x2x100xi32, #tpu.memory_space<vmem>>
    %dma_start3A_17 = tpu.memref_squeeze %dma_start3A_16 : memref<1x2x100xi32, #tpu.memory_space<vmem>> -> memref<2x100xi32, #tpu.memory_space<vmem>>
    %dma_start3A_18 = arith.constant 0 : i32
    %dma_start3A_19 = arith.constant 0 : i32
    %dma_start3A_20 = tpu.memref_slice %arg2[%add3A, %dma_start3A_4, %dma_start3A_18, %dma_start3A_19] : memref<32x100x2x100xi32, #tpu.memory_space<hbm>> -> memref<1x1x2x100xi32, #tpu.memory_space<hbm>>
    %dma_start3A_21 = tpu.memref_squeeze %dma_start3A_20 : memref<1x1x2x100xi32, #tpu.memory_space<hbm>> -> memref<2x100xi32, #tpu.memory_space<hbm>>
    tpu.enqueue_dma source(%dma_start3A_21 : memref<2x100xi32, #tpu.memory_space<hbm>>) target(%dma_start3A_17 : memref<2x100xi32, #tpu.memory_space<vmem>>) target_semaphore(%arg14 : memref<!tpu.dma_semaphore, #tpu.memory_space<semaphore_mem>>)
    %dma_start3A_22 = arith.constant 1 : i32
    %dma_start3A_23 = arith.constant 1 : i32
    %dma_start3A_24 = arith.constant 0 : i32
    %dma_start3A_25 = arith.constant 0 : i32
    %dma_start3A_26 = tpu.memref_slice %arg6[%dma_start3A_23, %dma_start3A_24, %dma_start3A_25] : memref<3x2x100xi32, #tpu.memory_space<vmem>> -> memref<1x2x100xi32, #tpu.memory_space<vmem>>
    %dma_start3A_27 = tpu.memref_squeeze %dma_start3A_26 : memref<1x2x100xi32, #tpu.memory_space<vmem>> -> memref<2x100xi32, #tpu.memory_space<vmem>>
    %dma_start3A_28 = arith.constant 0 : i32
    %dma_start3A_29 = arith.constant 0 : i32
    %dma_start3A_30 = tpu.memref_slice %arg2[%add3A, %dma_start3A_22, %dma_start3A_28, %dma_start3A_29] : memref<32x100x2x100xi32, #tpu.memory_space<hbm>> -> memref<1x1x2x100xi32, #tpu.memory_space<hbm>>
    %dma_start3A_31 = tpu.memref_squeeze %dma_start3A_30 : memref<1x1x2x100xi32, #tpu.memory_space<hbm>> -> memref<2x100xi32, #tpu.memory_space<hbm>>
    %dma_start3A_32 = arith.constant 0 : i32
    %dma_start3A_33 = arith.constant 0 : i32
    %dma_start3A_34 = tpu.memref_slice %arg6[%dma_start3A_23, %dma_start3A_32, %dma_start3A_33] : memref<3x2x100xi32, #tpu.memory_space<vmem>> -> memref<1x2x100xi32, #tpu.memory_space<vmem>>
    %dma_start3A_35 = tpu.memref_squeeze %dma_start3A_34 : memref<1x2x100xi32, #tpu.memory_space<vmem>> -> memref<2x100xi32, #tpu.memory_space<vmem>>
    %dma_start3A_36 = arith.constant 0 : i32
    %dma_start3A_37 = arith.constant 0 : i32
    %dma_start3A_38 = tpu.memref_slice %arg2[%add3A, %dma_start3A_22, %dma_start3A_36, %dma_start3A_37] : memref<32x100x2x100xi32, #tpu.memory_space<hbm>> -> memref<1x1x2x100xi32, #tpu.memory_space<hbm>>
    %dma_start3A_39 = tpu.memref_squeeze %dma_start3A_38 : memref<1x1x2x100xi32, #tpu.memory_space<hbm>> -> memref<2x100xi32, #tpu.memory_space<hbm>>
    tpu.enqueue_dma source(%dma_start3A_39 : memref<2x100xi32, #tpu.memory_space<hbm>>) target(%dma_start3A_35 : memref<2x100xi32, #tpu.memory_space<vmem>>) target_semaphore(%arg15 : memref<!tpu.dma_semaphore, #tpu.memory_space<semaphore_mem>>)
    %dma_start3A_40 = arith.constant 2 : i32
    %dma_start3A_41 = arith.constant 2 : i32
    %dma_start3A_42 = arith.constant 0 : i32
    %dma_start3A_43 = arith.constant 0 : i32
    %dma_start3A_44 = tpu.memref_slice %arg6[%dma_start3A_41, %dma_start3A_42, %dma_start3A_43] : memref<3x2x100xi32, #tpu.memory_space<vmem>> -> memref<1x2x100xi32, #tpu.memory_space<vmem>>
    %dma_start3A_45 = tpu.memref_squeeze %dma_start3A_44 : memref<1x2x100xi32, #tpu.memory_space<vmem>> -> memref<2x100xi32, #tpu.memory_space<vmem>>
    %dma_start3A_46 = arith.constant 0 : i32
    %dma_start3A_47 = arith.constant 0 : i32
    %dma_start3A_48 = tpu.memref_slice %arg2[%add3A, %dma_start3A_40, %dma_start3A_46, %dma_start3A_47] : memref<32x100x2x100xi32, #tpu.memory_space<hbm>> -> memref<1x1x2x100xi32, #tpu.memory_space<hbm>>
    %dma_start3A_49 = tpu.memref_squeeze %dma_start3A_48 : memref<1x1x2x100xi32, #tpu.memory_space<hbm>> -> memref<2x100xi32, #tpu.memory_space<hbm>>
    %dma_start3A_50 = arith.constant 0 : i32
    %dma_start3A_51 = arith.constant 0 : i32
    %dma_start3A_52 = tpu.memref_slice %arg6[%dma_start3A_41, %dma_start3A_50, %dma_start3A_51] : memref<3x2x100xi32, #tpu.memory_space<vmem>> -> memref<1x2x100xi32, #tpu.memory_space<vmem>>
    %dma_start3A_53 = tpu.memref_squeeze %dma_start3A_52 : memref<1x2x100xi32, #tpu.memory_space<vmem>> -> memref<2x100xi32, #tpu.memory_space<vmem>>
    %dma_start3A_54 = arith.constant 0 : i32
    %dma_start3A_55 = arith.constant 0 : i32
    %dma_start3A_56 = tpu.memref_slice %arg2[%add3A, %dma_start3A_40, %dma_start3A_54, %dma_start3A_55] : memref<32x100x2x100xi32, #tpu.memory_space<hbm>> -> memref<1x1x2x100xi32, #tpu.memory_space<hbm>>
    %dma_start3A_57 = tpu.memref_squeeze %dma_start3A_56 : memref<1x1x2x100xi32, #tpu.memory_space<hbm>> -> memref<2x100xi32, #tpu.memory_space<hbm>>
    tpu.enqueue_dma source(%dma_start3A_57 : memref<2x100xi32, #tpu.memory_space<hbm>>) target(%dma_start3A_53 : memref<2x100xi32, #tpu.memory_space<vmem>>) target_semaphore(%arg16 : memref<!tpu.dma_semaphore, #tpu.memory_space<semaphore_mem>>)
    %dma_wait3A = arith.constant 0 : i32
    %dma_wait3A_58 = arith.constant 0 : i32
    %dma_wait3A_59 = arith.constant 0 : i32
    %dma_wait3A_60 = arith.constant 0 : i32
    %dma_wait3A_61 = tpu.memref_slice %arg6[%dma_wait3A_58, %dma_wait3A_59, %dma_wait3A_60] : memref<3x2x100xi32, #tpu.memory_space<vmem>> -> memref<1x2x100xi32, #tpu.memory_space<vmem>>
    %dma_wait3A_62 = tpu.memref_squeeze %dma_wait3A_61 : memref<1x2x100xi32, #tpu.memory_space<vmem>> -> memref<2x100xi32, #tpu.memory_space<vmem>>
    %dma_wait3A_63 = arith.constant 0 : i32
    %dma_wait3A_64 = arith.constant 0 : i32
    %dma_wait3A_65 = tpu.memref_slice %arg2[%add3A, %dma_wait3A, %dma_wait3A_63, %dma_wait3A_64] : memref<32x100x2x100xi32, #tpu.memory_space<hbm>> -> memref<1x1x2x100xi32, #tpu.memory_space<hbm>>
    %dma_wait3A_66 = tpu.memref_squeeze %dma_wait3A_65 : memref<1x1x2x100xi32, #tpu.memory_space<hbm>> -> memref<2x100xi32, #tpu.memory_space<hbm>>
    %dma_wait3A_67 = arith.constant 0 : i32
    %dma_wait3A_68 = arith.constant 0 : i32
    %dma_wait3A_69 = tpu.memref_slice %arg6[%dma_wait3A_58, %dma_wait3A_67, %dma_wait3A_68] : memref<3x2x100xi32, #tpu.memory_space<vmem>> -> memref<1x2x100xi32, #tpu.memory_space<vmem>>
    %dma_wait3A_70 = tpu.memref_squeeze %dma_wait3A_69 : memref<1x2x100xi32, #tpu.memory_space<vmem>> -> memref<2x100xi32, #tpu.memory_space<vmem>>
    %dma_wait3A_71 = arith.constant 0 : i32
    %dma_wait3A_72 = arith.constant 0 : i32
    %dma_wait3A_73 = tpu.memref_slice %arg2[%add3A, %dma_wait3A, %dma_wait3A_71, %dma_wait3A_72] : memref<32x100x2x100xi32, #tpu.memory_space<hbm>> -> memref<1x1x2x100xi32, #tpu.memory_space<hbm>>
    %dma_wait3A_74 = tpu.memref_squeeze %dma_wait3A_73 : memref<1x1x2x100xi32, #tpu.memory_space<hbm>> -> memref<2x100xi32, #tpu.memory_space<hbm>>
    tpu.wait_dma2 semaphore(%arg14 : memref<!tpu.dma_semaphore, #tpu.memory_space<semaphore_mem>>) src(%dma_wait3A_74 : memref<2x100xi32, #tpu.memory_space<hbm>>) dst(%dma_wait3A_70 : memref<2x100xi32, #tpu.memory_space<vmem>>)
    %dma_start3A_75 = arith.constant 0 : i32
    %dma_start3A_76 = arith.constant 0 : i32
    %dma_start3A_77 = arith.constant 0 : i32
    %dma_start3A_78 = tpu.memref_slice %arg6[%dma_start3A_75, %dma_start3A_76, %dma_start3A_77] : memref<3x2x100xi32, #tpu.memory_space<vmem>> -> memref<1x1x100xi32, #tpu.memory_space<vmem>>
    %dma_start3A_79 = tpu.memref_squeeze %dma_start3A_78 : memref<1x1x100xi32, #tpu.memory_space<vmem>> -> memref<100xi32, #tpu.memory_space<vmem>>
    %dma_start3A_80 = arith.constant 0 : i32
    %dma_start3A_81 = arith.constant 0 : i32
    %dma_start3A_82 = tpu.memref_slice %arg3[%dma_start3A_80, %dma_start3A_81] : memref<10112x128xf32, #tpu.memory_space<hbm>> -> memref<10112x128xf32, #tpu.memory_space<hbm>>
    tpu.enqueue_indirect_dma source(%dma_start3A_82 : memref<10112x128xf32, #tpu.memory_space<hbm>>) target(%arg7 : memref<100x128xf32, #tpu.memory_space<vmem>>) offsets(%dma_start3A_79 : memref<100xi32, #tpu.memory_space<vmem>>) semaphore(%arg11 : memref<!tpu.dma_semaphore, #tpu.memory_space<semaphore_mem>>)
    %dma_wait3A_83 = arith.constant 1 : i32
    %dma_wait3A_84 = arith.constant 1 : i32
    %dma_wait3A_85 = arith.constant 0 : i32
    %dma_wait3A_86 = arith.constant 0 : i32
    %dma_wait3A_87 = tpu.memref_slice %arg6[%dma_wait3A_84, %dma_wait3A_85, %dma_wait3A_86] : memref<3x2x100xi32, #tpu.memory_space<vmem>> -> memref<1x2x100xi32, #tpu.memory_space<vmem>>
    %dma_wait3A_88 = tpu.memref_squeeze %dma_wait3A_87 : memref<1x2x100xi32, #tpu.memory_space<vmem>> -> memref<2x100xi32, #tpu.memory_space<vmem>>
    %dma_wait3A_89 = arith.constant 0 : i32
    %dma_wait3A_90 = arith.constant 0 : i32
    %dma_wait3A_91 = tpu.memref_slice %arg2[%add3A, %dma_wait3A_83, %dma_wait3A_89, %dma_wait3A_90] : memref<32x100x2x100xi32, #tpu.memory_space<hbm>> -> memref<1x1x2x100xi32, #tpu.memory_space<hbm>>
    %dma_wait3A_92 = tpu.memref_squeeze %dma_wait3A_91 : memref<1x1x2x100xi32, #tpu.memory_space<hbm>> -> memref<2x100xi32, #tpu.memory_space<hbm>>
    %dma_wait3A_93 = arith.constant 0 : i32
    %dma_wait3A_94 = arith.constant 0 : i32
    %dma_wait3A_95 = tpu.memref_slice %arg6[%dma_wait3A_84, %dma_wait3A_93, %dma_wait3A_94] : memref<3x2x100xi32, #tpu.memory_space<vmem>> -> memref<1x2x100xi32, #tpu.memory_space<vmem>>
    %dma_wait3A_96 = tpu.memref_squeeze %dma_wait3A_95 : memref<1x2x100xi32, #tpu.memory_space<vmem>> -> memref<2x100xi32, #tpu.memory_space<vmem>>
    %dma_wait3A_97 = arith.constant 0 : i32
    %dma_wait3A_98 = arith.constant 0 : i32
    %dma_wait3A_99 = tpu.memref_slice %arg2[%add3A, %dma_wait3A_83, %dma_wait3A_97, %dma_wait3A_98] : memref<32x100x2x100xi32, #tpu.memory_space<hbm>> -> memref<1x1x2x100xi32, #tpu.memory_space<hbm>>
    %dma_wait3A_100 = tpu.memref_squeeze %dma_wait3A_99 : memref<1x1x2x100xi32, #tpu.memory_space<hbm>> -> memref<2x100xi32, #tpu.memory_space<hbm>>
    tpu.wait_dma2 semaphore(%arg15 : memref<!tpu.dma_semaphore, #tpu.memory_space<semaphore_mem>>) src(%dma_wait3A_100 : memref<2x100xi32, #tpu.memory_space<hbm>>) dst(%dma_wait3A_96 : memref<2x100xi32, #tpu.memory_space<vmem>>)
    %dma_start3A_101 = arith.constant 1 : i32
    %dma_start3A_102 = arith.constant 0 : i32
    %dma_start3A_103 = arith.constant 0 : i32
    %dma_start3A_104 = tpu.memref_slice %arg6[%dma_start3A_101, %dma_start3A_102, %dma_start3A_103] : memref<3x2x100xi32, #tpu.memory_space<vmem>> -> memref<1x1x100xi32, #tpu.memory_space<vmem>>
    %dma_start3A_105 = tpu.memref_squeeze %dma_start3A_104 : memref<1x1x100xi32, #tpu.memory_space<vmem>> -> memref<100xi32, #tpu.memory_space<vmem>>
    %dma_start3A_106 = arith.constant 0 : i32
    %dma_start3A_107 = arith.constant 0 : i32
    %dma_start3A_108 = tpu.memref_slice %arg3[%dma_start3A_106, %dma_start3A_107] : memref<10112x128xf32, #tpu.memory_space<hbm>> -> memref<10112x128xf32, #tpu.memory_space<hbm>>
    tpu.enqueue_indirect_dma source(%dma_start3A_108 : memref<10112x128xf32, #tpu.memory_space<hbm>>) target(%arg8 : memref<100x128xf32, #tpu.memory_space<vmem>>) offsets(%dma_start3A_105 : memref<100xi32, #tpu.memory_space<vmem>>) semaphore(%arg12 : memref<!tpu.dma_semaphore, #tpu.memory_space<semaphore_mem>>)
    %dma_wait3A_109 = arith.constant 2 : i32
    %dma_wait3A_110 = arith.constant 2 : i32
    %dma_wait3A_111 = arith.constant 0 : i32
    %dma_wait3A_112 = arith.constant 0 : i32
    %dma_wait3A_113 = tpu.memref_slice %arg6[%dma_wait3A_110, %dma_wait3A_111, %dma_wait3A_112] : memref<3x2x100xi32, #tpu.memory_space<vmem>> -> memref<1x2x100xi32, #tpu.memory_space<vmem>>
    %dma_wait3A_114 = tpu.memref_squeeze %dma_wait3A_113 : memref<1x2x100xi32, #tpu.memory_space<vmem>> -> memref<2x100xi32, #tpu.memory_space<vmem>>
    %dma_wait3A_115 = arith.constant 0 : i32
    %dma_wait3A_116 = arith.constant 0 : i32
    %dma_wait3A_117 = tpu.memref_slice %arg2[%add3A, %dma_wait3A_109, %dma_wait3A_115, %dma_wait3A_116] : memref<32x100x2x100xi32, #tpu.memory_space<hbm>> -> memref<1x1x2x100xi32, #tpu.memory_space<hbm>>
    %dma_wait3A_118 = tpu.memref_squeeze %dma_wait3A_117 : memref<1x1x2x100xi32, #tpu.memory_space<hbm>> -> memref<2x100xi32, #tpu.memory_space<hbm>>
    %dma_wait3A_119 = arith.constant 0 : i32
    %dma_wait3A_120 = arith.constant 0 : i32
    %dma_wait3A_121 = tpu.memref_slice %arg6[%dma_wait3A_110, %dma_wait3A_119, %dma_wait3A_120] : memref<3x2x100xi32, #tpu.memory_space<vmem>> -> memref<1x2x100xi32, #tpu.memory_space<vmem>>
    %dma_wait3A_122 = tpu.memref_squeeze %dma_wait3A_121 : memref<1x2x100xi32, #tpu.memory_space<vmem>> -> memref<2x100xi32, #tpu.memory_space<vmem>>
    %dma_wait3A_123 = arith.constant 0 : i32
    %dma_wait3A_124 = arith.constant 0 : i32
    %dma_wait3A_125 = tpu.memref_slice %arg2[%add3A, %dma_wait3A_109, %dma_wait3A_123, %dma_wait3A_124] : memref<32x100x2x100xi32, #tpu.memory_space<hbm>> -> memref<1x1x2x100xi32, #tpu.memory_space<hbm>>
    %dma_wait3A_126 = tpu.memref_squeeze %dma_wait3A_125 : memref<1x1x2x100xi32, #tpu.memory_space<hbm>> -> memref<2x100xi32, #tpu.memory_space<hbm>>
    tpu.wait_dma2 semaphore(%arg16 : memref<!tpu.dma_semaphore, #tpu.memory_space<semaphore_mem>>) src(%dma_wait3A_126 : memref<2x100xi32, #tpu.memory_space<hbm>>) dst(%dma_wait3A_122 : memref<2x100xi32, #tpu.memory_space<vmem>>)
    %dma_start3A_127 = arith.constant 2 : i32
    %dma_start3A_128 = arith.constant 0 : i32
    %dma_start3A_129 = arith.constant 0 : i32
    %dma_start3A_130 = tpu.memref_slice %arg6[%dma_start3A_127, %dma_start3A_128, %dma_start3A_129] : memref<3x2x100xi32, #tpu.memory_space<vmem>> -> memref<1x1x100xi32, #tpu.memory_space<vmem>>
    %dma_start3A_131 = tpu.memref_squeeze %dma_start3A_130 : memref<1x1x100xi32, #tpu.memory_space<vmem>> -> memref<100xi32, #tpu.memory_space<vmem>>
    %dma_start3A_132 = arith.constant 0 : i32
    %dma_start3A_133 = arith.constant 0 : i32
    %dma_start3A_134 = tpu.memref_slice %arg3[%dma_start3A_132, %dma_start3A_133] : memref<10112x128xf32, #tpu.memory_space<hbm>> -> memref<10112x128xf32, #tpu.memory_space<hbm>>
    tpu.enqueue_indirect_dma source(%dma_start3A_134 : memref<10112x128xf32, #tpu.memory_space<hbm>>) target(%arg9 : memref<100x128xf32, #tpu.memory_space<vmem>>) offsets(%dma_start3A_131 : memref<100xi32, #tpu.memory_space<vmem>>) semaphore(%arg13 : memref<!tpu.dma_semaphore, #tpu.memory_space<semaphore_mem>>)
    %dma_wait3A_135 = arith.constant 0 : i32
    %dma_wait3A_136 = tpu.memref_slice %arg10[%mul3A_2, %dma_wait3A_135] : memref<10112x128xf32, #tpu.memory_space<vmem_shared>> -> memref<632x128xf32, #tpu.memory_space<vmem_shared>>
    tpu.wait_dma2 semaphore(%arg17 : memref<!tpu.dma_semaphore, #tpu.memory_space<semaphore_mem>>) src(%arg4 : memref<632x128xf32, #tpu.memory_space<hbm>>) dst(%dma_wait3A_136 : memref<632x128xf32, #tpu.memory_space<vmem_shared>>)
    %barrier3A = arith.constant 0 : index
    tpu.barrier barrier_id(%barrier3A)
    %scan3A = arith.constant 0 : i32
    %scan3A_137 = arith.constant 34 : i32
    %scan3A_138 = arith.addi %scan3A, %scan3A_137 : i32
    %scan3A_139 = arith.constant 1 : i32
    scf.for %scan3A_154 = %scan3A to %scan3A_138 step %scan3A_139  : i32 {
      %mul3A_155 = arith.constant 3 : i32
      %mul3A_156 = arith.muli %scan3A_154, %mul3A_155 : i32
      %add3A_157 = arith.constant 0 : i32
      %add3A_158 = arith.addi %add3A_157, %mul3A_156 : i32
      %add3A_159 = arith.constant 0 : i32
      %add3A_160 = arith.addi %add3A_158, %add3A_159 : i32
      %lt3A = arith.constant 100 : i32
      %lt3A_161 = arith.cmpi slt, %add3A_160, %lt3A : i32
      %convert_element_type3A = arith.extui %lt3A_161 : i1 to i32
      %cond3A = arith.constant 0 : i32
      %cond3A_162 = arith.cmpi ne, %convert_element_type3A, %cond3A : i32
      scf.if %cond3A_162 {
        %dma_wait3A_210 = arith.constant 0 : i32
        %dma_wait3A_211 = arith.constant 0 : i32
        %dma_wait3A_212 = arith.constant 0 : i32
        %dma_wait3A_213 = tpu.memref_slice %arg6[%dma_wait3A_210, %dma_wait3A_211, %dma_wait3A_212] : memref<3x2x100xi32, #tpu.memory_space<vmem>> -> memref<1x1x100xi32, #tpu.memory_space<vmem>>
        %dma_wait3A_214 = tpu.memref_squeeze %dma_wait3A_213 : memref<1x1x100xi32, #tpu.memory_space<vmem>> -> memref<100xi32, #tpu.memory_space<vmem>>
        %dma_wait3A_215 = arith.constant 0 : i32
        %dma_wait3A_216 = arith.constant 0 : i32
        %dma_wait3A_217 = tpu.memref_slice %arg3[%dma_wait3A_215, %dma_wait3A_216] : memref<10112x128xf32, #tpu.memory_space<hbm>> -> memref<10112x128xf32, #tpu.memory_space<hbm>>
        tpu.wait_indirect_dma semaphore(%arg11 : memref<!tpu.dma_semaphore, #tpu.memory_space<semaphore_mem>>) src(%dma_wait3A_217 : memref<10112x128xf32, #tpu.memory_space<hbm>>) dst(%arg7 : memref<100x128xf32, #tpu.memory_space<vmem>>)
        %gt3A_218 = arith.constant 0 : i32
        %gt3A_219 = arith.cmpi sgt, %add3A_160, %gt3A_218 : i32
        %convert_element_type3A_220 = arith.extui %gt3A_219 : i1 to i32
        %cond3A_221 = arith.constant 0 : i32
        %cond3A_222 = arith.cmpi ne, %convert_element_type3A_220, %cond3A_221 : i32
        scf.if %cond3A_222 {
          %dma_wait3A_231 = arith.constant 0 : i32
          %dma_wait3A_232 = arith.constant 1 : i32
          %dma_wait3A_233 = arith.constant 0 : i32
          %dma_wait3A_234 = tpu.memref_slice %arg6[%dma_wait3A_231, %dma_wait3A_232, %dma_wait3A_233] : memref<3x2x100xi32, #tpu.memory_space<vmem>> -> memref<1x1x100xi32, #tpu.memory_space<vmem>>
          %dma_wait3A_235 = tpu.memref_squeeze %dma_wait3A_234 : memref<1x1x100xi32, #tpu.memory_space<vmem>> -> memref<100xi32, #tpu.memory_space<vmem>>
          %dma_wait3A_236 = arith.constant 0 : i32
          %dma_wait3A_237 = arith.constant 0 : i32
          %dma_wait3A_238 = tpu.memref_slice %arg10[%dma_wait3A_236, %dma_wait3A_237] : memref<10112x128xf32, #tpu.memory_space<vmem_shared>> -> memref<10112x128xf32, #tpu.memory_space<vmem_shared>>
          tpu.wait_indirect_dma semaphore(%arg18 : memref<!tpu.dma_semaphore, #tpu.memory_space<semaphore_mem>>) src(%arg7 : memref<100x128xf32, #tpu.memory_space<vmem>>) dst(%dma_wait3A_238 : memref<10112x128xf32, #tpu.memory_space<vmem_shared>>)
        } else {
        }
        %dma_start3A_223 = arith.constant 0 : i32
        %dma_start3A_224 = arith.constant 1 : i32
        %dma_start3A_225 = arith.constant 0 : i32
        %dma_start3A_226 = tpu.memref_slice %arg6[%dma_start3A_223, %dma_start3A_224, %dma_start3A_225] : memref<3x2x100xi32, #tpu.memory_space<vmem>> -> memref<1x1x100xi32, #tpu.memory_space<vmem>>
        %dma_start3A_227 = tpu.memref_squeeze %dma_start3A_226 : memref<1x1x100xi32, #tpu.memory_space<vmem>> -> memref<100xi32, #tpu.memory_space<vmem>>
        %dma_start3A_228 = arith.constant 0 : i32
        %dma_start3A_229 = arith.constant 0 : i32
        %dma_start3A_230 = tpu.memref_slice %arg10[%dma_start3A_228, %dma_start3A_229] : memref<10112x128xf32, #tpu.memory_space<vmem_shared>> -> memref<10112x128xf32, #tpu.memory_space<vmem_shared>>
        tpu.enqueue_indirect_dma source(%arg7 : memref<100x128xf32, #tpu.memory_space<vmem>>) target(%dma_start3A_230 : memref<10112x128xf32, #tpu.memory_space<vmem_shared>>) offsets(%dma_start3A_227 : memref<100xi32, #tpu.memory_space<vmem>>) semaphore(%arg18 : memref<!tpu.dma_semaphore, #tpu.memory_space<semaphore_mem>>) {add = true}
      } else {
      }
      %add3A_163 = arith.constant 3 : i32
      %add3A_164 = arith.addi %add3A_160, %add3A_163 : i32
      %sub3A = arith.constant 1 : i32
      %sub3A_165 = arith.subi %add3A_164, %sub3A : i32
      %gt3A = arith.constant 0 : i32
      %gt3A_166 = arith.cmpi sgt, %add3A_160, %gt3A : i32
      %lt3A_167 = arith.constant 100 : i32
      %lt3A_168 = arith.cmpi slt, %sub3A_165, %lt3A_167 : i32
      %and3A = arith.andi %gt3A_166, %lt3A_168 : i1
      %convert_element_type3A_169 = arith.extui %and3A : i1 to i32
      %cond3A_170 = arith.constant 0 : i32
      %cond3A_171 = arith.cmpi ne, %convert_element_type3A_169, %cond3A_170 : i32
      scf.if %cond3A_171 {
        %dma_start3A_210 = arith.constant 2 : i32
        %dma_start3A_211 = arith.constant 0 : i32
        %dma_start3A_212 = arith.constant 0 : i32
        %dma_start3A_213 = tpu.memref_slice %arg6[%dma_start3A_210, %dma_start3A_211, %dma_start3A_212] : memref<3x2x100xi32, #tpu.memory_space<vmem>> -> memref<1x2x100xi32, #tpu.memory_space<vmem>>
        %dma_start3A_214 = tpu.memref_squeeze %dma_start3A_213 : memref<1x2x100xi32, #tpu.memory_space<vmem>> -> memref<2x100xi32, #tpu.memory_space<vmem>>
        %dma_start3A_215 = arith.constant 0 : i32
        %dma_start3A_216 = arith.constant 0 : i32
        %dma_start3A_217 = tpu.memref_slice %arg2[%add3A, %sub3A_165, %dma_start3A_215, %dma_start3A_216] : memref<32x100x2x100xi32, #tpu.memory_space<hbm>> -> memref<1x1x2x100xi32, #tpu.memory_space<hbm>>
        %dma_start3A_218 = tpu.memref_squeeze %dma_start3A_217 : memref<1x1x2x100xi32, #tpu.memory_space<hbm>> -> memref<2x100xi32, #tpu.memory_space<hbm>>
        %dma_start3A_219 = arith.constant 0 : i32
        %dma_start3A_220 = arith.constant 0 : i32
        %dma_start3A_221 = tpu.memref_slice %arg6[%dma_start3A_210, %dma_start3A_219, %dma_start3A_220] : memref<3x2x100xi32, #tpu.memory_space<vmem>> -> memref<1x2x100xi32, #tpu.memory_space<vmem>>
        %dma_start3A_222 = tpu.memref_squeeze %dma_start3A_221 : memref<1x2x100xi32, #tpu.memory_space<vmem>> -> memref<2x100xi32, #tpu.memory_space<vmem>>
        %dma_start3A_223 = arith.constant 0 : i32
        %dma_start3A_224 = arith.constant 0 : i32
        %dma_start3A_225 = tpu.memref_slice %arg2[%add3A, %sub3A_165, %dma_start3A_223, %dma_start3A_224] : memref<32x100x2x100xi32, #tpu.memory_space<hbm>> -> memref<1x1x2x100xi32, #tpu.memory_space<hbm>>
        %dma_start3A_226 = tpu.memref_squeeze %dma_start3A_225 : memref<1x1x2x100xi32, #tpu.memory_space<hbm>> -> memref<2x100xi32, #tpu.memory_space<hbm>>
        tpu.enqueue_dma source(%dma_start3A_226 : memref<2x100xi32, #tpu.memory_space<hbm>>) target(%dma_start3A_222 : memref<2x100xi32, #tpu.memory_space<vmem>>) target_semaphore(%arg16 : memref<!tpu.dma_semaphore, #tpu.memory_space<semaphore_mem>>)
        %dma_wait3A_227 = arith.constant 2 : i32
        %dma_wait3A_228 = arith.constant 0 : i32
        %dma_wait3A_229 = arith.constant 0 : i32
        %dma_wait3A_230 = tpu.memref_slice %arg6[%dma_wait3A_227, %dma_wait3A_228, %dma_wait3A_229] : memref<3x2x100xi32, #tpu.memory_space<vmem>> -> memref<1x2x100xi32, #tpu.memory_space<vmem>>
        %dma_wait3A_231 = tpu.memref_squeeze %dma_wait3A_230 : memref<1x2x100xi32, #tpu.memory_space<vmem>> -> memref<2x100xi32, #tpu.memory_space<vmem>>
        %dma_wait3A_232 = arith.constant 0 : i32
        %dma_wait3A_233 = arith.constant 0 : i32
        %dma_wait3A_234 = tpu.memref_slice %arg2[%add3A, %sub3A_165, %dma_wait3A_232, %dma_wait3A_233] : memref<32x100x2x100xi32, #tpu.memory_space<hbm>> -> memref<1x1x2x100xi32, #tpu.memory_space<hbm>>
        %dma_wait3A_235 = tpu.memref_squeeze %dma_wait3A_234 : memref<1x1x2x100xi32, #tpu.memory_space<hbm>> -> memref<2x100xi32, #tpu.memory_space<hbm>>
        %dma_wait3A_236 = arith.constant 0 : i32
        %dma_wait3A_237 = arith.constant 0 : i32
        %dma_wait3A_238 = tpu.memref_slice %arg6[%dma_wait3A_227, %dma_wait3A_236, %dma_wait3A_237] : memref<3x2x100xi32, #tpu.memory_space<vmem>> -> memref<1x2x100xi32, #tpu.memory_space<vmem>>
        %dma_wait3A_239 = tpu.memref_squeeze %dma_wait3A_238 : memref<1x2x100xi32, #tpu.memory_space<vmem>> -> memref<2x100xi32, #tpu.memory_space<vmem>>
        %dma_wait3A_240 = arith.constant 0 : i32
        %dma_wait3A_241 = arith.constant 0 : i32
        %dma_wait3A_242 = tpu.memref_slice %arg2[%add3A, %sub3A_165, %dma_wait3A_240, %dma_wait3A_241] : memref<32x100x2x100xi32, #tpu.memory_space<hbm>> -> memref<1x1x2x100xi32, #tpu.memory_space<hbm>>
        %dma_wait3A_243 = tpu.memref_squeeze %dma_wait3A_242 : memref<1x1x2x100xi32, #tpu.memory_space<hbm>> -> memref<2x100xi32, #tpu.memory_space<hbm>>
        tpu.wait_dma2 semaphore(%arg16 : memref<!tpu.dma_semaphore, #tpu.memory_space<semaphore_mem>>) src(%dma_wait3A_243 : memref<2x100xi32, #tpu.memory_space<hbm>>) dst(%dma_wait3A_239 : memref<2x100xi32, #tpu.memory_space<vmem>>)
        %dma_start3A_244 = arith.constant 2 : i32
        %dma_start3A_245 = arith.constant 0 : i32
        %dma_start3A_246 = arith.constant 0 : i32
        %dma_start3A_247 = tpu.memref_slice %arg6[%dma_start3A_244, %dma_start3A_245, %dma_start3A_246] : memref<3x2x100xi32, #tpu.memory_space<vmem>> -> memref<1x1x100xi32, #tpu.memory_space<vmem>>
        %dma_start3A_248 = tpu.memref_squeeze %dma_start3A_247 : memref<1x1x100xi32, #tpu.memory_space<vmem>> -> memref<100xi32, #tpu.memory_space<vmem>>
        %dma_start3A_249 = arith.constant 0 : i32
        %dma_start3A_250 = arith.constant 0 : i32
        %dma_start3A_251 = tpu.memref_slice %arg3[%dma_start3A_249, %dma_start3A_250] : memref<10112x128xf32, #tpu.memory_space<hbm>> -> memref<10112x128xf32, #tpu.memory_space<hbm>>
        tpu.enqueue_indirect_dma source(%dma_start3A_251 : memref<10112x128xf32, #tpu.memory_space<hbm>>) target(%arg9 : memref<100x128xf32, #tpu.memory_space<vmem>>) offsets(%dma_start3A_248 : memref<100xi32, #tpu.memory_space<vmem>>) semaphore(%arg13 : memref<!tpu.dma_semaphore, #tpu.memory_space<semaphore_mem>>)
      } else {
      }
      %add3A_172 = arith.constant 1 : i32
      %add3A_173 = arith.addi %add3A_158, %add3A_172 : i32
      %lt3A_174 = arith.constant 100 : i32
      %lt3A_175 = arith.cmpi slt, %add3A_173, %lt3A_174 : i32
      %convert_element_type3A_176 = arith.extui %lt3A_175 : i1 to i32
      %cond3A_177 = arith.constant 0 : i32
      %cond3A_178 = arith.cmpi ne, %convert_element_type3A_176, %cond3A_177 : i32
      scf.if %cond3A_178 {
        %dma_wait3A_210 = arith.constant 1 : i32
        %dma_wait3A_211 = arith.constant 0 : i32
        %dma_wait3A_212 = arith.constant 0 : i32
        %dma_wait3A_213 = tpu.memref_slice %arg6[%dma_wait3A_210, %dma_wait3A_211, %dma_wait3A_212] : memref<3x2x100xi32, #tpu.memory_space<vmem>> -> memref<1x1x100xi32, #tpu.memory_space<vmem>>
        %dma_wait3A_214 = tpu.memref_squeeze %dma_wait3A_213 : memref<1x1x100xi32, #tpu.memory_space<vmem>> -> memref<100xi32, #tpu.memory_space<vmem>>
        %dma_wait3A_215 = arith.constant 0 : i32
        %dma_wait3A_216 = arith.constant 0 : i32
        %dma_wait3A_217 = tpu.memref_slice %arg3[%dma_wait3A_215, %dma_wait3A_216] : memref<10112x128xf32, #tpu.memory_space<hbm>> -> memref<10112x128xf32, #tpu.memory_space<hbm>>
        tpu.wait_indirect_dma semaphore(%arg12 : memref<!tpu.dma_semaphore, #tpu.memory_space<semaphore_mem>>) src(%dma_wait3A_217 : memref<10112x128xf32, #tpu.memory_space<hbm>>) dst(%arg8 : memref<100x128xf32, #tpu.memory_space<vmem>>)
        %gt3A_218 = arith.constant 0 : i32
        %gt3A_219 = arith.cmpi sgt, %add3A_173, %gt3A_218 : i32
        %convert_element_type3A_220 = arith.extui %gt3A_219 : i1 to i32
        %cond3A_221 = arith.constant 0 : i32
        %cond3A_222 = arith.cmpi ne, %convert_element_type3A_220, %cond3A_221 : i32
        scf.if %cond3A_222 {
          %dma_wait3A_231 = arith.constant 1 : i32
          %dma_wait3A_232 = arith.constant 1 : i32
          %dma_wait3A_233 = arith.constant 0 : i32
          %dma_wait3A_234 = tpu.memref_slice %arg6[%dma_wait3A_231, %dma_wait3A_232, %dma_wait3A_233] : memref<3x2x100xi32, #tpu.memory_space<vmem>> -> memref<1x1x100xi32, #tpu.memory_space<vmem>>
          %dma_wait3A_235 = tpu.memref_squeeze %dma_wait3A_234 : memref<1x1x100xi32, #tpu.memory_space<vmem>> -> memref<100xi32, #tpu.memory_space<vmem>>
          %dma_wait3A_236 = arith.constant 0 : i32
          %dma_wait3A_237 = arith.constant 0 : i32
          %dma_wait3A_238 = tpu.memref_slice %arg10[%dma_wait3A_236, %dma_wait3A_237] : memref<10112x128xf32, #tpu.memory_space<vmem_shared>> -> memref<10112x128xf32, #tpu.memory_space<vmem_shared>>
          tpu.wait_indirect_dma semaphore(%arg18 : memref<!tpu.dma_semaphore, #tpu.memory_space<semaphore_mem>>) src(%arg8 : memref<100x128xf32, #tpu.memory_space<vmem>>) dst(%dma_wait3A_238 : memref<10112x128xf32, #tpu.memory_space<vmem_shared>>)
        } else {
        }
        %dma_start3A_223 = arith.constant 1 : i32
        %dma_start3A_224 = arith.constant 1 : i32
        %dma_start3A_225 = arith.constant 0 : i32
        %dma_start3A_226 = tpu.memref_slice %arg6[%dma_start3A_223, %dma_start3A_224, %dma_start3A_225] : memref<3x2x100xi32, #tpu.memory_space<vmem>> -> memref<1x1x100xi32, #tpu.memory_space<vmem>>
        %dma_start3A_227 = tpu.memref_squeeze %dma_start3A_226 : memref<1x1x100xi32, #tpu.memory_space<vmem>> -> memref<100xi32, #tpu.memory_space<vmem>>
        %dma_start3A_228 = arith.constant 0 : i32
        %dma_start3A_229 = arith.constant 0 : i32
        %dma_start3A_230 = tpu.memref_slice %arg10[%dma_start3A_228, %dma_start3A_229] : memref<10112x128xf32, #tpu.memory_space<vmem_shared>> -> memref<10112x128xf32, #tpu.memory_space<vmem_shared>>
        tpu.enqueue_indirect_dma source(%arg8 : memref<100x128xf32, #tpu.memory_space<vmem>>) target(%dma_start3A_230 : memref<10112x128xf32, #tpu.memory_space<vmem_shared>>) offsets(%dma_start3A_227 : memref<100xi32, #tpu.memory_space<vmem>>) semaphore(%arg18 : memref<!tpu.dma_semaphore, #tpu.memory_space<semaphore_mem>>) {add = true}
      } else {
      }
      %add3A_179 = arith.constant 3 : i32
      %add3A_180 = arith.addi %add3A_173, %add3A_179 : i32
      %sub3A_181 = arith.constant 1 : i32
      %sub3A_182 = arith.subi %add3A_180, %sub3A_181 : i32
      %gt3A_183 = arith.constant 0 : i32
      %gt3A_184 = arith.cmpi sgt, %add3A_173, %gt3A_183 : i32
      %lt3A_185 = arith.constant 100 : i32
      %lt3A_186 = arith.cmpi slt, %sub3A_182, %lt3A_185 : i32
      %and3A_187 = arith.andi %gt3A_184, %lt3A_186 : i1
      %convert_element_type3A_188 = arith.extui %and3A_187 : i1 to i32
      %cond3A_189 = arith.constant 0 : i32
      %cond3A_190 = arith.cmpi ne, %convert_element_type3A_188, %cond3A_189 : i32
      scf.if %cond3A_190 {
        %dma_start3A_210 = arith.constant 0 : i32
        %dma_start3A_211 = arith.constant 0 : i32
        %dma_start3A_212 = arith.constant 0 : i32
        %dma_start3A_213 = tpu.memref_slice %arg6[%dma_start3A_210, %dma_start3A_211, %dma_start3A_212] : memref<3x2x100xi32, #tpu.memory_space<vmem>> -> memref<1x2x100xi32, #tpu.memory_space<vmem>>
        %dma_start3A_214 = tpu.memref_squeeze %dma_start3A_213 : memref<1x2x100xi32, #tpu.memory_space<vmem>> -> memref<2x100xi32, #tpu.memory_space<vmem>>
        %dma_start3A_215 = arith.constant 0 : i32
        %dma_start3A_216 = arith.constant 0 : i32
        %dma_start3A_217 = tpu.memref_slice %arg2[%add3A, %sub3A_182, %dma_start3A_215, %dma_start3A_216] : memref<32x100x2x100xi32, #tpu.memory_space<hbm>> -> memref<1x1x2x100xi32, #tpu.memory_space<hbm>>
        %dma_start3A_218 = tpu.memref_squeeze %dma_start3A_217 : memref<1x1x2x100xi32, #tpu.memory_space<hbm>> -> memref<2x100xi32, #tpu.memory_space<hbm>>
        %dma_start3A_219 = arith.constant 0 : i32
        %dma_start3A_220 = arith.constant 0 : i32
        %dma_start3A_221 = tpu.memref_slice %arg6[%dma_start3A_210, %dma_start3A_219, %dma_start3A_220] : memref<3x2x100xi32, #tpu.memory_space<vmem>> -> memref<1x2x100xi32, #tpu.memory_space<vmem>>
        %dma_start3A_222 = tpu.memref_squeeze %dma_start3A_221 : memref<1x2x100xi32, #tpu.memory_space<vmem>> -> memref<2x100xi32, #tpu.memory_space<vmem>>
        %dma_start3A_223 = arith.constant 0 : i32
        %dma_start3A_224 = arith.constant 0 : i32
        %dma_start3A_225 = tpu.memref_slice %arg2[%add3A, %sub3A_182, %dma_start3A_223, %dma_start3A_224] : memref<32x100x2x100xi32, #tpu.memory_space<hbm>> -> memref<1x1x2x100xi32, #tpu.memory_space<hbm>>
        %dma_start3A_226 = tpu.memref_squeeze %dma_start3A_225 : memref<1x1x2x100xi32, #tpu.memory_space<hbm>> -> memref<2x100xi32, #tpu.memory_space<hbm>>
        tpu.enqueue_dma source(%dma_start3A_226 : memref<2x100xi32, #tpu.memory_space<hbm>>) target(%dma_start3A_222 : memref<2x100xi32, #tpu.memory_space<vmem>>) target_semaphore(%arg14 : memref<!tpu.dma_semaphore, #tpu.memory_space<semaphore_mem>>)
        %dma_wait3A_227 = arith.constant 0 : i32
        %dma_wait3A_228 = arith.constant 0 : i32
        %dma_wait3A_229 = arith.constant 0 : i32
        %dma_wait3A_230 = tpu.memref_slice %arg6[%dma_wait3A_227, %dma_wait3A_228, %dma_wait3A_229] : memref<3x2x100xi32, #tpu.memory_space<vmem>> -> memref<1x2x100xi32, #tpu.memory_space<vmem>>
        %dma_wait3A_231 = tpu.memref_squeeze %dma_wait3A_230 : memref<1x2x100xi32, #tpu.memory_space<vmem>> -> memref<2x100xi32, #tpu.memory_space<vmem>>
        %dma_wait3A_232 = arith.constant 0 : i32
        %dma_wait3A_233 = arith.constant 0 : i32
        %dma_wait3A_234 = tpu.memref_slice %arg2[%add3A, %sub3A_182, %dma_wait3A_232, %dma_wait3A_233] : memref<32x100x2x100xi32, #tpu.memory_space<hbm>> -> memref<1x1x2x100xi32, #tpu.memory_space<hbm>>
        %dma_wait3A_235 = tpu.memref_squeeze %dma_wait3A_234 : memref<1x1x2x100xi32, #tpu.memory_space<hbm>> -> memref<2x100xi32, #tpu.memory_space<hbm>>
        %dma_wait3A_236 = arith.constant 0 : i32
        %dma_wait3A_237 = arith.constant 0 : i32
        %dma_wait3A_238 = tpu.memref_slice %arg6[%dma_wait3A_227, %dma_wait3A_236, %dma_wait3A_237] : memref<3x2x100xi32, #tpu.memory_space<vmem>> -> memref<1x2x100xi32, #tpu.memory_space<vmem>>
        %dma_wait3A_239 = tpu.memref_squeeze %dma_wait3A_238 : memref<1x2x100xi32, #tpu.memory_space<vmem>> -> memref<2x100xi32, #tpu.memory_space<vmem>>
        %dma_wait3A_240 = arith.constant 0 : i32
        %dma_wait3A_241 = arith.constant 0 : i32
        %dma_wait3A_242 = tpu.memref_slice %arg2[%add3A, %sub3A_182, %dma_wait3A_240, %dma_wait3A_241] : memref<32x100x2x100xi32, #tpu.memory_space<hbm>> -> memref<1x1x2x100xi32, #tpu.memory_space<hbm>>
        %dma_wait3A_243 = tpu.memref_squeeze %dma_wait3A_242 : memref<1x1x2x100xi32, #tpu.memory_space<hbm>> -> memref<2x100xi32, #tpu.memory_space<hbm>>
        tpu.wait_dma2 semaphore(%arg14 : memref<!tpu.dma_semaphore, #tpu.memory_space<semaphore_mem>>) src(%dma_wait3A_243 : memref<2x100xi32, #tpu.memory_space<hbm>>) dst(%dma_wait3A_239 : memref<2x100xi32, #tpu.memory_space<vmem>>)
        %dma_start3A_244 = arith.constant 0 : i32
        %dma_start3A_245 = arith.constant 0 : i32
        %dma_start3A_246 = arith.constant 0 : i32
        %dma_start3A_247 = tpu.memref_slice %arg6[%dma_start3A_244, %dma_start3A_245, %dma_start3A_246] : memref<3x2x100xi32, #tpu.memory_space<vmem>> -> memref<1x1x100xi32, #tpu.memory_space<vmem>>
        %dma_start3A_248 = tpu.memref_squeeze %dma_start3A_247 : memref<1x1x100xi32, #tpu.memory_space<vmem>> -> memref<100xi32, #tpu.memory_space<vmem>>
        %dma_start3A_249 = arith.constant 0 : i32
        %dma_start3A_250 = arith.constant 0 : i32
        %dma_start3A_251 = tpu.memref_slice %arg3[%dma_start3A_249, %dma_start3A_250] : memref<10112x128xf32, #tpu.memory_space<hbm>> -> memref<10112x128xf32, #tpu.memory_space<hbm>>
        tpu.enqueue_indirect_dma source(%dma_start3A_251 : memref<10112x128xf32, #tpu.memory_space<hbm>>) target(%arg7 : memref<100x128xf32, #tpu.memory_space<vmem>>) offsets(%dma_start3A_248 : memref<100xi32, #tpu.memory_space<vmem>>) semaphore(%arg11 : memref<!tpu.dma_semaphore, #tpu.memory_space<semaphore_mem>>)
      } else {
      }
      %add3A_191 = arith.constant 2 : i32
      %add3A_192 = arith.addi %add3A_158, %add3A_191 : i32
      %lt3A_193 = arith.constant 100 : i32
      %lt3A_194 = arith.cmpi slt, %add3A_192, %lt3A_193 : i32
      %convert_element_type3A_195 = arith.extui %lt3A_194 : i1 to i32
      %cond3A_196 = arith.constant 0 : i32
      %cond3A_197 = arith.cmpi ne, %convert_element_type3A_195, %cond3A_196 : i32
      scf.if %cond3A_197 {
        %dma_wait3A_210 = arith.constant 2 : i32
        %dma_wait3A_211 = arith.constant 0 : i32
        %dma_wait3A_212 = arith.constant 0 : i32
        %dma_wait3A_213 = tpu.memref_slice %arg6[%dma_wait3A_210, %dma_wait3A_211, %dma_wait3A_212] : memref<3x2x100xi32, #tpu.memory_space<vmem>> -> memref<1x1x100xi32, #tpu.memory_space<vmem>>
        %dma_wait3A_214 = tpu.memref_squeeze %dma_wait3A_213 : memref<1x1x100xi32, #tpu.memory_space<vmem>> -> memref<100xi32, #tpu.memory_space<vmem>>
        %dma_wait3A_215 = arith.constant 0 : i32
        %dma_wait3A_216 = arith.constant 0 : i32
        %dma_wait3A_217 = tpu.memref_slice %arg3[%dma_wait3A_215, %dma_wait3A_216] : memref<10112x128xf32, #tpu.memory_space<hbm>> -> memref<10112x128xf32, #tpu.memory_space<hbm>>
        tpu.wait_indirect_dma semaphore(%arg13 : memref<!tpu.dma_semaphore, #tpu.memory_space<semaphore_mem>>) src(%dma_wait3A_217 : memref<10112x128xf32, #tpu.memory_space<hbm>>) dst(%arg9 : memref<100x128xf32, #tpu.memory_space<vmem>>)
        %gt3A_218 = arith.constant 0 : i32
        %gt3A_219 = arith.cmpi sgt, %add3A_192, %gt3A_218 : i32
        %convert_element_type3A_220 = arith.extui %gt3A_219 : i1 to i32
        %cond3A_221 = arith.constant 0 : i32
        %cond3A_222 = arith.cmpi ne, %convert_element_type3A_220, %cond3A_221 : i32
        scf.if %cond3A_222 {
          %dma_wait3A_231 = arith.constant 2 : i32
          %dma_wait3A_232 = arith.constant 1 : i32
          %dma_wait3A_233 = arith.constant 0 : i32
          %dma_wait3A_234 = tpu.memref_slice %arg6[%dma_wait3A_231, %dma_wait3A_232, %dma_wait3A_233] : memref<3x2x100xi32, #tpu.memory_space<vmem>> -> memref<1x1x100xi32, #tpu.memory_space<vmem>>
          %dma_wait3A_235 = tpu.memref_squeeze %dma_wait3A_234 : memref<1x1x100xi32, #tpu.memory_space<vmem>> -> memref<100xi32, #tpu.memory_space<vmem>>
          %dma_wait3A_236 = arith.constant 0 : i32
          %dma_wait3A_237 = arith.constant 0 : i32
          %dma_wait3A_238 = tpu.memref_slice %arg10[%dma_wait3A_236, %dma_wait3A_237] : memref<10112x128xf32, #tpu.memory_space<vmem_shared>> -> memref<10112x128xf32, #tpu.memory_space<vmem_shared>>
          tpu.wait_indirect_dma semaphore(%arg18 : memref<!tpu.dma_semaphore, #tpu.memory_space<semaphore_mem>>) src(%arg9 : memref<100x128xf32, #tpu.memory_space<vmem>>) dst(%dma_wait3A_238 : memref<10112x128xf32, #tpu.memory_space<vmem_shared>>)
        } else {
        }
        %dma_start3A_223 = arith.constant 2 : i32
        %dma_start3A_224 = arith.constant 1 : i32
        %dma_start3A_225 = arith.constant 0 : i32
        %dma_start3A_226 = tpu.memref_slice %arg6[%dma_start3A_223, %dma_start3A_224, %dma_start3A_225] : memref<3x2x100xi32, #tpu.memory_space<vmem>> -> memref<1x1x100xi32, #tpu.memory_space<vmem>>
        %dma_start3A_227 = tpu.memref_squeeze %dma_start3A_226 : memref<1x1x100xi32, #tpu.memory_space<vmem>> -> memref<100xi32, #tpu.memory_space<vmem>>
        %dma_start3A_228 = arith.constant 0 : i32
        %dma_start3A_229 = arith.constant 0 : i32
        %dma_start3A_230 = tpu.memref_slice %arg10[%dma_start3A_228, %dma_start3A_229] : memref<10112x128xf32, #tpu.memory_space<vmem_shared>> -> memref<10112x128xf32, #tpu.memory_space<vmem_shared>>
        tpu.enqueue_indirect_dma source(%arg9 : memref<100x128xf32, #tpu.memory_space<vmem>>) target(%dma_start3A_230 : memref<10112x128xf32, #tpu.memory_space<vmem_shared>>) offsets(%dma_start3A_227 : memref<100xi32, #tpu.memory_space<vmem>>) semaphore(%arg18 : memref<!tpu.dma_semaphore, #tpu.memory_space<semaphore_mem>>) {add = true}
      } else {
      }
      %add3A_198 = arith.constant 3 : i32
      %add3A_199 = arith.addi %add3A_192, %add3A_198 : i32
      %sub3A_200 = arith.constant 1 : i32
      %sub3A_201 = arith.subi %add3A_199, %sub3A_200 : i32
      %gt3A_202 = arith.constant 0 : i32
      %gt3A_203 = arith.cmpi sgt, %add3A_192, %gt3A_202 : i32
      %lt3A_204 = arith.constant 100 : i32
      %lt3A_205 = arith.cmpi slt, %sub3A_201, %lt3A_204 : i32
      %and3A_206 = arith.andi %gt3A_203, %lt3A_205 : i1
      %convert_element_type3A_207 = arith.extui %and3A_206 : i1 to i32
      %cond3A_208 = arith.constant 0 : i32
      %cond3A_209 = arith.cmpi ne, %convert_element_type3A_207, %cond3A_208 : i32
      scf.if %cond3A_209 {
        %dma_start3A_210 = arith.constant 1 : i32
        %dma_start3A_211 = arith.constant 0 : i32
        %dma_start3A_212 = arith.constant 0 : i32
        %dma_start3A_213 = tpu.memref_slice %arg6[%dma_start3A_210, %dma_start3A_211, %dma_start3A_212] : memref<3x2x100xi32, #tpu.memory_space<vmem>> -> memref<1x2x100xi32, #tpu.memory_space<vmem>>
        %dma_start3A_214 = tpu.memref_squeeze %dma_start3A_213 : memref<1x2x100xi32, #tpu.memory_space<vmem>> -> memref<2x100xi32, #tpu.memory_space<vmem>>
        %dma_start3A_215 = arith.constant 0 : i32
        %dma_start3A_216 = arith.constant 0 : i32
        %dma_start3A_217 = tpu.memref_slice %arg2[%add3A, %sub3A_201, %dma_start3A_215, %dma_start3A_216] : memref<32x100x2x100xi32, #tpu.memory_space<hbm>> -> memref<1x1x2x100xi32, #tpu.memory_space<hbm>>
        %dma_start3A_218 = tpu.memref_squeeze %dma_start3A_217 : memref<1x1x2x100xi32, #tpu.memory_space<hbm>> -> memref<2x100xi32, #tpu.memory_space<hbm>>
        %dma_start3A_219 = arith.constant 0 : i32
        %dma_start3A_220 = arith.constant 0 : i32
        %dma_start3A_221 = tpu.memref_slice %arg6[%dma_start3A_210, %dma_start3A_219, %dma_start3A_220] : memref<3x2x100xi32, #tpu.memory_space<vmem>> -> memref<1x2x100xi32, #tpu.memory_space<vmem>>
        %dma_start3A_222 = tpu.memref_squeeze %dma_start3A_221 : memref<1x2x100xi32, #tpu.memory_space<vmem>> -> memref<2x100xi32, #tpu.memory_space<vmem>>
        %dma_start3A_223 = arith.constant 0 : i32
        %dma_start3A_224 = arith.constant 0 : i32
        %dma_start3A_225 = tpu.memref_slice %arg2[%add3A, %sub3A_201, %dma_start3A_223, %dma_start3A_224] : memref<32x100x2x100xi32, #tpu.memory_space<hbm>> -> memref<1x1x2x100xi32, #tpu.memory_space<hbm>>
        %dma_start3A_226 = tpu.memref_squeeze %dma_start3A_225 : memref<1x1x2x100xi32, #tpu.memory_space<hbm>> -> memref<2x100xi32, #tpu.memory_space<hbm>>
        tpu.enqueue_dma source(%dma_start3A_226 : memref<2x100xi32, #tpu.memory_space<hbm>>) target(%dma_start3A_222 : memref<2x100xi32, #tpu.memory_space<vmem>>) target_semaphore(%arg15 : memref<!tpu.dma_semaphore, #tpu.memory_space<semaphore_mem>>)
        %dma_wait3A_227 = arith.constant 1 : i32
        %dma_wait3A_228 = arith.constant 0 : i32
        %dma_wait3A_229 = arith.constant 0 : i32
        %dma_wait3A_230 = tpu.memref_slice %arg6[%dma_wait3A_227, %dma_wait3A_228, %dma_wait3A_229] : memref<3x2x100xi32, #tpu.memory_space<vmem>> -> memref<1x2x100xi32, #tpu.memory_space<vmem>>
        %dma_wait3A_231 = tpu.memref_squeeze %dma_wait3A_230 : memref<1x2x100xi32, #tpu.memory_space<vmem>> -> memref<2x100xi32, #tpu.memory_space<vmem>>
        %dma_wait3A_232 = arith.constant 0 : i32
        %dma_wait3A_233 = arith.constant 0 : i32
        %dma_wait3A_234 = tpu.memref_slice %arg2[%add3A, %sub3A_201, %dma_wait3A_232, %dma_wait3A_233] : memref<32x100x2x100xi32, #tpu.memory_space<hbm>> -> memref<1x1x2x100xi32, #tpu.memory_space<hbm>>
        %dma_wait3A_235 = tpu.memref_squeeze %dma_wait3A_234 : memref<1x1x2x100xi32, #tpu.memory_space<hbm>> -> memref<2x100xi32, #tpu.memory_space<hbm>>
        %dma_wait3A_236 = arith.constant 0 : i32
        %dma_wait3A_237 = arith.constant 0 : i32
        %dma_wait3A_238 = tpu.memref_slice %arg6[%dma_wait3A_227, %dma_wait3A_236, %dma_wait3A_237] : memref<3x2x100xi32, #tpu.memory_space<vmem>> -> memref<1x2x100xi32, #tpu.memory_space<vmem>>
        %dma_wait3A_239 = tpu.memref_squeeze %dma_wait3A_238 : memref<1x2x100xi32, #tpu.memory_space<vmem>> -> memref<2x100xi32, #tpu.memory_space<vmem>>
        %dma_wait3A_240 = arith.constant 0 : i32
        %dma_wait3A_241 = arith.constant 0 : i32
        %dma_wait3A_242 = tpu.memref_slice %arg2[%add3A, %sub3A_201, %dma_wait3A_240, %dma_wait3A_241] : memref<32x100x2x100xi32, #tpu.memory_space<hbm>> -> memref<1x1x2x100xi32, #tpu.memory_space<hbm>>
        %dma_wait3A_243 = tpu.memref_squeeze %dma_wait3A_242 : memref<1x1x2x100xi32, #tpu.memory_space<hbm>> -> memref<2x100xi32, #tpu.memory_space<hbm>>
        tpu.wait_dma2 semaphore(%arg15 : memref<!tpu.dma_semaphore, #tpu.memory_space<semaphore_mem>>) src(%dma_wait3A_243 : memref<2x100xi32, #tpu.memory_space<hbm>>) dst(%dma_wait3A_239 : memref<2x100xi32, #tpu.memory_space<vmem>>)
        %dma_start3A_244 = arith.constant 1 : i32
        %dma_start3A_245 = arith.constant 0 : i32
        %dma_start3A_246 = arith.constant 0 : i32
        %dma_start3A_247 = tpu.memref_slice %arg6[%dma_start3A_244, %dma_start3A_245, %dma_start3A_246] : memref<3x2x100xi32, #tpu.memory_space<vmem>> -> memref<1x1x100xi32, #tpu.memory_space<vmem>>
        %dma_start3A_248 = tpu.memref_squeeze %dma_start3A_247 : memref<1x1x100xi32, #tpu.memory_space<vmem>> -> memref<100xi32, #tpu.memory_space<vmem>>
        %dma_start3A_249 = arith.constant 0 : i32
        %dma_start3A_250 = arith.constant 0 : i32
        %dma_start3A_251 = tpu.memref_slice %arg3[%dma_start3A_249, %dma_start3A_250] : memref<10112x128xf32, #tpu.memory_space<hbm>> -> memref<10112x128xf32, #tpu.memory_space<hbm>>
        tpu.enqueue_indirect_dma source(%dma_start3A_251 : memref<10112x128xf32, #tpu.memory_space<hbm>>) target(%arg8 : memref<100x128xf32, #tpu.memory_space<vmem>>) offsets(%dma_start3A_248 : memref<100xi32, #tpu.memory_space<vmem>>) semaphore(%arg12 : memref<!tpu.dma_semaphore, #tpu.memory_space<semaphore_mem>>)
      } else {
      }
    }
    %scan3A_140 = arith.constant 34 : i32
    %dma_wait3A_141 = arith.constant 0 : i32
    %dma_wait3A_142 = arith.constant 1 : i32
    %dma_wait3A_143 = arith.constant 0 : i32
    %dma_wait3A_144 = tpu.memref_slice %arg6[%dma_wait3A_141, %dma_wait3A_142, %dma_wait3A_143] : memref<3x2x100xi32, #tpu.memory_space<vmem>> -> memref<1x1x100xi32, #tpu.memory_space<vmem>>
    %dma_wait3A_145 = tpu.memref_squeeze %dma_wait3A_144 : memref<1x1x100xi32, #tpu.memory_space<vmem>> -> memref<100xi32, #tpu.memory_space<vmem>>
    %dma_wait3A_146 = arith.constant 0 : i32
    %dma_wait3A_147 = arith.constant 0 : i32
    %dma_wait3A_148 = tpu.memref_slice %arg10[%dma_wait3A_146, %dma_wait3A_147] : memref<10112x128xf32, #tpu.memory_space<vmem_shared>> -> memref<10112x128xf32, #tpu.memory_space<vmem_shared>>
    tpu.wait_indirect_dma semaphore(%arg18 : memref<!tpu.dma_semaphore, #tpu.memory_space<semaphore_mem>>) src(%arg7 : memref<100x128xf32, #tpu.memory_space<vmem>>) dst(%dma_wait3A_148 : memref<10112x128xf32, #tpu.memory_space<vmem_shared>>)
    %barrier3A_149 = arith.constant 0 : index
    tpu.barrier barrier_id(%barrier3A_149)
    %mul3A_150 = arith.constant 632 : i32
    %mul3A_151 = arith.muli %arg1, %mul3A_150 : i32
    %mul3A_152 = arith.constant 632 : i32
    %mul3A_153 = arith.muli %arg1, %mul3A_152 : i32
    "tpu.region"() ({
      %run_scoped3A = tpu.sem_alloc : memref<!tpu.dma_semaphore, #tpu.memory_space<semaphore_mem>>
      %dma_start3A_154 = arith.constant 0 : i32
      %dma_start3A_155 = tpu.memref_slice %arg5[%arg0, %mul3A_153, %dma_start3A_154] : memref<2x10112x128xf32, #tpu.memory_space<hbm>> -> memref<1x632x128xf32, #tpu.memory_space<hbm>>
      %dma_start3A_156 = tpu.memref_squeeze %dma_start3A_155 : memref<1x632x128xf32, #tpu.memory_space<hbm>> -> memref<632x128xf32, #tpu.memory_space<hbm>>
      %dma_start3A_157 = arith.constant 0 : i32
      %dma_start3A_158 = tpu.memref_slice %arg10[%mul3A_151, %dma_start3A_157] : memref<10112x128xf32, #tpu.memory_space<vmem_shared>> -> memref<632x128xf32, #tpu.memory_space<vmem_shared>>
      tpu.enqueue_dma source(%dma_start3A_158 : memref<632x128xf32, #tpu.memory_space<vmem_shared>>) target(%dma_start3A_156 : memref<632x128xf32, #tpu.memory_space<hbm>>) target_semaphore(%run_scoped3A : memref<!tpu.dma_semaphore, #tpu.memory_space<semaphore_mem>>)
      %dma_wait3A_159 = arith.constant 0 : i32
      %dma_wait3A_160 = tpu.memref_slice %arg5[%arg0, %mul3A_153, %dma_wait3A_159] : memref<2x10112x128xf32, #tpu.memory_space<hbm>> -> memref<1x632x128xf32, #tpu.memory_space<hbm>>
      %dma_wait3A_161 = tpu.memref_squeeze %dma_wait3A_160 : memref<1x632x128xf32, #tpu.memory_space<hbm>> -> memref<632x128xf32, #tpu.memory_space<hbm>>
      %dma_wait3A_162 = arith.constant 0 : i32
      %dma_wait3A_163 = tpu.memref_slice %arg10[%mul3A_151, %dma_wait3A_162] : memref<10112x128xf32, #tpu.memory_space<vmem_shared>> -> memref<632x128xf32, #tpu.memory_space<vmem_shared>>
      tpu.wait_dma2 semaphore(%run_scoped3A : memref<!tpu.dma_semaphore, #tpu.memory_space<semaphore_mem>>) src(%dma_wait3A_163 : memref<632x128xf32, #tpu.memory_space<vmem_shared>>) dst(%dma_wait3A_161 : memref<632x128xf32, #tpu.memory_space<hbm>>)
      tpu.yield
    }) : () -> ()
    return
  }
}

#map = affine_map<(d0, d1) -> (0, 0, 0, 0)>
#map1 = affine_map<(d0, d1) -> (0, 0)>
#map2 = affine_map<(d0, d1) -> (0, 0, 0)>
module attributes {stable_mosaic.version = 14 : i64} {
  func.func @hop_kernel(%arg0: i32, %arg1: i32, %arg2: memref<32x100x2x100xi32, #tpu.memory_space<hbm>>, %arg3: memref<10112x128xf32, #tpu.memory_space<hbm>>, %arg4: memref<632x128xf32, #tpu.memory_space<hbm>>, %arg5: memref<2x10112x128xf32, #tpu.memory_space<hbm>>, %arg6: memref<3x2x100xi32, #tpu.memory_space<vmem>>, %arg7: memref<100x128xf32, #tpu.memory_space<vmem>>, %arg8: memref<100x128xf32, #tpu.memory_space<vmem>>, %arg9: memref<100x128xf32, #tpu.memory_space<vmem>>, %arg10: memref<10112x128xf32, #tpu.memory_space<vmem_shared>>, %arg11: memref<!tpu.dma_semaphore, #tpu.memory_space<semaphore_mem>>, %arg12: memref<!tpu.dma_semaphore, #tpu.memory_space<semaphore_mem>>, %arg13: memref<!tpu.dma_semaphore, #tpu.memory_space<semaphore_mem>>, %arg14: memref<!tpu.dma_semaphore, #tpu.memory_space<semaphore_mem>>, %arg15: memref<!tpu.dma_semaphore, #tpu.memory_space<semaphore_mem>>, %arg16: memref<!tpu.dma_semaphore, #tpu.memory_space<semaphore_mem>>, %arg17: memref<!tpu.dma_semaphore, #tpu.memory_space<semaphore_mem>>, %arg18: memref<!tpu.dma_semaphore, #tpu.memory_space<semaphore_mem>>) attributes {dimension_semantics = [#tpu.dimension_semantics<core_parallel>, #tpu.dimension_semantics<subcore_parallel>], iteration_bounds = array<i64: 2, 16>, scalar_prefetch = 0 : i64, scratch_operands = 13 : i64, tpu.core_type = #tpu.core_type<sc_vector_subcore>, window_params = [{transform_indices = #map}, {transform_indices = #map1}, {transform_indices = #map1}, {transform_indices = #map2}]} {
    %mul3A = arith.constant 2 : i32
    %mul3A_0 = arith.muli %arg1, %mul3A : i32
    %add3A = arith.addi %mul3A_0, %arg0 : i32
    %mul3A_1 = arith.constant 632 : i32
    %mul3A_2 = arith.muli %arg1, %mul3A_1 : i32
    %dma_start3A = arith.constant 0 : i32
    %dma_start3A_3 = tpu.memref_slice %arg10[%mul3A_2, %dma_start3A] : memref<10112x128xf32, #tpu.memory_space<vmem_shared>> -> memref<632x128xf32, #tpu.memory_space<vmem_shared>>
    tpu.enqueue_dma source(%arg4 : memref<632x128xf32, #tpu.memory_space<hbm>>) target(%dma_start3A_3 : memref<632x128xf32, #tpu.memory_space<vmem_shared>>) target_semaphore(%arg17 : memref<!tpu.dma_semaphore, #tpu.memory_space<semaphore_mem>>)
    %dma_start3A_4 = arith.constant 0 : i32
    %dma_start3A_5 = arith.constant 0 : i32
    %dma_start3A_6 = arith.constant 0 : i32
    %dma_start3A_7 = arith.constant 0 : i32
    %dma_start3A_8 = tpu.memref_slice %arg6[%dma_start3A_5, %dma_start3A_6, %dma_start3A_7] : memref<3x2x100xi32, #tpu.memory_space<vmem>> -> memref<1x2x100xi32, #tpu.memory_space<vmem>>
    %dma_start3A_9 = tpu.memref_squeeze %dma_start3A_8 : memref<1x2x100xi32, #tpu.memory_space<vmem>> -> memref<2x100xi32, #tpu.memory_space<vmem>>
    %dma_start3A_10 = arith.constant 0 : i32
    %dma_start3A_11 = arith.constant 0 : i32
    %dma_start3A_12 = tpu.memref_slice %arg2[%add3A, %dma_start3A_4, %dma_start3A_10, %dma_start3A_11] : memref<32x100x2x100xi32, #tpu.memory_space<hbm>> -> memref<1x1x2x100xi32, #tpu.memory_space<hbm>>
    %dma_start3A_13 = tpu.memref_squeeze %dma_start3A_12 : memref<1x1x2x100xi32, #tpu.memory_space<hbm>> -> memref<2x100xi32, #tpu.memory_space<hbm>>
    %dma_start3A_14 = arith.constant 0 : i32
    %dma_start3A_15 = arith.constant 0 : i32
    %dma_start3A_16 = tpu.memref_slice %arg6[%dma_start3A_5, %dma_start3A_14, %dma_start3A_15] : memref<3x2x100xi32, #tpu.memory_space<vmem>> -> memref<1x2x100xi32, #tpu.memory_space<vmem>>
    %dma_start3A_17 = tpu.memref_squeeze %dma_start3A_16 : memref<1x2x100xi32, #tpu.memory_space<vmem>> -> memref<2x100xi32, #tpu.memory_space<vmem>>
    %dma_start3A_18 = arith.constant 0 : i32
    %dma_start3A_19 = arith.constant 0 : i32
    %dma_start3A_20 = tpu.memref_slice %arg2[%add3A, %dma_start3A_4, %dma_start3A_18, %dma_start3A_19] : memref<32x100x2x100xi32, #tpu.memory_space<hbm>> -> memref<1x1x2x100xi32, #tpu.memory_space<hbm>>
    %dma_start3A_21 = tpu.memref_squeeze %dma_start3A_20 : memref<1x1x2x100xi32, #tpu.memory_space<hbm>> -> memref<2x100xi32, #tpu.memory_space<hbm>>
    tpu.enqueue_dma source(%dma_start3A_21 : memref<2x100xi32, #tpu.memory_space<hbm>>) target(%dma_start3A_17 : memref<2x100xi32, #tpu.memory_space<vmem>>) target_semaphore(%arg14 : memref<!tpu.dma_semaphore, #tpu.memory_space<semaphore_mem>>)
    %dma_start3A_22 = arith.constant 1 : i32
    %dma_start3A_23 = arith.constant 1 : i32
    %dma_start3A_24 = arith.constant 0 : i32
    %dma_start3A_25 = arith.constant 0 : i32
    %dma_start3A_26 = tpu.memref_slice %arg6[%dma_start3A_23, %dma_start3A_24, %dma_start3A_25] : memref<3x2x100xi32, #tpu.memory_space<vmem>> -> memref<1x2x100xi32, #tpu.memory_space<vmem>>
    %dma_start3A_27 = tpu.memref_squeeze %dma_start3A_26 : memref<1x2x100xi32, #tpu.memory_space<vmem>> -> memref<2x100xi32, #tpu.memory_space<vmem>>
    %dma_start3A_28 = arith.constant 0 : i32
    %dma_start3A_29 = arith.constant 0 : i32
    %dma_start3A_30 = tpu.memref_slice %arg2[%add3A, %dma_start3A_22, %dma_start3A_28, %dma_start3A_29] : memref<32x100x2x100xi32, #tpu.memory_space<hbm>> -> memref<1x1x2x100xi32, #tpu.memory_space<hbm>>
    %dma_start3A_31 = tpu.memref_squeeze %dma_start3A_30 : memref<1x1x2x100xi32, #tpu.memory_space<hbm>> -> memref<2x100xi32, #tpu.memory_space<hbm>>
    %dma_start3A_32 = arith.constant 0 : i32
    %dma_start3A_33 = arith.constant 0 : i32
    %dma_start3A_34 = tpu.memref_slice %arg6[%dma_start3A_23, %dma_start3A_32, %dma_start3A_33] : memref<3x2x100xi32, #tpu.memory_space<vmem>> -> memref<1x2x100xi32, #tpu.memory_space<vmem>>
    %dma_start3A_35 = tpu.memref_squeeze %dma_start3A_34 : memref<1x2x100xi32, #tpu.memory_space<vmem>> -> memref<2x100xi32, #tpu.memory_space<vmem>>
    %dma_start3A_36 = arith.constant 0 : i32
    %dma_start3A_37 = arith.constant 0 : i32
    %dma_start3A_38 = tpu.memref_slice %arg2[%add3A, %dma_start3A_22, %dma_start3A_36, %dma_start3A_37] : memref<32x100x2x100xi32, #tpu.memory_space<hbm>> -> memref<1x1x2x100xi32, #tpu.memory_space<hbm>>
    %dma_start3A_39 = tpu.memref_squeeze %dma_start3A_38 : memref<1x1x2x100xi32, #tpu.memory_space<hbm>> -> memref<2x100xi32, #tpu.memory_space<hbm>>
    tpu.enqueue_dma source(%dma_start3A_39 : memref<2x100xi32, #tpu.memory_space<hbm>>) target(%dma_start3A_35 : memref<2x100xi32, #tpu.memory_space<vmem>>) target_semaphore(%arg15 : memref<!tpu.dma_semaphore, #tpu.memory_space<semaphore_mem>>)
    %dma_start3A_40 = arith.constant 2 : i32
    %dma_start3A_41 = arith.constant 2 : i32
    %dma_start3A_42 = arith.constant 0 : i32
    %dma_start3A_43 = arith.constant 0 : i32
    %dma_start3A_44 = tpu.memref_slice %arg6[%dma_start3A_41, %dma_start3A_42, %dma_start3A_43] : memref<3x2x100xi32, #tpu.memory_space<vmem>> -> memref<1x2x100xi32, #tpu.memory_space<vmem>>
    %dma_start3A_45 = tpu.memref_squeeze %dma_start3A_44 : memref<1x2x100xi32, #tpu.memory_space<vmem>> -> memref<2x100xi32, #tpu.memory_space<vmem>>
    %dma_start3A_46 = arith.constant 0 : i32
    %dma_start3A_47 = arith.constant 0 : i32
    %dma_start3A_48 = tpu.memref_slice %arg2[%add3A, %dma_start3A_40, %dma_start3A_46, %dma_start3A_47] : memref<32x100x2x100xi32, #tpu.memory_space<hbm>> -> memref<1x1x2x100xi32, #tpu.memory_space<hbm>>
    %dma_start3A_49 = tpu.memref_squeeze %dma_start3A_48 : memref<1x1x2x100xi32, #tpu.memory_space<hbm>> -> memref<2x100xi32, #tpu.memory_space<hbm>>
    %dma_start3A_50 = arith.constant 0 : i32
    %dma_start3A_51 = arith.constant 0 : i32
    %dma_start3A_52 = tpu.memref_slice %arg6[%dma_start3A_41, %dma_start3A_50, %dma_start3A_51] : memref<3x2x100xi32, #tpu.memory_space<vmem>> -> memref<1x2x100xi32, #tpu.memory_space<vmem>>
    %dma_start3A_53 = tpu.memref_squeeze %dma_start3A_52 : memref<1x2x100xi32, #tpu.memory_space<vmem>> -> memref<2x100xi32, #tpu.memory_space<vmem>>
    %dma_start3A_54 = arith.constant 0 : i32
    %dma_start3A_55 = arith.constant 0 : i32
    %dma_start3A_56 = tpu.memref_slice %arg2[%add3A, %dma_start3A_40, %dma_start3A_54, %dma_start3A_55] : memref<32x100x2x100xi32, #tpu.memory_space<hbm>> -> memref<1x1x2x100xi32, #tpu.memory_space<hbm>>
    %dma_start3A_57 = tpu.memref_squeeze %dma_start3A_56 : memref<1x1x2x100xi32, #tpu.memory_space<hbm>> -> memref<2x100xi32, #tpu.memory_space<hbm>>
    tpu.enqueue_dma source(%dma_start3A_57 : memref<2x100xi32, #tpu.memory_space<hbm>>) target(%dma_start3A_53 : memref<2x100xi32, #tpu.memory_space<vmem>>) target_semaphore(%arg16 : memref<!tpu.dma_semaphore, #tpu.memory_space<semaphore_mem>>)
    %dma_wait3A = arith.constant 0 : i32
    %dma_wait3A_58 = arith.constant 0 : i32
    %dma_wait3A_59 = arith.constant 0 : i32
    %dma_wait3A_60 = arith.constant 0 : i32
    %dma_wait3A_61 = tpu.memref_slice %arg6[%dma_wait3A_58, %dma_wait3A_59, %dma_wait3A_60] : memref<3x2x100xi32, #tpu.memory_space<vmem>> -> memref<1x2x100xi32, #tpu.memory_space<vmem>>
    %dma_wait3A_62 = tpu.memref_squeeze %dma_wait3A_61 : memref<1x2x100xi32, #tpu.memory_space<vmem>> -> memref<2x100xi32, #tpu.memory_space<vmem>>
    %dma_wait3A_63 = arith.constant 0 : i32
    %dma_wait3A_64 = arith.constant 0 : i32
    %dma_wait3A_65 = tpu.memref_slice %arg2[%add3A, %dma_wait3A, %dma_wait3A_63, %dma_wait3A_64] : memref<32x100x2x100xi32, #tpu.memory_space<hbm>> -> memref<1x1x2x100xi32, #tpu.memory_space<hbm>>
    %dma_wait3A_66 = tpu.memref_squeeze %dma_wait3A_65 : memref<1x1x2x100xi32, #tpu.memory_space<hbm>> -> memref<2x100xi32, #tpu.memory_space<hbm>>
    %dma_wait3A_67 = arith.constant 0 : i32
    %dma_wait3A_68 = arith.constant 0 : i32
    %dma_wait3A_69 = tpu.memref_slice %arg6[%dma_wait3A_58, %dma_wait3A_67, %dma_wait3A_68] : memref<3x2x100xi32, #tpu.memory_space<vmem>> -> memref<1x2x100xi32, #tpu.memory_space<vmem>>
    %dma_wait3A_70 = tpu.memref_squeeze %dma_wait3A_69 : memref<1x2x100xi32, #tpu.memory_space<vmem>> -> memref<2x100xi32, #tpu.memory_space<vmem>>
    %dma_wait3A_71 = arith.constant 0 : i32
    %dma_wait3A_72 = arith.constant 0 : i32
    %dma_wait3A_73 = tpu.memref_slice %arg2[%add3A, %dma_wait3A, %dma_wait3A_71, %dma_wait3A_72] : memref<32x100x2x100xi32, #tpu.memory_space<hbm>> -> memref<1x1x2x100xi32, #tpu.memory_space<hbm>>
    %dma_wait3A_74 = tpu.memref_squeeze %dma_wait3A_73 : memref<1x1x2x100xi32, #tpu.memory_space<hbm>> -> memref<2x100xi32, #tpu.memory_space<hbm>>
    tpu.wait_dma2 semaphore(%arg14 : memref<!tpu.dma_semaphore, #tpu.memory_space<semaphore_mem>>) src(%dma_wait3A_74 : memref<2x100xi32, #tpu.memory_space<hbm>>) dst(%dma_wait3A_70 : memref<2x100xi32, #tpu.memory_space<vmem>>)
    %dma_start3A_75 = arith.constant 0 : i32
    %dma_start3A_76 = arith.constant 0 : i32
    %dma_start3A_77 = arith.constant 0 : i32
    %dma_start3A_78 = tpu.memref_slice %arg6[%dma_start3A_75, %dma_start3A_76, %dma_start3A_77] : memref<3x2x100xi32, #tpu.memory_space<vmem>> -> memref<1x1x100xi32, #tpu.memory_space<vmem>>
    %dma_start3A_79 = tpu.memref_squeeze %dma_start3A_78 : memref<1x1x100xi32, #tpu.memory_space<vmem>> -> memref<100xi32, #tpu.memory_space<vmem>>
    %dma_start3A_80 = arith.constant 0 : i32
    %dma_start3A_81 = arith.constant 0 : i32
    %dma_start3A_82 = tpu.memref_slice %arg3[%dma_start3A_80, %dma_start3A_81] : memref<10112x128xf32, #tpu.memory_space<hbm>> -> memref<10112x128xf32, #tpu.memory_space<hbm>>
    tpu.enqueue_indirect_dma source(%dma_start3A_82 : memref<10112x128xf32, #tpu.memory_space<hbm>>) target(%arg7 : memref<100x128xf32, #tpu.memory_space<vmem>>) offsets(%dma_start3A_79 : memref<100xi32, #tpu.memory_space<vmem>>) semaphore(%arg11 : memref<!tpu.dma_semaphore, #tpu.memory_space<semaphore_mem>>)
    %dma_wait3A_83 = arith.constant 1 : i32
    %dma_wait3A_84 = arith.constant 1 : i32
    %dma_wait3A_85 = arith.constant 0 : i32
    %dma_wait3A_86 = arith.constant 0 : i32
    %dma_wait3A_87 = tpu.memref_slice %arg6[%dma_wait3A_84, %dma_wait3A_85, %dma_wait3A_86] : memref<3x2x100xi32, #tpu.memory_space<vmem>> -> memref<1x2x100xi32, #tpu.memory_space<vmem>>
    %dma_wait3A_88 = tpu.memref_squeeze %dma_wait3A_87 : memref<1x2x100xi32, #tpu.memory_space<vmem>> -> memref<2x100xi32, #tpu.memory_space<vmem>>
    %dma_wait3A_89 = arith.constant 0 : i32
    %dma_wait3A_90 = arith.constant 0 : i32
    %dma_wait3A_91 = tpu.memref_slice %arg2[%add3A, %dma_wait3A_83, %dma_wait3A_89, %dma_wait3A_90] : memref<32x100x2x100xi32, #tpu.memory_space<hbm>> -> memref<1x1x2x100xi32, #tpu.memory_space<hbm>>
    %dma_wait3A_92 = tpu.memref_squeeze %dma_wait3A_91 : memref<1x1x2x100xi32, #tpu.memory_space<hbm>> -> memref<2x100xi32, #tpu.memory_space<hbm>>
    %dma_wait3A_93 = arith.constant 0 : i32
    %dma_wait3A_94 = arith.constant 0 : i32
    %dma_wait3A_95 = tpu.memref_slice %arg6[%dma_wait3A_84, %dma_wait3A_93, %dma_wait3A_94] : memref<3x2x100xi32, #tpu.memory_space<vmem>> -> memref<1x2x100xi32, #tpu.memory_space<vmem>>
    %dma_wait3A_96 = tpu.memref_squeeze %dma_wait3A_95 : memref<1x2x100xi32, #tpu.memory_space<vmem>> -> memref<2x100xi32, #tpu.memory_space<vmem>>
    %dma_wait3A_97 = arith.constant 0 : i32
    %dma_wait3A_98 = arith.constant 0 : i32
    %dma_wait3A_99 = tpu.memref_slice %arg2[%add3A, %dma_wait3A_83, %dma_wait3A_97, %dma_wait3A_98] : memref<32x100x2x100xi32, #tpu.memory_space<hbm>> -> memref<1x1x2x100xi32, #tpu.memory_space<hbm>>
    %dma_wait3A_100 = tpu.memref_squeeze %dma_wait3A_99 : memref<1x1x2x100xi32, #tpu.memory_space<hbm>> -> memref<2x100xi32, #tpu.memory_space<hbm>>
    tpu.wait_dma2 semaphore(%arg15 : memref<!tpu.dma_semaphore, #tpu.memory_space<semaphore_mem>>) src(%dma_wait3A_100 : memref<2x100xi32, #tpu.memory_space<hbm>>) dst(%dma_wait3A_96 : memref<2x100xi32, #tpu.memory_space<vmem>>)
    %dma_start3A_101 = arith.constant 1 : i32
    %dma_start3A_102 = arith.constant 0 : i32
    %dma_start3A_103 = arith.constant 0 : i32
    %dma_start3A_104 = tpu.memref_slice %arg6[%dma_start3A_101, %dma_start3A_102, %dma_start3A_103] : memref<3x2x100xi32, #tpu.memory_space<vmem>> -> memref<1x1x100xi32, #tpu.memory_space<vmem>>
    %dma_start3A_105 = tpu.memref_squeeze %dma_start3A_104 : memref<1x1x100xi32, #tpu.memory_space<vmem>> -> memref<100xi32, #tpu.memory_space<vmem>>
    %dma_start3A_106 = arith.constant 0 : i32
    %dma_start3A_107 = arith.constant 0 : i32
    %dma_start3A_108 = tpu.memref_slice %arg3[%dma_start3A_106, %dma_start3A_107] : memref<10112x128xf32, #tpu.memory_space<hbm>> -> memref<10112x128xf32, #tpu.memory_space<hbm>>
    tpu.enqueue_indirect_dma source(%dma_start3A_108 : memref<10112x128xf32, #tpu.memory_space<hbm>>) target(%arg8 : memref<100x128xf32, #tpu.memory_space<vmem>>) offsets(%dma_start3A_105 : memref<100xi32, #tpu.memory_space<vmem>>) semaphore(%arg12 : memref<!tpu.dma_semaphore, #tpu.memory_space<semaphore_mem>>)
    %dma_wait3A_109 = arith.constant 2 : i32
    %dma_wait3A_110 = arith.constant 2 : i32
    %dma_wait3A_111 = arith.constant 0 : i32
    %dma_wait3A_112 = arith.constant 0 : i32
    %dma_wait3A_113 = tpu.memref_slice %arg6[%dma_wait3A_110, %dma_wait3A_111, %dma_wait3A_112] : memref<3x2x100xi32, #tpu.memory_space<vmem>> -> memref<1x2x100xi32, #tpu.memory_space<vmem>>
    %dma_wait3A_114 = tpu.memref_squeeze %dma_wait3A_113 : memref<1x2x100xi32, #tpu.memory_space<vmem>> -> memref<2x100xi32, #tpu.memory_space<vmem>>
    %dma_wait3A_115 = arith.constant 0 : i32
    %dma_wait3A_116 = arith.constant 0 : i32
    %dma_wait3A_117 = tpu.memref_slice %arg2[%add3A, %dma_wait3A_109, %dma_wait3A_115, %dma_wait3A_116] : memref<32x100x2x100xi32, #tpu.memory_space<hbm>> -> memref<1x1x2x100xi32, #tpu.memory_space<hbm>>
    %dma_wait3A_118 = tpu.memref_squeeze %dma_wait3A_117 : memref<1x1x2x100xi32, #tpu.memory_space<hbm>> -> memref<2x100xi32, #tpu.memory_space<hbm>>
    %dma_wait3A_119 = arith.constant 0 : i32
    %dma_wait3A_120 = arith.constant 0 : i32
    %dma_wait3A_121 = tpu.memref_slice %arg6[%dma_wait3A_110, %dma_wait3A_119, %dma_wait3A_120] : memref<3x2x100xi32, #tpu.memory_space<vmem>> -> memref<1x2x100xi32, #tpu.memory_space<vmem>>
    %dma_wait3A_122 = tpu.memref_squeeze %dma_wait3A_121 : memref<1x2x100xi32, #tpu.memory_space<vmem>> -> memref<2x100xi32, #tpu.memory_space<vmem>>
    %dma_wait3A_123 = arith.constant 0 : i32
    %dma_wait3A_124 = arith.constant 0 : i32
    %dma_wait3A_125 = tpu.memref_slice %arg2[%add3A, %dma_wait3A_109, %dma_wait3A_123, %dma_wait3A_124] : memref<32x100x2x100xi32, #tpu.memory_space<hbm>> -> memref<1x1x2x100xi32, #tpu.memory_space<hbm>>
    %dma_wait3A_126 = tpu.memref_squeeze %dma_wait3A_125 : memref<1x1x2x100xi32, #tpu.memory_space<hbm>> -> memref<2x100xi32, #tpu.memory_space<hbm>>
    tpu.wait_dma2 semaphore(%arg16 : memref<!tpu.dma_semaphore, #tpu.memory_space<semaphore_mem>>) src(%dma_wait3A_126 : memref<2x100xi32, #tpu.memory_space<hbm>>) dst(%dma_wait3A_122 : memref<2x100xi32, #tpu.memory_space<vmem>>)
    %dma_start3A_127 = arith.constant 2 : i32
    %dma_start3A_128 = arith.constant 0 : i32
    %dma_start3A_129 = arith.constant 0 : i32
    %dma_start3A_130 = tpu.memref_slice %arg6[%dma_start3A_127, %dma_start3A_128, %dma_start3A_129] : memref<3x2x100xi32, #tpu.memory_space<vmem>> -> memref<1x1x100xi32, #tpu.memory_space<vmem>>
    %dma_start3A_131 = tpu.memref_squeeze %dma_start3A_130 : memref<1x1x100xi32, #tpu.memory_space<vmem>> -> memref<100xi32, #tpu.memory_space<vmem>>
    %dma_start3A_132 = arith.constant 0 : i32
    %dma_start3A_133 = arith.constant 0 : i32
    %dma_start3A_134 = tpu.memref_slice %arg3[%dma_start3A_132, %dma_start3A_133] : memref<10112x128xf32, #tpu.memory_space<hbm>> -> memref<10112x128xf32, #tpu.memory_space<hbm>>
    tpu.enqueue_indirect_dma source(%dma_start3A_134 : memref<10112x128xf32, #tpu.memory_space<hbm>>) target(%arg9 : memref<100x128xf32, #tpu.memory_space<vmem>>) offsets(%dma_start3A_131 : memref<100xi32, #tpu.memory_space<vmem>>) semaphore(%arg13 : memref<!tpu.dma_semaphore, #tpu.memory_space<semaphore_mem>>)
    %dma_wait3A_135 = arith.constant 0 : i32
    %dma_wait3A_136 = tpu.memref_slice %arg10[%mul3A_2, %dma_wait3A_135] : memref<10112x128xf32, #tpu.memory_space<vmem_shared>> -> memref<632x128xf32, #tpu.memory_space<vmem_shared>>
    tpu.wait_dma2 semaphore(%arg17 : memref<!tpu.dma_semaphore, #tpu.memory_space<semaphore_mem>>) src(%arg4 : memref<632x128xf32, #tpu.memory_space<hbm>>) dst(%dma_wait3A_136 : memref<632x128xf32, #tpu.memory_space<vmem_shared>>)
    %barrier3A = arith.constant 0 : index
    tpu.barrier barrier_id(%barrier3A)
    %scan3A = arith.constant 0 : i32
    %scan3A_137 = arith.constant 34 : i32
    %scan3A_138 = arith.addi %scan3A, %scan3A_137 : i32
    %scan3A_139 = arith.constant 1 : i32
    scf.for %scan3A_154 = %scan3A to %scan3A_138 step %scan3A_139  : i32 {
      %mul3A_155 = arith.constant 3 : i32
      %mul3A_156 = arith.muli %scan3A_154, %mul3A_155 : i32
      %add3A_157 = arith.constant 0 : i32
      %add3A_158 = arith.addi %add3A_157, %mul3A_156 : i32
      %add3A_159 = arith.constant 0 : i32
      %add3A_160 = arith.addi %add3A_158, %add3A_159 : i32
      %lt3A = arith.constant 100 : i32
      %lt3A_161 = arith.cmpi slt, %add3A_160, %lt3A : i32
      %convert_element_type3A = arith.extui %lt3A_161 : i1 to i32
      %cond3A = arith.constant 0 : i32
      %cond3A_162 = arith.cmpi ne, %convert_element_type3A, %cond3A : i32
      scf.if %cond3A_162 {
        %dma_wait3A_210 = arith.constant 0 : i32
        %dma_wait3A_211 = arith.constant 0 : i32
        %dma_wait3A_212 = arith.constant 0 : i32
        %dma_wait3A_213 = tpu.memref_slice %arg6[%dma_wait3A_210, %dma_wait3A_211, %dma_wait3A_212] : memref<3x2x100xi32, #tpu.memory_space<vmem>> -> memref<1x1x100xi32, #tpu.memory_space<vmem>>
        %dma_wait3A_214 = tpu.memref_squeeze %dma_wait3A_213 : memref<1x1x100xi32, #tpu.memory_space<vmem>> -> memref<100xi32, #tpu.memory_space<vmem>>
        %dma_wait3A_215 = arith.constant 0 : i32
        %dma_wait3A_216 = arith.constant 0 : i32
        %dma_wait3A_217 = tpu.memref_slice %arg3[%dma_wait3A_215, %dma_wait3A_216] : memref<10112x128xf32, #tpu.memory_space<hbm>> -> memref<10112x128xf32, #tpu.memory_space<hbm>>
        tpu.wait_indirect_dma semaphore(%arg11 : memref<!tpu.dma_semaphore, #tpu.memory_space<semaphore_mem>>) src(%dma_wait3A_217 : memref<10112x128xf32, #tpu.memory_space<hbm>>) dst(%arg7 : memref<100x128xf32, #tpu.memory_space<vmem>>)
        %gt3A_218 = arith.constant 0 : i32
        %gt3A_219 = arith.cmpi sgt, %add3A_160, %gt3A_218 : i32
        %convert_element_type3A_220 = arith.extui %gt3A_219 : i1 to i32
        %cond3A_221 = arith.constant 0 : i32
        %cond3A_222 = arith.cmpi ne, %convert_element_type3A_220, %cond3A_221 : i32
        scf.if %cond3A_222 {
          %dma_wait3A_231 = arith.constant 0 : i32
          %dma_wait3A_232 = arith.constant 1 : i32
          %dma_wait3A_233 = arith.constant 0 : i32
          %dma_wait3A_234 = tpu.memref_slice %arg6[%dma_wait3A_231, %dma_wait3A_232, %dma_wait3A_233] : memref<3x2x100xi32, #tpu.memory_space<vmem>> -> memref<1x1x100xi32, #tpu.memory_space<vmem>>
          %dma_wait3A_235 = tpu.memref_squeeze %dma_wait3A_234 : memref<1x1x100xi32, #tpu.memory_space<vmem>> -> memref<100xi32, #tpu.memory_space<vmem>>
          %dma_wait3A_236 = arith.constant 0 : i32
          %dma_wait3A_237 = arith.constant 0 : i32
          %dma_wait3A_238 = tpu.memref_slice %arg10[%dma_wait3A_236, %dma_wait3A_237] : memref<10112x128xf32, #tpu.memory_space<vmem_shared>> -> memref<10112x128xf32, #tpu.memory_space<vmem_shared>>
          tpu.wait_indirect_dma semaphore(%arg18 : memref<!tpu.dma_semaphore, #tpu.memory_space<semaphore_mem>>) src(%arg7 : memref<100x128xf32, #tpu.memory_space<vmem>>) dst(%dma_wait3A_238 : memref<10112x128xf32, #tpu.memory_space<vmem_shared>>)
        } else {
        }
        %dma_start3A_223 = arith.constant 0 : i32
        %dma_start3A_224 = arith.constant 1 : i32
        %dma_start3A_225 = arith.constant 0 : i32
        %dma_start3A_226 = tpu.memref_slice %arg6[%dma_start3A_223, %dma_start3A_224, %dma_start3A_225] : memref<3x2x100xi32, #tpu.memory_space<vmem>> -> memref<1x1x100xi32, #tpu.memory_space<vmem>>
        %dma_start3A_227 = tpu.memref_squeeze %dma_start3A_226 : memref<1x1x100xi32, #tpu.memory_space<vmem>> -> memref<100xi32, #tpu.memory_space<vmem>>
        %dma_start3A_228 = arith.constant 0 : i32
        %dma_start3A_229 = arith.constant 0 : i32
        %dma_start3A_230 = tpu.memref_slice %arg10[%dma_start3A_228, %dma_start3A_229] : memref<10112x128xf32, #tpu.memory_space<vmem_shared>> -> memref<10112x128xf32, #tpu.memory_space<vmem_shared>>
        tpu.enqueue_indirect_dma source(%arg7 : memref<100x128xf32, #tpu.memory_space<vmem>>) target(%dma_start3A_230 : memref<10112x128xf32, #tpu.memory_space<vmem_shared>>) offsets(%dma_start3A_227 : memref<100xi32, #tpu.memory_space<vmem>>) semaphore(%arg18 : memref<!tpu.dma_semaphore, #tpu.memory_space<semaphore_mem>>) {add = true}
      } else {
      }
      %add3A_163 = arith.constant 3 : i32
      %add3A_164 = arith.addi %add3A_160, %add3A_163 : i32
      %sub3A = arith.constant 1 : i32
      %sub3A_165 = arith.subi %add3A_164, %sub3A : i32
      %gt3A = arith.constant 0 : i32
      %gt3A_166 = arith.cmpi sgt, %add3A_160, %gt3A : i32
      %lt3A_167 = arith.constant 100 : i32
      %lt3A_168 = arith.cmpi slt, %sub3A_165, %lt3A_167 : i32
      %and3A = arith.andi %gt3A_166, %lt3A_168 : i1
      %convert_element_type3A_169 = arith.extui %and3A : i1 to i32
      %cond3A_170 = arith.constant 0 : i32
      %cond3A_171 = arith.cmpi ne, %convert_element_type3A_169, %cond3A_170 : i32
      scf.if %cond3A_171 {
        %dma_start3A_210 = arith.constant 2 : i32
        %dma_start3A_211 = arith.constant 0 : i32
        %dma_start3A_212 = arith.constant 0 : i32
        %dma_start3A_213 = tpu.memref_slice %arg6[%dma_start3A_210, %dma_start3A_211, %dma_start3A_212] : memref<3x2x100xi32, #tpu.memory_space<vmem>> -> memref<1x2x100xi32, #tpu.memory_space<vmem>>
        %dma_start3A_214 = tpu.memref_squeeze %dma_start3A_213 : memref<1x2x100xi32, #tpu.memory_space<vmem>> -> memref<2x100xi32, #tpu.memory_space<vmem>>
        %dma_start3A_215 = arith.constant 0 : i32
        %dma_start3A_216 = arith.constant 0 : i32
        %dma_start3A_217 = tpu.memref_slice %arg2[%add3A, %sub3A_165, %dma_start3A_215, %dma_start3A_216] : memref<32x100x2x100xi32, #tpu.memory_space<hbm>> -> memref<1x1x2x100xi32, #tpu.memory_space<hbm>>
        %dma_start3A_218 = tpu.memref_squeeze %dma_start3A_217 : memref<1x1x2x100xi32, #tpu.memory_space<hbm>> -> memref<2x100xi32, #tpu.memory_space<hbm>>
        %dma_start3A_219 = arith.constant 0 : i32
        %dma_start3A_220 = arith.constant 0 : i32
        %dma_start3A_221 = tpu.memref_slice %arg6[%dma_start3A_210, %dma_start3A_219, %dma_start3A_220] : memref<3x2x100xi32, #tpu.memory_space<vmem>> -> memref<1x2x100xi32, #tpu.memory_space<vmem>>
        %dma_start3A_222 = tpu.memref_squeeze %dma_start3A_221 : memref<1x2x100xi32, #tpu.memory_space<vmem>> -> memref<2x100xi32, #tpu.memory_space<vmem>>
        %dma_start3A_223 = arith.constant 0 : i32
        %dma_start3A_224 = arith.constant 0 : i32
        %dma_start3A_225 = tpu.memref_slice %arg2[%add3A, %sub3A_165, %dma_start3A_223, %dma_start3A_224] : memref<32x100x2x100xi32, #tpu.memory_space<hbm>> -> memref<1x1x2x100xi32, #tpu.memory_space<hbm>>
        %dma_start3A_226 = tpu.memref_squeeze %dma_start3A_225 : memref<1x1x2x100xi32, #tpu.memory_space<hbm>> -> memref<2x100xi32, #tpu.memory_space<hbm>>
        tpu.enqueue_dma source(%dma_start3A_226 : memref<2x100xi32, #tpu.memory_space<hbm>>) target(%dma_start3A_222 : memref<2x100xi32, #tpu.memory_space<vmem>>) target_semaphore(%arg16 : memref<!tpu.dma_semaphore, #tpu.memory_space<semaphore_mem>>)
        %dma_wait3A_227 = arith.constant 2 : i32
        %dma_wait3A_228 = arith.constant 0 : i32
        %dma_wait3A_229 = arith.constant 0 : i32
        %dma_wait3A_230 = tpu.memref_slice %arg6[%dma_wait3A_227, %dma_wait3A_228, %dma_wait3A_229] : memref<3x2x100xi32, #tpu.memory_space<vmem>> -> memref<1x2x100xi32, #tpu.memory_space<vmem>>
        %dma_wait3A_231 = tpu.memref_squeeze %dma_wait3A_230 : memref<1x2x100xi32, #tpu.memory_space<vmem>> -> memref<2x100xi32, #tpu.memory_space<vmem>>
        %dma_wait3A_232 = arith.constant 0 : i32
        %dma_wait3A_233 = arith.constant 0 : i32
        %dma_wait3A_234 = tpu.memref_slice %arg2[%add3A, %sub3A_165, %dma_wait3A_232, %dma_wait3A_233] : memref<32x100x2x100xi32, #tpu.memory_space<hbm>> -> memref<1x1x2x100xi32, #tpu.memory_space<hbm>>
        %dma_wait3A_235 = tpu.memref_squeeze %dma_wait3A_234 : memref<1x1x2x100xi32, #tpu.memory_space<hbm>> -> memref<2x100xi32, #tpu.memory_space<hbm>>
        %dma_wait3A_236 = arith.constant 0 : i32
        %dma_wait3A_237 = arith.constant 0 : i32
        %dma_wait3A_238 = tpu.memref_slice %arg6[%dma_wait3A_227, %dma_wait3A_236, %dma_wait3A_237] : memref<3x2x100xi32, #tpu.memory_space<vmem>> -> memref<1x2x100xi32, #tpu.memory_space<vmem>>
        %dma_wait3A_239 = tpu.memref_squeeze %dma_wait3A_238 : memref<1x2x100xi32, #tpu.memory_space<vmem>> -> memref<2x100xi32, #tpu.memory_space<vmem>>
        %dma_wait3A_240 = arith.constant 0 : i32
        %dma_wait3A_241 = arith.constant 0 : i32
        %dma_wait3A_242 = tpu.memref_slice %arg2[%add3A, %sub3A_165, %dma_wait3A_240, %dma_wait3A_241] : memref<32x100x2x100xi32, #tpu.memory_space<hbm>> -> memref<1x1x2x100xi32, #tpu.memory_space<hbm>>
        %dma_wait3A_243 = tpu.memref_squeeze %dma_wait3A_242 : memref<1x1x2x100xi32, #tpu.memory_space<hbm>> -> memref<2x100xi32, #tpu.memory_space<hbm>>
        tpu.wait_dma2 semaphore(%arg16 : memref<!tpu.dma_semaphore, #tpu.memory_space<semaphore_mem>>) src(%dma_wait3A_243 : memref<2x100xi32, #tpu.memory_space<hbm>>) dst(%dma_wait3A_239 : memref<2x100xi32, #tpu.memory_space<vmem>>)
        %dma_start3A_244 = arith.constant 2 : i32
        %dma_start3A_245 = arith.constant 0 : i32
        %dma_start3A_246 = arith.constant 0 : i32
        %dma_start3A_247 = tpu.memref_slice %arg6[%dma_start3A_244, %dma_start3A_245, %dma_start3A_246] : memref<3x2x100xi32, #tpu.memory_space<vmem>> -> memref<1x1x100xi32, #tpu.memory_space<vmem>>
        %dma_start3A_248 = tpu.memref_squeeze %dma_start3A_247 : memref<1x1x100xi32, #tpu.memory_space<vmem>> -> memref<100xi32, #tpu.memory_space<vmem>>
        %dma_start3A_249 = arith.constant 0 : i32
        %dma_start3A_250 = arith.constant 0 : i32
        %dma_start3A_251 = tpu.memref_slice %arg3[%dma_start3A_249, %dma_start3A_250] : memref<10112x128xf32, #tpu.memory_space<hbm>> -> memref<10112x128xf32, #tpu.memory_space<hbm>>
        tpu.enqueue_indirect_dma source(%dma_start3A_251 : memref<10112x128xf32, #tpu.memory_space<hbm>>) target(%arg9 : memref<100x128xf32, #tpu.memory_space<vmem>>) offsets(%dma_start3A_248 : memref<100xi32, #tpu.memory_space<vmem>>) semaphore(%arg13 : memref<!tpu.dma_semaphore, #tpu.memory_space<semaphore_mem>>)
      } else {
      }
      %add3A_172 = arith.constant 1 : i32
      %add3A_173 = arith.addi %add3A_158, %add3A_172 : i32
      %lt3A_174 = arith.constant 100 : i32
      %lt3A_175 = arith.cmpi slt, %add3A_173, %lt3A_174 : i32
      %convert_element_type3A_176 = arith.extui %lt3A_175 : i1 to i32
      %cond3A_177 = arith.constant 0 : i32
      %cond3A_178 = arith.cmpi ne, %convert_element_type3A_176, %cond3A_177 : i32
      scf.if %cond3A_178 {
        %dma_wait3A_210 = arith.constant 1 : i32
        %dma_wait3A_211 = arith.constant 0 : i32
        %dma_wait3A_212 = arith.constant 0 : i32
        %dma_wait3A_213 = tpu.memref_slice %arg6[%dma_wait3A_210, %dma_wait3A_211, %dma_wait3A_212] : memref<3x2x100xi32, #tpu.memory_space<vmem>> -> memref<1x1x100xi32, #tpu.memory_space<vmem>>
        %dma_wait3A_214 = tpu.memref_squeeze %dma_wait3A_213 : memref<1x1x100xi32, #tpu.memory_space<vmem>> -> memref<100xi32, #tpu.memory_space<vmem>>
        %dma_wait3A_215 = arith.constant 0 : i32
        %dma_wait3A_216 = arith.constant 0 : i32
        %dma_wait3A_217 = tpu.memref_slice %arg3[%dma_wait3A_215, %dma_wait3A_216] : memref<10112x128xf32, #tpu.memory_space<hbm>> -> memref<10112x128xf32, #tpu.memory_space<hbm>>
        tpu.wait_indirect_dma semaphore(%arg12 : memref<!tpu.dma_semaphore, #tpu.memory_space<semaphore_mem>>) src(%dma_wait3A_217 : memref<10112x128xf32, #tpu.memory_space<hbm>>) dst(%arg8 : memref<100x128xf32, #tpu.memory_space<vmem>>)
        %gt3A_218 = arith.constant 0 : i32
        %gt3A_219 = arith.cmpi sgt, %add3A_173, %gt3A_218 : i32
        %convert_element_type3A_220 = arith.extui %gt3A_219 : i1 to i32
        %cond3A_221 = arith.constant 0 : i32
        %cond3A_222 = arith.cmpi ne, %convert_element_type3A_220, %cond3A_221 : i32
        scf.if %cond3A_222 {
          %dma_wait3A_231 = arith.constant 1 : i32
          %dma_wait3A_232 = arith.constant 1 : i32
          %dma_wait3A_233 = arith.constant 0 : i32
          %dma_wait3A_234 = tpu.memref_slice %arg6[%dma_wait3A_231, %dma_wait3A_232, %dma_wait3A_233] : memref<3x2x100xi32, #tpu.memory_space<vmem>> -> memref<1x1x100xi32, #tpu.memory_space<vmem>>
          %dma_wait3A_235 = tpu.memref_squeeze %dma_wait3A_234 : memref<1x1x100xi32, #tpu.memory_space<vmem>> -> memref<100xi32, #tpu.memory_space<vmem>>
          %dma_wait3A_236 = arith.constant 0 : i32
          %dma_wait3A_237 = arith.constant 0 : i32
          %dma_wait3A_238 = tpu.memref_slice %arg10[%dma_wait3A_236, %dma_wait3A_237] : memref<10112x128xf32, #tpu.memory_space<vmem_shared>> -> memref<10112x128xf32, #tpu.memory_space<vmem_shared>>
          tpu.wait_indirect_dma semaphore(%arg18 : memref<!tpu.dma_semaphore, #tpu.memory_space<semaphore_mem>>) src(%arg8 : memref<100x128xf32, #tpu.memory_space<vmem>>) dst(%dma_wait3A_238 : memref<10112x128xf32, #tpu.memory_space<vmem_shared>>)
        } else {
        }
        %dma_start3A_223 = arith.constant 1 : i32
        %dma_start3A_224 = arith.constant 1 : i32
        %dma_start3A_225 = arith.constant 0 : i32
        %dma_start3A_226 = tpu.memref_slice %arg6[%dma_start3A_223, %dma_start3A_224, %dma_start3A_225] : memref<3x2x100xi32, #tpu.memory_space<vmem>> -> memref<1x1x100xi32, #tpu.memory_space<vmem>>
        %dma_start3A_227 = tpu.memref_squeeze %dma_start3A_226 : memref<1x1x100xi32, #tpu.memory_space<vmem>> -> memref<100xi32, #tpu.memory_space<vmem>>
        %dma_start3A_228 = arith.constant 0 : i32
        %dma_start3A_229 = arith.constant 0 : i32
        %dma_start3A_230 = tpu.memref_slice %arg10[%dma_start3A_228, %dma_start3A_229] : memref<10112x128xf32, #tpu.memory_space<vmem_shared>> -> memref<10112x128xf32, #tpu.memory_space<vmem_shared>>
        tpu.enqueue_indirect_dma source(%arg8 : memref<100x128xf32, #tpu.memory_space<vmem>>) target(%dma_start3A_230 : memref<10112x128xf32, #tpu.memory_space<vmem_shared>>) offsets(%dma_start3A_227 : memref<100xi32, #tpu.memory_space<vmem>>) semaphore(%arg18 : memref<!tpu.dma_semaphore, #tpu.memory_space<semaphore_mem>>) {add = true}
      } else {
      }
      %add3A_179 = arith.constant 3 : i32
      %add3A_180 = arith.addi %add3A_173, %add3A_179 : i32
      %sub3A_181 = arith.constant 1 : i32
      %sub3A_182 = arith.subi %add3A_180, %sub3A_181 : i32
      %gt3A_183 = arith.constant 0 : i32
      %gt3A_184 = arith.cmpi sgt, %add3A_173, %gt3A_183 : i32
      %lt3A_185 = arith.constant 100 : i32
      %lt3A_186 = arith.cmpi slt, %sub3A_182, %lt3A_185 : i32
      %and3A_187 = arith.andi %gt3A_184, %lt3A_186 : i1
      %convert_element_type3A_188 = arith.extui %and3A_187 : i1 to i32
      %cond3A_189 = arith.constant 0 : i32
      %cond3A_190 = arith.cmpi ne, %convert_element_type3A_188, %cond3A_189 : i32
      scf.if %cond3A_190 {
        %dma_start3A_210 = arith.constant 0 : i32
        %dma_start3A_211 = arith.constant 0 : i32
        %dma_start3A_212 = arith.constant 0 : i32
        %dma_start3A_213 = tpu.memref_slice %arg6[%dma_start3A_210, %dma_start3A_211, %dma_start3A_212] : memref<3x2x100xi32, #tpu.memory_space<vmem>> -> memref<1x2x100xi32, #tpu.memory_space<vmem>>
        %dma_start3A_214 = tpu.memref_squeeze %dma_start3A_213 : memref<1x2x100xi32, #tpu.memory_space<vmem>> -> memref<2x100xi32, #tpu.memory_space<vmem>>
        %dma_start3A_215 = arith.constant 0 : i32
        %dma_start3A_216 = arith.constant 0 : i32
        %dma_start3A_217 = tpu.memref_slice %arg2[%add3A, %sub3A_182, %dma_start3A_215, %dma_start3A_216] : memref<32x100x2x100xi32, #tpu.memory_space<hbm>> -> memref<1x1x2x100xi32, #tpu.memory_space<hbm>>
        %dma_start3A_218 = tpu.memref_squeeze %dma_start3A_217 : memref<1x1x2x100xi32, #tpu.memory_space<hbm>> -> memref<2x100xi32, #tpu.memory_space<hbm>>
        %dma_start3A_219 = arith.constant 0 : i32
        %dma_start3A_220 = arith.constant 0 : i32
        %dma_start3A_221 = tpu.memref_slice %arg6[%dma_start3A_210, %dma_start3A_219, %dma_start3A_220] : memref<3x2x100xi32, #tpu.memory_space<vmem>> -> memref<1x2x100xi32, #tpu.memory_space<vmem>>
        %dma_start3A_222 = tpu.memref_squeeze %dma_start3A_221 : memref<1x2x100xi32, #tpu.memory_space<vmem>> -> memref<2x100xi32, #tpu.memory_space<vmem>>
        %dma_start3A_223 = arith.constant 0 : i32
        %dma_start3A_224 = arith.constant 0 : i32
        %dma_start3A_225 = tpu.memref_slice %arg2[%add3A, %sub3A_182, %dma_start3A_223, %dma_start3A_224] : memref<32x100x2x100xi32, #tpu.memory_space<hbm>> -> memref<1x1x2x100xi32, #tpu.memory_space<hbm>>
        %dma_start3A_226 = tpu.memref_squeeze %dma_start3A_225 : memref<1x1x2x100xi32, #tpu.memory_space<hbm>> -> memref<2x100xi32, #tpu.memory_space<hbm>>
        tpu.enqueue_dma source(%dma_start3A_226 : memref<2x100xi32, #tpu.memory_space<hbm>>) target(%dma_start3A_222 : memref<2x100xi32, #tpu.memory_space<vmem>>) target_semaphore(%arg14 : memref<!tpu.dma_semaphore, #tpu.memory_space<semaphore_mem>>)
        %dma_wait3A_227 = arith.constant 0 : i32
        %dma_wait3A_228 = arith.constant 0 : i32
        %dma_wait3A_229 = arith.constant 0 : i32
        %dma_wait3A_230 = tpu.memref_slice %arg6[%dma_wait3A_227, %dma_wait3A_228, %dma_wait3A_229] : memref<3x2x100xi32, #tpu.memory_space<vmem>> -> memref<1x2x100xi32, #tpu.memory_space<vmem>>
        %dma_wait3A_231 = tpu.memref_squeeze %dma_wait3A_230 : memref<1x2x100xi32, #tpu.memory_space<vmem>> -> memref<2x100xi32, #tpu.memory_space<vmem>>
        %dma_wait3A_232 = arith.constant 0 : i32
        %dma_wait3A_233 = arith.constant 0 : i32
        %dma_wait3A_234 = tpu.memref_slice %arg2[%add3A, %sub3A_182, %dma_wait3A_232, %dma_wait3A_233] : memref<32x100x2x100xi32, #tpu.memory_space<hbm>> -> memref<1x1x2x100xi32, #tpu.memory_space<hbm>>
        %dma_wait3A_235 = tpu.memref_squeeze %dma_wait3A_234 : memref<1x1x2x100xi32, #tpu.memory_space<hbm>> -> memref<2x100xi32, #tpu.memory_space<hbm>>
        %dma_wait3A_236 = arith.constant 0 : i32
        %dma_wait3A_237 = arith.constant 0 : i32
        %dma_wait3A_238 = tpu.memref_slice %arg6[%dma_wait3A_227, %dma_wait3A_236, %dma_wait3A_237] : memref<3x2x100xi32, #tpu.memory_space<vmem>> -> memref<1x2x100xi32, #tpu.memory_space<vmem>>
        %dma_wait3A_239 = tpu.memref_squeeze %dma_wait3A_238 : memref<1x2x100xi32, #tpu.memory_space<vmem>> -> memref<2x100xi32, #tpu.memory_space<vmem>>
        %dma_wait3A_240 = arith.constant 0 : i32
        %dma_wait3A_241 = arith.constant 0 : i32
        %dma_wait3A_242 = tpu.memref_slice %arg2[%add3A, %sub3A_182, %dma_wait3A_240, %dma_wait3A_241] : memref<32x100x2x100xi32, #tpu.memory_space<hbm>> -> memref<1x1x2x100xi32, #tpu.memory_space<hbm>>
        %dma_wait3A_243 = tpu.memref_squeeze %dma_wait3A_242 : memref<1x1x2x100xi32, #tpu.memory_space<hbm>> -> memref<2x100xi32, #tpu.memory_space<hbm>>
        tpu.wait_dma2 semaphore(%arg14 : memref<!tpu.dma_semaphore, #tpu.memory_space<semaphore_mem>>) src(%dma_wait3A_243 : memref<2x100xi32, #tpu.memory_space<hbm>>) dst(%dma_wait3A_239 : memref<2x100xi32, #tpu.memory_space<vmem>>)
        %dma_start3A_244 = arith.constant 0 : i32
        %dma_start3A_245 = arith.constant 0 : i32
        %dma_start3A_246 = arith.constant 0 : i32
        %dma_start3A_247 = tpu.memref_slice %arg6[%dma_start3A_244, %dma_start3A_245, %dma_start3A_246] : memref<3x2x100xi32, #tpu.memory_space<vmem>> -> memref<1x1x100xi32, #tpu.memory_space<vmem>>
        %dma_start3A_248 = tpu.memref_squeeze %dma_start3A_247 : memref<1x1x100xi32, #tpu.memory_space<vmem>> -> memref<100xi32, #tpu.memory_space<vmem>>
        %dma_start3A_249 = arith.constant 0 : i32
        %dma_start3A_250 = arith.constant 0 : i32
        %dma_start3A_251 = tpu.memref_slice %arg3[%dma_start3A_249, %dma_start3A_250] : memref<10112x128xf32, #tpu.memory_space<hbm>> -> memref<10112x128xf32, #tpu.memory_space<hbm>>
        tpu.enqueue_indirect_dma source(%dma_start3A_251 : memref<10112x128xf32, #tpu.memory_space<hbm>>) target(%arg7 : memref<100x128xf32, #tpu.memory_space<vmem>>) offsets(%dma_start3A_248 : memref<100xi32, #tpu.memory_space<vmem>>) semaphore(%arg11 : memref<!tpu.dma_semaphore, #tpu.memory_space<semaphore_mem>>)
      } else {
      }
      %add3A_191 = arith.constant 2 : i32
      %add3A_192 = arith.addi %add3A_158, %add3A_191 : i32
      %lt3A_193 = arith.constant 100 : i32
      %lt3A_194 = arith.cmpi slt, %add3A_192, %lt3A_193 : i32
      %convert_element_type3A_195 = arith.extui %lt3A_194 : i1 to i32
      %cond3A_196 = arith.constant 0 : i32
      %cond3A_197 = arith.cmpi ne, %convert_element_type3A_195, %cond3A_196 : i32
      scf.if %cond3A_197 {
        %dma_wait3A_210 = arith.constant 2 : i32
        %dma_wait3A_211 = arith.constant 0 : i32
        %dma_wait3A_212 = arith.constant 0 : i32
        %dma_wait3A_213 = tpu.memref_slice %arg6[%dma_wait3A_210, %dma_wait3A_211, %dma_wait3A_212] : memref<3x2x100xi32, #tpu.memory_space<vmem>> -> memref<1x1x100xi32, #tpu.memory_space<vmem>>
        %dma_wait3A_214 = tpu.memref_squeeze %dma_wait3A_213 : memref<1x1x100xi32, #tpu.memory_space<vmem>> -> memref<100xi32, #tpu.memory_space<vmem>>
        %dma_wait3A_215 = arith.constant 0 : i32
        %dma_wait3A_216 = arith.constant 0 : i32
        %dma_wait3A_217 = tpu.memref_slice %arg3[%dma_wait3A_215, %dma_wait3A_216] : memref<10112x128xf32, #tpu.memory_space<hbm>> -> memref<10112x128xf32, #tpu.memory_space<hbm>>
        tpu.wait_indirect_dma semaphore(%arg13 : memref<!tpu.dma_semaphore, #tpu.memory_space<semaphore_mem>>) src(%dma_wait3A_217 : memref<10112x128xf32, #tpu.memory_space<hbm>>) dst(%arg9 : memref<100x128xf32, #tpu.memory_space<vmem>>)
        %gt3A_218 = arith.constant 0 : i32
        %gt3A_219 = arith.cmpi sgt, %add3A_192, %gt3A_218 : i32
        %convert_element_type3A_220 = arith.extui %gt3A_219 : i1 to i32
        %cond3A_221 = arith.constant 0 : i32
        %cond3A_222 = arith.cmpi ne, %convert_element_type3A_220, %cond3A_221 : i32
        scf.if %cond3A_222 {
          %dma_wait3A_231 = arith.constant 2 : i32
          %dma_wait3A_232 = arith.constant 1 : i32
          %dma_wait3A_233 = arith.constant 0 : i32
          %dma_wait3A_234 = tpu.memref_slice %arg6[%dma_wait3A_231, %dma_wait3A_232, %dma_wait3A_233] : memref<3x2x100xi32, #tpu.memory_space<vmem>> -> memref<1x1x100xi32, #tpu.memory_space<vmem>>
          %dma_wait3A_235 = tpu.memref_squeeze %dma_wait3A_234 : memref<1x1x100xi32, #tpu.memory_space<vmem>> -> memref<100xi32, #tpu.memory_space<vmem>>
          %dma_wait3A_236 = arith.constant 0 : i32
          %dma_wait3A_237 = arith.constant 0 : i32
          %dma_wait3A_238 = tpu.memref_slice %arg10[%dma_wait3A_236, %dma_wait3A_237] : memref<10112x128xf32, #tpu.memory_space<vmem_shared>> -> memref<10112x128xf32, #tpu.memory_space<vmem_shared>>
          tpu.wait_indirect_dma semaphore(%arg18 : memref<!tpu.dma_semaphore, #tpu.memory_space<semaphore_mem>>) src(%arg9 : memref<100x128xf32, #tpu.memory_space<vmem>>) dst(%dma_wait3A_238 : memref<10112x128xf32, #tpu.memory_space<vmem_shared>>)
        } else {
        }
        %dma_start3A_223 = arith.constant 2 : i32
        %dma_start3A_224 = arith.constant 1 : i32
        %dma_start3A_225 = arith.constant 0 : i32
        %dma_start3A_226 = tpu.memref_slice %arg6[%dma_start3A_223, %dma_start3A_224, %dma_start3A_225] : memref<3x2x100xi32, #tpu.memory_space<vmem>> -> memref<1x1x100xi32, #tpu.memory_space<vmem>>
        %dma_start3A_227 = tpu.memref_squeeze %dma_start3A_226 : memref<1x1x100xi32, #tpu.memory_space<vmem>> -> memref<100xi32, #tpu.memory_space<vmem>>
        %dma_start3A_228 = arith.constant 0 : i32
        %dma_start3A_229 = arith.constant 0 : i32
        %dma_start3A_230 = tpu.memref_slice %arg10[%dma_start3A_228, %dma_start3A_229] : memref<10112x128xf32, #tpu.memory_space<vmem_shared>> -> memref<10112x128xf32, #tpu.memory_space<vmem_shared>>
        tpu.enqueue_indirect_dma source(%arg9 : memref<100x128xf32, #tpu.memory_space<vmem>>) target(%dma_start3A_230 : memref<10112x128xf32, #tpu.memory_space<vmem_shared>>) offsets(%dma_start3A_227 : memref<100xi32, #tpu.memory_space<vmem>>) semaphore(%arg18 : memref<!tpu.dma_semaphore, #tpu.memory_space<semaphore_mem>>) {add = true}
      } else {
      }
      %add3A_198 = arith.constant 3 : i32
      %add3A_199 = arith.addi %add3A_192, %add3A_198 : i32
      %sub3A_200 = arith.constant 1 : i32
      %sub3A_201 = arith.subi %add3A_199, %sub3A_200 : i32
      %gt3A_202 = arith.constant 0 : i32
      %gt3A_203 = arith.cmpi sgt, %add3A_192, %gt3A_202 : i32
      %lt3A_204 = arith.constant 100 : i32
      %lt3A_205 = arith.cmpi slt, %sub3A_201, %lt3A_204 : i32
      %and3A_206 = arith.andi %gt3A_203, %lt3A_205 : i1
      %convert_element_type3A_207 = arith.extui %and3A_206 : i1 to i32
      %cond3A_208 = arith.constant 0 : i32
      %cond3A_209 = arith.cmpi ne, %convert_element_type3A_207, %cond3A_208 : i32
      scf.if %cond3A_209 {
        %dma_start3A_210 = arith.constant 1 : i32
        %dma_start3A_211 = arith.constant 0 : i32
        %dma_start3A_212 = arith.constant 0 : i32
        %dma_start3A_213 = tpu.memref_slice %arg6[%dma_start3A_210, %dma_start3A_211, %dma_start3A_212] : memref<3x2x100xi32, #tpu.memory_space<vmem>> -> memref<1x2x100xi32, #tpu.memory_space<vmem>>
        %dma_start3A_214 = tpu.memref_squeeze %dma_start3A_213 : memref<1x2x100xi32, #tpu.memory_space<vmem>> -> memref<2x100xi32, #tpu.memory_space<vmem>>
        %dma_start3A_215 = arith.constant 0 : i32
        %dma_start3A_216 = arith.constant 0 : i32
        %dma_start3A_217 = tpu.memref_slice %arg2[%add3A, %sub3A_201, %dma_start3A_215, %dma_start3A_216] : memref<32x100x2x100xi32, #tpu.memory_space<hbm>> -> memref<1x1x2x100xi32, #tpu.memory_space<hbm>>
        %dma_start3A_218 = tpu.memref_squeeze %dma_start3A_217 : memref<1x1x2x100xi32, #tpu.memory_space<hbm>> -> memref<2x100xi32, #tpu.memory_space<hbm>>
        %dma_start3A_219 = arith.constant 0 : i32
        %dma_start3A_220 = arith.constant 0 : i32
        %dma_start3A_221 = tpu.memref_slice %arg6[%dma_start3A_210, %dma_start3A_219, %dma_start3A_220] : memref<3x2x100xi32, #tpu.memory_space<vmem>> -> memref<1x2x100xi32, #tpu.memory_space<vmem>>
        %dma_start3A_222 = tpu.memref_squeeze %dma_start3A_221 : memref<1x2x100xi32, #tpu.memory_space<vmem>> -> memref<2x100xi32, #tpu.memory_space<vmem>>
        %dma_start3A_223 = arith.constant 0 : i32
        %dma_start3A_224 = arith.constant 0 : i32
        %dma_start3A_225 = tpu.memref_slice %arg2[%add3A, %sub3A_201, %dma_start3A_223, %dma_start3A_224] : memref<32x100x2x100xi32, #tpu.memory_space<hbm>> -> memref<1x1x2x100xi32, #tpu.memory_space<hbm>>
        %dma_start3A_226 = tpu.memref_squeeze %dma_start3A_225 : memref<1x1x2x100xi32, #tpu.memory_space<hbm>> -> memref<2x100xi32, #tpu.memory_space<hbm>>
        tpu.enqueue_dma source(%dma_start3A_226 : memref<2x100xi32, #tpu.memory_space<hbm>>) target(%dma_start3A_222 : memref<2x100xi32, #tpu.memory_space<vmem>>) target_semaphore(%arg15 : memref<!tpu.dma_semaphore, #tpu.memory_space<semaphore_mem>>)
        %dma_wait3A_227 = arith.constant 1 : i32
        %dma_wait3A_228 = arith.constant 0 : i32
        %dma_wait3A_229 = arith.constant 0 : i32
        %dma_wait3A_230 = tpu.memref_slice %arg6[%dma_wait3A_227, %dma_wait3A_228, %dma_wait3A_229] : memref<3x2x100xi32, #tpu.memory_space<vmem>> -> memref<1x2x100xi32, #tpu.memory_space<vmem>>
        %dma_wait3A_231 = tpu.memref_squeeze %dma_wait3A_230 : memref<1x2x100xi32, #tpu.memory_space<vmem>> -> memref<2x100xi32, #tpu.memory_space<vmem>>
        %dma_wait3A_232 = arith.constant 0 : i32
        %dma_wait3A_233 = arith.constant 0 : i32
        %dma_wait3A_234 = tpu.memref_slice %arg2[%add3A, %sub3A_201, %dma_wait3A_232, %dma_wait3A_233] : memref<32x100x2x100xi32, #tpu.memory_space<hbm>> -> memref<1x1x2x100xi32, #tpu.memory_space<hbm>>
        %dma_wait3A_235 = tpu.memref_squeeze %dma_wait3A_234 : memref<1x1x2x100xi32, #tpu.memory_space<hbm>> -> memref<2x100xi32, #tpu.memory_space<hbm>>
        %dma_wait3A_236 = arith.constant 0 : i32
        %dma_wait3A_237 = arith.constant 0 : i32
        %dma_wait3A_238 = tpu.memref_slice %arg6[%dma_wait3A_227, %dma_wait3A_236, %dma_wait3A_237] : memref<3x2x100xi32, #tpu.memory_space<vmem>> -> memref<1x2x100xi32, #tpu.memory_space<vmem>>
        %dma_wait3A_239 = tpu.memref_squeeze %dma_wait3A_238 : memref<1x2x100xi32, #tpu.memory_space<vmem>> -> memref<2x100xi32, #tpu.memory_space<vmem>>
        %dma_wait3A_240 = arith.constant 0 : i32
        %dma_wait3A_241 = arith.constant 0 : i32
        %dma_wait3A_242 = tpu.memref_slice %arg2[%add3A, %sub3A_201, %dma_wait3A_240, %dma_wait3A_241] : memref<32x100x2x100xi32, #tpu.memory_space<hbm>> -> memref<1x1x2x100xi32, #tpu.memory_space<hbm>>
        %dma_wait3A_243 = tpu.memref_squeeze %dma_wait3A_242 : memref<1x1x2x100xi32, #tpu.memory_space<hbm>> -> memref<2x100xi32, #tpu.memory_space<hbm>>
        tpu.wait_dma2 semaphore(%arg15 : memref<!tpu.dma_semaphore, #tpu.memory_space<semaphore_mem>>) src(%dma_wait3A_243 : memref<2x100xi32, #tpu.memory_space<hbm>>) dst(%dma_wait3A_239 : memref<2x100xi32, #tpu.memory_space<vmem>>)
        %dma_start3A_244 = arith.constant 1 : i32
        %dma_start3A_245 = arith.constant 0 : i32
        %dma_start3A_246 = arith.constant 0 : i32
        %dma_start3A_247 = tpu.memref_slice %arg6[%dma_start3A_244, %dma_start3A_245, %dma_start3A_246] : memref<3x2x100xi32, #tpu.memory_space<vmem>> -> memref<1x1x100xi32, #tpu.memory_space<vmem>>
        %dma_start3A_248 = tpu.memref_squeeze %dma_start3A_247 : memref<1x1x100xi32, #tpu.memory_space<vmem>> -> memref<100xi32, #tpu.memory_space<vmem>>
        %dma_start3A_249 = arith.constant 0 : i32
        %dma_start3A_250 = arith.constant 0 : i32
        %dma_start3A_251 = tpu.memref_slice %arg3[%dma_start3A_249, %dma_start3A_250] : memref<10112x128xf32, #tpu.memory_space<hbm>> -> memref<10112x128xf32, #tpu.memory_space<hbm>>
        tpu.enqueue_indirect_dma source(%dma_start3A_251 : memref<10112x128xf32, #tpu.memory_space<hbm>>) target(%arg8 : memref<100x128xf32, #tpu.memory_space<vmem>>) offsets(%dma_start3A_248 : memref<100xi32, #tpu.memory_space<vmem>>) semaphore(%arg12 : memref<!tpu.dma_semaphore, #tpu.memory_space<semaphore_mem>>)
      } else {
      }
    }
    %scan3A_140 = arith.constant 34 : i32
    %dma_wait3A_141 = arith.constant 0 : i32
    %dma_wait3A_142 = arith.constant 1 : i32
    %dma_wait3A_143 = arith.constant 0 : i32
    %dma_wait3A_144 = tpu.memref_slice %arg6[%dma_wait3A_141, %dma_wait3A_142, %dma_wait3A_143] : memref<3x2x100xi32, #tpu.memory_space<vmem>> -> memref<1x1x100xi32, #tpu.memory_space<vmem>>
    %dma_wait3A_145 = tpu.memref_squeeze %dma_wait3A_144 : memref<1x1x100xi32, #tpu.memory_space<vmem>> -> memref<100xi32, #tpu.memory_space<vmem>>
    %dma_wait3A_146 = arith.constant 0 : i32
    %dma_wait3A_147 = arith.constant 0 : i32
    %dma_wait3A_148 = tpu.memref_slice %arg10[%dma_wait3A_146, %dma_wait3A_147] : memref<10112x128xf32, #tpu.memory_space<vmem_shared>> -> memref<10112x128xf32, #tpu.memory_space<vmem_shared>>
    tpu.wait_indirect_dma semaphore(%arg18 : memref<!tpu.dma_semaphore, #tpu.memory_space<semaphore_mem>>) src(%arg7 : memref<100x128xf32, #tpu.memory_space<vmem>>) dst(%dma_wait3A_148 : memref<10112x128xf32, #tpu.memory_space<vmem_shared>>)
    %barrier3A_149 = arith.constant 0 : index
    tpu.barrier barrier_id(%barrier3A_149)
    %mul3A_150 = arith.constant 632 : i32
    %mul3A_151 = arith.muli %arg1, %mul3A_150 : i32
    %mul3A_152 = arith.constant 632 : i32
    %mul3A_153 = arith.muli %arg1, %mul3A_152 : i32
    "tpu.region"() ({
      %run_scoped3A = tpu.sem_alloc : memref<!tpu.dma_semaphore, #tpu.memory_space<semaphore_mem>>
      %dma_start3A_154 = arith.constant 0 : i32
      %dma_start3A_155 = tpu.memref_slice %arg5[%arg0, %mul3A_153, %dma_start3A_154] : memref<2x10112x128xf32, #tpu.memory_space<hbm>> -> memref<1x632x128xf32, #tpu.memory_space<hbm>>
      %dma_start3A_156 = tpu.memref_squeeze %dma_start3A_155 : memref<1x632x128xf32, #tpu.memory_space<hbm>> -> memref<632x128xf32, #tpu.memory_space<hbm>>
      %dma_start3A_157 = arith.constant 0 : i32
      %dma_start3A_158 = tpu.memref_slice %arg10[%mul3A_151, %dma_start3A_157] : memref<10112x128xf32, #tpu.memory_space<vmem_shared>> -> memref<632x128xf32, #tpu.memory_space<vmem_shared>>
      tpu.enqueue_dma source(%dma_start3A_158 : memref<632x128xf32, #tpu.memory_space<vmem_shared>>) target(%dma_start3A_156 : memref<632x128xf32, #tpu.memory_space<hbm>>) target_semaphore(%run_scoped3A : memref<!tpu.dma_semaphore, #tpu.memory_space<semaphore_mem>>)
      %dma_wait3A_159 = arith.constant 0 : i32
      %dma_wait3A_160 = tpu.memref_slice %arg5[%arg0, %mul3A_153, %dma_wait3A_159] : memref<2x10112x128xf32, #tpu.memory_space<hbm>> -> memref<1x632x128xf32, #tpu.memory_space<hbm>>
      %dma_wait3A_161 = tpu.memref_squeeze %dma_wait3A_160 : memref<1x632x128xf32, #tpu.memory_space<hbm>> -> memref<632x128xf32, #tpu.memory_space<hbm>>
      %dma_wait3A_162 = arith.constant 0 : i32
      %dma_wait3A_163 = tpu.memref_slice %arg10[%mul3A_151, %dma_wait3A_162] : memref<10112x128xf32, #tpu.memory_space<vmem_shared>> -> memref<632x128xf32, #tpu.memory_space<vmem_shared>>
      tpu.wait_dma2 semaphore(%run_scoped3A : memref<!tpu.dma_semaphore, #tpu.memory_space<semaphore_mem>>) src(%dma_wait3A_163 : memref<632x128xf32, #tpu.memory_space<vmem_shared>>) dst(%dma_wait3A_161 : memref<632x128xf32, #tpu.memory_space<hbm>>)
      tpu.yield
    }) : () -> ()
    return
  }
}

#map = affine_map<(d0, d1) -> (0, 0, 0, 0)>
#map1 = affine_map<(d0, d1) -> (0, 0)>
#map2 = affine_map<(d0, d1) -> (0, 0, 0)>
module attributes {stable_mosaic.version = 14 : i64} {
  func.func @hop_kernel(%arg0: i32, %arg1: i32, %arg2: memref<32x100x2x100xi32, #tpu.memory_space<hbm>>, %arg3: memref<10112x128xf32, #tpu.memory_space<hbm>>, %arg4: memref<632x128xf32, #tpu.memory_space<hbm>>, %arg5: memref<2x10112x128xf32, #tpu.memory_space<hbm>>, %arg6: memref<3x2x100xi32, #tpu.memory_space<vmem>>, %arg7: memref<100x128xf32, #tpu.memory_space<vmem>>, %arg8: memref<100x128xf32, #tpu.memory_space<vmem>>, %arg9: memref<100x128xf32, #tpu.memory_space<vmem>>, %arg10: memref<10112x128xf32, #tpu.memory_space<vmem_shared>>, %arg11: memref<!tpu.dma_semaphore, #tpu.memory_space<semaphore_mem>>, %arg12: memref<!tpu.dma_semaphore, #tpu.memory_space<semaphore_mem>>, %arg13: memref<!tpu.dma_semaphore, #tpu.memory_space<semaphore_mem>>, %arg14: memref<!tpu.dma_semaphore, #tpu.memory_space<semaphore_mem>>, %arg15: memref<!tpu.dma_semaphore, #tpu.memory_space<semaphore_mem>>, %arg16: memref<!tpu.dma_semaphore, #tpu.memory_space<semaphore_mem>>, %arg17: memref<!tpu.dma_semaphore, #tpu.memory_space<semaphore_mem>>, %arg18: memref<!tpu.dma_semaphore, #tpu.memory_space<semaphore_mem>>) attributes {dimension_semantics = [#tpu.dimension_semantics<core_parallel>, #tpu.dimension_semantics<subcore_parallel>], iteration_bounds = array<i64: 2, 16>, scalar_prefetch = 0 : i64, scratch_operands = 13 : i64, tpu.core_type = #tpu.core_type<sc_vector_subcore>, window_params = [{transform_indices = #map}, {transform_indices = #map1}, {transform_indices = #map1}, {transform_indices = #map2}]} {
    %mul3A = arith.constant 2 : i32
    %mul3A_0 = arith.muli %arg1, %mul3A : i32
    %add3A = arith.addi %mul3A_0, %arg0 : i32
    %mul3A_1 = arith.constant 632 : i32
    %mul3A_2 = arith.muli %arg1, %mul3A_1 : i32
    %dma_start3A = arith.constant 0 : i32
    %dma_start3A_3 = tpu.memref_slice %arg10[%mul3A_2, %dma_start3A] : memref<10112x128xf32, #tpu.memory_space<vmem_shared>> -> memref<632x128xf32, #tpu.memory_space<vmem_shared>>
    tpu.enqueue_dma source(%arg4 : memref<632x128xf32, #tpu.memory_space<hbm>>) target(%dma_start3A_3 : memref<632x128xf32, #tpu.memory_space<vmem_shared>>) target_semaphore(%arg17 : memref<!tpu.dma_semaphore, #tpu.memory_space<semaphore_mem>>)
    %dma_start3A_4 = arith.constant 0 : i32
    %dma_start3A_5 = arith.constant 0 : i32
    %dma_start3A_6 = arith.constant 0 : i32
    %dma_start3A_7 = arith.constant 0 : i32
    %dma_start3A_8 = tpu.memref_slice %arg6[%dma_start3A_5, %dma_start3A_6, %dma_start3A_7] : memref<3x2x100xi32, #tpu.memory_space<vmem>> -> memref<1x2x100xi32, #tpu.memory_space<vmem>>
    %dma_start3A_9 = tpu.memref_squeeze %dma_start3A_8 : memref<1x2x100xi32, #tpu.memory_space<vmem>> -> memref<2x100xi32, #tpu.memory_space<vmem>>
    %dma_start3A_10 = arith.constant 0 : i32
    %dma_start3A_11 = arith.constant 0 : i32
    %dma_start3A_12 = tpu.memref_slice %arg2[%add3A, %dma_start3A_4, %dma_start3A_10, %dma_start3A_11] : memref<32x100x2x100xi32, #tpu.memory_space<hbm>> -> memref<1x1x2x100xi32, #tpu.memory_space<hbm>>
    %dma_start3A_13 = tpu.memref_squeeze %dma_start3A_12 : memref<1x1x2x100xi32, #tpu.memory_space<hbm>> -> memref<2x100xi32, #tpu.memory_space<hbm>>
    %dma_start3A_14 = arith.constant 0 : i32
    %dma_start3A_15 = arith.constant 0 : i32
    %dma_start3A_16 = tpu.memref_slice %arg6[%dma_start3A_5, %dma_start3A_14, %dma_start3A_15] : memref<3x2x100xi32, #tpu.memory_space<vmem>> -> memref<1x2x100xi32, #tpu.memory_space<vmem>>
    %dma_start3A_17 = tpu.memref_squeeze %dma_start3A_16 : memref<1x2x100xi32, #tpu.memory_space<vmem>> -> memref<2x100xi32, #tpu.memory_space<vmem>>
    %dma_start3A_18 = arith.constant 0 : i32
    %dma_start3A_19 = arith.constant 0 : i32
    %dma_start3A_20 = tpu.memref_slice %arg2[%add3A, %dma_start3A_4, %dma_start3A_18, %dma_start3A_19] : memref<32x100x2x100xi32, #tpu.memory_space<hbm>> -> memref<1x1x2x100xi32, #tpu.memory_space<hbm>>
    %dma_start3A_21 = tpu.memref_squeeze %dma_start3A_20 : memref<1x1x2x100xi32, #tpu.memory_space<hbm>> -> memref<2x100xi32, #tpu.memory_space<hbm>>
    tpu.enqueue_dma source(%dma_start3A_21 : memref<2x100xi32, #tpu.memory_space<hbm>>) target(%dma_start3A_17 : memref<2x100xi32, #tpu.memory_space<vmem>>) target_semaphore(%arg14 : memref<!tpu.dma_semaphore, #tpu.memory_space<semaphore_mem>>)
    %dma_start3A_22 = arith.constant 1 : i32
    %dma_start3A_23 = arith.constant 1 : i32
    %dma_start3A_24 = arith.constant 0 : i32
    %dma_start3A_25 = arith.constant 0 : i32
    %dma_start3A_26 = tpu.memref_slice %arg6[%dma_start3A_23, %dma_start3A_24, %dma_start3A_25] : memref<3x2x100xi32, #tpu.memory_space<vmem>> -> memref<1x2x100xi32, #tpu.memory_space<vmem>>
    %dma_start3A_27 = tpu.memref_squeeze %dma_start3A_26 : memref<1x2x100xi32, #tpu.memory_space<vmem>> -> memref<2x100xi32, #tpu.memory_space<vmem>>
    %dma_start3A_28 = arith.constant 0 : i32
    %dma_start3A_29 = arith.constant 0 : i32
    %dma_start3A_30 = tpu.memref_slice %arg2[%add3A, %dma_start3A_22, %dma_start3A_28, %dma_start3A_29] : memref<32x100x2x100xi32, #tpu.memory_space<hbm>> -> memref<1x1x2x100xi32, #tpu.memory_space<hbm>>
    %dma_start3A_31 = tpu.memref_squeeze %dma_start3A_30 : memref<1x1x2x100xi32, #tpu.memory_space<hbm>> -> memref<2x100xi32, #tpu.memory_space<hbm>>
    %dma_start3A_32 = arith.constant 0 : i32
    %dma_start3A_33 = arith.constant 0 : i32
    %dma_start3A_34 = tpu.memref_slice %arg6[%dma_start3A_23, %dma_start3A_32, %dma_start3A_33] : memref<3x2x100xi32, #tpu.memory_space<vmem>> -> memref<1x2x100xi32, #tpu.memory_space<vmem>>
    %dma_start3A_35 = tpu.memref_squeeze %dma_start3A_34 : memref<1x2x100xi32, #tpu.memory_space<vmem>> -> memref<2x100xi32, #tpu.memory_space<vmem>>
    %dma_start3A_36 = arith.constant 0 : i32
    %dma_start3A_37 = arith.constant 0 : i32
    %dma_start3A_38 = tpu.memref_slice %arg2[%add3A, %dma_start3A_22, %dma_start3A_36, %dma_start3A_37] : memref<32x100x2x100xi32, #tpu.memory_space<hbm>> -> memref<1x1x2x100xi32, #tpu.memory_space<hbm>>
    %dma_start3A_39 = tpu.memref_squeeze %dma_start3A_38 : memref<1x1x2x100xi32, #tpu.memory_space<hbm>> -> memref<2x100xi32, #tpu.memory_space<hbm>>
    tpu.enqueue_dma source(%dma_start3A_39 : memref<2x100xi32, #tpu.memory_space<hbm>>) target(%dma_start3A_35 : memref<2x100xi32, #tpu.memory_space<vmem>>) target_semaphore(%arg15 : memref<!tpu.dma_semaphore, #tpu.memory_space<semaphore_mem>>)
    %dma_start3A_40 = arith.constant 2 : i32
    %dma_start3A_41 = arith.constant 2 : i32
    %dma_start3A_42 = arith.constant 0 : i32
    %dma_start3A_43 = arith.constant 0 : i32
    %dma_start3A_44 = tpu.memref_slice %arg6[%dma_start3A_41, %dma_start3A_42, %dma_start3A_43] : memref<3x2x100xi32, #tpu.memory_space<vmem>> -> memref<1x2x100xi32, #tpu.memory_space<vmem>>
    %dma_start3A_45 = tpu.memref_squeeze %dma_start3A_44 : memref<1x2x100xi32, #tpu.memory_space<vmem>> -> memref<2x100xi32, #tpu.memory_space<vmem>>
    %dma_start3A_46 = arith.constant 0 : i32
    %dma_start3A_47 = arith.constant 0 : i32
    %dma_start3A_48 = tpu.memref_slice %arg2[%add3A, %dma_start3A_40, %dma_start3A_46, %dma_start3A_47] : memref<32x100x2x100xi32, #tpu.memory_space<hbm>> -> memref<1x1x2x100xi32, #tpu.memory_space<hbm>>
    %dma_start3A_49 = tpu.memref_squeeze %dma_start3A_48 : memref<1x1x2x100xi32, #tpu.memory_space<hbm>> -> memref<2x100xi32, #tpu.memory_space<hbm>>
    %dma_start3A_50 = arith.constant 0 : i32
    %dma_start3A_51 = arith.constant 0 : i32
    %dma_start3A_52 = tpu.memref_slice %arg6[%dma_start3A_41, %dma_start3A_50, %dma_start3A_51] : memref<3x2x100xi32, #tpu.memory_space<vmem>> -> memref<1x2x100xi32, #tpu.memory_space<vmem>>
    %dma_start3A_53 = tpu.memref_squeeze %dma_start3A_52 : memref<1x2x100xi32, #tpu.memory_space<vmem>> -> memref<2x100xi32, #tpu.memory_space<vmem>>
    %dma_start3A_54 = arith.constant 0 : i32
    %dma_start3A_55 = arith.constant 0 : i32
    %dma_start3A_56 = tpu.memref_slice %arg2[%add3A, %dma_start3A_40, %dma_start3A_54, %dma_start3A_55] : memref<32x100x2x100xi32, #tpu.memory_space<hbm>> -> memref<1x1x2x100xi32, #tpu.memory_space<hbm>>
    %dma_start3A_57 = tpu.memref_squeeze %dma_start3A_56 : memref<1x1x2x100xi32, #tpu.memory_space<hbm>> -> memref<2x100xi32, #tpu.memory_space<hbm>>
    tpu.enqueue_dma source(%dma_start3A_57 : memref<2x100xi32, #tpu.memory_space<hbm>>) target(%dma_start3A_53 : memref<2x100xi32, #tpu.memory_space<vmem>>) target_semaphore(%arg16 : memref<!tpu.dma_semaphore, #tpu.memory_space<semaphore_mem>>)
    %dma_wait3A = arith.constant 0 : i32
    %dma_wait3A_58 = arith.constant 0 : i32
    %dma_wait3A_59 = arith.constant 0 : i32
    %dma_wait3A_60 = arith.constant 0 : i32
    %dma_wait3A_61 = tpu.memref_slice %arg6[%dma_wait3A_58, %dma_wait3A_59, %dma_wait3A_60] : memref<3x2x100xi32, #tpu.memory_space<vmem>> -> memref<1x2x100xi32, #tpu.memory_space<vmem>>
    %dma_wait3A_62 = tpu.memref_squeeze %dma_wait3A_61 : memref<1x2x100xi32, #tpu.memory_space<vmem>> -> memref<2x100xi32, #tpu.memory_space<vmem>>
    %dma_wait3A_63 = arith.constant 0 : i32
    %dma_wait3A_64 = arith.constant 0 : i32
    %dma_wait3A_65 = tpu.memref_slice %arg2[%add3A, %dma_wait3A, %dma_wait3A_63, %dma_wait3A_64] : memref<32x100x2x100xi32, #tpu.memory_space<hbm>> -> memref<1x1x2x100xi32, #tpu.memory_space<hbm>>
    %dma_wait3A_66 = tpu.memref_squeeze %dma_wait3A_65 : memref<1x1x2x100xi32, #tpu.memory_space<hbm>> -> memref<2x100xi32, #tpu.memory_space<hbm>>
    %dma_wait3A_67 = arith.constant 0 : i32
    %dma_wait3A_68 = arith.constant 0 : i32
    %dma_wait3A_69 = tpu.memref_slice %arg6[%dma_wait3A_58, %dma_wait3A_67, %dma_wait3A_68] : memref<3x2x100xi32, #tpu.memory_space<vmem>> -> memref<1x2x100xi32, #tpu.memory_space<vmem>>
    %dma_wait3A_70 = tpu.memref_squeeze %dma_wait3A_69 : memref<1x2x100xi32, #tpu.memory_space<vmem>> -> memref<2x100xi32, #tpu.memory_space<vmem>>
    %dma_wait3A_71 = arith.constant 0 : i32
    %dma_wait3A_72 = arith.constant 0 : i32
    %dma_wait3A_73 = tpu.memref_slice %arg2[%add3A, %dma_wait3A, %dma_wait3A_71, %dma_wait3A_72] : memref<32x100x2x100xi32, #tpu.memory_space<hbm>> -> memref<1x1x2x100xi32, #tpu.memory_space<hbm>>
    %dma_wait3A_74 = tpu.memref_squeeze %dma_wait3A_73 : memref<1x1x2x100xi32, #tpu.memory_space<hbm>> -> memref<2x100xi32, #tpu.memory_space<hbm>>
    tpu.wait_dma2 semaphore(%arg14 : memref<!tpu.dma_semaphore, #tpu.memory_space<semaphore_mem>>) src(%dma_wait3A_74 : memref<2x100xi32, #tpu.memory_space<hbm>>) dst(%dma_wait3A_70 : memref<2x100xi32, #tpu.memory_space<vmem>>)
    %dma_start3A_75 = arith.constant 0 : i32
    %dma_start3A_76 = arith.constant 0 : i32
    %dma_start3A_77 = arith.constant 0 : i32
    %dma_start3A_78 = tpu.memref_slice %arg6[%dma_start3A_75, %dma_start3A_76, %dma_start3A_77] : memref<3x2x100xi32, #tpu.memory_space<vmem>> -> memref<1x1x100xi32, #tpu.memory_space<vmem>>
    %dma_start3A_79 = tpu.memref_squeeze %dma_start3A_78 : memref<1x1x100xi32, #tpu.memory_space<vmem>> -> memref<100xi32, #tpu.memory_space<vmem>>
    %dma_start3A_80 = arith.constant 0 : i32
    %dma_start3A_81 = arith.constant 0 : i32
    %dma_start3A_82 = tpu.memref_slice %arg3[%dma_start3A_80, %dma_start3A_81] : memref<10112x128xf32, #tpu.memory_space<hbm>> -> memref<10112x128xf32, #tpu.memory_space<hbm>>
    tpu.enqueue_indirect_dma source(%dma_start3A_82 : memref<10112x128xf32, #tpu.memory_space<hbm>>) target(%arg7 : memref<100x128xf32, #tpu.memory_space<vmem>>) offsets(%dma_start3A_79 : memref<100xi32, #tpu.memory_space<vmem>>) semaphore(%arg11 : memref<!tpu.dma_semaphore, #tpu.memory_space<semaphore_mem>>)
    %dma_wait3A_83 = arith.constant 1 : i32
    %dma_wait3A_84 = arith.constant 1 : i32
    %dma_wait3A_85 = arith.constant 0 : i32
    %dma_wait3A_86 = arith.constant 0 : i32
    %dma_wait3A_87 = tpu.memref_slice %arg6[%dma_wait3A_84, %dma_wait3A_85, %dma_wait3A_86] : memref<3x2x100xi32, #tpu.memory_space<vmem>> -> memref<1x2x100xi32, #tpu.memory_space<vmem>>
    %dma_wait3A_88 = tpu.memref_squeeze %dma_wait3A_87 : memref<1x2x100xi32, #tpu.memory_space<vmem>> -> memref<2x100xi32, #tpu.memory_space<vmem>>
    %dma_wait3A_89 = arith.constant 0 : i32
    %dma_wait3A_90 = arith.constant 0 : i32
    %dma_wait3A_91 = tpu.memref_slice %arg2[%add3A, %dma_wait3A_83, %dma_wait3A_89, %dma_wait3A_90] : memref<32x100x2x100xi32, #tpu.memory_space<hbm>> -> memref<1x1x2x100xi32, #tpu.memory_space<hbm>>
    %dma_wait3A_92 = tpu.memref_squeeze %dma_wait3A_91 : memref<1x1x2x100xi32, #tpu.memory_space<hbm>> -> memref<2x100xi32, #tpu.memory_space<hbm>>
    %dma_wait3A_93 = arith.constant 0 : i32
    %dma_wait3A_94 = arith.constant 0 : i32
    %dma_wait3A_95 = tpu.memref_slice %arg6[%dma_wait3A_84, %dma_wait3A_93, %dma_wait3A_94] : memref<3x2x100xi32, #tpu.memory_space<vmem>> -> memref<1x2x100xi32, #tpu.memory_space<vmem>>
    %dma_wait3A_96 = tpu.memref_squeeze %dma_wait3A_95 : memref<1x2x100xi32, #tpu.memory_space<vmem>> -> memref<2x100xi32, #tpu.memory_space<vmem>>
    %dma_wait3A_97 = arith.constant 0 : i32
    %dma_wait3A_98 = arith.constant 0 : i32
    %dma_wait3A_99 = tpu.memref_slice %arg2[%add3A, %dma_wait3A_83, %dma_wait3A_97, %dma_wait3A_98] : memref<32x100x2x100xi32, #tpu.memory_space<hbm>> -> memref<1x1x2x100xi32, #tpu.memory_space<hbm>>
    %dma_wait3A_100 = tpu.memref_squeeze %dma_wait3A_99 : memref<1x1x2x100xi32, #tpu.memory_space<hbm>> -> memref<2x100xi32, #tpu.memory_space<hbm>>
    tpu.wait_dma2 semaphore(%arg15 : memref<!tpu.dma_semaphore, #tpu.memory_space<semaphore_mem>>) src(%dma_wait3A_100 : memref<2x100xi32, #tpu.memory_space<hbm>>) dst(%dma_wait3A_96 : memref<2x100xi32, #tpu.memory_space<vmem>>)
    %dma_start3A_101 = arith.constant 1 : i32
    %dma_start3A_102 = arith.constant 0 : i32
    %dma_start3A_103 = arith.constant 0 : i32
    %dma_start3A_104 = tpu.memref_slice %arg6[%dma_start3A_101, %dma_start3A_102, %dma_start3A_103] : memref<3x2x100xi32, #tpu.memory_space<vmem>> -> memref<1x1x100xi32, #tpu.memory_space<vmem>>
    %dma_start3A_105 = tpu.memref_squeeze %dma_start3A_104 : memref<1x1x100xi32, #tpu.memory_space<vmem>> -> memref<100xi32, #tpu.memory_space<vmem>>
    %dma_start3A_106 = arith.constant 0 : i32
    %dma_start3A_107 = arith.constant 0 : i32
    %dma_start3A_108 = tpu.memref_slice %arg3[%dma_start3A_106, %dma_start3A_107] : memref<10112x128xf32, #tpu.memory_space<hbm>> -> memref<10112x128xf32, #tpu.memory_space<hbm>>
    tpu.enqueue_indirect_dma source(%dma_start3A_108 : memref<10112x128xf32, #tpu.memory_space<hbm>>) target(%arg8 : memref<100x128xf32, #tpu.memory_space<vmem>>) offsets(%dma_start3A_105 : memref<100xi32, #tpu.memory_space<vmem>>) semaphore(%arg12 : memref<!tpu.dma_semaphore, #tpu.memory_space<semaphore_mem>>)
    %dma_wait3A_109 = arith.constant 2 : i32
    %dma_wait3A_110 = arith.constant 2 : i32
    %dma_wait3A_111 = arith.constant 0 : i32
    %dma_wait3A_112 = arith.constant 0 : i32
    %dma_wait3A_113 = tpu.memref_slice %arg6[%dma_wait3A_110, %dma_wait3A_111, %dma_wait3A_112] : memref<3x2x100xi32, #tpu.memory_space<vmem>> -> memref<1x2x100xi32, #tpu.memory_space<vmem>>
    %dma_wait3A_114 = tpu.memref_squeeze %dma_wait3A_113 : memref<1x2x100xi32, #tpu.memory_space<vmem>> -> memref<2x100xi32, #tpu.memory_space<vmem>>
    %dma_wait3A_115 = arith.constant 0 : i32
    %dma_wait3A_116 = arith.constant 0 : i32
    %dma_wait3A_117 = tpu.memref_slice %arg2[%add3A, %dma_wait3A_109, %dma_wait3A_115, %dma_wait3A_116] : memref<32x100x2x100xi32, #tpu.memory_space<hbm>> -> memref<1x1x2x100xi32, #tpu.memory_space<hbm>>
    %dma_wait3A_118 = tpu.memref_squeeze %dma_wait3A_117 : memref<1x1x2x100xi32, #tpu.memory_space<hbm>> -> memref<2x100xi32, #tpu.memory_space<hbm>>
    %dma_wait3A_119 = arith.constant 0 : i32
    %dma_wait3A_120 = arith.constant 0 : i32
    %dma_wait3A_121 = tpu.memref_slice %arg6[%dma_wait3A_110, %dma_wait3A_119, %dma_wait3A_120] : memref<3x2x100xi32, #tpu.memory_space<vmem>> -> memref<1x2x100xi32, #tpu.memory_space<vmem>>
    %dma_wait3A_122 = tpu.memref_squeeze %dma_wait3A_121 : memref<1x2x100xi32, #tpu.memory_space<vmem>> -> memref<2x100xi32, #tpu.memory_space<vmem>>
    %dma_wait3A_123 = arith.constant 0 : i32
    %dma_wait3A_124 = arith.constant 0 : i32
    %dma_wait3A_125 = tpu.memref_slice %arg2[%add3A, %dma_wait3A_109, %dma_wait3A_123, %dma_wait3A_124] : memref<32x100x2x100xi32, #tpu.memory_space<hbm>> -> memref<1x1x2x100xi32, #tpu.memory_space<hbm>>
    %dma_wait3A_126 = tpu.memref_squeeze %dma_wait3A_125 : memref<1x1x2x100xi32, #tpu.memory_space<hbm>> -> memref<2x100xi32, #tpu.memory_space<hbm>>
    tpu.wait_dma2 semaphore(%arg16 : memref<!tpu.dma_semaphore, #tpu.memory_space<semaphore_mem>>) src(%dma_wait3A_126 : memref<2x100xi32, #tpu.memory_space<hbm>>) dst(%dma_wait3A_122 : memref<2x100xi32, #tpu.memory_space<vmem>>)
    %dma_start3A_127 = arith.constant 2 : i32
    %dma_start3A_128 = arith.constant 0 : i32
    %dma_start3A_129 = arith.constant 0 : i32
    %dma_start3A_130 = tpu.memref_slice %arg6[%dma_start3A_127, %dma_start3A_128, %dma_start3A_129] : memref<3x2x100xi32, #tpu.memory_space<vmem>> -> memref<1x1x100xi32, #tpu.memory_space<vmem>>
    %dma_start3A_131 = tpu.memref_squeeze %dma_start3A_130 : memref<1x1x100xi32, #tpu.memory_space<vmem>> -> memref<100xi32, #tpu.memory_space<vmem>>
    %dma_start3A_132 = arith.constant 0 : i32
    %dma_start3A_133 = arith.constant 0 : i32
    %dma_start3A_134 = tpu.memref_slice %arg3[%dma_start3A_132, %dma_start3A_133] : memref<10112x128xf32, #tpu.memory_space<hbm>> -> memref<10112x128xf32, #tpu.memory_space<hbm>>
    tpu.enqueue_indirect_dma source(%dma_start3A_134 : memref<10112x128xf32, #tpu.memory_space<hbm>>) target(%arg9 : memref<100x128xf32, #tpu.memory_space<vmem>>) offsets(%dma_start3A_131 : memref<100xi32, #tpu.memory_space<vmem>>) semaphore(%arg13 : memref<!tpu.dma_semaphore, #tpu.memory_space<semaphore_mem>>)
    %dma_wait3A_135 = arith.constant 0 : i32
    %dma_wait3A_136 = tpu.memref_slice %arg10[%mul3A_2, %dma_wait3A_135] : memref<10112x128xf32, #tpu.memory_space<vmem_shared>> -> memref<632x128xf32, #tpu.memory_space<vmem_shared>>
    tpu.wait_dma2 semaphore(%arg17 : memref<!tpu.dma_semaphore, #tpu.memory_space<semaphore_mem>>) src(%arg4 : memref<632x128xf32, #tpu.memory_space<hbm>>) dst(%dma_wait3A_136 : memref<632x128xf32, #tpu.memory_space<vmem_shared>>)
    %barrier3A = arith.constant 0 : index
    tpu.barrier barrier_id(%barrier3A)
    %scan3A = arith.constant 0 : i32
    %scan3A_137 = arith.constant 34 : i32
    %scan3A_138 = arith.addi %scan3A, %scan3A_137 : i32
    %scan3A_139 = arith.constant 1 : i32
    scf.for %scan3A_154 = %scan3A to %scan3A_138 step %scan3A_139  : i32 {
      %mul3A_155 = arith.constant 3 : i32
      %mul3A_156 = arith.muli %scan3A_154, %mul3A_155 : i32
      %add3A_157 = arith.constant 0 : i32
      %add3A_158 = arith.addi %add3A_157, %mul3A_156 : i32
      %add3A_159 = arith.constant 0 : i32
      %add3A_160 = arith.addi %add3A_158, %add3A_159 : i32
      %lt3A = arith.constant 100 : i32
      %lt3A_161 = arith.cmpi slt, %add3A_160, %lt3A : i32
      %convert_element_type3A = arith.extui %lt3A_161 : i1 to i32
      %cond3A = arith.constant 0 : i32
      %cond3A_162 = arith.cmpi ne, %convert_element_type3A, %cond3A : i32
      scf.if %cond3A_162 {
        %dma_wait3A_210 = arith.constant 0 : i32
        %dma_wait3A_211 = arith.constant 0 : i32
        %dma_wait3A_212 = arith.constant 0 : i32
        %dma_wait3A_213 = tpu.memref_slice %arg6[%dma_wait3A_210, %dma_wait3A_211, %dma_wait3A_212] : memref<3x2x100xi32, #tpu.memory_space<vmem>> -> memref<1x1x100xi32, #tpu.memory_space<vmem>>
        %dma_wait3A_214 = tpu.memref_squeeze %dma_wait3A_213 : memref<1x1x100xi32, #tpu.memory_space<vmem>> -> memref<100xi32, #tpu.memory_space<vmem>>
        %dma_wait3A_215 = arith.constant 0 : i32
        %dma_wait3A_216 = arith.constant 0 : i32
        %dma_wait3A_217 = tpu.memref_slice %arg3[%dma_wait3A_215, %dma_wait3A_216] : memref<10112x128xf32, #tpu.memory_space<hbm>> -> memref<10112x128xf32, #tpu.memory_space<hbm>>
        tpu.wait_indirect_dma semaphore(%arg11 : memref<!tpu.dma_semaphore, #tpu.memory_space<semaphore_mem>>) src(%dma_wait3A_217 : memref<10112x128xf32, #tpu.memory_space<hbm>>) dst(%arg7 : memref<100x128xf32, #tpu.memory_space<vmem>>)
        %gt3A_218 = arith.constant 0 : i32
        %gt3A_219 = arith.cmpi sgt, %add3A_160, %gt3A_218 : i32
        %convert_element_type3A_220 = arith.extui %gt3A_219 : i1 to i32
        %cond3A_221 = arith.constant 0 : i32
        %cond3A_222 = arith.cmpi ne, %convert_element_type3A_220, %cond3A_221 : i32
        scf.if %cond3A_222 {
          %dma_wait3A_231 = arith.constant 0 : i32
          %dma_wait3A_232 = arith.constant 1 : i32
          %dma_wait3A_233 = arith.constant 0 : i32
          %dma_wait3A_234 = tpu.memref_slice %arg6[%dma_wait3A_231, %dma_wait3A_232, %dma_wait3A_233] : memref<3x2x100xi32, #tpu.memory_space<vmem>> -> memref<1x1x100xi32, #tpu.memory_space<vmem>>
          %dma_wait3A_235 = tpu.memref_squeeze %dma_wait3A_234 : memref<1x1x100xi32, #tpu.memory_space<vmem>> -> memref<100xi32, #tpu.memory_space<vmem>>
          %dma_wait3A_236 = arith.constant 0 : i32
          %dma_wait3A_237 = arith.constant 0 : i32
          %dma_wait3A_238 = tpu.memref_slice %arg10[%dma_wait3A_236, %dma_wait3A_237] : memref<10112x128xf32, #tpu.memory_space<vmem_shared>> -> memref<10112x128xf32, #tpu.memory_space<vmem_shared>>
          tpu.wait_indirect_dma semaphore(%arg18 : memref<!tpu.dma_semaphore, #tpu.memory_space<semaphore_mem>>) src(%arg7 : memref<100x128xf32, #tpu.memory_space<vmem>>) dst(%dma_wait3A_238 : memref<10112x128xf32, #tpu.memory_space<vmem_shared>>)
        } else {
        }
        %dma_start3A_223 = arith.constant 0 : i32
        %dma_start3A_224 = arith.constant 1 : i32
        %dma_start3A_225 = arith.constant 0 : i32
        %dma_start3A_226 = tpu.memref_slice %arg6[%dma_start3A_223, %dma_start3A_224, %dma_start3A_225] : memref<3x2x100xi32, #tpu.memory_space<vmem>> -> memref<1x1x100xi32, #tpu.memory_space<vmem>>
        %dma_start3A_227 = tpu.memref_squeeze %dma_start3A_226 : memref<1x1x100xi32, #tpu.memory_space<vmem>> -> memref<100xi32, #tpu.memory_space<vmem>>
        %dma_start3A_228 = arith.constant 0 : i32
        %dma_start3A_229 = arith.constant 0 : i32
        %dma_start3A_230 = tpu.memref_slice %arg10[%dma_start3A_228, %dma_start3A_229] : memref<10112x128xf32, #tpu.memory_space<vmem_shared>> -> memref<10112x128xf32, #tpu.memory_space<vmem_shared>>
        tpu.enqueue_indirect_dma source(%arg7 : memref<100x128xf32, #tpu.memory_space<vmem>>) target(%dma_start3A_230 : memref<10112x128xf32, #tpu.memory_space<vmem_shared>>) offsets(%dma_start3A_227 : memref<100xi32, #tpu.memory_space<vmem>>) semaphore(%arg18 : memref<!tpu.dma_semaphore, #tpu.memory_space<semaphore_mem>>) {add = true}
      } else {
      }
      %add3A_163 = arith.constant 3 : i32
      %add3A_164 = arith.addi %add3A_160, %add3A_163 : i32
      %sub3A = arith.constant 1 : i32
      %sub3A_165 = arith.subi %add3A_164, %sub3A : i32
      %gt3A = arith.constant 0 : i32
      %gt3A_166 = arith.cmpi sgt, %add3A_160, %gt3A : i32
      %lt3A_167 = arith.constant 100 : i32
      %lt3A_168 = arith.cmpi slt, %sub3A_165, %lt3A_167 : i32
      %and3A = arith.andi %gt3A_166, %lt3A_168 : i1
      %convert_element_type3A_169 = arith.extui %and3A : i1 to i32
      %cond3A_170 = arith.constant 0 : i32
      %cond3A_171 = arith.cmpi ne, %convert_element_type3A_169, %cond3A_170 : i32
      scf.if %cond3A_171 {
        %dma_start3A_210 = arith.constant 2 : i32
        %dma_start3A_211 = arith.constant 0 : i32
        %dma_start3A_212 = arith.constant 0 : i32
        %dma_start3A_213 = tpu.memref_slice %arg6[%dma_start3A_210, %dma_start3A_211, %dma_start3A_212] : memref<3x2x100xi32, #tpu.memory_space<vmem>> -> memref<1x2x100xi32, #tpu.memory_space<vmem>>
        %dma_start3A_214 = tpu.memref_squeeze %dma_start3A_213 : memref<1x2x100xi32, #tpu.memory_space<vmem>> -> memref<2x100xi32, #tpu.memory_space<vmem>>
        %dma_start3A_215 = arith.constant 0 : i32
        %dma_start3A_216 = arith.constant 0 : i32
        %dma_start3A_217 = tpu.memref_slice %arg2[%add3A, %sub3A_165, %dma_start3A_215, %dma_start3A_216] : memref<32x100x2x100xi32, #tpu.memory_space<hbm>> -> memref<1x1x2x100xi32, #tpu.memory_space<hbm>>
        %dma_start3A_218 = tpu.memref_squeeze %dma_start3A_217 : memref<1x1x2x100xi32, #tpu.memory_space<hbm>> -> memref<2x100xi32, #tpu.memory_space<hbm>>
        %dma_start3A_219 = arith.constant 0 : i32
        %dma_start3A_220 = arith.constant 0 : i32
        %dma_start3A_221 = tpu.memref_slice %arg6[%dma_start3A_210, %dma_start3A_219, %dma_start3A_220] : memref<3x2x100xi32, #tpu.memory_space<vmem>> -> memref<1x2x100xi32, #tpu.memory_space<vmem>>
        %dma_start3A_222 = tpu.memref_squeeze %dma_start3A_221 : memref<1x2x100xi32, #tpu.memory_space<vmem>> -> memref<2x100xi32, #tpu.memory_space<vmem>>
        %dma_start3A_223 = arith.constant 0 : i32
        %dma_start3A_224 = arith.constant 0 : i32
        %dma_start3A_225 = tpu.memref_slice %arg2[%add3A, %sub3A_165, %dma_start3A_223, %dma_start3A_224] : memref<32x100x2x100xi32, #tpu.memory_space<hbm>> -> memref<1x1x2x100xi32, #tpu.memory_space<hbm>>
        %dma_start3A_226 = tpu.memref_squeeze %dma_start3A_225 : memref<1x1x2x100xi32, #tpu.memory_space<hbm>> -> memref<2x100xi32, #tpu.memory_space<hbm>>
        tpu.enqueue_dma source(%dma_start3A_226 : memref<2x100xi32, #tpu.memory_space<hbm>>) target(%dma_start3A_222 : memref<2x100xi32, #tpu.memory_space<vmem>>) target_semaphore(%arg16 : memref<!tpu.dma_semaphore, #tpu.memory_space<semaphore_mem>>)
        %dma_wait3A_227 = arith.constant 2 : i32
        %dma_wait3A_228 = arith.constant 0 : i32
        %dma_wait3A_229 = arith.constant 0 : i32
        %dma_wait3A_230 = tpu.memref_slice %arg6[%dma_wait3A_227, %dma_wait3A_228, %dma_wait3A_229] : memref<3x2x100xi32, #tpu.memory_space<vmem>> -> memref<1x2x100xi32, #tpu.memory_space<vmem>>
        %dma_wait3A_231 = tpu.memref_squeeze %dma_wait3A_230 : memref<1x2x100xi32, #tpu.memory_space<vmem>> -> memref<2x100xi32, #tpu.memory_space<vmem>>
        %dma_wait3A_232 = arith.constant 0 : i32
        %dma_wait3A_233 = arith.constant 0 : i32
        %dma_wait3A_234 = tpu.memref_slice %arg2[%add3A, %sub3A_165, %dma_wait3A_232, %dma_wait3A_233] : memref<32x100x2x100xi32, #tpu.memory_space<hbm>> -> memref<1x1x2x100xi32, #tpu.memory_space<hbm>>
        %dma_wait3A_235 = tpu.memref_squeeze %dma_wait3A_234 : memref<1x1x2x100xi32, #tpu.memory_space<hbm>> -> memref<2x100xi32, #tpu.memory_space<hbm>>
        %dma_wait3A_236 = arith.constant 0 : i32
        %dma_wait3A_237 = arith.constant 0 : i32
        %dma_wait3A_238 = tpu.memref_slice %arg6[%dma_wait3A_227, %dma_wait3A_236, %dma_wait3A_237] : memref<3x2x100xi32, #tpu.memory_space<vmem>> -> memref<1x2x100xi32, #tpu.memory_space<vmem>>
        %dma_wait3A_239 = tpu.memref_squeeze %dma_wait3A_238 : memref<1x2x100xi32, #tpu.memory_space<vmem>> -> memref<2x100xi32, #tpu.memory_space<vmem>>
        %dma_wait3A_240 = arith.constant 0 : i32
        %dma_wait3A_241 = arith.constant 0 : i32
        %dma_wait3A_242 = tpu.memref_slice %arg2[%add3A, %sub3A_165, %dma_wait3A_240, %dma_wait3A_241] : memref<32x100x2x100xi32, #tpu.memory_space<hbm>> -> memref<1x1x2x100xi32, #tpu.memory_space<hbm>>
        %dma_wait3A_243 = tpu.memref_squeeze %dma_wait3A_242 : memref<1x1x2x100xi32, #tpu.memory_space<hbm>> -> memref<2x100xi32, #tpu.memory_space<hbm>>
        tpu.wait_dma2 semaphore(%arg16 : memref<!tpu.dma_semaphore, #tpu.memory_space<semaphore_mem>>) src(%dma_wait3A_243 : memref<2x100xi32, #tpu.memory_space<hbm>>) dst(%dma_wait3A_239 : memref<2x100xi32, #tpu.memory_space<vmem>>)
        %dma_start3A_244 = arith.constant 2 : i32
        %dma_start3A_245 = arith.constant 0 : i32
        %dma_start3A_246 = arith.constant 0 : i32
        %dma_start3A_247 = tpu.memref_slice %arg6[%dma_start3A_244, %dma_start3A_245, %dma_start3A_246] : memref<3x2x100xi32, #tpu.memory_space<vmem>> -> memref<1x1x100xi32, #tpu.memory_space<vmem>>
        %dma_start3A_248 = tpu.memref_squeeze %dma_start3A_247 : memref<1x1x100xi32, #tpu.memory_space<vmem>> -> memref<100xi32, #tpu.memory_space<vmem>>
        %dma_start3A_249 = arith.constant 0 : i32
        %dma_start3A_250 = arith.constant 0 : i32
        %dma_start3A_251 = tpu.memref_slice %arg3[%dma_start3A_249, %dma_start3A_250] : memref<10112x128xf32, #tpu.memory_space<hbm>> -> memref<10112x128xf32, #tpu.memory_space<hbm>>
        tpu.enqueue_indirect_dma source(%dma_start3A_251 : memref<10112x128xf32, #tpu.memory_space<hbm>>) target(%arg9 : memref<100x128xf32, #tpu.memory_space<vmem>>) offsets(%dma_start3A_248 : memref<100xi32, #tpu.memory_space<vmem>>) semaphore(%arg13 : memref<!tpu.dma_semaphore, #tpu.memory_space<semaphore_mem>>)
      } else {
      }
      %add3A_172 = arith.constant 1 : i32
      %add3A_173 = arith.addi %add3A_158, %add3A_172 : i32
      %lt3A_174 = arith.constant 100 : i32
      %lt3A_175 = arith.cmpi slt, %add3A_173, %lt3A_174 : i32
      %convert_element_type3A_176 = arith.extui %lt3A_175 : i1 to i32
      %cond3A_177 = arith.constant 0 : i32
      %cond3A_178 = arith.cmpi ne, %convert_element_type3A_176, %cond3A_177 : i32
      scf.if %cond3A_178 {
        %dma_wait3A_210 = arith.constant 1 : i32
        %dma_wait3A_211 = arith.constant 0 : i32
        %dma_wait3A_212 = arith.constant 0 : i32
        %dma_wait3A_213 = tpu.memref_slice %arg6[%dma_wait3A_210, %dma_wait3A_211, %dma_wait3A_212] : memref<3x2x100xi32, #tpu.memory_space<vmem>> -> memref<1x1x100xi32, #tpu.memory_space<vmem>>
        %dma_wait3A_214 = tpu.memref_squeeze %dma_wait3A_213 : memref<1x1x100xi32, #tpu.memory_space<vmem>> -> memref<100xi32, #tpu.memory_space<vmem>>
        %dma_wait3A_215 = arith.constant 0 : i32
        %dma_wait3A_216 = arith.constant 0 : i32
        %dma_wait3A_217 = tpu.memref_slice %arg3[%dma_wait3A_215, %dma_wait3A_216] : memref<10112x128xf32, #tpu.memory_space<hbm>> -> memref<10112x128xf32, #tpu.memory_space<hbm>>
        tpu.wait_indirect_dma semaphore(%arg12 : memref<!tpu.dma_semaphore, #tpu.memory_space<semaphore_mem>>) src(%dma_wait3A_217 : memref<10112x128xf32, #tpu.memory_space<hbm>>) dst(%arg8 : memref<100x128xf32, #tpu.memory_space<vmem>>)
        %gt3A_218 = arith.constant 0 : i32
        %gt3A_219 = arith.cmpi sgt, %add3A_173, %gt3A_218 : i32
        %convert_element_type3A_220 = arith.extui %gt3A_219 : i1 to i32
        %cond3A_221 = arith.constant 0 : i32
        %cond3A_222 = arith.cmpi ne, %convert_element_type3A_220, %cond3A_221 : i32
        scf.if %cond3A_222 {
          %dma_wait3A_231 = arith.constant 1 : i32
          %dma_wait3A_232 = arith.constant 1 : i32
          %dma_wait3A_233 = arith.constant 0 : i32
          %dma_wait3A_234 = tpu.memref_slice %arg6[%dma_wait3A_231, %dma_wait3A_232, %dma_wait3A_233] : memref<3x2x100xi32, #tpu.memory_space<vmem>> -> memref<1x1x100xi32, #tpu.memory_space<vmem>>
          %dma_wait3A_235 = tpu.memref_squeeze %dma_wait3A_234 : memref<1x1x100xi32, #tpu.memory_space<vmem>> -> memref<100xi32, #tpu.memory_space<vmem>>
          %dma_wait3A_236 = arith.constant 0 : i32
          %dma_wait3A_237 = arith.constant 0 : i32
          %dma_wait3A_238 = tpu.memref_slice %arg10[%dma_wait3A_236, %dma_wait3A_237] : memref<10112x128xf32, #tpu.memory_space<vmem_shared>> -> memref<10112x128xf32, #tpu.memory_space<vmem_shared>>
          tpu.wait_indirect_dma semaphore(%arg18 : memref<!tpu.dma_semaphore, #tpu.memory_space<semaphore_mem>>) src(%arg8 : memref<100x128xf32, #tpu.memory_space<vmem>>) dst(%dma_wait3A_238 : memref<10112x128xf32, #tpu.memory_space<vmem_shared>>)
        } else {
        }
        %dma_start3A_223 = arith.constant 1 : i32
        %dma_start3A_224 = arith.constant 1 : i32
        %dma_start3A_225 = arith.constant 0 : i32
        %dma_start3A_226 = tpu.memref_slice %arg6[%dma_start3A_223, %dma_start3A_224, %dma_start3A_225] : memref<3x2x100xi32, #tpu.memory_space<vmem>> -> memref<1x1x100xi32, #tpu.memory_space<vmem>>
        %dma_start3A_227 = tpu.memref_squeeze %dma_start3A_226 : memref<1x1x100xi32, #tpu.memory_space<vmem>> -> memref<100xi32, #tpu.memory_space<vmem>>
        %dma_start3A_228 = arith.constant 0 : i32
        %dma_start3A_229 = arith.constant 0 : i32
        %dma_start3A_230 = tpu.memref_slice %arg10[%dma_start3A_228, %dma_start3A_229] : memref<10112x128xf32, #tpu.memory_space<vmem_shared>> -> memref<10112x128xf32, #tpu.memory_space<vmem_shared>>
        tpu.enqueue_indirect_dma source(%arg8 : memref<100x128xf32, #tpu.memory_space<vmem>>) target(%dma_start3A_230 : memref<10112x128xf32, #tpu.memory_space<vmem_shared>>) offsets(%dma_start3A_227 : memref<100xi32, #tpu.memory_space<vmem>>) semaphore(%arg18 : memref<!tpu.dma_semaphore, #tpu.memory_space<semaphore_mem>>) {add = true}
      } else {
      }
      %add3A_179 = arith.constant 3 : i32
      %add3A_180 = arith.addi %add3A_173, %add3A_179 : i32
      %sub3A_181 = arith.constant 1 : i32
      %sub3A_182 = arith.subi %add3A_180, %sub3A_181 : i32
      %gt3A_183 = arith.constant 0 : i32
      %gt3A_184 = arith.cmpi sgt, %add3A_173, %gt3A_183 : i32
      %lt3A_185 = arith.constant 100 : i32
      %lt3A_186 = arith.cmpi slt, %sub3A_182, %lt3A_185 : i32
      %and3A_187 = arith.andi %gt3A_184, %lt3A_186 : i1
      %convert_element_type3A_188 = arith.extui %and3A_187 : i1 to i32
      %cond3A_189 = arith.constant 0 : i32
      %cond3A_190 = arith.cmpi ne, %convert_element_type3A_188, %cond3A_189 : i32
      scf.if %cond3A_190 {
        %dma_start3A_210 = arith.constant 0 : i32
        %dma_start3A_211 = arith.constant 0 : i32
        %dma_start3A_212 = arith.constant 0 : i32
        %dma_start3A_213 = tpu.memref_slice %arg6[%dma_start3A_210, %dma_start3A_211, %dma_start3A_212] : memref<3x2x100xi32, #tpu.memory_space<vmem>> -> memref<1x2x100xi32, #tpu.memory_space<vmem>>
        %dma_start3A_214 = tpu.memref_squeeze %dma_start3A_213 : memref<1x2x100xi32, #tpu.memory_space<vmem>> -> memref<2x100xi32, #tpu.memory_space<vmem>>
        %dma_start3A_215 = arith.constant 0 : i32
        %dma_start3A_216 = arith.constant 0 : i32
        %dma_start3A_217 = tpu.memref_slice %arg2[%add3A, %sub3A_182, %dma_start3A_215, %dma_start3A_216] : memref<32x100x2x100xi32, #tpu.memory_space<hbm>> -> memref<1x1x2x100xi32, #tpu.memory_space<hbm>>
        %dma_start3A_218 = tpu.memref_squeeze %dma_start3A_217 : memref<1x1x2x100xi32, #tpu.memory_space<hbm>> -> memref<2x100xi32, #tpu.memory_space<hbm>>
        %dma_start3A_219 = arith.constant 0 : i32
        %dma_start3A_220 = arith.constant 0 : i32
        %dma_start3A_221 = tpu.memref_slice %arg6[%dma_start3A_210, %dma_start3A_219, %dma_start3A_220] : memref<3x2x100xi32, #tpu.memory_space<vmem>> -> memref<1x2x100xi32, #tpu.memory_space<vmem>>
        %dma_start3A_222 = tpu.memref_squeeze %dma_start3A_221 : memref<1x2x100xi32, #tpu.memory_space<vmem>> -> memref<2x100xi32, #tpu.memory_space<vmem>>
        %dma_start3A_223 = arith.constant 0 : i32
        %dma_start3A_224 = arith.constant 0 : i32
        %dma_start3A_225 = tpu.memref_slice %arg2[%add3A, %sub3A_182, %dma_start3A_223, %dma_start3A_224] : memref<32x100x2x100xi32, #tpu.memory_space<hbm>> -> memref<1x1x2x100xi32, #tpu.memory_space<hbm>>
        %dma_start3A_226 = tpu.memref_squeeze %dma_start3A_225 : memref<1x1x2x100xi32, #tpu.memory_space<hbm>> -> memref<2x100xi32, #tpu.memory_space<hbm>>
        tpu.enqueue_dma source(%dma_start3A_226 : memref<2x100xi32, #tpu.memory_space<hbm>>) target(%dma_start3A_222 : memref<2x100xi32, #tpu.memory_space<vmem>>) target_semaphore(%arg14 : memref<!tpu.dma_semaphore, #tpu.memory_space<semaphore_mem>>)
        %dma_wait3A_227 = arith.constant 0 : i32
        %dma_wait3A_228 = arith.constant 0 : i32
        %dma_wait3A_229 = arith.constant 0 : i32
        %dma_wait3A_230 = tpu.memref_slice %arg6[%dma_wait3A_227, %dma_wait3A_228, %dma_wait3A_229] : memref<3x2x100xi32, #tpu.memory_space<vmem>> -> memref<1x2x100xi32, #tpu.memory_space<vmem>>
        %dma_wait3A_231 = tpu.memref_squeeze %dma_wait3A_230 : memref<1x2x100xi32, #tpu.memory_space<vmem>> -> memref<2x100xi32, #tpu.memory_space<vmem>>
        %dma_wait3A_232 = arith.constant 0 : i32
        %dma_wait3A_233 = arith.constant 0 : i32
        %dma_wait3A_234 = tpu.memref_slice %arg2[%add3A, %sub3A_182, %dma_wait3A_232, %dma_wait3A_233] : memref<32x100x2x100xi32, #tpu.memory_space<hbm>> -> memref<1x1x2x100xi32, #tpu.memory_space<hbm>>
        %dma_wait3A_235 = tpu.memref_squeeze %dma_wait3A_234 : memref<1x1x2x100xi32, #tpu.memory_space<hbm>> -> memref<2x100xi32, #tpu.memory_space<hbm>>
        %dma_wait3A_236 = arith.constant 0 : i32
        %dma_wait3A_237 = arith.constant 0 : i32
        %dma_wait3A_238 = tpu.memref_slice %arg6[%dma_wait3A_227, %dma_wait3A_236, %dma_wait3A_237] : memref<3x2x100xi32, #tpu.memory_space<vmem>> -> memref<1x2x100xi32, #tpu.memory_space<vmem>>
        %dma_wait3A_239 = tpu.memref_squeeze %dma_wait3A_238 : memref<1x2x100xi32, #tpu.memory_space<vmem>> -> memref<2x100xi32, #tpu.memory_space<vmem>>
        %dma_wait3A_240 = arith.constant 0 : i32
        %dma_wait3A_241 = arith.constant 0 : i32
        %dma_wait3A_242 = tpu.memref_slice %arg2[%add3A, %sub3A_182, %dma_wait3A_240, %dma_wait3A_241] : memref<32x100x2x100xi32, #tpu.memory_space<hbm>> -> memref<1x1x2x100xi32, #tpu.memory_space<hbm>>
        %dma_wait3A_243 = tpu.memref_squeeze %dma_wait3A_242 : memref<1x1x2x100xi32, #tpu.memory_space<hbm>> -> memref<2x100xi32, #tpu.memory_space<hbm>>
        tpu.wait_dma2 semaphore(%arg14 : memref<!tpu.dma_semaphore, #tpu.memory_space<semaphore_mem>>) src(%dma_wait3A_243 : memref<2x100xi32, #tpu.memory_space<hbm>>) dst(%dma_wait3A_239 : memref<2x100xi32, #tpu.memory_space<vmem>>)
        %dma_start3A_244 = arith.constant 0 : i32
        %dma_start3A_245 = arith.constant 0 : i32
        %dma_start3A_246 = arith.constant 0 : i32
        %dma_start3A_247 = tpu.memref_slice %arg6[%dma_start3A_244, %dma_start3A_245, %dma_start3A_246] : memref<3x2x100xi32, #tpu.memory_space<vmem>> -> memref<1x1x100xi32, #tpu.memory_space<vmem>>
        %dma_start3A_248 = tpu.memref_squeeze %dma_start3A_247 : memref<1x1x100xi32, #tpu.memory_space<vmem>> -> memref<100xi32, #tpu.memory_space<vmem>>
        %dma_start3A_249 = arith.constant 0 : i32
        %dma_start3A_250 = arith.constant 0 : i32
        %dma_start3A_251 = tpu.memref_slice %arg3[%dma_start3A_249, %dma_start3A_250] : memref<10112x128xf32, #tpu.memory_space<hbm>> -> memref<10112x128xf32, #tpu.memory_space<hbm>>
        tpu.enqueue_indirect_dma source(%dma_start3A_251 : memref<10112x128xf32, #tpu.memory_space<hbm>>) target(%arg7 : memref<100x128xf32, #tpu.memory_space<vmem>>) offsets(%dma_start3A_248 : memref<100xi32, #tpu.memory_space<vmem>>) semaphore(%arg11 : memref<!tpu.dma_semaphore, #tpu.memory_space<semaphore_mem>>)
      } else {
      }
      %add3A_191 = arith.constant 2 : i32
      %add3A_192 = arith.addi %add3A_158, %add3A_191 : i32
      %lt3A_193 = arith.constant 100 : i32
      %lt3A_194 = arith.cmpi slt, %add3A_192, %lt3A_193 : i32
      %convert_element_type3A_195 = arith.extui %lt3A_194 : i1 to i32
      %cond3A_196 = arith.constant 0 : i32
      %cond3A_197 = arith.cmpi ne, %convert_element_type3A_195, %cond3A_196 : i32
      scf.if %cond3A_197 {
        %dma_wait3A_210 = arith.constant 2 : i32
        %dma_wait3A_211 = arith.constant 0 : i32
        %dma_wait3A_212 = arith.constant 0 : i32
        %dma_wait3A_213 = tpu.memref_slice %arg6[%dma_wait3A_210, %dma_wait3A_211, %dma_wait3A_212] : memref<3x2x100xi32, #tpu.memory_space<vmem>> -> memref<1x1x100xi32, #tpu.memory_space<vmem>>
        %dma_wait3A_214 = tpu.memref_squeeze %dma_wait3A_213 : memref<1x1x100xi32, #tpu.memory_space<vmem>> -> memref<100xi32, #tpu.memory_space<vmem>>
        %dma_wait3A_215 = arith.constant 0 : i32
        %dma_wait3A_216 = arith.constant 0 : i32
        %dma_wait3A_217 = tpu.memref_slice %arg3[%dma_wait3A_215, %dma_wait3A_216] : memref<10112x128xf32, #tpu.memory_space<hbm>> -> memref<10112x128xf32, #tpu.memory_space<hbm>>
        tpu.wait_indirect_dma semaphore(%arg13 : memref<!tpu.dma_semaphore, #tpu.memory_space<semaphore_mem>>) src(%dma_wait3A_217 : memref<10112x128xf32, #tpu.memory_space<hbm>>) dst(%arg9 : memref<100x128xf32, #tpu.memory_space<vmem>>)
        %gt3A_218 = arith.constant 0 : i32
        %gt3A_219 = arith.cmpi sgt, %add3A_192, %gt3A_218 : i32
        %convert_element_type3A_220 = arith.extui %gt3A_219 : i1 to i32
        %cond3A_221 = arith.constant 0 : i32
        %cond3A_222 = arith.cmpi ne, %convert_element_type3A_220, %cond3A_221 : i32
        scf.if %cond3A_222 {
          %dma_wait3A_231 = arith.constant 2 : i32
          %dma_wait3A_232 = arith.constant 1 : i32
          %dma_wait3A_233 = arith.constant 0 : i32
          %dma_wait3A_234 = tpu.memref_slice %arg6[%dma_wait3A_231, %dma_wait3A_232, %dma_wait3A_233] : memref<3x2x100xi32, #tpu.memory_space<vmem>> -> memref<1x1x100xi32, #tpu.memory_space<vmem>>
          %dma_wait3A_235 = tpu.memref_squeeze %dma_wait3A_234 : memref<1x1x100xi32, #tpu.memory_space<vmem>> -> memref<100xi32, #tpu.memory_space<vmem>>
          %dma_wait3A_236 = arith.constant 0 : i32
          %dma_wait3A_237 = arith.constant 0 : i32
          %dma_wait3A_238 = tpu.memref_slice %arg10[%dma_wait3A_236, %dma_wait3A_237] : memref<10112x128xf32, #tpu.memory_space<vmem_shared>> -> memref<10112x128xf32, #tpu.memory_space<vmem_shared>>
          tpu.wait_indirect_dma semaphore(%arg18 : memref<!tpu.dma_semaphore, #tpu.memory_space<semaphore_mem>>) src(%arg9 : memref<100x128xf32, #tpu.memory_space<vmem>>) dst(%dma_wait3A_238 : memref<10112x128xf32, #tpu.memory_space<vmem_shared>>)
        } else {
        }
        %dma_start3A_223 = arith.constant 2 : i32
        %dma_start3A_224 = arith.constant 1 : i32
        %dma_start3A_225 = arith.constant 0 : i32
        %dma_start3A_226 = tpu.memref_slice %arg6[%dma_start3A_223, %dma_start3A_224, %dma_start3A_225] : memref<3x2x100xi32, #tpu.memory_space<vmem>> -> memref<1x1x100xi32, #tpu.memory_space<vmem>>
        %dma_start3A_227 = tpu.memref_squeeze %dma_start3A_226 : memref<1x1x100xi32, #tpu.memory_space<vmem>> -> memref<100xi32, #tpu.memory_space<vmem>>
        %dma_start3A_228 = arith.constant 0 : i32
        %dma_start3A_229 = arith.constant 0 : i32
        %dma_start3A_230 = tpu.memref_slice %arg10[%dma_start3A_228, %dma_start3A_229] : memref<10112x128xf32, #tpu.memory_space<vmem_shared>> -> memref<10112x128xf32, #tpu.memory_space<vmem_shared>>
        tpu.enqueue_indirect_dma source(%arg9 : memref<100x128xf32, #tpu.memory_space<vmem>>) target(%dma_start3A_230 : memref<10112x128xf32, #tpu.memory_space<vmem_shared>>) offsets(%dma_start3A_227 : memref<100xi32, #tpu.memory_space<vmem>>) semaphore(%arg18 : memref<!tpu.dma_semaphore, #tpu.memory_space<semaphore_mem>>) {add = true}
      } else {
      }
      %add3A_198 = arith.constant 3 : i32
      %add3A_199 = arith.addi %add3A_192, %add3A_198 : i32
      %sub3A_200 = arith.constant 1 : i32
      %sub3A_201 = arith.subi %add3A_199, %sub3A_200 : i32
      %gt3A_202 = arith.constant 0 : i32
      %gt3A_203 = arith.cmpi sgt, %add3A_192, %gt3A_202 : i32
      %lt3A_204 = arith.constant 100 : i32
      %lt3A_205 = arith.cmpi slt, %sub3A_201, %lt3A_204 : i32
      %and3A_206 = arith.andi %gt3A_203, %lt3A_205 : i1
      %convert_element_type3A_207 = arith.extui %and3A_206 : i1 to i32
      %cond3A_208 = arith.constant 0 : i32
      %cond3A_209 = arith.cmpi ne, %convert_element_type3A_207, %cond3A_208 : i32
      scf.if %cond3A_209 {
        %dma_start3A_210 = arith.constant 1 : i32
        %dma_start3A_211 = arith.constant 0 : i32
        %dma_start3A_212 = arith.constant 0 : i32
        %dma_start3A_213 = tpu.memref_slice %arg6[%dma_start3A_210, %dma_start3A_211, %dma_start3A_212] : memref<3x2x100xi32, #tpu.memory_space<vmem>> -> memref<1x2x100xi32, #tpu.memory_space<vmem>>
        %dma_start3A_214 = tpu.memref_squeeze %dma_start3A_213 : memref<1x2x100xi32, #tpu.memory_space<vmem>> -> memref<2x100xi32, #tpu.memory_space<vmem>>
        %dma_start3A_215 = arith.constant 0 : i32
        %dma_start3A_216 = arith.constant 0 : i32
        %dma_start3A_217 = tpu.memref_slice %arg2[%add3A, %sub3A_201, %dma_start3A_215, %dma_start3A_216] : memref<32x100x2x100xi32, #tpu.memory_space<hbm>> -> memref<1x1x2x100xi32, #tpu.memory_space<hbm>>
        %dma_start3A_218 = tpu.memref_squeeze %dma_start3A_217 : memref<1x1x2x100xi32, #tpu.memory_space<hbm>> -> memref<2x100xi32, #tpu.memory_space<hbm>>
        %dma_start3A_219 = arith.constant 0 : i32
        %dma_start3A_220 = arith.constant 0 : i32
        %dma_start3A_221 = tpu.memref_slice %arg6[%dma_start3A_210, %dma_start3A_219, %dma_start3A_220] : memref<3x2x100xi32, #tpu.memory_space<vmem>> -> memref<1x2x100xi32, #tpu.memory_space<vmem>>
        %dma_start3A_222 = tpu.memref_squeeze %dma_start3A_221 : memref<1x2x100xi32, #tpu.memory_space<vmem>> -> memref<2x100xi32, #tpu.memory_space<vmem>>
        %dma_start3A_223 = arith.constant 0 : i32
        %dma_start3A_224 = arith.constant 0 : i32
        %dma_start3A_225 = tpu.memref_slice %arg2[%add3A, %sub3A_201, %dma_start3A_223, %dma_start3A_224] : memref<32x100x2x100xi32, #tpu.memory_space<hbm>> -> memref<1x1x2x100xi32, #tpu.memory_space<hbm>>
        %dma_start3A_226 = tpu.memref_squeeze %dma_start3A_225 : memref<1x1x2x100xi32, #tpu.memory_space<hbm>> -> memref<2x100xi32, #tpu.memory_space<hbm>>
        tpu.enqueue_dma source(%dma_start3A_226 : memref<2x100xi32, #tpu.memory_space<hbm>>) target(%dma_start3A_222 : memref<2x100xi32, #tpu.memory_space<vmem>>) target_semaphore(%arg15 : memref<!tpu.dma_semaphore, #tpu.memory_space<semaphore_mem>>)
        %dma_wait3A_227 = arith.constant 1 : i32
        %dma_wait3A_228 = arith.constant 0 : i32
        %dma_wait3A_229 = arith.constant 0 : i32
        %dma_wait3A_230 = tpu.memref_slice %arg6[%dma_wait3A_227, %dma_wait3A_228, %dma_wait3A_229] : memref<3x2x100xi32, #tpu.memory_space<vmem>> -> memref<1x2x100xi32, #tpu.memory_space<vmem>>
        %dma_wait3A_231 = tpu.memref_squeeze %dma_wait3A_230 : memref<1x2x100xi32, #tpu.memory_space<vmem>> -> memref<2x100xi32, #tpu.memory_space<vmem>>
        %dma_wait3A_232 = arith.constant 0 : i32
        %dma_wait3A_233 = arith.constant 0 : i32
        %dma_wait3A_234 = tpu.memref_slice %arg2[%add3A, %sub3A_201, %dma_wait3A_232, %dma_wait3A_233] : memref<32x100x2x100xi32, #tpu.memory_space<hbm>> -> memref<1x1x2x100xi32, #tpu.memory_space<hbm>>
        %dma_wait3A_235 = tpu.memref_squeeze %dma_wait3A_234 : memref<1x1x2x100xi32, #tpu.memory_space<hbm>> -> memref<2x100xi32, #tpu.memory_space<hbm>>
        %dma_wait3A_236 = arith.constant 0 : i32
        %dma_wait3A_237 = arith.constant 0 : i32
        %dma_wait3A_238 = tpu.memref_slice %arg6[%dma_wait3A_227, %dma_wait3A_236, %dma_wait3A_237] : memref<3x2x100xi32, #tpu.memory_space<vmem>> -> memref<1x2x100xi32, #tpu.memory_space<vmem>>
        %dma_wait3A_239 = tpu.memref_squeeze %dma_wait3A_238 : memref<1x2x100xi32, #tpu.memory_space<vmem>> -> memref<2x100xi32, #tpu.memory_space<vmem>>
        %dma_wait3A_240 = arith.constant 0 : i32
        %dma_wait3A_241 = arith.constant 0 : i32
        %dma_wait3A_242 = tpu.memref_slice %arg2[%add3A, %sub3A_201, %dma_wait3A_240, %dma_wait3A_241] : memref<32x100x2x100xi32, #tpu.memory_space<hbm>> -> memref<1x1x2x100xi32, #tpu.memory_space<hbm>>
        %dma_wait3A_243 = tpu.memref_squeeze %dma_wait3A_242 : memref<1x1x2x100xi32, #tpu.memory_space<hbm>> -> memref<2x100xi32, #tpu.memory_space<hbm>>
        tpu.wait_dma2 semaphore(%arg15 : memref<!tpu.dma_semaphore, #tpu.memory_space<semaphore_mem>>) src(%dma_wait3A_243 : memref<2x100xi32, #tpu.memory_space<hbm>>) dst(%dma_wait3A_239 : memref<2x100xi32, #tpu.memory_space<vmem>>)
        %dma_start3A_244 = arith.constant 1 : i32
        %dma_start3A_245 = arith.constant 0 : i32
        %dma_start3A_246 = arith.constant 0 : i32
        %dma_start3A_247 = tpu.memref_slice %arg6[%dma_start3A_244, %dma_start3A_245, %dma_start3A_246] : memref<3x2x100xi32, #tpu.memory_space<vmem>> -> memref<1x1x100xi32, #tpu.memory_space<vmem>>
        %dma_start3A_248 = tpu.memref_squeeze %dma_start3A_247 : memref<1x1x100xi32, #tpu.memory_space<vmem>> -> memref<100xi32, #tpu.memory_space<vmem>>
        %dma_start3A_249 = arith.constant 0 : i32
        %dma_start3A_250 = arith.constant 0 : i32
        %dma_start3A_251 = tpu.memref_slice %arg3[%dma_start3A_249, %dma_start3A_250] : memref<10112x128xf32, #tpu.memory_space<hbm>> -> memref<10112x128xf32, #tpu.memory_space<hbm>>
        tpu.enqueue_indirect_dma source(%dma_start3A_251 : memref<10112x128xf32, #tpu.memory_space<hbm>>) target(%arg8 : memref<100x128xf32, #tpu.memory_space<vmem>>) offsets(%dma_start3A_248 : memref<100xi32, #tpu.memory_space<vmem>>) semaphore(%arg12 : memref<!tpu.dma_semaphore, #tpu.memory_space<semaphore_mem>>)
      } else {
      }
    }
    %scan3A_140 = arith.constant 34 : i32
    %dma_wait3A_141 = arith.constant 0 : i32
    %dma_wait3A_142 = arith.constant 1 : i32
    %dma_wait3A_143 = arith.constant 0 : i32
    %dma_wait3A_144 = tpu.memref_slice %arg6[%dma_wait3A_141, %dma_wait3A_142, %dma_wait3A_143] : memref<3x2x100xi32, #tpu.memory_space<vmem>> -> memref<1x1x100xi32, #tpu.memory_space<vmem>>
    %dma_wait3A_145 = tpu.memref_squeeze %dma_wait3A_144 : memref<1x1x100xi32, #tpu.memory_space<vmem>> -> memref<100xi32, #tpu.memory_space<vmem>>
    %dma_wait3A_146 = arith.constant 0 : i32
    %dma_wait3A_147 = arith.constant 0 : i32
    %dma_wait3A_148 = tpu.memref_slice %arg10[%dma_wait3A_146, %dma_wait3A_147] : memref<10112x128xf32, #tpu.memory_space<vmem_shared>> -> memref<10112x128xf32, #tpu.memory_space<vmem_shared>>
    tpu.wait_indirect_dma semaphore(%arg18 : memref<!tpu.dma_semaphore, #tpu.memory_space<semaphore_mem>>) src(%arg7 : memref<100x128xf32, #tpu.memory_space<vmem>>) dst(%dma_wait3A_148 : memref<10112x128xf32, #tpu.memory_space<vmem_shared>>)
    %barrier3A_149 = arith.constant 0 : index
    tpu.barrier barrier_id(%barrier3A_149)
    %mul3A_150 = arith.constant 632 : i32
    %mul3A_151 = arith.muli %arg1, %mul3A_150 : i32
    %mul3A_152 = arith.constant 632 : i32
    %mul3A_153 = arith.muli %arg1, %mul3A_152 : i32
    "tpu.region"() ({
      %run_scoped3A = tpu.sem_alloc : memref<!tpu.dma_semaphore, #tpu.memory_space<semaphore_mem>>
      %dma_start3A_154 = arith.constant 0 : i32
      %dma_start3A_155 = tpu.memref_slice %arg5[%arg0, %mul3A_153, %dma_start3A_154] : memref<2x10112x128xf32, #tpu.memory_space<hbm>> -> memref<1x632x128xf32, #tpu.memory_space<hbm>>
      %dma_start3A_156 = tpu.memref_squeeze %dma_start3A_155 : memref<1x632x128xf32, #tpu.memory_space<hbm>> -> memref<632x128xf32, #tpu.memory_space<hbm>>
      %dma_start3A_157 = arith.constant 0 : i32
      %dma_start3A_158 = tpu.memref_slice %arg10[%mul3A_151, %dma_start3A_157] : memref<10112x128xf32, #tpu.memory_space<vmem_shared>> -> memref<632x128xf32, #tpu.memory_space<vmem_shared>>
      tpu.enqueue_dma source(%dma_start3A_158 : memref<632x128xf32, #tpu.memory_space<vmem_shared>>) target(%dma_start3A_156 : memref<632x128xf32, #tpu.memory_space<hbm>>) target_semaphore(%run_scoped3A : memref<!tpu.dma_semaphore, #tpu.memory_space<semaphore_mem>>)
      %dma_wait3A_159 = arith.constant 0 : i32
      %dma_wait3A_160 = tpu.memref_slice %arg5[%arg0, %mul3A_153, %dma_wait3A_159] : memref<2x10112x128xf32, #tpu.memory_space<hbm>> -> memref<1x632x128xf32, #tpu.memory_space<hbm>>
      %dma_wait3A_161 = tpu.memref_squeeze %dma_wait3A_160 : memref<1x632x128xf32, #tpu.memory_space<hbm>> -> memref<632x128xf32, #tpu.memory_space<hbm>>
      %dma_wait3A_162 = arith.constant 0 : i32
      %dma_wait3A_163 = tpu.memref_slice %arg10[%mul3A_151, %dma_wait3A_162] : memref<10112x128xf32, #tpu.memory_space<vmem_shared>> -> memref<632x128xf32, #tpu.memory_space<vmem_shared>>
      tpu.wait_dma2 semaphore(%run_scoped3A : memref<!tpu.dma_semaphore, #tpu.memory_space<semaphore_mem>>) src(%dma_wait3A_163 : memref<632x128xf32, #tpu.memory_space<vmem_shared>>) dst(%dma_wait3A_161 : memref<632x128xf32, #tpu.memory_space<hbm>>)
      tpu.yield
    }) : () -> ()
    return
  }
}

#map = affine_map<(d0, d1) -> (0, 0, 0, 0)>
#map1 = affine_map<(d0, d1) -> (0, 0)>
#map2 = affine_map<(d0, d1) -> (0, 0, 0)>
module attributes {stable_mosaic.version = 14 : i64} {
  func.func @hop_kernel(%arg0: i32, %arg1: i32, %arg2: memref<32x100x2x100xi32, #tpu.memory_space<hbm>>, %arg3: memref<10112x128xf32, #tpu.memory_space<hbm>>, %arg4: memref<632x128xf32, #tpu.memory_space<hbm>>, %arg5: memref<2x10112x128xf32, #tpu.memory_space<hbm>>, %arg6: memref<3x2x100xi32, #tpu.memory_space<vmem>>, %arg7: memref<100x128xf32, #tpu.memory_space<vmem>>, %arg8: memref<100x128xf32, #tpu.memory_space<vmem>>, %arg9: memref<100x128xf32, #tpu.memory_space<vmem>>, %arg10: memref<10112x128xf32, #tpu.memory_space<vmem_shared>>, %arg11: memref<!tpu.dma_semaphore, #tpu.memory_space<semaphore_mem>>, %arg12: memref<!tpu.dma_semaphore, #tpu.memory_space<semaphore_mem>>, %arg13: memref<!tpu.dma_semaphore, #tpu.memory_space<semaphore_mem>>, %arg14: memref<!tpu.dma_semaphore, #tpu.memory_space<semaphore_mem>>, %arg15: memref<!tpu.dma_semaphore, #tpu.memory_space<semaphore_mem>>, %arg16: memref<!tpu.dma_semaphore, #tpu.memory_space<semaphore_mem>>, %arg17: memref<!tpu.dma_semaphore, #tpu.memory_space<semaphore_mem>>, %arg18: memref<!tpu.dma_semaphore, #tpu.memory_space<semaphore_mem>>) attributes {dimension_semantics = [#tpu.dimension_semantics<core_parallel>, #tpu.dimension_semantics<subcore_parallel>], iteration_bounds = array<i64: 2, 16>, scalar_prefetch = 0 : i64, scratch_operands = 13 : i64, tpu.core_type = #tpu.core_type<sc_vector_subcore>, window_params = [{transform_indices = #map}, {transform_indices = #map1}, {transform_indices = #map1}, {transform_indices = #map2}]} {
    %mul3A = arith.constant 2 : i32
    %mul3A_0 = arith.muli %arg1, %mul3A : i32
    %add3A = arith.addi %mul3A_0, %arg0 : i32
    %mul3A_1 = arith.constant 632 : i32
    %mul3A_2 = arith.muli %arg1, %mul3A_1 : i32
    %dma_start3A = arith.constant 0 : i32
    %dma_start3A_3 = tpu.memref_slice %arg10[%mul3A_2, %dma_start3A] : memref<10112x128xf32, #tpu.memory_space<vmem_shared>> -> memref<632x128xf32, #tpu.memory_space<vmem_shared>>
    tpu.enqueue_dma source(%arg4 : memref<632x128xf32, #tpu.memory_space<hbm>>) target(%dma_start3A_3 : memref<632x128xf32, #tpu.memory_space<vmem_shared>>) target_semaphore(%arg17 : memref<!tpu.dma_semaphore, #tpu.memory_space<semaphore_mem>>)
    %dma_start3A_4 = arith.constant 0 : i32
    %dma_start3A_5 = arith.constant 0 : i32
    %dma_start3A_6 = arith.constant 0 : i32
    %dma_start3A_7 = arith.constant 0 : i32
    %dma_start3A_8 = tpu.memref_slice %arg6[%dma_start3A_5, %dma_start3A_6, %dma_start3A_7] : memref<3x2x100xi32, #tpu.memory_space<vmem>> -> memref<1x2x100xi32, #tpu.memory_space<vmem>>
    %dma_start3A_9 = tpu.memref_squeeze %dma_start3A_8 : memref<1x2x100xi32, #tpu.memory_space<vmem>> -> memref<2x100xi32, #tpu.memory_space<vmem>>
    %dma_start3A_10 = arith.constant 0 : i32
    %dma_start3A_11 = arith.constant 0 : i32
    %dma_start3A_12 = tpu.memref_slice %arg2[%add3A, %dma_start3A_4, %dma_start3A_10, %dma_start3A_11] : memref<32x100x2x100xi32, #tpu.memory_space<hbm>> -> memref<1x1x2x100xi32, #tpu.memory_space<hbm>>
    %dma_start3A_13 = tpu.memref_squeeze %dma_start3A_12 : memref<1x1x2x100xi32, #tpu.memory_space<hbm>> -> memref<2x100xi32, #tpu.memory_space<hbm>>
    %dma_start3A_14 = arith.constant 0 : i32
    %dma_start3A_15 = arith.constant 0 : i32
    %dma_start3A_16 = tpu.memref_slice %arg6[%dma_start3A_5, %dma_start3A_14, %dma_start3A_15] : memref<3x2x100xi32, #tpu.memory_space<vmem>> -> memref<1x2x100xi32, #tpu.memory_space<vmem>>
    %dma_start3A_17 = tpu.memref_squeeze %dma_start3A_16 : memref<1x2x100xi32, #tpu.memory_space<vmem>> -> memref<2x100xi32, #tpu.memory_space<vmem>>
    %dma_start3A_18 = arith.constant 0 : i32
    %dma_start3A_19 = arith.constant 0 : i32
    %dma_start3A_20 = tpu.memref_slice %arg2[%add3A, %dma_start3A_4, %dma_start3A_18, %dma_start3A_19] : memref<32x100x2x100xi32, #tpu.memory_space<hbm>> -> memref<1x1x2x100xi32, #tpu.memory_space<hbm>>
    %dma_start3A_21 = tpu.memref_squeeze %dma_start3A_20 : memref<1x1x2x100xi32, #tpu.memory_space<hbm>> -> memref<2x100xi32, #tpu.memory_space<hbm>>
    tpu.enqueue_dma source(%dma_start3A_21 : memref<2x100xi32, #tpu.memory_space<hbm>>) target(%dma_start3A_17 : memref<2x100xi32, #tpu.memory_space<vmem>>) target_semaphore(%arg14 : memref<!tpu.dma_semaphore, #tpu.memory_space<semaphore_mem>>)
    %dma_start3A_22 = arith.constant 1 : i32
    %dma_start3A_23 = arith.constant 1 : i32
    %dma_start3A_24 = arith.constant 0 : i32
    %dma_start3A_25 = arith.constant 0 : i32
    %dma_start3A_26 = tpu.memref_slice %arg6[%dma_start3A_23, %dma_start3A_24, %dma_start3A_25] : memref<3x2x100xi32, #tpu.memory_space<vmem>> -> memref<1x2x100xi32, #tpu.memory_space<vmem>>
    %dma_start3A_27 = tpu.memref_squeeze %dma_start3A_26 : memref<1x2x100xi32, #tpu.memory_space<vmem>> -> memref<2x100xi32, #tpu.memory_space<vmem>>
    %dma_start3A_28 = arith.constant 0 : i32
    %dma_start3A_29 = arith.constant 0 : i32
    %dma_start3A_30 = tpu.memref_slice %arg2[%add3A, %dma_start3A_22, %dma_start3A_28, %dma_start3A_29] : memref<32x100x2x100xi32, #tpu.memory_space<hbm>> -> memref<1x1x2x100xi32, #tpu.memory_space<hbm>>
    %dma_start3A_31 = tpu.memref_squeeze %dma_start3A_30 : memref<1x1x2x100xi32, #tpu.memory_space<hbm>> -> memref<2x100xi32, #tpu.memory_space<hbm>>
    %dma_start3A_32 = arith.constant 0 : i32
    %dma_start3A_33 = arith.constant 0 : i32
    %dma_start3A_34 = tpu.memref_slice %arg6[%dma_start3A_23, %dma_start3A_32, %dma_start3A_33] : memref<3x2x100xi32, #tpu.memory_space<vmem>> -> memref<1x2x100xi32, #tpu.memory_space<vmem>>
    %dma_start3A_35 = tpu.memref_squeeze %dma_start3A_34 : memref<1x2x100xi32, #tpu.memory_space<vmem>> -> memref<2x100xi32, #tpu.memory_space<vmem>>
    %dma_start3A_36 = arith.constant 0 : i32
    %dma_start3A_37 = arith.constant 0 : i32
    %dma_start3A_38 = tpu.memref_slice %arg2[%add3A, %dma_start3A_22, %dma_start3A_36, %dma_start3A_37] : memref<32x100x2x100xi32, #tpu.memory_space<hbm>> -> memref<1x1x2x100xi32, #tpu.memory_space<hbm>>
    %dma_start3A_39 = tpu.memref_squeeze %dma_start3A_38 : memref<1x1x2x100xi32, #tpu.memory_space<hbm>> -> memref<2x100xi32, #tpu.memory_space<hbm>>
    tpu.enqueue_dma source(%dma_start3A_39 : memref<2x100xi32, #tpu.memory_space<hbm>>) target(%dma_start3A_35 : memref<2x100xi32, #tpu.memory_space<vmem>>) target_semaphore(%arg15 : memref<!tpu.dma_semaphore, #tpu.memory_space<semaphore_mem>>)
    %dma_start3A_40 = arith.constant 2 : i32
    %dma_start3A_41 = arith.constant 2 : i32
    %dma_start3A_42 = arith.constant 0 : i32
    %dma_start3A_43 = arith.constant 0 : i32
    %dma_start3A_44 = tpu.memref_slice %arg6[%dma_start3A_41, %dma_start3A_42, %dma_start3A_43] : memref<3x2x100xi32, #tpu.memory_space<vmem>> -> memref<1x2x100xi32, #tpu.memory_space<vmem>>
    %dma_start3A_45 = tpu.memref_squeeze %dma_start3A_44 : memref<1x2x100xi32, #tpu.memory_space<vmem>> -> memref<2x100xi32, #tpu.memory_space<vmem>>
    %dma_start3A_46 = arith.constant 0 : i32
    %dma_start3A_47 = arith.constant 0 : i32
    %dma_start3A_48 = tpu.memref_slice %arg2[%add3A, %dma_start3A_40, %dma_start3A_46, %dma_start3A_47] : memref<32x100x2x100xi32, #tpu.memory_space<hbm>> -> memref<1x1x2x100xi32, #tpu.memory_space<hbm>>
    %dma_start3A_49 = tpu.memref_squeeze %dma_start3A_48 : memref<1x1x2x100xi32, #tpu.memory_space<hbm>> -> memref<2x100xi32, #tpu.memory_space<hbm>>
    %dma_start3A_50 = arith.constant 0 : i32
    %dma_start3A_51 = arith.constant 0 : i32
    %dma_start3A_52 = tpu.memref_slice %arg6[%dma_start3A_41, %dma_start3A_50, %dma_start3A_51] : memref<3x2x100xi32, #tpu.memory_space<vmem>> -> memref<1x2x100xi32, #tpu.memory_space<vmem>>
    %dma_start3A_53 = tpu.memref_squeeze %dma_start3A_52 : memref<1x2x100xi32, #tpu.memory_space<vmem>> -> memref<2x100xi32, #tpu.memory_space<vmem>>
    %dma_start3A_54 = arith.constant 0 : i32
    %dma_start3A_55 = arith.constant 0 : i32
    %dma_start3A_56 = tpu.memref_slice %arg2[%add3A, %dma_start3A_40, %dma_start3A_54, %dma_start3A_55] : memref<32x100x2x100xi32, #tpu.memory_space<hbm>> -> memref<1x1x2x100xi32, #tpu.memory_space<hbm>>
    %dma_start3A_57 = tpu.memref_squeeze %dma_start3A_56 : memref<1x1x2x100xi32, #tpu.memory_space<hbm>> -> memref<2x100xi32, #tpu.memory_space<hbm>>
    tpu.enqueue_dma source(%dma_start3A_57 : memref<2x100xi32, #tpu.memory_space<hbm>>) target(%dma_start3A_53 : memref<2x100xi32, #tpu.memory_space<vmem>>) target_semaphore(%arg16 : memref<!tpu.dma_semaphore, #tpu.memory_space<semaphore_mem>>)
    %dma_wait3A = arith.constant 0 : i32
    %dma_wait3A_58 = arith.constant 0 : i32
    %dma_wait3A_59 = arith.constant 0 : i32
    %dma_wait3A_60 = arith.constant 0 : i32
    %dma_wait3A_61 = tpu.memref_slice %arg6[%dma_wait3A_58, %dma_wait3A_59, %dma_wait3A_60] : memref<3x2x100xi32, #tpu.memory_space<vmem>> -> memref<1x2x100xi32, #tpu.memory_space<vmem>>
    %dma_wait3A_62 = tpu.memref_squeeze %dma_wait3A_61 : memref<1x2x100xi32, #tpu.memory_space<vmem>> -> memref<2x100xi32, #tpu.memory_space<vmem>>
    %dma_wait3A_63 = arith.constant 0 : i32
    %dma_wait3A_64 = arith.constant 0 : i32
    %dma_wait3A_65 = tpu.memref_slice %arg2[%add3A, %dma_wait3A, %dma_wait3A_63, %dma_wait3A_64] : memref<32x100x2x100xi32, #tpu.memory_space<hbm>> -> memref<1x1x2x100xi32, #tpu.memory_space<hbm>>
    %dma_wait3A_66 = tpu.memref_squeeze %dma_wait3A_65 : memref<1x1x2x100xi32, #tpu.memory_space<hbm>> -> memref<2x100xi32, #tpu.memory_space<hbm>>
    %dma_wait3A_67 = arith.constant 0 : i32
    %dma_wait3A_68 = arith.constant 0 : i32
    %dma_wait3A_69 = tpu.memref_slice %arg6[%dma_wait3A_58, %dma_wait3A_67, %dma_wait3A_68] : memref<3x2x100xi32, #tpu.memory_space<vmem>> -> memref<1x2x100xi32, #tpu.memory_space<vmem>>
    %dma_wait3A_70 = tpu.memref_squeeze %dma_wait3A_69 : memref<1x2x100xi32, #tpu.memory_space<vmem>> -> memref<2x100xi32, #tpu.memory_space<vmem>>
    %dma_wait3A_71 = arith.constant 0 : i32
    %dma_wait3A_72 = arith.constant 0 : i32
    %dma_wait3A_73 = tpu.memref_slice %arg2[%add3A, %dma_wait3A, %dma_wait3A_71, %dma_wait3A_72] : memref<32x100x2x100xi32, #tpu.memory_space<hbm>> -> memref<1x1x2x100xi32, #tpu.memory_space<hbm>>
    %dma_wait3A_74 = tpu.memref_squeeze %dma_wait3A_73 : memref<1x1x2x100xi32, #tpu.memory_space<hbm>> -> memref<2x100xi32, #tpu.memory_space<hbm>>
    tpu.wait_dma2 semaphore(%arg14 : memref<!tpu.dma_semaphore, #tpu.memory_space<semaphore_mem>>) src(%dma_wait3A_74 : memref<2x100xi32, #tpu.memory_space<hbm>>) dst(%dma_wait3A_70 : memref<2x100xi32, #tpu.memory_space<vmem>>)
    %dma_start3A_75 = arith.constant 0 : i32
    %dma_start3A_76 = arith.constant 0 : i32
    %dma_start3A_77 = arith.constant 0 : i32
    %dma_start3A_78 = tpu.memref_slice %arg6[%dma_start3A_75, %dma_start3A_76, %dma_start3A_77] : memref<3x2x100xi32, #tpu.memory_space<vmem>> -> memref<1x1x100xi32, #tpu.memory_space<vmem>>
    %dma_start3A_79 = tpu.memref_squeeze %dma_start3A_78 : memref<1x1x100xi32, #tpu.memory_space<vmem>> -> memref<100xi32, #tpu.memory_space<vmem>>
    %dma_start3A_80 = arith.constant 0 : i32
    %dma_start3A_81 = arith.constant 0 : i32
    %dma_start3A_82 = tpu.memref_slice %arg3[%dma_start3A_80, %dma_start3A_81] : memref<10112x128xf32, #tpu.memory_space<hbm>> -> memref<10112x128xf32, #tpu.memory_space<hbm>>
    tpu.enqueue_indirect_dma source(%dma_start3A_82 : memref<10112x128xf32, #tpu.memory_space<hbm>>) target(%arg7 : memref<100x128xf32, #tpu.memory_space<vmem>>) offsets(%dma_start3A_79 : memref<100xi32, #tpu.memory_space<vmem>>) semaphore(%arg11 : memref<!tpu.dma_semaphore, #tpu.memory_space<semaphore_mem>>)
    %dma_wait3A_83 = arith.constant 1 : i32
    %dma_wait3A_84 = arith.constant 1 : i32
    %dma_wait3A_85 = arith.constant 0 : i32
    %dma_wait3A_86 = arith.constant 0 : i32
    %dma_wait3A_87 = tpu.memref_slice %arg6[%dma_wait3A_84, %dma_wait3A_85, %dma_wait3A_86] : memref<3x2x100xi32, #tpu.memory_space<vmem>> -> memref<1x2x100xi32, #tpu.memory_space<vmem>>
    %dma_wait3A_88 = tpu.memref_squeeze %dma_wait3A_87 : memref<1x2x100xi32, #tpu.memory_space<vmem>> -> memref<2x100xi32, #tpu.memory_space<vmem>>
    %dma_wait3A_89 = arith.constant 0 : i32
    %dma_wait3A_90 = arith.constant 0 : i32
    %dma_wait3A_91 = tpu.memref_slice %arg2[%add3A, %dma_wait3A_83, %dma_wait3A_89, %dma_wait3A_90] : memref<32x100x2x100xi32, #tpu.memory_space<hbm>> -> memref<1x1x2x100xi32, #tpu.memory_space<hbm>>
    %dma_wait3A_92 = tpu.memref_squeeze %dma_wait3A_91 : memref<1x1x2x100xi32, #tpu.memory_space<hbm>> -> memref<2x100xi32, #tpu.memory_space<hbm>>
    %dma_wait3A_93 = arith.constant 0 : i32
    %dma_wait3A_94 = arith.constant 0 : i32
    %dma_wait3A_95 = tpu.memref_slice %arg6[%dma_wait3A_84, %dma_wait3A_93, %dma_wait3A_94] : memref<3x2x100xi32, #tpu.memory_space<vmem>> -> memref<1x2x100xi32, #tpu.memory_space<vmem>>
    %dma_wait3A_96 = tpu.memref_squeeze %dma_wait3A_95 : memref<1x2x100xi32, #tpu.memory_space<vmem>> -> memref<2x100xi32, #tpu.memory_space<vmem>>
    %dma_wait3A_97 = arith.constant 0 : i32
    %dma_wait3A_98 = arith.constant 0 : i32
    %dma_wait3A_99 = tpu.memref_slice %arg2[%add3A, %dma_wait3A_83, %dma_wait3A_97, %dma_wait3A_98] : memref<32x100x2x100xi32, #tpu.memory_space<hbm>> -> memref<1x1x2x100xi32, #tpu.memory_space<hbm>>
    %dma_wait3A_100 = tpu.memref_squeeze %dma_wait3A_99 : memref<1x1x2x100xi32, #tpu.memory_space<hbm>> -> memref<2x100xi32, #tpu.memory_space<hbm>>
    tpu.wait_dma2 semaphore(%arg15 : memref<!tpu.dma_semaphore, #tpu.memory_space<semaphore_mem>>) src(%dma_wait3A_100 : memref<2x100xi32, #tpu.memory_space<hbm>>) dst(%dma_wait3A_96 : memref<2x100xi32, #tpu.memory_space<vmem>>)
    %dma_start3A_101 = arith.constant 1 : i32
    %dma_start3A_102 = arith.constant 0 : i32
    %dma_start3A_103 = arith.constant 0 : i32
    %dma_start3A_104 = tpu.memref_slice %arg6[%dma_start3A_101, %dma_start3A_102, %dma_start3A_103] : memref<3x2x100xi32, #tpu.memory_space<vmem>> -> memref<1x1x100xi32, #tpu.memory_space<vmem>>
    %dma_start3A_105 = tpu.memref_squeeze %dma_start3A_104 : memref<1x1x100xi32, #tpu.memory_space<vmem>> -> memref<100xi32, #tpu.memory_space<vmem>>
    %dma_start3A_106 = arith.constant 0 : i32
    %dma_start3A_107 = arith.constant 0 : i32
    %dma_start3A_108 = tpu.memref_slice %arg3[%dma_start3A_106, %dma_start3A_107] : memref<10112x128xf32, #tpu.memory_space<hbm>> -> memref<10112x128xf32, #tpu.memory_space<hbm>>
    tpu.enqueue_indirect_dma source(%dma_start3A_108 : memref<10112x128xf32, #tpu.memory_space<hbm>>) target(%arg8 : memref<100x128xf32, #tpu.memory_space<vmem>>) offsets(%dma_start3A_105 : memref<100xi32, #tpu.memory_space<vmem>>) semaphore(%arg12 : memref<!tpu.dma_semaphore, #tpu.memory_space<semaphore_mem>>)
    %dma_wait3A_109 = arith.constant 2 : i32
    %dma_wait3A_110 = arith.constant 2 : i32
    %dma_wait3A_111 = arith.constant 0 : i32
    %dma_wait3A_112 = arith.constant 0 : i32
    %dma_wait3A_113 = tpu.memref_slice %arg6[%dma_wait3A_110, %dma_wait3A_111, %dma_wait3A_112] : memref<3x2x100xi32, #tpu.memory_space<vmem>> -> memref<1x2x100xi32, #tpu.memory_space<vmem>>
    %dma_wait3A_114 = tpu.memref_squeeze %dma_wait3A_113 : memref<1x2x100xi32, #tpu.memory_space<vmem>> -> memref<2x100xi32, #tpu.memory_space<vmem>>
    %dma_wait3A_115 = arith.constant 0 : i32
    %dma_wait3A_116 = arith.constant 0 : i32
    %dma_wait3A_117 = tpu.memref_slice %arg2[%add3A, %dma_wait3A_109, %dma_wait3A_115, %dma_wait3A_116] : memref<32x100x2x100xi32, #tpu.memory_space<hbm>> -> memref<1x1x2x100xi32, #tpu.memory_space<hbm>>
    %dma_wait3A_118 = tpu.memref_squeeze %dma_wait3A_117 : memref<1x1x2x100xi32, #tpu.memory_space<hbm>> -> memref<2x100xi32, #tpu.memory_space<hbm>>
    %dma_wait3A_119 = arith.constant 0 : i32
    %dma_wait3A_120 = arith.constant 0 : i32
    %dma_wait3A_121 = tpu.memref_slice %arg6[%dma_wait3A_110, %dma_wait3A_119, %dma_wait3A_120] : memref<3x2x100xi32, #tpu.memory_space<vmem>> -> memref<1x2x100xi32, #tpu.memory_space<vmem>>
    %dma_wait3A_122 = tpu.memref_squeeze %dma_wait3A_121 : memref<1x2x100xi32, #tpu.memory_space<vmem>> -> memref<2x100xi32, #tpu.memory_space<vmem>>
    %dma_wait3A_123 = arith.constant 0 : i32
    %dma_wait3A_124 = arith.constant 0 : i32
    %dma_wait3A_125 = tpu.memref_slice %arg2[%add3A, %dma_wait3A_109, %dma_wait3A_123, %dma_wait3A_124] : memref<32x100x2x100xi32, #tpu.memory_space<hbm>> -> memref<1x1x2x100xi32, #tpu.memory_space<hbm>>
    %dma_wait3A_126 = tpu.memref_squeeze %dma_wait3A_125 : memref<1x1x2x100xi32, #tpu.memory_space<hbm>> -> memref<2x100xi32, #tpu.memory_space<hbm>>
    tpu.wait_dma2 semaphore(%arg16 : memref<!tpu.dma_semaphore, #tpu.memory_space<semaphore_mem>>) src(%dma_wait3A_126 : memref<2x100xi32, #tpu.memory_space<hbm>>) dst(%dma_wait3A_122 : memref<2x100xi32, #tpu.memory_space<vmem>>)
    %dma_start3A_127 = arith.constant 2 : i32
    %dma_start3A_128 = arith.constant 0 : i32
    %dma_start3A_129 = arith.constant 0 : i32
    %dma_start3A_130 = tpu.memref_slice %arg6[%dma_start3A_127, %dma_start3A_128, %dma_start3A_129] : memref<3x2x100xi32, #tpu.memory_space<vmem>> -> memref<1x1x100xi32, #tpu.memory_space<vmem>>
    %dma_start3A_131 = tpu.memref_squeeze %dma_start3A_130 : memref<1x1x100xi32, #tpu.memory_space<vmem>> -> memref<100xi32, #tpu.memory_space<vmem>>
    %dma_start3A_132 = arith.constant 0 : i32
    %dma_start3A_133 = arith.constant 0 : i32
    %dma_start3A_134 = tpu.memref_slice %arg3[%dma_start3A_132, %dma_start3A_133] : memref<10112x128xf32, #tpu.memory_space<hbm>> -> memref<10112x128xf32, #tpu.memory_space<hbm>>
    tpu.enqueue_indirect_dma source(%dma_start3A_134 : memref<10112x128xf32, #tpu.memory_space<hbm>>) target(%arg9 : memref<100x128xf32, #tpu.memory_space<vmem>>) offsets(%dma_start3A_131 : memref<100xi32, #tpu.memory_space<vmem>>) semaphore(%arg13 : memref<!tpu.dma_semaphore, #tpu.memory_space<semaphore_mem>>)
    %dma_wait3A_135 = arith.constant 0 : i32
    %dma_wait3A_136 = tpu.memref_slice %arg10[%mul3A_2, %dma_wait3A_135] : memref<10112x128xf32, #tpu.memory_space<vmem_shared>> -> memref<632x128xf32, #tpu.memory_space<vmem_shared>>
    tpu.wait_dma2 semaphore(%arg17 : memref<!tpu.dma_semaphore, #tpu.memory_space<semaphore_mem>>) src(%arg4 : memref<632x128xf32, #tpu.memory_space<hbm>>) dst(%dma_wait3A_136 : memref<632x128xf32, #tpu.memory_space<vmem_shared>>)
    %barrier3A = arith.constant 0 : index
    tpu.barrier barrier_id(%barrier3A)
    %scan3A = arith.constant 0 : i32
    %scan3A_137 = arith.constant 34 : i32
    %scan3A_138 = arith.addi %scan3A, %scan3A_137 : i32
    %scan3A_139 = arith.constant 1 : i32
    scf.for %scan3A_154 = %scan3A to %scan3A_138 step %scan3A_139  : i32 {
      %mul3A_155 = arith.constant 3 : i32
      %mul3A_156 = arith.muli %scan3A_154, %mul3A_155 : i32
      %add3A_157 = arith.constant 0 : i32
      %add3A_158 = arith.addi %add3A_157, %mul3A_156 : i32
      %add3A_159 = arith.constant 0 : i32
      %add3A_160 = arith.addi %add3A_158, %add3A_159 : i32
      %lt3A = arith.constant 100 : i32
      %lt3A_161 = arith.cmpi slt, %add3A_160, %lt3A : i32
      %convert_element_type3A = arith.extui %lt3A_161 : i1 to i32
      %cond3A = arith.constant 0 : i32
      %cond3A_162 = arith.cmpi ne, %convert_element_type3A, %cond3A : i32
      scf.if %cond3A_162 {
        %dma_wait3A_210 = arith.constant 0 : i32
        %dma_wait3A_211 = arith.constant 0 : i32
        %dma_wait3A_212 = arith.constant 0 : i32
        %dma_wait3A_213 = tpu.memref_slice %arg6[%dma_wait3A_210, %dma_wait3A_211, %dma_wait3A_212] : memref<3x2x100xi32, #tpu.memory_space<vmem>> -> memref<1x1x100xi32, #tpu.memory_space<vmem>>
        %dma_wait3A_214 = tpu.memref_squeeze %dma_wait3A_213 : memref<1x1x100xi32, #tpu.memory_space<vmem>> -> memref<100xi32, #tpu.memory_space<vmem>>
        %dma_wait3A_215 = arith.constant 0 : i32
        %dma_wait3A_216 = arith.constant 0 : i32
        %dma_wait3A_217 = tpu.memref_slice %arg3[%dma_wait3A_215, %dma_wait3A_216] : memref<10112x128xf32, #tpu.memory_space<hbm>> -> memref<10112x128xf32, #tpu.memory_space<hbm>>
        tpu.wait_indirect_dma semaphore(%arg11 : memref<!tpu.dma_semaphore, #tpu.memory_space<semaphore_mem>>) src(%dma_wait3A_217 : memref<10112x128xf32, #tpu.memory_space<hbm>>) dst(%arg7 : memref<100x128xf32, #tpu.memory_space<vmem>>)
        %gt3A_218 = arith.constant 0 : i32
        %gt3A_219 = arith.cmpi sgt, %add3A_160, %gt3A_218 : i32
        %convert_element_type3A_220 = arith.extui %gt3A_219 : i1 to i32
        %cond3A_221 = arith.constant 0 : i32
        %cond3A_222 = arith.cmpi ne, %convert_element_type3A_220, %cond3A_221 : i32
        scf.if %cond3A_222 {
          %dma_wait3A_231 = arith.constant 0 : i32
          %dma_wait3A_232 = arith.constant 1 : i32
          %dma_wait3A_233 = arith.constant 0 : i32
          %dma_wait3A_234 = tpu.memref_slice %arg6[%dma_wait3A_231, %dma_wait3A_232, %dma_wait3A_233] : memref<3x2x100xi32, #tpu.memory_space<vmem>> -> memref<1x1x100xi32, #tpu.memory_space<vmem>>
          %dma_wait3A_235 = tpu.memref_squeeze %dma_wait3A_234 : memref<1x1x100xi32, #tpu.memory_space<vmem>> -> memref<100xi32, #tpu.memory_space<vmem>>
          %dma_wait3A_236 = arith.constant 0 : i32
          %dma_wait3A_237 = arith.constant 0 : i32
          %dma_wait3A_238 = tpu.memref_slice %arg10[%dma_wait3A_236, %dma_wait3A_237] : memref<10112x128xf32, #tpu.memory_space<vmem_shared>> -> memref<10112x128xf32, #tpu.memory_space<vmem_shared>>
          tpu.wait_indirect_dma semaphore(%arg18 : memref<!tpu.dma_semaphore, #tpu.memory_space<semaphore_mem>>) src(%arg7 : memref<100x128xf32, #tpu.memory_space<vmem>>) dst(%dma_wait3A_238 : memref<10112x128xf32, #tpu.memory_space<vmem_shared>>)
        } else {
        }
        %dma_start3A_223 = arith.constant 0 : i32
        %dma_start3A_224 = arith.constant 1 : i32
        %dma_start3A_225 = arith.constant 0 : i32
        %dma_start3A_226 = tpu.memref_slice %arg6[%dma_start3A_223, %dma_start3A_224, %dma_start3A_225] : memref<3x2x100xi32, #tpu.memory_space<vmem>> -> memref<1x1x100xi32, #tpu.memory_space<vmem>>
        %dma_start3A_227 = tpu.memref_squeeze %dma_start3A_226 : memref<1x1x100xi32, #tpu.memory_space<vmem>> -> memref<100xi32, #tpu.memory_space<vmem>>
        %dma_start3A_228 = arith.constant 0 : i32
        %dma_start3A_229 = arith.constant 0 : i32
        %dma_start3A_230 = tpu.memref_slice %arg10[%dma_start3A_228, %dma_start3A_229] : memref<10112x128xf32, #tpu.memory_space<vmem_shared>> -> memref<10112x128xf32, #tpu.memory_space<vmem_shared>>
        tpu.enqueue_indirect_dma source(%arg7 : memref<100x128xf32, #tpu.memory_space<vmem>>) target(%dma_start3A_230 : memref<10112x128xf32, #tpu.memory_space<vmem_shared>>) offsets(%dma_start3A_227 : memref<100xi32, #tpu.memory_space<vmem>>) semaphore(%arg18 : memref<!tpu.dma_semaphore, #tpu.memory_space<semaphore_mem>>) {add = true}
      } else {
      }
      %add3A_163 = arith.constant 3 : i32
      %add3A_164 = arith.addi %add3A_160, %add3A_163 : i32
      %sub3A = arith.constant 1 : i32
      %sub3A_165 = arith.subi %add3A_164, %sub3A : i32
      %gt3A = arith.constant 0 : i32
      %gt3A_166 = arith.cmpi sgt, %add3A_160, %gt3A : i32
      %lt3A_167 = arith.constant 100 : i32
      %lt3A_168 = arith.cmpi slt, %sub3A_165, %lt3A_167 : i32
      %and3A = arith.andi %gt3A_166, %lt3A_168 : i1
      %convert_element_type3A_169 = arith.extui %and3A : i1 to i32
      %cond3A_170 = arith.constant 0 : i32
      %cond3A_171 = arith.cmpi ne, %convert_element_type3A_169, %cond3A_170 : i32
      scf.if %cond3A_171 {
        %dma_start3A_210 = arith.constant 2 : i32
        %dma_start3A_211 = arith.constant 0 : i32
        %dma_start3A_212 = arith.constant 0 : i32
        %dma_start3A_213 = tpu.memref_slice %arg6[%dma_start3A_210, %dma_start3A_211, %dma_start3A_212] : memref<3x2x100xi32, #tpu.memory_space<vmem>> -> memref<1x2x100xi32, #tpu.memory_space<vmem>>
        %dma_start3A_214 = tpu.memref_squeeze %dma_start3A_213 : memref<1x2x100xi32, #tpu.memory_space<vmem>> -> memref<2x100xi32, #tpu.memory_space<vmem>>
        %dma_start3A_215 = arith.constant 0 : i32
        %dma_start3A_216 = arith.constant 0 : i32
        %dma_start3A_217 = tpu.memref_slice %arg2[%add3A, %sub3A_165, %dma_start3A_215, %dma_start3A_216] : memref<32x100x2x100xi32, #tpu.memory_space<hbm>> -> memref<1x1x2x100xi32, #tpu.memory_space<hbm>>
        %dma_start3A_218 = tpu.memref_squeeze %dma_start3A_217 : memref<1x1x2x100xi32, #tpu.memory_space<hbm>> -> memref<2x100xi32, #tpu.memory_space<hbm>>
        %dma_start3A_219 = arith.constant 0 : i32
        %dma_start3A_220 = arith.constant 0 : i32
        %dma_start3A_221 = tpu.memref_slice %arg6[%dma_start3A_210, %dma_start3A_219, %dma_start3A_220] : memref<3x2x100xi32, #tpu.memory_space<vmem>> -> memref<1x2x100xi32, #tpu.memory_space<vmem>>
        %dma_start3A_222 = tpu.memref_squeeze %dma_start3A_221 : memref<1x2x100xi32, #tpu.memory_space<vmem>> -> memref<2x100xi32, #tpu.memory_space<vmem>>
        %dma_start3A_223 = arith.constant 0 : i32
        %dma_start3A_224 = arith.constant 0 : i32
        %dma_start3A_225 = tpu.memref_slice %arg2[%add3A, %sub3A_165, %dma_start3A_223, %dma_start3A_224] : memref<32x100x2x100xi32, #tpu.memory_space<hbm>> -> memref<1x1x2x100xi32, #tpu.memory_space<hbm>>
        %dma_start3A_226 = tpu.memref_squeeze %dma_start3A_225 : memref<1x1x2x100xi32, #tpu.memory_space<hbm>> -> memref<2x100xi32, #tpu.memory_space<hbm>>
        tpu.enqueue_dma source(%dma_start3A_226 : memref<2x100xi32, #tpu.memory_space<hbm>>) target(%dma_start3A_222 : memref<2x100xi32, #tpu.memory_space<vmem>>) target_semaphore(%arg16 : memref<!tpu.dma_semaphore, #tpu.memory_space<semaphore_mem>>)
        %dma_wait3A_227 = arith.constant 2 : i32
        %dma_wait3A_228 = arith.constant 0 : i32
        %dma_wait3A_229 = arith.constant 0 : i32
        %dma_wait3A_230 = tpu.memref_slice %arg6[%dma_wait3A_227, %dma_wait3A_228, %dma_wait3A_229] : memref<3x2x100xi32, #tpu.memory_space<vmem>> -> memref<1x2x100xi32, #tpu.memory_space<vmem>>
        %dma_wait3A_231 = tpu.memref_squeeze %dma_wait3A_230 : memref<1x2x100xi32, #tpu.memory_space<vmem>> -> memref<2x100xi32, #tpu.memory_space<vmem>>
        %dma_wait3A_232 = arith.constant 0 : i32
        %dma_wait3A_233 = arith.constant 0 : i32
        %dma_wait3A_234 = tpu.memref_slice %arg2[%add3A, %sub3A_165, %dma_wait3A_232, %dma_wait3A_233] : memref<32x100x2x100xi32, #tpu.memory_space<hbm>> -> memref<1x1x2x100xi32, #tpu.memory_space<hbm>>
        %dma_wait3A_235 = tpu.memref_squeeze %dma_wait3A_234 : memref<1x1x2x100xi32, #tpu.memory_space<hbm>> -> memref<2x100xi32, #tpu.memory_space<hbm>>
        %dma_wait3A_236 = arith.constant 0 : i32
        %dma_wait3A_237 = arith.constant 0 : i32
        %dma_wait3A_238 = tpu.memref_slice %arg6[%dma_wait3A_227, %dma_wait3A_236, %dma_wait3A_237] : memref<3x2x100xi32, #tpu.memory_space<vmem>> -> memref<1x2x100xi32, #tpu.memory_space<vmem>>
        %dma_wait3A_239 = tpu.memref_squeeze %dma_wait3A_238 : memref<1x2x100xi32, #tpu.memory_space<vmem>> -> memref<2x100xi32, #tpu.memory_space<vmem>>
        %dma_wait3A_240 = arith.constant 0 : i32
        %dma_wait3A_241 = arith.constant 0 : i32
        %dma_wait3A_242 = tpu.memref_slice %arg2[%add3A, %sub3A_165, %dma_wait3A_240, %dma_wait3A_241] : memref<32x100x2x100xi32, #tpu.memory_space<hbm>> -> memref<1x1x2x100xi32, #tpu.memory_space<hbm>>
        %dma_wait3A_243 = tpu.memref_squeeze %dma_wait3A_242 : memref<1x1x2x100xi32, #tpu.memory_space<hbm>> -> memref<2x100xi32, #tpu.memory_space<hbm>>
        tpu.wait_dma2 semaphore(%arg16 : memref<!tpu.dma_semaphore, #tpu.memory_space<semaphore_mem>>) src(%dma_wait3A_243 : memref<2x100xi32, #tpu.memory_space<hbm>>) dst(%dma_wait3A_239 : memref<2x100xi32, #tpu.memory_space<vmem>>)
        %dma_start3A_244 = arith.constant 2 : i32
        %dma_start3A_245 = arith.constant 0 : i32
        %dma_start3A_246 = arith.constant 0 : i32
        %dma_start3A_247 = tpu.memref_slice %arg6[%dma_start3A_244, %dma_start3A_245, %dma_start3A_246] : memref<3x2x100xi32, #tpu.memory_space<vmem>> -> memref<1x1x100xi32, #tpu.memory_space<vmem>>
        %dma_start3A_248 = tpu.memref_squeeze %dma_start3A_247 : memref<1x1x100xi32, #tpu.memory_space<vmem>> -> memref<100xi32, #tpu.memory_space<vmem>>
        %dma_start3A_249 = arith.constant 0 : i32
        %dma_start3A_250 = arith.constant 0 : i32
        %dma_start3A_251 = tpu.memref_slice %arg3[%dma_start3A_249, %dma_start3A_250] : memref<10112x128xf32, #tpu.memory_space<hbm>> -> memref<10112x128xf32, #tpu.memory_space<hbm>>
        tpu.enqueue_indirect_dma source(%dma_start3A_251 : memref<10112x128xf32, #tpu.memory_space<hbm>>) target(%arg9 : memref<100x128xf32, #tpu.memory_space<vmem>>) offsets(%dma_start3A_248 : memref<100xi32, #tpu.memory_space<vmem>>) semaphore(%arg13 : memref<!tpu.dma_semaphore, #tpu.memory_space<semaphore_mem>>)
      } else {
      }
      %add3A_172 = arith.constant 1 : i32
      %add3A_173 = arith.addi %add3A_158, %add3A_172 : i32
      %lt3A_174 = arith.constant 100 : i32
      %lt3A_175 = arith.cmpi slt, %add3A_173, %lt3A_174 : i32
      %convert_element_type3A_176 = arith.extui %lt3A_175 : i1 to i32
      %cond3A_177 = arith.constant 0 : i32
      %cond3A_178 = arith.cmpi ne, %convert_element_type3A_176, %cond3A_177 : i32
      scf.if %cond3A_178 {
        %dma_wait3A_210 = arith.constant 1 : i32
        %dma_wait3A_211 = arith.constant 0 : i32
        %dma_wait3A_212 = arith.constant 0 : i32
        %dma_wait3A_213 = tpu.memref_slice %arg6[%dma_wait3A_210, %dma_wait3A_211, %dma_wait3A_212] : memref<3x2x100xi32, #tpu.memory_space<vmem>> -> memref<1x1x100xi32, #tpu.memory_space<vmem>>
        %dma_wait3A_214 = tpu.memref_squeeze %dma_wait3A_213 : memref<1x1x100xi32, #tpu.memory_space<vmem>> -> memref<100xi32, #tpu.memory_space<vmem>>
        %dma_wait3A_215 = arith.constant 0 : i32
        %dma_wait3A_216 = arith.constant 0 : i32
        %dma_wait3A_217 = tpu.memref_slice %arg3[%dma_wait3A_215, %dma_wait3A_216] : memref<10112x128xf32, #tpu.memory_space<hbm>> -> memref<10112x128xf32, #tpu.memory_space<hbm>>
        tpu.wait_indirect_dma semaphore(%arg12 : memref<!tpu.dma_semaphore, #tpu.memory_space<semaphore_mem>>) src(%dma_wait3A_217 : memref<10112x128xf32, #tpu.memory_space<hbm>>) dst(%arg8 : memref<100x128xf32, #tpu.memory_space<vmem>>)
        %gt3A_218 = arith.constant 0 : i32
        %gt3A_219 = arith.cmpi sgt, %add3A_173, %gt3A_218 : i32
        %convert_element_type3A_220 = arith.extui %gt3A_219 : i1 to i32
        %cond3A_221 = arith.constant 0 : i32
        %cond3A_222 = arith.cmpi ne, %convert_element_type3A_220, %cond3A_221 : i32
        scf.if %cond3A_222 {
          %dma_wait3A_231 = arith.constant 1 : i32
          %dma_wait3A_232 = arith.constant 1 : i32
          %dma_wait3A_233 = arith.constant 0 : i32
          %dma_wait3A_234 = tpu.memref_slice %arg6[%dma_wait3A_231, %dma_wait3A_232, %dma_wait3A_233] : memref<3x2x100xi32, #tpu.memory_space<vmem>> -> memref<1x1x100xi32, #tpu.memory_space<vmem>>
          %dma_wait3A_235 = tpu.memref_squeeze %dma_wait3A_234 : memref<1x1x100xi32, #tpu.memory_space<vmem>> -> memref<100xi32, #tpu.memory_space<vmem>>
          %dma_wait3A_236 = arith.constant 0 : i32
          %dma_wait3A_237 = arith.constant 0 : i32
          %dma_wait3A_238 = tpu.memref_slice %arg10[%dma_wait3A_236, %dma_wait3A_237] : memref<10112x128xf32, #tpu.memory_space<vmem_shared>> -> memref<10112x128xf32, #tpu.memory_space<vmem_shared>>
          tpu.wait_indirect_dma semaphore(%arg18 : memref<!tpu.dma_semaphore, #tpu.memory_space<semaphore_mem>>) src(%arg8 : memref<100x128xf32, #tpu.memory_space<vmem>>) dst(%dma_wait3A_238 : memref<10112x128xf32, #tpu.memory_space<vmem_shared>>)
        } else {
        }
        %dma_start3A_223 = arith.constant 1 : i32
        %dma_start3A_224 = arith.constant 1 : i32
        %dma_start3A_225 = arith.constant 0 : i32
        %dma_start3A_226 = tpu.memref_slice %arg6[%dma_start3A_223, %dma_start3A_224, %dma_start3A_225] : memref<3x2x100xi32, #tpu.memory_space<vmem>> -> memref<1x1x100xi32, #tpu.memory_space<vmem>>
        %dma_start3A_227 = tpu.memref_squeeze %dma_start3A_226 : memref<1x1x100xi32, #tpu.memory_space<vmem>> -> memref<100xi32, #tpu.memory_space<vmem>>
        %dma_start3A_228 = arith.constant 0 : i32
        %dma_start3A_229 = arith.constant 0 : i32
        %dma_start3A_230 = tpu.memref_slice %arg10[%dma_start3A_228, %dma_start3A_229] : memref<10112x128xf32, #tpu.memory_space<vmem_shared>> -> memref<10112x128xf32, #tpu.memory_space<vmem_shared>>
        tpu.enqueue_indirect_dma source(%arg8 : memref<100x128xf32, #tpu.memory_space<vmem>>) target(%dma_start3A_230 : memref<10112x128xf32, #tpu.memory_space<vmem_shared>>) offsets(%dma_start3A_227 : memref<100xi32, #tpu.memory_space<vmem>>) semaphore(%arg18 : memref<!tpu.dma_semaphore, #tpu.memory_space<semaphore_mem>>) {add = true}
      } else {
      }
      %add3A_179 = arith.constant 3 : i32
      %add3A_180 = arith.addi %add3A_173, %add3A_179 : i32
      %sub3A_181 = arith.constant 1 : i32
      %sub3A_182 = arith.subi %add3A_180, %sub3A_181 : i32
      %gt3A_183 = arith.constant 0 : i32
      %gt3A_184 = arith.cmpi sgt, %add3A_173, %gt3A_183 : i32
      %lt3A_185 = arith.constant 100 : i32
      %lt3A_186 = arith.cmpi slt, %sub3A_182, %lt3A_185 : i32
      %and3A_187 = arith.andi %gt3A_184, %lt3A_186 : i1
      %convert_element_type3A_188 = arith.extui %and3A_187 : i1 to i32
      %cond3A_189 = arith.constant 0 : i32
      %cond3A_190 = arith.cmpi ne, %convert_element_type3A_188, %cond3A_189 : i32
      scf.if %cond3A_190 {
        %dma_start3A_210 = arith.constant 0 : i32
        %dma_start3A_211 = arith.constant 0 : i32
        %dma_start3A_212 = arith.constant 0 : i32
        %dma_start3A_213 = tpu.memref_slice %arg6[%dma_start3A_210, %dma_start3A_211, %dma_start3A_212] : memref<3x2x100xi32, #tpu.memory_space<vmem>> -> memref<1x2x100xi32, #tpu.memory_space<vmem>>
        %dma_start3A_214 = tpu.memref_squeeze %dma_start3A_213 : memref<1x2x100xi32, #tpu.memory_space<vmem>> -> memref<2x100xi32, #tpu.memory_space<vmem>>
        %dma_start3A_215 = arith.constant 0 : i32
        %dma_start3A_216 = arith.constant 0 : i32
        %dma_start3A_217 = tpu.memref_slice %arg2[%add3A, %sub3A_182, %dma_start3A_215, %dma_start3A_216] : memref<32x100x2x100xi32, #tpu.memory_space<hbm>> -> memref<1x1x2x100xi32, #tpu.memory_space<hbm>>
        %dma_start3A_218 = tpu.memref_squeeze %dma_start3A_217 : memref<1x1x2x100xi32, #tpu.memory_space<hbm>> -> memref<2x100xi32, #tpu.memory_space<hbm>>
        %dma_start3A_219 = arith.constant 0 : i32
        %dma_start3A_220 = arith.constant 0 : i32
        %dma_start3A_221 = tpu.memref_slice %arg6[%dma_start3A_210, %dma_start3A_219, %dma_start3A_220] : memref<3x2x100xi32, #tpu.memory_space<vmem>> -> memref<1x2x100xi32, #tpu.memory_space<vmem>>
        %dma_start3A_222 = tpu.memref_squeeze %dma_start3A_221 : memref<1x2x100xi32, #tpu.memory_space<vmem>> -> memref<2x100xi32, #tpu.memory_space<vmem>>
        %dma_start3A_223 = arith.constant 0 : i32
        %dma_start3A_224 = arith.constant 0 : i32
        %dma_start3A_225 = tpu.memref_slice %arg2[%add3A, %sub3A_182, %dma_start3A_223, %dma_start3A_224] : memref<32x100x2x100xi32, #tpu.memory_space<hbm>> -> memref<1x1x2x100xi32, #tpu.memory_space<hbm>>
        %dma_start3A_226 = tpu.memref_squeeze %dma_start3A_225 : memref<1x1x2x100xi32, #tpu.memory_space<hbm>> -> memref<2x100xi32, #tpu.memory_space<hbm>>
        tpu.enqueue_dma source(%dma_start3A_226 : memref<2x100xi32, #tpu.memory_space<hbm>>) target(%dma_start3A_222 : memref<2x100xi32, #tpu.memory_space<vmem>>) target_semaphore(%arg14 : memref<!tpu.dma_semaphore, #tpu.memory_space<semaphore_mem>>)
        %dma_wait3A_227 = arith.constant 0 : i32
        %dma_wait3A_228 = arith.constant 0 : i32
        %dma_wait3A_229 = arith.constant 0 : i32
        %dma_wait3A_230 = tpu.memref_slice %arg6[%dma_wait3A_227, %dma_wait3A_228, %dma_wait3A_229] : memref<3x2x100xi32, #tpu.memory_space<vmem>> -> memref<1x2x100xi32, #tpu.memory_space<vmem>>
        %dma_wait3A_231 = tpu.memref_squeeze %dma_wait3A_230 : memref<1x2x100xi32, #tpu.memory_space<vmem>> -> memref<2x100xi32, #tpu.memory_space<vmem>>
        %dma_wait3A_232 = arith.constant 0 : i32
        %dma_wait3A_233 = arith.constant 0 : i32
        %dma_wait3A_234 = tpu.memref_slice %arg2[%add3A, %sub3A_182, %dma_wait3A_232, %dma_wait3A_233] : memref<32x100x2x100xi32, #tpu.memory_space<hbm>> -> memref<1x1x2x100xi32, #tpu.memory_space<hbm>>
        %dma_wait3A_235 = tpu.memref_squeeze %dma_wait3A_234 : memref<1x1x2x100xi32, #tpu.memory_space<hbm>> -> memref<2x100xi32, #tpu.memory_space<hbm>>
        %dma_wait3A_236 = arith.constant 0 : i32
        %dma_wait3A_237 = arith.constant 0 : i32
        %dma_wait3A_238 = tpu.memref_slice %arg6[%dma_wait3A_227, %dma_wait3A_236, %dma_wait3A_237] : memref<3x2x100xi32, #tpu.memory_space<vmem>> -> memref<1x2x100xi32, #tpu.memory_space<vmem>>
        %dma_wait3A_239 = tpu.memref_squeeze %dma_wait3A_238 : memref<1x2x100xi32, #tpu.memory_space<vmem>> -> memref<2x100xi32, #tpu.memory_space<vmem>>
        %dma_wait3A_240 = arith.constant 0 : i32
        %dma_wait3A_241 = arith.constant 0 : i32
        %dma_wait3A_242 = tpu.memref_slice %arg2[%add3A, %sub3A_182, %dma_wait3A_240, %dma_wait3A_241] : memref<32x100x2x100xi32, #tpu.memory_space<hbm>> -> memref<1x1x2x100xi32, #tpu.memory_space<hbm>>
        %dma_wait3A_243 = tpu.memref_squeeze %dma_wait3A_242 : memref<1x1x2x100xi32, #tpu.memory_space<hbm>> -> memref<2x100xi32, #tpu.memory_space<hbm>>
        tpu.wait_dma2 semaphore(%arg14 : memref<!tpu.dma_semaphore, #tpu.memory_space<semaphore_mem>>) src(%dma_wait3A_243 : memref<2x100xi32, #tpu.memory_space<hbm>>) dst(%dma_wait3A_239 : memref<2x100xi32, #tpu.memory_space<vmem>>)
        %dma_start3A_244 = arith.constant 0 : i32
        %dma_start3A_245 = arith.constant 0 : i32
        %dma_start3A_246 = arith.constant 0 : i32
        %dma_start3A_247 = tpu.memref_slice %arg6[%dma_start3A_244, %dma_start3A_245, %dma_start3A_246] : memref<3x2x100xi32, #tpu.memory_space<vmem>> -> memref<1x1x100xi32, #tpu.memory_space<vmem>>
        %dma_start3A_248 = tpu.memref_squeeze %dma_start3A_247 : memref<1x1x100xi32, #tpu.memory_space<vmem>> -> memref<100xi32, #tpu.memory_space<vmem>>
        %dma_start3A_249 = arith.constant 0 : i32
        %dma_start3A_250 = arith.constant 0 : i32
        %dma_start3A_251 = tpu.memref_slice %arg3[%dma_start3A_249, %dma_start3A_250] : memref<10112x128xf32, #tpu.memory_space<hbm>> -> memref<10112x128xf32, #tpu.memory_space<hbm>>
        tpu.enqueue_indirect_dma source(%dma_start3A_251 : memref<10112x128xf32, #tpu.memory_space<hbm>>) target(%arg7 : memref<100x128xf32, #tpu.memory_space<vmem>>) offsets(%dma_start3A_248 : memref<100xi32, #tpu.memory_space<vmem>>) semaphore(%arg11 : memref<!tpu.dma_semaphore, #tpu.memory_space<semaphore_mem>>)
      } else {
      }
      %add3A_191 = arith.constant 2 : i32
      %add3A_192 = arith.addi %add3A_158, %add3A_191 : i32
      %lt3A_193 = arith.constant 100 : i32
      %lt3A_194 = arith.cmpi slt, %add3A_192, %lt3A_193 : i32
      %convert_element_type3A_195 = arith.extui %lt3A_194 : i1 to i32
      %cond3A_196 = arith.constant 0 : i32
      %cond3A_197 = arith.cmpi ne, %convert_element_type3A_195, %cond3A_196 : i32
      scf.if %cond3A_197 {
        %dma_wait3A_210 = arith.constant 2 : i32
        %dma_wait3A_211 = arith.constant 0 : i32
        %dma_wait3A_212 = arith.constant 0 : i32
        %dma_wait3A_213 = tpu.memref_slice %arg6[%dma_wait3A_210, %dma_wait3A_211, %dma_wait3A_212] : memref<3x2x100xi32, #tpu.memory_space<vmem>> -> memref<1x1x100xi32, #tpu.memory_space<vmem>>
        %dma_wait3A_214 = tpu.memref_squeeze %dma_wait3A_213 : memref<1x1x100xi32, #tpu.memory_space<vmem>> -> memref<100xi32, #tpu.memory_space<vmem>>
        %dma_wait3A_215 = arith.constant 0 : i32
        %dma_wait3A_216 = arith.constant 0 : i32
        %dma_wait3A_217 = tpu.memref_slice %arg3[%dma_wait3A_215, %dma_wait3A_216] : memref<10112x128xf32, #tpu.memory_space<hbm>> -> memref<10112x128xf32, #tpu.memory_space<hbm>>
        tpu.wait_indirect_dma semaphore(%arg13 : memref<!tpu.dma_semaphore, #tpu.memory_space<semaphore_mem>>) src(%dma_wait3A_217 : memref<10112x128xf32, #tpu.memory_space<hbm>>) dst(%arg9 : memref<100x128xf32, #tpu.memory_space<vmem>>)
        %gt3A_218 = arith.constant 0 : i32
        %gt3A_219 = arith.cmpi sgt, %add3A_192, %gt3A_218 : i32
        %convert_element_type3A_220 = arith.extui %gt3A_219 : i1 to i32
        %cond3A_221 = arith.constant 0 : i32
        %cond3A_222 = arith.cmpi ne, %convert_element_type3A_220, %cond3A_221 : i32
        scf.if %cond3A_222 {
          %dma_wait3A_231 = arith.constant 2 : i32
          %dma_wait3A_232 = arith.constant 1 : i32
          %dma_wait3A_233 = arith.constant 0 : i32
          %dma_wait3A_234 = tpu.memref_slice %arg6[%dma_wait3A_231, %dma_wait3A_232, %dma_wait3A_233] : memref<3x2x100xi32, #tpu.memory_space<vmem>> -> memref<1x1x100xi32, #tpu.memory_space<vmem>>
          %dma_wait3A_235 = tpu.memref_squeeze %dma_wait3A_234 : memref<1x1x100xi32, #tpu.memory_space<vmem>> -> memref<100xi32, #tpu.memory_space<vmem>>
          %dma_wait3A_236 = arith.constant 0 : i32
          %dma_wait3A_237 = arith.constant 0 : i32
          %dma_wait3A_238 = tpu.memref_slice %arg10[%dma_wait3A_236, %dma_wait3A_237] : memref<10112x128xf32, #tpu.memory_space<vmem_shared>> -> memref<10112x128xf32, #tpu.memory_space<vmem_shared>>
          tpu.wait_indirect_dma semaphore(%arg18 : memref<!tpu.dma_semaphore, #tpu.memory_space<semaphore_mem>>) src(%arg9 : memref<100x128xf32, #tpu.memory_space<vmem>>) dst(%dma_wait3A_238 : memref<10112x128xf32, #tpu.memory_space<vmem_shared>>)
        } else {
        }
        %dma_start3A_223 = arith.constant 2 : i32
        %dma_start3A_224 = arith.constant 1 : i32
        %dma_start3A_225 = arith.constant 0 : i32
        %dma_start3A_226 = tpu.memref_slice %arg6[%dma_start3A_223, %dma_start3A_224, %dma_start3A_225] : memref<3x2x100xi32, #tpu.memory_space<vmem>> -> memref<1x1x100xi32, #tpu.memory_space<vmem>>
        %dma_start3A_227 = tpu.memref_squeeze %dma_start3A_226 : memref<1x1x100xi32, #tpu.memory_space<vmem>> -> memref<100xi32, #tpu.memory_space<vmem>>
        %dma_start3A_228 = arith.constant 0 : i32
        %dma_start3A_229 = arith.constant 0 : i32
        %dma_start3A_230 = tpu.memref_slice %arg10[%dma_start3A_228, %dma_start3A_229] : memref<10112x128xf32, #tpu.memory_space<vmem_shared>> -> memref<10112x128xf32, #tpu.memory_space<vmem_shared>>
        tpu.enqueue_indirect_dma source(%arg9 : memref<100x128xf32, #tpu.memory_space<vmem>>) target(%dma_start3A_230 : memref<10112x128xf32, #tpu.memory_space<vmem_shared>>) offsets(%dma_start3A_227 : memref<100xi32, #tpu.memory_space<vmem>>) semaphore(%arg18 : memref<!tpu.dma_semaphore, #tpu.memory_space<semaphore_mem>>) {add = true}
      } else {
      }
      %add3A_198 = arith.constant 3 : i32
      %add3A_199 = arith.addi %add3A_192, %add3A_198 : i32
      %sub3A_200 = arith.constant 1 : i32
      %sub3A_201 = arith.subi %add3A_199, %sub3A_200 : i32
      %gt3A_202 = arith.constant 0 : i32
      %gt3A_203 = arith.cmpi sgt, %add3A_192, %gt3A_202 : i32
      %lt3A_204 = arith.constant 100 : i32
      %lt3A_205 = arith.cmpi slt, %sub3A_201, %lt3A_204 : i32
      %and3A_206 = arith.andi %gt3A_203, %lt3A_205 : i1
      %convert_element_type3A_207 = arith.extui %and3A_206 : i1 to i32
      %cond3A_208 = arith.constant 0 : i32
      %cond3A_209 = arith.cmpi ne, %convert_element_type3A_207, %cond3A_208 : i32
      scf.if %cond3A_209 {
        %dma_start3A_210 = arith.constant 1 : i32
        %dma_start3A_211 = arith.constant 0 : i32
        %dma_start3A_212 = arith.constant 0 : i32
        %dma_start3A_213 = tpu.memref_slice %arg6[%dma_start3A_210, %dma_start3A_211, %dma_start3A_212] : memref<3x2x100xi32, #tpu.memory_space<vmem>> -> memref<1x2x100xi32, #tpu.memory_space<vmem>>
        %dma_start3A_214 = tpu.memref_squeeze %dma_start3A_213 : memref<1x2x100xi32, #tpu.memory_space<vmem>> -> memref<2x100xi32, #tpu.memory_space<vmem>>
        %dma_start3A_215 = arith.constant 0 : i32
        %dma_start3A_216 = arith.constant 0 : i32
        %dma_start3A_217 = tpu.memref_slice %arg2[%add3A, %sub3A_201, %dma_start3A_215, %dma_start3A_216] : memref<32x100x2x100xi32, #tpu.memory_space<hbm>> -> memref<1x1x2x100xi32, #tpu.memory_space<hbm>>
        %dma_start3A_218 = tpu.memref_squeeze %dma_start3A_217 : memref<1x1x2x100xi32, #tpu.memory_space<hbm>> -> memref<2x100xi32, #tpu.memory_space<hbm>>
        %dma_start3A_219 = arith.constant 0 : i32
        %dma_start3A_220 = arith.constant 0 : i32
        %dma_start3A_221 = tpu.memref_slice %arg6[%dma_start3A_210, %dma_start3A_219, %dma_start3A_220] : memref<3x2x100xi32, #tpu.memory_space<vmem>> -> memref<1x2x100xi32, #tpu.memory_space<vmem>>
        %dma_start3A_222 = tpu.memref_squeeze %dma_start3A_221 : memref<1x2x100xi32, #tpu.memory_space<vmem>> -> memref<2x100xi32, #tpu.memory_space<vmem>>
        %dma_start3A_223 = arith.constant 0 : i32
        %dma_start3A_224 = arith.constant 0 : i32
        %dma_start3A_225 = tpu.memref_slice %arg2[%add3A, %sub3A_201, %dma_start3A_223, %dma_start3A_224] : memref<32x100x2x100xi32, #tpu.memory_space<hbm>> -> memref<1x1x2x100xi32, #tpu.memory_space<hbm>>
        %dma_start3A_226 = tpu.memref_squeeze %dma_start3A_225 : memref<1x1x2x100xi32, #tpu.memory_space<hbm>> -> memref<2x100xi32, #tpu.memory_space<hbm>>
        tpu.enqueue_dma source(%dma_start3A_226 : memref<2x100xi32, #tpu.memory_space<hbm>>) target(%dma_start3A_222 : memref<2x100xi32, #tpu.memory_space<vmem>>) target_semaphore(%arg15 : memref<!tpu.dma_semaphore, #tpu.memory_space<semaphore_mem>>)
        %dma_wait3A_227 = arith.constant 1 : i32
        %dma_wait3A_228 = arith.constant 0 : i32
        %dma_wait3A_229 = arith.constant 0 : i32
        %dma_wait3A_230 = tpu.memref_slice %arg6[%dma_wait3A_227, %dma_wait3A_228, %dma_wait3A_229] : memref<3x2x100xi32, #tpu.memory_space<vmem>> -> memref<1x2x100xi32, #tpu.memory_space<vmem>>
        %dma_wait3A_231 = tpu.memref_squeeze %dma_wait3A_230 : memref<1x2x100xi32, #tpu.memory_space<vmem>> -> memref<2x100xi32, #tpu.memory_space<vmem>>
        %dma_wait3A_232 = arith.constant 0 : i32
        %dma_wait3A_233 = arith.constant 0 : i32
        %dma_wait3A_234 = tpu.memref_slice %arg2[%add3A, %sub3A_201, %dma_wait3A_232, %dma_wait3A_233] : memref<32x100x2x100xi32, #tpu.memory_space<hbm>> -> memref<1x1x2x100xi32, #tpu.memory_space<hbm>>
        %dma_wait3A_235 = tpu.memref_squeeze %dma_wait3A_234 : memref<1x1x2x100xi32, #tpu.memory_space<hbm>> -> memref<2x100xi32, #tpu.memory_space<hbm>>
        %dma_wait3A_236 = arith.constant 0 : i32
        %dma_wait3A_237 = arith.constant 0 : i32
        %dma_wait3A_238 = tpu.memref_slice %arg6[%dma_wait3A_227, %dma_wait3A_236, %dma_wait3A_237] : memref<3x2x100xi32, #tpu.memory_space<vmem>> -> memref<1x2x100xi32, #tpu.memory_space<vmem>>
        %dma_wait3A_239 = tpu.memref_squeeze %dma_wait3A_238 : memref<1x2x100xi32, #tpu.memory_space<vmem>> -> memref<2x100xi32, #tpu.memory_space<vmem>>
        %dma_wait3A_240 = arith.constant 0 : i32
        %dma_wait3A_241 = arith.constant 0 : i32
        %dma_wait3A_242 = tpu.memref_slice %arg2[%add3A, %sub3A_201, %dma_wait3A_240, %dma_wait3A_241] : memref<32x100x2x100xi32, #tpu.memory_space<hbm>> -> memref<1x1x2x100xi32, #tpu.memory_space<hbm>>
        %dma_wait3A_243 = tpu.memref_squeeze %dma_wait3A_242 : memref<1x1x2x100xi32, #tpu.memory_space<hbm>> -> memref<2x100xi32, #tpu.memory_space<hbm>>
        tpu.wait_dma2 semaphore(%arg15 : memref<!tpu.dma_semaphore, #tpu.memory_space<semaphore_mem>>) src(%dma_wait3A_243 : memref<2x100xi32, #tpu.memory_space<hbm>>) dst(%dma_wait3A_239 : memref<2x100xi32, #tpu.memory_space<vmem>>)
        %dma_start3A_244 = arith.constant 1 : i32
        %dma_start3A_245 = arith.constant 0 : i32
        %dma_start3A_246 = arith.constant 0 : i32
        %dma_start3A_247 = tpu.memref_slice %arg6[%dma_start3A_244, %dma_start3A_245, %dma_start3A_246] : memref<3x2x100xi32, #tpu.memory_space<vmem>> -> memref<1x1x100xi32, #tpu.memory_space<vmem>>
        %dma_start3A_248 = tpu.memref_squeeze %dma_start3A_247 : memref<1x1x100xi32, #tpu.memory_space<vmem>> -> memref<100xi32, #tpu.memory_space<vmem>>
        %dma_start3A_249 = arith.constant 0 : i32
        %dma_start3A_250 = arith.constant 0 : i32
        %dma_start3A_251 = tpu.memref_slice %arg3[%dma_start3A_249, %dma_start3A_250] : memref<10112x128xf32, #tpu.memory_space<hbm>> -> memref<10112x128xf32, #tpu.memory_space<hbm>>
        tpu.enqueue_indirect_dma source(%dma_start3A_251 : memref<10112x128xf32, #tpu.memory_space<hbm>>) target(%arg8 : memref<100x128xf32, #tpu.memory_space<vmem>>) offsets(%dma_start3A_248 : memref<100xi32, #tpu.memory_space<vmem>>) semaphore(%arg12 : memref<!tpu.dma_semaphore, #tpu.memory_space<semaphore_mem>>)
      } else {
      }
    }
    %scan3A_140 = arith.constant 34 : i32
    %dma_wait3A_141 = arith.constant 0 : i32
    %dma_wait3A_142 = arith.constant 1 : i32
    %dma_wait3A_143 = arith.constant 0 : i32
    %dma_wait3A_144 = tpu.memref_slice %arg6[%dma_wait3A_141, %dma_wait3A_142, %dma_wait3A_143] : memref<3x2x100xi32, #tpu.memory_space<vmem>> -> memref<1x1x100xi32, #tpu.memory_space<vmem>>
    %dma_wait3A_145 = tpu.memref_squeeze %dma_wait3A_144 : memref<1x1x100xi32, #tpu.memory_space<vmem>> -> memref<100xi32, #tpu.memory_space<vmem>>
    %dma_wait3A_146 = arith.constant 0 : i32
    %dma_wait3A_147 = arith.constant 0 : i32
    %dma_wait3A_148 = tpu.memref_slice %arg10[%dma_wait3A_146, %dma_wait3A_147] : memref<10112x128xf32, #tpu.memory_space<vmem_shared>> -> memref<10112x128xf32, #tpu.memory_space<vmem_shared>>
    tpu.wait_indirect_dma semaphore(%arg18 : memref<!tpu.dma_semaphore, #tpu.memory_space<semaphore_mem>>) src(%arg7 : memref<100x128xf32, #tpu.memory_space<vmem>>) dst(%dma_wait3A_148 : memref<10112x128xf32, #tpu.memory_space<vmem_shared>>)
    %barrier3A_149 = arith.constant 0 : index
    tpu.barrier barrier_id(%barrier3A_149)
    %mul3A_150 = arith.constant 632 : i32
    %mul3A_151 = arith.muli %arg1, %mul3A_150 : i32
    %mul3A_152 = arith.constant 632 : i32
    %mul3A_153 = arith.muli %arg1, %mul3A_152 : i32
    "tpu.region"() ({
      %run_scoped3A = tpu.sem_alloc : memref<!tpu.dma_semaphore, #tpu.memory_space<semaphore_mem>>
      %dma_start3A_154 = arith.constant 0 : i32
      %dma_start3A_155 = tpu.memref_slice %arg5[%arg0, %mul3A_153, %dma_start3A_154] : memref<2x10112x128xf32, #tpu.memory_space<hbm>> -> memref<1x632x128xf32, #tpu.memory_space<hbm>>
      %dma_start3A_156 = tpu.memref_squeeze %dma_start3A_155 : memref<1x632x128xf32, #tpu.memory_space<hbm>> -> memref<632x128xf32, #tpu.memory_space<hbm>>
      %dma_start3A_157 = arith.constant 0 : i32
      %dma_start3A_158 = tpu.memref_slice %arg10[%mul3A_151, %dma_start3A_157] : memref<10112x128xf32, #tpu.memory_space<vmem_shared>> -> memref<632x128xf32, #tpu.memory_space<vmem_shared>>
      tpu.enqueue_dma source(%dma_start3A_158 : memref<632x128xf32, #tpu.memory_space<vmem_shared>>) target(%dma_start3A_156 : memref<632x128xf32, #tpu.memory_space<hbm>>) target_semaphore(%run_scoped3A : memref<!tpu.dma_semaphore, #tpu.memory_space<semaphore_mem>>)
      %dma_wait3A_159 = arith.constant 0 : i32
      %dma_wait3A_160 = tpu.memref_slice %arg5[%arg0, %mul3A_153, %dma_wait3A_159] : memref<2x10112x128xf32, #tpu.memory_space<hbm>> -> memref<1x632x128xf32, #tpu.memory_space<hbm>>
      %dma_wait3A_161 = tpu.memref_squeeze %dma_wait3A_160 : memref<1x632x128xf32, #tpu.memory_space<hbm>> -> memref<632x128xf32, #tpu.memory_space<hbm>>
      %dma_wait3A_162 = arith.constant 0 : i32
      %dma_wait3A_163 = tpu.memref_slice %arg10[%mul3A_151, %dma_wait3A_162] : memref<10112x128xf32, #tpu.memory_space<vmem_shared>> -> memref<632x128xf32, #tpu.memory_space<vmem_shared>>
      tpu.wait_dma2 semaphore(%run_scoped3A : memref<!tpu.dma_semaphore, #tpu.memory_space<semaphore_mem>>) src(%dma_wait3A_163 : memref<632x128xf32, #tpu.memory_space<vmem_shared>>) dst(%dma_wait3A_161 : memref<632x128xf32, #tpu.memory_space<hbm>>)
      tpu.yield
    }) : () -> ()
    return
  }
}

#map = affine_map<(d0, d1) -> (0, 0, 0, 0)>
#map1 = affine_map<(d0, d1) -> (0, 0)>
#map2 = affine_map<(d0, d1) -> (0, 0, 0)>
module attributes {stable_mosaic.version = 14 : i64} {
  func.func @hop_kernel(%arg0: i32, %arg1: i32, %arg2: memref<32x100x2x100xi32, #tpu.memory_space<hbm>>, %arg3: memref<10112x128xf32, #tpu.memory_space<hbm>>, %arg4: memref<632x128xf32, #tpu.memory_space<hbm>>, %arg5: memref<2x10112x128xf32, #tpu.memory_space<hbm>>, %arg6: memref<3x2x100xi32, #tpu.memory_space<vmem>>, %arg7: memref<100x128xf32, #tpu.memory_space<vmem>>, %arg8: memref<100x128xf32, #tpu.memory_space<vmem>>, %arg9: memref<100x128xf32, #tpu.memory_space<vmem>>, %arg10: memref<10112x128xf32, #tpu.memory_space<vmem_shared>>, %arg11: memref<!tpu.dma_semaphore, #tpu.memory_space<semaphore_mem>>, %arg12: memref<!tpu.dma_semaphore, #tpu.memory_space<semaphore_mem>>, %arg13: memref<!tpu.dma_semaphore, #tpu.memory_space<semaphore_mem>>, %arg14: memref<!tpu.dma_semaphore, #tpu.memory_space<semaphore_mem>>, %arg15: memref<!tpu.dma_semaphore, #tpu.memory_space<semaphore_mem>>, %arg16: memref<!tpu.dma_semaphore, #tpu.memory_space<semaphore_mem>>, %arg17: memref<!tpu.dma_semaphore, #tpu.memory_space<semaphore_mem>>, %arg18: memref<!tpu.dma_semaphore, #tpu.memory_space<semaphore_mem>>) attributes {dimension_semantics = [#tpu.dimension_semantics<core_parallel>, #tpu.dimension_semantics<subcore_parallel>], iteration_bounds = array<i64: 2, 16>, scalar_prefetch = 0 : i64, scratch_operands = 13 : i64, tpu.core_type = #tpu.core_type<sc_vector_subcore>, window_params = [{transform_indices = #map}, {transform_indices = #map1}, {transform_indices = #map1}, {transform_indices = #map2}]} {
    %mul3A = arith.constant 2 : i32
    %mul3A_0 = arith.muli %arg1, %mul3A : i32
    %add3A = arith.addi %mul3A_0, %arg0 : i32
    %mul3A_1 = arith.constant 632 : i32
    %mul3A_2 = arith.muli %arg1, %mul3A_1 : i32
    %dma_start3A = arith.constant 0 : i32
    %dma_start3A_3 = tpu.memref_slice %arg10[%mul3A_2, %dma_start3A] : memref<10112x128xf32, #tpu.memory_space<vmem_shared>> -> memref<632x128xf32, #tpu.memory_space<vmem_shared>>
    tpu.enqueue_dma source(%arg4 : memref<632x128xf32, #tpu.memory_space<hbm>>) target(%dma_start3A_3 : memref<632x128xf32, #tpu.memory_space<vmem_shared>>) target_semaphore(%arg17 : memref<!tpu.dma_semaphore, #tpu.memory_space<semaphore_mem>>)
    %dma_start3A_4 = arith.constant 0 : i32
    %dma_start3A_5 = arith.constant 0 : i32
    %dma_start3A_6 = arith.constant 0 : i32
    %dma_start3A_7 = arith.constant 0 : i32
    %dma_start3A_8 = tpu.memref_slice %arg6[%dma_start3A_5, %dma_start3A_6, %dma_start3A_7] : memref<3x2x100xi32, #tpu.memory_space<vmem>> -> memref<1x2x100xi32, #tpu.memory_space<vmem>>
    %dma_start3A_9 = tpu.memref_squeeze %dma_start3A_8 : memref<1x2x100xi32, #tpu.memory_space<vmem>> -> memref<2x100xi32, #tpu.memory_space<vmem>>
    %dma_start3A_10 = arith.constant 0 : i32
    %dma_start3A_11 = arith.constant 0 : i32
    %dma_start3A_12 = tpu.memref_slice %arg2[%add3A, %dma_start3A_4, %dma_start3A_10, %dma_start3A_11] : memref<32x100x2x100xi32, #tpu.memory_space<hbm>> -> memref<1x1x2x100xi32, #tpu.memory_space<hbm>>
    %dma_start3A_13 = tpu.memref_squeeze %dma_start3A_12 : memref<1x1x2x100xi32, #tpu.memory_space<hbm>> -> memref<2x100xi32, #tpu.memory_space<hbm>>
    %dma_start3A_14 = arith.constant 0 : i32
    %dma_start3A_15 = arith.constant 0 : i32
    %dma_start3A_16 = tpu.memref_slice %arg6[%dma_start3A_5, %dma_start3A_14, %dma_start3A_15] : memref<3x2x100xi32, #tpu.memory_space<vmem>> -> memref<1x2x100xi32, #tpu.memory_space<vmem>>
    %dma_start3A_17 = tpu.memref_squeeze %dma_start3A_16 : memref<1x2x100xi32, #tpu.memory_space<vmem>> -> memref<2x100xi32, #tpu.memory_space<vmem>>
    %dma_start3A_18 = arith.constant 0 : i32
    %dma_start3A_19 = arith.constant 0 : i32
    %dma_start3A_20 = tpu.memref_slice %arg2[%add3A, %dma_start3A_4, %dma_start3A_18, %dma_start3A_19] : memref<32x100x2x100xi32, #tpu.memory_space<hbm>> -> memref<1x1x2x100xi32, #tpu.memory_space<hbm>>
    %dma_start3A_21 = tpu.memref_squeeze %dma_start3A_20 : memref<1x1x2x100xi32, #tpu.memory_space<hbm>> -> memref<2x100xi32, #tpu.memory_space<hbm>>
    tpu.enqueue_dma source(%dma_start3A_21 : memref<2x100xi32, #tpu.memory_space<hbm>>) target(%dma_start3A_17 : memref<2x100xi32, #tpu.memory_space<vmem>>) target_semaphore(%arg14 : memref<!tpu.dma_semaphore, #tpu.memory_space<semaphore_mem>>)
    %dma_start3A_22 = arith.constant 1 : i32
    %dma_start3A_23 = arith.constant 1 : i32
    %dma_start3A_24 = arith.constant 0 : i32
    %dma_start3A_25 = arith.constant 0 : i32
    %dma_start3A_26 = tpu.memref_slice %arg6[%dma_start3A_23, %dma_start3A_24, %dma_start3A_25] : memref<3x2x100xi32, #tpu.memory_space<vmem>> -> memref<1x2x100xi32, #tpu.memory_space<vmem>>
    %dma_start3A_27 = tpu.memref_squeeze %dma_start3A_26 : memref<1x2x100xi32, #tpu.memory_space<vmem>> -> memref<2x100xi32, #tpu.memory_space<vmem>>
    %dma_start3A_28 = arith.constant 0 : i32
    %dma_start3A_29 = arith.constant 0 : i32
    %dma_start3A_30 = tpu.memref_slice %arg2[%add3A, %dma_start3A_22, %dma_start3A_28, %dma_start3A_29] : memref<32x100x2x100xi32, #tpu.memory_space<hbm>> -> memref<1x1x2x100xi32, #tpu.memory_space<hbm>>
    %dma_start3A_31 = tpu.memref_squeeze %dma_start3A_30 : memref<1x1x2x100xi32, #tpu.memory_space<hbm>> -> memref<2x100xi32, #tpu.memory_space<hbm>>
    %dma_start3A_32 = arith.constant 0 : i32
    %dma_start3A_33 = arith.constant 0 : i32
    %dma_start3A_34 = tpu.memref_slice %arg6[%dma_start3A_23, %dma_start3A_32, %dma_start3A_33] : memref<3x2x100xi32, #tpu.memory_space<vmem>> -> memref<1x2x100xi32, #tpu.memory_space<vmem>>
    %dma_start3A_35 = tpu.memref_squeeze %dma_start3A_34 : memref<1x2x100xi32, #tpu.memory_space<vmem>> -> memref<2x100xi32, #tpu.memory_space<vmem>>
    %dma_start3A_36 = arith.constant 0 : i32
    %dma_start3A_37 = arith.constant 0 : i32
    %dma_start3A_38 = tpu.memref_slice %arg2[%add3A, %dma_start3A_22, %dma_start3A_36, %dma_start3A_37] : memref<32x100x2x100xi32, #tpu.memory_space<hbm>> -> memref<1x1x2x100xi32, #tpu.memory_space<hbm>>
    %dma_start3A_39 = tpu.memref_squeeze %dma_start3A_38 : memref<1x1x2x100xi32, #tpu.memory_space<hbm>> -> memref<2x100xi32, #tpu.memory_space<hbm>>
    tpu.enqueue_dma source(%dma_start3A_39 : memref<2x100xi32, #tpu.memory_space<hbm>>) target(%dma_start3A_35 : memref<2x100xi32, #tpu.memory_space<vmem>>) target_semaphore(%arg15 : memref<!tpu.dma_semaphore, #tpu.memory_space<semaphore_mem>>)
    %dma_start3A_40 = arith.constant 2 : i32
    %dma_start3A_41 = arith.constant 2 : i32
    %dma_start3A_42 = arith.constant 0 : i32
    %dma_start3A_43 = arith.constant 0 : i32
    %dma_start3A_44 = tpu.memref_slice %arg6[%dma_start3A_41, %dma_start3A_42, %dma_start3A_43] : memref<3x2x100xi32, #tpu.memory_space<vmem>> -> memref<1x2x100xi32, #tpu.memory_space<vmem>>
    %dma_start3A_45 = tpu.memref_squeeze %dma_start3A_44 : memref<1x2x100xi32, #tpu.memory_space<vmem>> -> memref<2x100xi32, #tpu.memory_space<vmem>>
    %dma_start3A_46 = arith.constant 0 : i32
    %dma_start3A_47 = arith.constant 0 : i32
    %dma_start3A_48 = tpu.memref_slice %arg2[%add3A, %dma_start3A_40, %dma_start3A_46, %dma_start3A_47] : memref<32x100x2x100xi32, #tpu.memory_space<hbm>> -> memref<1x1x2x100xi32, #tpu.memory_space<hbm>>
    %dma_start3A_49 = tpu.memref_squeeze %dma_start3A_48 : memref<1x1x2x100xi32, #tpu.memory_space<hbm>> -> memref<2x100xi32, #tpu.memory_space<hbm>>
    %dma_start3A_50 = arith.constant 0 : i32
    %dma_start3A_51 = arith.constant 0 : i32
    %dma_start3A_52 = tpu.memref_slice %arg6[%dma_start3A_41, %dma_start3A_50, %dma_start3A_51] : memref<3x2x100xi32, #tpu.memory_space<vmem>> -> memref<1x2x100xi32, #tpu.memory_space<vmem>>
    %dma_start3A_53 = tpu.memref_squeeze %dma_start3A_52 : memref<1x2x100xi32, #tpu.memory_space<vmem>> -> memref<2x100xi32, #tpu.memory_space<vmem>>
    %dma_start3A_54 = arith.constant 0 : i32
    %dma_start3A_55 = arith.constant 0 : i32
    %dma_start3A_56 = tpu.memref_slice %arg2[%add3A, %dma_start3A_40, %dma_start3A_54, %dma_start3A_55] : memref<32x100x2x100xi32, #tpu.memory_space<hbm>> -> memref<1x1x2x100xi32, #tpu.memory_space<hbm>>
    %dma_start3A_57 = tpu.memref_squeeze %dma_start3A_56 : memref<1x1x2x100xi32, #tpu.memory_space<hbm>> -> memref<2x100xi32, #tpu.memory_space<hbm>>
    tpu.enqueue_dma source(%dma_start3A_57 : memref<2x100xi32, #tpu.memory_space<hbm>>) target(%dma_start3A_53 : memref<2x100xi32, #tpu.memory_space<vmem>>) target_semaphore(%arg16 : memref<!tpu.dma_semaphore, #tpu.memory_space<semaphore_mem>>)
    %dma_wait3A = arith.constant 0 : i32
    %dma_wait3A_58 = arith.constant 0 : i32
    %dma_wait3A_59 = arith.constant 0 : i32
    %dma_wait3A_60 = arith.constant 0 : i32
    %dma_wait3A_61 = tpu.memref_slice %arg6[%dma_wait3A_58, %dma_wait3A_59, %dma_wait3A_60] : memref<3x2x100xi32, #tpu.memory_space<vmem>> -> memref<1x2x100xi32, #tpu.memory_space<vmem>>
    %dma_wait3A_62 = tpu.memref_squeeze %dma_wait3A_61 : memref<1x2x100xi32, #tpu.memory_space<vmem>> -> memref<2x100xi32, #tpu.memory_space<vmem>>
    %dma_wait3A_63 = arith.constant 0 : i32
    %dma_wait3A_64 = arith.constant 0 : i32
    %dma_wait3A_65 = tpu.memref_slice %arg2[%add3A, %dma_wait3A, %dma_wait3A_63, %dma_wait3A_64] : memref<32x100x2x100xi32, #tpu.memory_space<hbm>> -> memref<1x1x2x100xi32, #tpu.memory_space<hbm>>
    %dma_wait3A_66 = tpu.memref_squeeze %dma_wait3A_65 : memref<1x1x2x100xi32, #tpu.memory_space<hbm>> -> memref<2x100xi32, #tpu.memory_space<hbm>>
    %dma_wait3A_67 = arith.constant 0 : i32
    %dma_wait3A_68 = arith.constant 0 : i32
    %dma_wait3A_69 = tpu.memref_slice %arg6[%dma_wait3A_58, %dma_wait3A_67, %dma_wait3A_68] : memref<3x2x100xi32, #tpu.memory_space<vmem>> -> memref<1x2x100xi32, #tpu.memory_space<vmem>>
    %dma_wait3A_70 = tpu.memref_squeeze %dma_wait3A_69 : memref<1x2x100xi32, #tpu.memory_space<vmem>> -> memref<2x100xi32, #tpu.memory_space<vmem>>
    %dma_wait3A_71 = arith.constant 0 : i32
    %dma_wait3A_72 = arith.constant 0 : i32
    %dma_wait3A_73 = tpu.memref_slice %arg2[%add3A, %dma_wait3A, %dma_wait3A_71, %dma_wait3A_72] : memref<32x100x2x100xi32, #tpu.memory_space<hbm>> -> memref<1x1x2x100xi32, #tpu.memory_space<hbm>>
    %dma_wait3A_74 = tpu.memref_squeeze %dma_wait3A_73 : memref<1x1x2x100xi32, #tpu.memory_space<hbm>> -> memref<2x100xi32, #tpu.memory_space<hbm>>
    tpu.wait_dma2 semaphore(%arg14 : memref<!tpu.dma_semaphore, #tpu.memory_space<semaphore_mem>>) src(%dma_wait3A_74 : memref<2x100xi32, #tpu.memory_space<hbm>>) dst(%dma_wait3A_70 : memref<2x100xi32, #tpu.memory_space<vmem>>)
    %dma_start3A_75 = arith.constant 0 : i32
    %dma_start3A_76 = arith.constant 0 : i32
    %dma_start3A_77 = arith.constant 0 : i32
    %dma_start3A_78 = tpu.memref_slice %arg6[%dma_start3A_75, %dma_start3A_76, %dma_start3A_77] : memref<3x2x100xi32, #tpu.memory_space<vmem>> -> memref<1x1x100xi32, #tpu.memory_space<vmem>>
    %dma_start3A_79 = tpu.memref_squeeze %dma_start3A_78 : memref<1x1x100xi32, #tpu.memory_space<vmem>> -> memref<100xi32, #tpu.memory_space<vmem>>
    %dma_start3A_80 = arith.constant 0 : i32
    %dma_start3A_81 = arith.constant 0 : i32
    %dma_start3A_82 = tpu.memref_slice %arg3[%dma_start3A_80, %dma_start3A_81] : memref<10112x128xf32, #tpu.memory_space<hbm>> -> memref<10112x128xf32, #tpu.memory_space<hbm>>
    tpu.enqueue_indirect_dma source(%dma_start3A_82 : memref<10112x128xf32, #tpu.memory_space<hbm>>) target(%arg7 : memref<100x128xf32, #tpu.memory_space<vmem>>) offsets(%dma_start3A_79 : memref<100xi32, #tpu.memory_space<vmem>>) semaphore(%arg11 : memref<!tpu.dma_semaphore, #tpu.memory_space<semaphore_mem>>)
    %dma_wait3A_83 = arith.constant 1 : i32
    %dma_wait3A_84 = arith.constant 1 : i32
    %dma_wait3A_85 = arith.constant 0 : i32
    %dma_wait3A_86 = arith.constant 0 : i32
    %dma_wait3A_87 = tpu.memref_slice %arg6[%dma_wait3A_84, %dma_wait3A_85, %dma_wait3A_86] : memref<3x2x100xi32, #tpu.memory_space<vmem>> -> memref<1x2x100xi32, #tpu.memory_space<vmem>>
    %dma_wait3A_88 = tpu.memref_squeeze %dma_wait3A_87 : memref<1x2x100xi32, #tpu.memory_space<vmem>> -> memref<2x100xi32, #tpu.memory_space<vmem>>
    %dma_wait3A_89 = arith.constant 0 : i32
    %dma_wait3A_90 = arith.constant 0 : i32
    %dma_wait3A_91 = tpu.memref_slice %arg2[%add3A, %dma_wait3A_83, %dma_wait3A_89, %dma_wait3A_90] : memref<32x100x2x100xi32, #tpu.memory_space<hbm>> -> memref<1x1x2x100xi32, #tpu.memory_space<hbm>>
    %dma_wait3A_92 = tpu.memref_squeeze %dma_wait3A_91 : memref<1x1x2x100xi32, #tpu.memory_space<hbm>> -> memref<2x100xi32, #tpu.memory_space<hbm>>
    %dma_wait3A_93 = arith.constant 0 : i32
    %dma_wait3A_94 = arith.constant 0 : i32
    %dma_wait3A_95 = tpu.memref_slice %arg6[%dma_wait3A_84, %dma_wait3A_93, %dma_wait3A_94] : memref<3x2x100xi32, #tpu.memory_space<vmem>> -> memref<1x2x100xi32, #tpu.memory_space<vmem>>
    %dma_wait3A_96 = tpu.memref_squeeze %dma_wait3A_95 : memref<1x2x100xi32, #tpu.memory_space<vmem>> -> memref<2x100xi32, #tpu.memory_space<vmem>>
    %dma_wait3A_97 = arith.constant 0 : i32
    %dma_wait3A_98 = arith.constant 0 : i32
    %dma_wait3A_99 = tpu.memref_slice %arg2[%add3A, %dma_wait3A_83, %dma_wait3A_97, %dma_wait3A_98] : memref<32x100x2x100xi32, #tpu.memory_space<hbm>> -> memref<1x1x2x100xi32, #tpu.memory_space<hbm>>
    %dma_wait3A_100 = tpu.memref_squeeze %dma_wait3A_99 : memref<1x1x2x100xi32, #tpu.memory_space<hbm>> -> memref<2x100xi32, #tpu.memory_space<hbm>>
    tpu.wait_dma2 semaphore(%arg15 : memref<!tpu.dma_semaphore, #tpu.memory_space<semaphore_mem>>) src(%dma_wait3A_100 : memref<2x100xi32, #tpu.memory_space<hbm>>) dst(%dma_wait3A_96 : memref<2x100xi32, #tpu.memory_space<vmem>>)
    %dma_start3A_101 = arith.constant 1 : i32
    %dma_start3A_102 = arith.constant 0 : i32
    %dma_start3A_103 = arith.constant 0 : i32
    %dma_start3A_104 = tpu.memref_slice %arg6[%dma_start3A_101, %dma_start3A_102, %dma_start3A_103] : memref<3x2x100xi32, #tpu.memory_space<vmem>> -> memref<1x1x100xi32, #tpu.memory_space<vmem>>
    %dma_start3A_105 = tpu.memref_squeeze %dma_start3A_104 : memref<1x1x100xi32, #tpu.memory_space<vmem>> -> memref<100xi32, #tpu.memory_space<vmem>>
    %dma_start3A_106 = arith.constant 0 : i32
    %dma_start3A_107 = arith.constant 0 : i32
    %dma_start3A_108 = tpu.memref_slice %arg3[%dma_start3A_106, %dma_start3A_107] : memref<10112x128xf32, #tpu.memory_space<hbm>> -> memref<10112x128xf32, #tpu.memory_space<hbm>>
    tpu.enqueue_indirect_dma source(%dma_start3A_108 : memref<10112x128xf32, #tpu.memory_space<hbm>>) target(%arg8 : memref<100x128xf32, #tpu.memory_space<vmem>>) offsets(%dma_start3A_105 : memref<100xi32, #tpu.memory_space<vmem>>) semaphore(%arg12 : memref<!tpu.dma_semaphore, #tpu.memory_space<semaphore_mem>>)
    %dma_wait3A_109 = arith.constant 2 : i32
    %dma_wait3A_110 = arith.constant 2 : i32
    %dma_wait3A_111 = arith.constant 0 : i32
    %dma_wait3A_112 = arith.constant 0 : i32
    %dma_wait3A_113 = tpu.memref_slice %arg6[%dma_wait3A_110, %dma_wait3A_111, %dma_wait3A_112] : memref<3x2x100xi32, #tpu.memory_space<vmem>> -> memref<1x2x100xi32, #tpu.memory_space<vmem>>
    %dma_wait3A_114 = tpu.memref_squeeze %dma_wait3A_113 : memref<1x2x100xi32, #tpu.memory_space<vmem>> -> memref<2x100xi32, #tpu.memory_space<vmem>>
    %dma_wait3A_115 = arith.constant 0 : i32
    %dma_wait3A_116 = arith.constant 0 : i32
    %dma_wait3A_117 = tpu.memref_slice %arg2[%add3A, %dma_wait3A_109, %dma_wait3A_115, %dma_wait3A_116] : memref<32x100x2x100xi32, #tpu.memory_space<hbm>> -> memref<1x1x2x100xi32, #tpu.memory_space<hbm>>
    %dma_wait3A_118 = tpu.memref_squeeze %dma_wait3A_117 : memref<1x1x2x100xi32, #tpu.memory_space<hbm>> -> memref<2x100xi32, #tpu.memory_space<hbm>>
    %dma_wait3A_119 = arith.constant 0 : i32
    %dma_wait3A_120 = arith.constant 0 : i32
    %dma_wait3A_121 = tpu.memref_slice %arg6[%dma_wait3A_110, %dma_wait3A_119, %dma_wait3A_120] : memref<3x2x100xi32, #tpu.memory_space<vmem>> -> memref<1x2x100xi32, #tpu.memory_space<vmem>>
    %dma_wait3A_122 = tpu.memref_squeeze %dma_wait3A_121 : memref<1x2x100xi32, #tpu.memory_space<vmem>> -> memref<2x100xi32, #tpu.memory_space<vmem>>
    %dma_wait3A_123 = arith.constant 0 : i32
    %dma_wait3A_124 = arith.constant 0 : i32
    %dma_wait3A_125 = tpu.memref_slice %arg2[%add3A, %dma_wait3A_109, %dma_wait3A_123, %dma_wait3A_124] : memref<32x100x2x100xi32, #tpu.memory_space<hbm>> -> memref<1x1x2x100xi32, #tpu.memory_space<hbm>>
    %dma_wait3A_126 = tpu.memref_squeeze %dma_wait3A_125 : memref<1x1x2x100xi32, #tpu.memory_space<hbm>> -> memref<2x100xi32, #tpu.memory_space<hbm>>
    tpu.wait_dma2 semaphore(%arg16 : memref<!tpu.dma_semaphore, #tpu.memory_space<semaphore_mem>>) src(%dma_wait3A_126 : memref<2x100xi32, #tpu.memory_space<hbm>>) dst(%dma_wait3A_122 : memref<2x100xi32, #tpu.memory_space<vmem>>)
    %dma_start3A_127 = arith.constant 2 : i32
    %dma_start3A_128 = arith.constant 0 : i32
    %dma_start3A_129 = arith.constant 0 : i32
    %dma_start3A_130 = tpu.memref_slice %arg6[%dma_start3A_127, %dma_start3A_128, %dma_start3A_129] : memref<3x2x100xi32, #tpu.memory_space<vmem>> -> memref<1x1x100xi32, #tpu.memory_space<vmem>>
    %dma_start3A_131 = tpu.memref_squeeze %dma_start3A_130 : memref<1x1x100xi32, #tpu.memory_space<vmem>> -> memref<100xi32, #tpu.memory_space<vmem>>
    %dma_start3A_132 = arith.constant 0 : i32
    %dma_start3A_133 = arith.constant 0 : i32
    %dma_start3A_134 = tpu.memref_slice %arg3[%dma_start3A_132, %dma_start3A_133] : memref<10112x128xf32, #tpu.memory_space<hbm>> -> memref<10112x128xf32, #tpu.memory_space<hbm>>
    tpu.enqueue_indirect_dma source(%dma_start3A_134 : memref<10112x128xf32, #tpu.memory_space<hbm>>) target(%arg9 : memref<100x128xf32, #tpu.memory_space<vmem>>) offsets(%dma_start3A_131 : memref<100xi32, #tpu.memory_space<vmem>>) semaphore(%arg13 : memref<!tpu.dma_semaphore, #tpu.memory_space<semaphore_mem>>)
    %dma_wait3A_135 = arith.constant 0 : i32
    %dma_wait3A_136 = tpu.memref_slice %arg10[%mul3A_2, %dma_wait3A_135] : memref<10112x128xf32, #tpu.memory_space<vmem_shared>> -> memref<632x128xf32, #tpu.memory_space<vmem_shared>>
    tpu.wait_dma2 semaphore(%arg17 : memref<!tpu.dma_semaphore, #tpu.memory_space<semaphore_mem>>) src(%arg4 : memref<632x128xf32, #tpu.memory_space<hbm>>) dst(%dma_wait3A_136 : memref<632x128xf32, #tpu.memory_space<vmem_shared>>)
    %barrier3A = arith.constant 0 : index
    tpu.barrier barrier_id(%barrier3A)
    %scan3A = arith.constant 0 : i32
    %scan3A_137 = arith.constant 34 : i32
    %scan3A_138 = arith.addi %scan3A, %scan3A_137 : i32
    %scan3A_139 = arith.constant 1 : i32
    scf.for %scan3A_154 = %scan3A to %scan3A_138 step %scan3A_139  : i32 {
      %mul3A_155 = arith.constant 3 : i32
      %mul3A_156 = arith.muli %scan3A_154, %mul3A_155 : i32
      %add3A_157 = arith.constant 0 : i32
      %add3A_158 = arith.addi %add3A_157, %mul3A_156 : i32
      %add3A_159 = arith.constant 0 : i32
      %add3A_160 = arith.addi %add3A_158, %add3A_159 : i32
      %lt3A = arith.constant 100 : i32
      %lt3A_161 = arith.cmpi slt, %add3A_160, %lt3A : i32
      %convert_element_type3A = arith.extui %lt3A_161 : i1 to i32
      %cond3A = arith.constant 0 : i32
      %cond3A_162 = arith.cmpi ne, %convert_element_type3A, %cond3A : i32
      scf.if %cond3A_162 {
        %dma_wait3A_210 = arith.constant 0 : i32
        %dma_wait3A_211 = arith.constant 0 : i32
        %dma_wait3A_212 = arith.constant 0 : i32
        %dma_wait3A_213 = tpu.memref_slice %arg6[%dma_wait3A_210, %dma_wait3A_211, %dma_wait3A_212] : memref<3x2x100xi32, #tpu.memory_space<vmem>> -> memref<1x1x100xi32, #tpu.memory_space<vmem>>
        %dma_wait3A_214 = tpu.memref_squeeze %dma_wait3A_213 : memref<1x1x100xi32, #tpu.memory_space<vmem>> -> memref<100xi32, #tpu.memory_space<vmem>>
        %dma_wait3A_215 = arith.constant 0 : i32
        %dma_wait3A_216 = arith.constant 0 : i32
        %dma_wait3A_217 = tpu.memref_slice %arg3[%dma_wait3A_215, %dma_wait3A_216] : memref<10112x128xf32, #tpu.memory_space<hbm>> -> memref<10112x128xf32, #tpu.memory_space<hbm>>
        tpu.wait_indirect_dma semaphore(%arg11 : memref<!tpu.dma_semaphore, #tpu.memory_space<semaphore_mem>>) src(%dma_wait3A_217 : memref<10112x128xf32, #tpu.memory_space<hbm>>) dst(%arg7 : memref<100x128xf32, #tpu.memory_space<vmem>>)
        %gt3A_218 = arith.constant 0 : i32
        %gt3A_219 = arith.cmpi sgt, %add3A_160, %gt3A_218 : i32
        %convert_element_type3A_220 = arith.extui %gt3A_219 : i1 to i32
        %cond3A_221 = arith.constant 0 : i32
        %cond3A_222 = arith.cmpi ne, %convert_element_type3A_220, %cond3A_221 : i32
        scf.if %cond3A_222 {
          %dma_wait3A_231 = arith.constant 0 : i32
          %dma_wait3A_232 = arith.constant 1 : i32
          %dma_wait3A_233 = arith.constant 0 : i32
          %dma_wait3A_234 = tpu.memref_slice %arg6[%dma_wait3A_231, %dma_wait3A_232, %dma_wait3A_233] : memref<3x2x100xi32, #tpu.memory_space<vmem>> -> memref<1x1x100xi32, #tpu.memory_space<vmem>>
          %dma_wait3A_235 = tpu.memref_squeeze %dma_wait3A_234 : memref<1x1x100xi32, #tpu.memory_space<vmem>> -> memref<100xi32, #tpu.memory_space<vmem>>
          %dma_wait3A_236 = arith.constant 0 : i32
          %dma_wait3A_237 = arith.constant 0 : i32
          %dma_wait3A_238 = tpu.memref_slice %arg10[%dma_wait3A_236, %dma_wait3A_237] : memref<10112x128xf32, #tpu.memory_space<vmem_shared>> -> memref<10112x128xf32, #tpu.memory_space<vmem_shared>>
          tpu.wait_indirect_dma semaphore(%arg18 : memref<!tpu.dma_semaphore, #tpu.memory_space<semaphore_mem>>) src(%arg7 : memref<100x128xf32, #tpu.memory_space<vmem>>) dst(%dma_wait3A_238 : memref<10112x128xf32, #tpu.memory_space<vmem_shared>>)
        } else {
        }
        %dma_start3A_223 = arith.constant 0 : i32
        %dma_start3A_224 = arith.constant 1 : i32
        %dma_start3A_225 = arith.constant 0 : i32
        %dma_start3A_226 = tpu.memref_slice %arg6[%dma_start3A_223, %dma_start3A_224, %dma_start3A_225] : memref<3x2x100xi32, #tpu.memory_space<vmem>> -> memref<1x1x100xi32, #tpu.memory_space<vmem>>
        %dma_start3A_227 = tpu.memref_squeeze %dma_start3A_226 : memref<1x1x100xi32, #tpu.memory_space<vmem>> -> memref<100xi32, #tpu.memory_space<vmem>>
        %dma_start3A_228 = arith.constant 0 : i32
        %dma_start3A_229 = arith.constant 0 : i32
        %dma_start3A_230 = tpu.memref_slice %arg10[%dma_start3A_228, %dma_start3A_229] : memref<10112x128xf32, #tpu.memory_space<vmem_shared>> -> memref<10112x128xf32, #tpu.memory_space<vmem_shared>>
        tpu.enqueue_indirect_dma source(%arg7 : memref<100x128xf32, #tpu.memory_space<vmem>>) target(%dma_start3A_230 : memref<10112x128xf32, #tpu.memory_space<vmem_shared>>) offsets(%dma_start3A_227 : memref<100xi32, #tpu.memory_space<vmem>>) semaphore(%arg18 : memref<!tpu.dma_semaphore, #tpu.memory_space<semaphore_mem>>) {add = true}
      } else {
      }
      %add3A_163 = arith.constant 3 : i32
      %add3A_164 = arith.addi %add3A_160, %add3A_163 : i32
      %sub3A = arith.constant 1 : i32
      %sub3A_165 = arith.subi %add3A_164, %sub3A : i32
      %gt3A = arith.constant 0 : i32
      %gt3A_166 = arith.cmpi sgt, %add3A_160, %gt3A : i32
      %lt3A_167 = arith.constant 100 : i32
      %lt3A_168 = arith.cmpi slt, %sub3A_165, %lt3A_167 : i32
      %and3A = arith.andi %gt3A_166, %lt3A_168 : i1
      %convert_element_type3A_169 = arith.extui %and3A : i1 to i32
      %cond3A_170 = arith.constant 0 : i32
      %cond3A_171 = arith.cmpi ne, %convert_element_type3A_169, %cond3A_170 : i32
      scf.if %cond3A_171 {
        %dma_start3A_210 = arith.constant 2 : i32
        %dma_start3A_211 = arith.constant 0 : i32
        %dma_start3A_212 = arith.constant 0 : i32
        %dma_start3A_213 = tpu.memref_slice %arg6[%dma_start3A_210, %dma_start3A_211, %dma_start3A_212] : memref<3x2x100xi32, #tpu.memory_space<vmem>> -> memref<1x2x100xi32, #tpu.memory_space<vmem>>
        %dma_start3A_214 = tpu.memref_squeeze %dma_start3A_213 : memref<1x2x100xi32, #tpu.memory_space<vmem>> -> memref<2x100xi32, #tpu.memory_space<vmem>>
        %dma_start3A_215 = arith.constant 0 : i32
        %dma_start3A_216 = arith.constant 0 : i32
        %dma_start3A_217 = tpu.memref_slice %arg2[%add3A, %sub3A_165, %dma_start3A_215, %dma_start3A_216] : memref<32x100x2x100xi32, #tpu.memory_space<hbm>> -> memref<1x1x2x100xi32, #tpu.memory_space<hbm>>
        %dma_start3A_218 = tpu.memref_squeeze %dma_start3A_217 : memref<1x1x2x100xi32, #tpu.memory_space<hbm>> -> memref<2x100xi32, #tpu.memory_space<hbm>>
        %dma_start3A_219 = arith.constant 0 : i32
        %dma_start3A_220 = arith.constant 0 : i32
        %dma_start3A_221 = tpu.memref_slice %arg6[%dma_start3A_210, %dma_start3A_219, %dma_start3A_220] : memref<3x2x100xi32, #tpu.memory_space<vmem>> -> memref<1x2x100xi32, #tpu.memory_space<vmem>>
        %dma_start3A_222 = tpu.memref_squeeze %dma_start3A_221 : memref<1x2x100xi32, #tpu.memory_space<vmem>> -> memref<2x100xi32, #tpu.memory_space<vmem>>
        %dma_start3A_223 = arith.constant 0 : i32
        %dma_start3A_224 = arith.constant 0 : i32
        %dma_start3A_225 = tpu.memref_slice %arg2[%add3A, %sub3A_165, %dma_start3A_223, %dma_start3A_224] : memref<32x100x2x100xi32, #tpu.memory_space<hbm>> -> memref<1x1x2x100xi32, #tpu.memory_space<hbm>>
        %dma_start3A_226 = tpu.memref_squeeze %dma_start3A_225 : memref<1x1x2x100xi32, #tpu.memory_space<hbm>> -> memref<2x100xi32, #tpu.memory_space<hbm>>
        tpu.enqueue_dma source(%dma_start3A_226 : memref<2x100xi32, #tpu.memory_space<hbm>>) target(%dma_start3A_222 : memref<2x100xi32, #tpu.memory_space<vmem>>) target_semaphore(%arg16 : memref<!tpu.dma_semaphore, #tpu.memory_space<semaphore_mem>>)
        %dma_wait3A_227 = arith.constant 2 : i32
        %dma_wait3A_228 = arith.constant 0 : i32
        %dma_wait3A_229 = arith.constant 0 : i32
        %dma_wait3A_230 = tpu.memref_slice %arg6[%dma_wait3A_227, %dma_wait3A_228, %dma_wait3A_229] : memref<3x2x100xi32, #tpu.memory_space<vmem>> -> memref<1x2x100xi32, #tpu.memory_space<vmem>>
        %dma_wait3A_231 = tpu.memref_squeeze %dma_wait3A_230 : memref<1x2x100xi32, #tpu.memory_space<vmem>> -> memref<2x100xi32, #tpu.memory_space<vmem>>
        %dma_wait3A_232 = arith.constant 0 : i32
        %dma_wait3A_233 = arith.constant 0 : i32
        %dma_wait3A_234 = tpu.memref_slice %arg2[%add3A, %sub3A_165, %dma_wait3A_232, %dma_wait3A_233] : memref<32x100x2x100xi32, #tpu.memory_space<hbm>> -> memref<1x1x2x100xi32, #tpu.memory_space<hbm>>
        %dma_wait3A_235 = tpu.memref_squeeze %dma_wait3A_234 : memref<1x1x2x100xi32, #tpu.memory_space<hbm>> -> memref<2x100xi32, #tpu.memory_space<hbm>>
        %dma_wait3A_236 = arith.constant 0 : i32
        %dma_wait3A_237 = arith.constant 0 : i32
        %dma_wait3A_238 = tpu.memref_slice %arg6[%dma_wait3A_227, %dma_wait3A_236, %dma_wait3A_237] : memref<3x2x100xi32, #tpu.memory_space<vmem>> -> memref<1x2x100xi32, #tpu.memory_space<vmem>>
        %dma_wait3A_239 = tpu.memref_squeeze %dma_wait3A_238 : memref<1x2x100xi32, #tpu.memory_space<vmem>> -> memref<2x100xi32, #tpu.memory_space<vmem>>
        %dma_wait3A_240 = arith.constant 0 : i32
        %dma_wait3A_241 = arith.constant 0 : i32
        %dma_wait3A_242 = tpu.memref_slice %arg2[%add3A, %sub3A_165, %dma_wait3A_240, %dma_wait3A_241] : memref<32x100x2x100xi32, #tpu.memory_space<hbm>> -> memref<1x1x2x100xi32, #tpu.memory_space<hbm>>
        %dma_wait3A_243 = tpu.memref_squeeze %dma_wait3A_242 : memref<1x1x2x100xi32, #tpu.memory_space<hbm>> -> memref<2x100xi32, #tpu.memory_space<hbm>>
        tpu.wait_dma2 semaphore(%arg16 : memref<!tpu.dma_semaphore, #tpu.memory_space<semaphore_mem>>) src(%dma_wait3A_243 : memref<2x100xi32, #tpu.memory_space<hbm>>) dst(%dma_wait3A_239 : memref<2x100xi32, #tpu.memory_space<vmem>>)
        %dma_start3A_244 = arith.constant 2 : i32
        %dma_start3A_245 = arith.constant 0 : i32
        %dma_start3A_246 = arith.constant 0 : i32
        %dma_start3A_247 = tpu.memref_slice %arg6[%dma_start3A_244, %dma_start3A_245, %dma_start3A_246] : memref<3x2x100xi32, #tpu.memory_space<vmem>> -> memref<1x1x100xi32, #tpu.memory_space<vmem>>
        %dma_start3A_248 = tpu.memref_squeeze %dma_start3A_247 : memref<1x1x100xi32, #tpu.memory_space<vmem>> -> memref<100xi32, #tpu.memory_space<vmem>>
        %dma_start3A_249 = arith.constant 0 : i32
        %dma_start3A_250 = arith.constant 0 : i32
        %dma_start3A_251 = tpu.memref_slice %arg3[%dma_start3A_249, %dma_start3A_250] : memref<10112x128xf32, #tpu.memory_space<hbm>> -> memref<10112x128xf32, #tpu.memory_space<hbm>>
        tpu.enqueue_indirect_dma source(%dma_start3A_251 : memref<10112x128xf32, #tpu.memory_space<hbm>>) target(%arg9 : memref<100x128xf32, #tpu.memory_space<vmem>>) offsets(%dma_start3A_248 : memref<100xi32, #tpu.memory_space<vmem>>) semaphore(%arg13 : memref<!tpu.dma_semaphore, #tpu.memory_space<semaphore_mem>>)
      } else {
      }
      %add3A_172 = arith.constant 1 : i32
      %add3A_173 = arith.addi %add3A_158, %add3A_172 : i32
      %lt3A_174 = arith.constant 100 : i32
      %lt3A_175 = arith.cmpi slt, %add3A_173, %lt3A_174 : i32
      %convert_element_type3A_176 = arith.extui %lt3A_175 : i1 to i32
      %cond3A_177 = arith.constant 0 : i32
      %cond3A_178 = arith.cmpi ne, %convert_element_type3A_176, %cond3A_177 : i32
      scf.if %cond3A_178 {
        %dma_wait3A_210 = arith.constant 1 : i32
        %dma_wait3A_211 = arith.constant 0 : i32
        %dma_wait3A_212 = arith.constant 0 : i32
        %dma_wait3A_213 = tpu.memref_slice %arg6[%dma_wait3A_210, %dma_wait3A_211, %dma_wait3A_212] : memref<3x2x100xi32, #tpu.memory_space<vmem>> -> memref<1x1x100xi32, #tpu.memory_space<vmem>>
        %dma_wait3A_214 = tpu.memref_squeeze %dma_wait3A_213 : memref<1x1x100xi32, #tpu.memory_space<vmem>> -> memref<100xi32, #tpu.memory_space<vmem>>
        %dma_wait3A_215 = arith.constant 0 : i32
        %dma_wait3A_216 = arith.constant 0 : i32
        %dma_wait3A_217 = tpu.memref_slice %arg3[%dma_wait3A_215, %dma_wait3A_216] : memref<10112x128xf32, #tpu.memory_space<hbm>> -> memref<10112x128xf32, #tpu.memory_space<hbm>>
        tpu.wait_indirect_dma semaphore(%arg12 : memref<!tpu.dma_semaphore, #tpu.memory_space<semaphore_mem>>) src(%dma_wait3A_217 : memref<10112x128xf32, #tpu.memory_space<hbm>>) dst(%arg8 : memref<100x128xf32, #tpu.memory_space<vmem>>)
        %gt3A_218 = arith.constant 0 : i32
        %gt3A_219 = arith.cmpi sgt, %add3A_173, %gt3A_218 : i32
        %convert_element_type3A_220 = arith.extui %gt3A_219 : i1 to i32
        %cond3A_221 = arith.constant 0 : i32
        %cond3A_222 = arith.cmpi ne, %convert_element_type3A_220, %cond3A_221 : i32
        scf.if %cond3A_222 {
          %dma_wait3A_231 = arith.constant 1 : i32
          %dma_wait3A_232 = arith.constant 1 : i32
          %dma_wait3A_233 = arith.constant 0 : i32
          %dma_wait3A_234 = tpu.memref_slice %arg6[%dma_wait3A_231, %dma_wait3A_232, %dma_wait3A_233] : memref<3x2x100xi32, #tpu.memory_space<vmem>> -> memref<1x1x100xi32, #tpu.memory_space<vmem>>
          %dma_wait3A_235 = tpu.memref_squeeze %dma_wait3A_234 : memref<1x1x100xi32, #tpu.memory_space<vmem>> -> memref<100xi32, #tpu.memory_space<vmem>>
          %dma_wait3A_236 = arith.constant 0 : i32
          %dma_wait3A_237 = arith.constant 0 : i32
          %dma_wait3A_238 = tpu.memref_slice %arg10[%dma_wait3A_236, %dma_wait3A_237] : memref<10112x128xf32, #tpu.memory_space<vmem_shared>> -> memref<10112x128xf32, #tpu.memory_space<vmem_shared>>
          tpu.wait_indirect_dma semaphore(%arg18 : memref<!tpu.dma_semaphore, #tpu.memory_space<semaphore_mem>>) src(%arg8 : memref<100x128xf32, #tpu.memory_space<vmem>>) dst(%dma_wait3A_238 : memref<10112x128xf32, #tpu.memory_space<vmem_shared>>)
        } else {
        }
        %dma_start3A_223 = arith.constant 1 : i32
        %dma_start3A_224 = arith.constant 1 : i32
        %dma_start3A_225 = arith.constant 0 : i32
        %dma_start3A_226 = tpu.memref_slice %arg6[%dma_start3A_223, %dma_start3A_224, %dma_start3A_225] : memref<3x2x100xi32, #tpu.memory_space<vmem>> -> memref<1x1x100xi32, #tpu.memory_space<vmem>>
        %dma_start3A_227 = tpu.memref_squeeze %dma_start3A_226 : memref<1x1x100xi32, #tpu.memory_space<vmem>> -> memref<100xi32, #tpu.memory_space<vmem>>
        %dma_start3A_228 = arith.constant 0 : i32
        %dma_start3A_229 = arith.constant 0 : i32
        %dma_start3A_230 = tpu.memref_slice %arg10[%dma_start3A_228, %dma_start3A_229] : memref<10112x128xf32, #tpu.memory_space<vmem_shared>> -> memref<10112x128xf32, #tpu.memory_space<vmem_shared>>
        tpu.enqueue_indirect_dma source(%arg8 : memref<100x128xf32, #tpu.memory_space<vmem>>) target(%dma_start3A_230 : memref<10112x128xf32, #tpu.memory_space<vmem_shared>>) offsets(%dma_start3A_227 : memref<100xi32, #tpu.memory_space<vmem>>) semaphore(%arg18 : memref<!tpu.dma_semaphore, #tpu.memory_space<semaphore_mem>>) {add = true}
      } else {
      }
      %add3A_179 = arith.constant 3 : i32
      %add3A_180 = arith.addi %add3A_173, %add3A_179 : i32
      %sub3A_181 = arith.constant 1 : i32
      %sub3A_182 = arith.subi %add3A_180, %sub3A_181 : i32
      %gt3A_183 = arith.constant 0 : i32
      %gt3A_184 = arith.cmpi sgt, %add3A_173, %gt3A_183 : i32
      %lt3A_185 = arith.constant 100 : i32
      %lt3A_186 = arith.cmpi slt, %sub3A_182, %lt3A_185 : i32
      %and3A_187 = arith.andi %gt3A_184, %lt3A_186 : i1
      %convert_element_type3A_188 = arith.extui %and3A_187 : i1 to i32
      %cond3A_189 = arith.constant 0 : i32
      %cond3A_190 = arith.cmpi ne, %convert_element_type3A_188, %cond3A_189 : i32
      scf.if %cond3A_190 {
        %dma_start3A_210 = arith.constant 0 : i32
        %dma_start3A_211 = arith.constant 0 : i32
        %dma_start3A_212 = arith.constant 0 : i32
        %dma_start3A_213 = tpu.memref_slice %arg6[%dma_start3A_210, %dma_start3A_211, %dma_start3A_212] : memref<3x2x100xi32, #tpu.memory_space<vmem>> -> memref<1x2x100xi32, #tpu.memory_space<vmem>>
        %dma_start3A_214 = tpu.memref_squeeze %dma_start3A_213 : memref<1x2x100xi32, #tpu.memory_space<vmem>> -> memref<2x100xi32, #tpu.memory_space<vmem>>
        %dma_start3A_215 = arith.constant 0 : i32
        %dma_start3A_216 = arith.constant 0 : i32
        %dma_start3A_217 = tpu.memref_slice %arg2[%add3A, %sub3A_182, %dma_start3A_215, %dma_start3A_216] : memref<32x100x2x100xi32, #tpu.memory_space<hbm>> -> memref<1x1x2x100xi32, #tpu.memory_space<hbm>>
        %dma_start3A_218 = tpu.memref_squeeze %dma_start3A_217 : memref<1x1x2x100xi32, #tpu.memory_space<hbm>> -> memref<2x100xi32, #tpu.memory_space<hbm>>
        %dma_start3A_219 = arith.constant 0 : i32
        %dma_start3A_220 = arith.constant 0 : i32
        %dma_start3A_221 = tpu.memref_slice %arg6[%dma_start3A_210, %dma_start3A_219, %dma_start3A_220] : memref<3x2x100xi32, #tpu.memory_space<vmem>> -> memref<1x2x100xi32, #tpu.memory_space<vmem>>
        %dma_start3A_222 = tpu.memref_squeeze %dma_start3A_221 : memref<1x2x100xi32, #tpu.memory_space<vmem>> -> memref<2x100xi32, #tpu.memory_space<vmem>>
        %dma_start3A_223 = arith.constant 0 : i32
        %dma_start3A_224 = arith.constant 0 : i32
        %dma_start3A_225 = tpu.memref_slice %arg2[%add3A, %sub3A_182, %dma_start3A_223, %dma_start3A_224] : memref<32x100x2x100xi32, #tpu.memory_space<hbm>> -> memref<1x1x2x100xi32, #tpu.memory_space<hbm>>
        %dma_start3A_226 = tpu.memref_squeeze %dma_start3A_225 : memref<1x1x2x100xi32, #tpu.memory_space<hbm>> -> memref<2x100xi32, #tpu.memory_space<hbm>>
        tpu.enqueue_dma source(%dma_start3A_226 : memref<2x100xi32, #tpu.memory_space<hbm>>) target(%dma_start3A_222 : memref<2x100xi32, #tpu.memory_space<vmem>>) target_semaphore(%arg14 : memref<!tpu.dma_semaphore, #tpu.memory_space<semaphore_mem>>)
        %dma_wait3A_227 = arith.constant 0 : i32
        %dma_wait3A_228 = arith.constant 0 : i32
        %dma_wait3A_229 = arith.constant 0 : i32
        %dma_wait3A_230 = tpu.memref_slice %arg6[%dma_wait3A_227, %dma_wait3A_228, %dma_wait3A_229] : memref<3x2x100xi32, #tpu.memory_space<vmem>> -> memref<1x2x100xi32, #tpu.memory_space<vmem>>
        %dma_wait3A_231 = tpu.memref_squeeze %dma_wait3A_230 : memref<1x2x100xi32, #tpu.memory_space<vmem>> -> memref<2x100xi32, #tpu.memory_space<vmem>>
        %dma_wait3A_232 = arith.constant 0 : i32
        %dma_wait3A_233 = arith.constant 0 : i32
        %dma_wait3A_234 = tpu.memref_slice %arg2[%add3A, %sub3A_182, %dma_wait3A_232, %dma_wait3A_233] : memref<32x100x2x100xi32, #tpu.memory_space<hbm>> -> memref<1x1x2x100xi32, #tpu.memory_space<hbm>>
        %dma_wait3A_235 = tpu.memref_squeeze %dma_wait3A_234 : memref<1x1x2x100xi32, #tpu.memory_space<hbm>> -> memref<2x100xi32, #tpu.memory_space<hbm>>
        %dma_wait3A_236 = arith.constant 0 : i32
        %dma_wait3A_237 = arith.constant 0 : i32
        %dma_wait3A_238 = tpu.memref_slice %arg6[%dma_wait3A_227, %dma_wait3A_236, %dma_wait3A_237] : memref<3x2x100xi32, #tpu.memory_space<vmem>> -> memref<1x2x100xi32, #tpu.memory_space<vmem>>
        %dma_wait3A_239 = tpu.memref_squeeze %dma_wait3A_238 : memref<1x2x100xi32, #tpu.memory_space<vmem>> -> memref<2x100xi32, #tpu.memory_space<vmem>>
        %dma_wait3A_240 = arith.constant 0 : i32
        %dma_wait3A_241 = arith.constant 0 : i32
        %dma_wait3A_242 = tpu.memref_slice %arg2[%add3A, %sub3A_182, %dma_wait3A_240, %dma_wait3A_241] : memref<32x100x2x100xi32, #tpu.memory_space<hbm>> -> memref<1x1x2x100xi32, #tpu.memory_space<hbm>>
        %dma_wait3A_243 = tpu.memref_squeeze %dma_wait3A_242 : memref<1x1x2x100xi32, #tpu.memory_space<hbm>> -> memref<2x100xi32, #tpu.memory_space<hbm>>
        tpu.wait_dma2 semaphore(%arg14 : memref<!tpu.dma_semaphore, #tpu.memory_space<semaphore_mem>>) src(%dma_wait3A_243 : memref<2x100xi32, #tpu.memory_space<hbm>>) dst(%dma_wait3A_239 : memref<2x100xi32, #tpu.memory_space<vmem>>)
        %dma_start3A_244 = arith.constant 0 : i32
        %dma_start3A_245 = arith.constant 0 : i32
        %dma_start3A_246 = arith.constant 0 : i32
        %dma_start3A_247 = tpu.memref_slice %arg6[%dma_start3A_244, %dma_start3A_245, %dma_start3A_246] : memref<3x2x100xi32, #tpu.memory_space<vmem>> -> memref<1x1x100xi32, #tpu.memory_space<vmem>>
        %dma_start3A_248 = tpu.memref_squeeze %dma_start3A_247 : memref<1x1x100xi32, #tpu.memory_space<vmem>> -> memref<100xi32, #tpu.memory_space<vmem>>
        %dma_start3A_249 = arith.constant 0 : i32
        %dma_start3A_250 = arith.constant 0 : i32
        %dma_start3A_251 = tpu.memref_slice %arg3[%dma_start3A_249, %dma_start3A_250] : memref<10112x128xf32, #tpu.memory_space<hbm>> -> memref<10112x128xf32, #tpu.memory_space<hbm>>
        tpu.enqueue_indirect_dma source(%dma_start3A_251 : memref<10112x128xf32, #tpu.memory_space<hbm>>) target(%arg7 : memref<100x128xf32, #tpu.memory_space<vmem>>) offsets(%dma_start3A_248 : memref<100xi32, #tpu.memory_space<vmem>>) semaphore(%arg11 : memref<!tpu.dma_semaphore, #tpu.memory_space<semaphore_mem>>)
      } else {
      }
      %add3A_191 = arith.constant 2 : i32
      %add3A_192 = arith.addi %add3A_158, %add3A_191 : i32
      %lt3A_193 = arith.constant 100 : i32
      %lt3A_194 = arith.cmpi slt, %add3A_192, %lt3A_193 : i32
      %convert_element_type3A_195 = arith.extui %lt3A_194 : i1 to i32
      %cond3A_196 = arith.constant 0 : i32
      %cond3A_197 = arith.cmpi ne, %convert_element_type3A_195, %cond3A_196 : i32
      scf.if %cond3A_197 {
        %dma_wait3A_210 = arith.constant 2 : i32
        %dma_wait3A_211 = arith.constant 0 : i32
        %dma_wait3A_212 = arith.constant 0 : i32
        %dma_wait3A_213 = tpu.memref_slice %arg6[%dma_wait3A_210, %dma_wait3A_211, %dma_wait3A_212] : memref<3x2x100xi32, #tpu.memory_space<vmem>> -> memref<1x1x100xi32, #tpu.memory_space<vmem>>
        %dma_wait3A_214 = tpu.memref_squeeze %dma_wait3A_213 : memref<1x1x100xi32, #tpu.memory_space<vmem>> -> memref<100xi32, #tpu.memory_space<vmem>>
        %dma_wait3A_215 = arith.constant 0 : i32
        %dma_wait3A_216 = arith.constant 0 : i32
        %dma_wait3A_217 = tpu.memref_slice %arg3[%dma_wait3A_215, %dma_wait3A_216] : memref<10112x128xf32, #tpu.memory_space<hbm>> -> memref<10112x128xf32, #tpu.memory_space<hbm>>
        tpu.wait_indirect_dma semaphore(%arg13 : memref<!tpu.dma_semaphore, #tpu.memory_space<semaphore_mem>>) src(%dma_wait3A_217 : memref<10112x128xf32, #tpu.memory_space<hbm>>) dst(%arg9 : memref<100x128xf32, #tpu.memory_space<vmem>>)
        %gt3A_218 = arith.constant 0 : i32
        %gt3A_219 = arith.cmpi sgt, %add3A_192, %gt3A_218 : i32
        %convert_element_type3A_220 = arith.extui %gt3A_219 : i1 to i32
        %cond3A_221 = arith.constant 0 : i32
        %cond3A_222 = arith.cmpi ne, %convert_element_type3A_220, %cond3A_221 : i32
        scf.if %cond3A_222 {
          %dma_wait3A_231 = arith.constant 2 : i32
          %dma_wait3A_232 = arith.constant 1 : i32
          %dma_wait3A_233 = arith.constant 0 : i32
          %dma_wait3A_234 = tpu.memref_slice %arg6[%dma_wait3A_231, %dma_wait3A_232, %dma_wait3A_233] : memref<3x2x100xi32, #tpu.memory_space<vmem>> -> memref<1x1x100xi32, #tpu.memory_space<vmem>>
          %dma_wait3A_235 = tpu.memref_squeeze %dma_wait3A_234 : memref<1x1x100xi32, #tpu.memory_space<vmem>> -> memref<100xi32, #tpu.memory_space<vmem>>
          %dma_wait3A_236 = arith.constant 0 : i32
          %dma_wait3A_237 = arith.constant 0 : i32
          %dma_wait3A_238 = tpu.memref_slice %arg10[%dma_wait3A_236, %dma_wait3A_237] : memref<10112x128xf32, #tpu.memory_space<vmem_shared>> -> memref<10112x128xf32, #tpu.memory_space<vmem_shared>>
          tpu.wait_indirect_dma semaphore(%arg18 : memref<!tpu.dma_semaphore, #tpu.memory_space<semaphore_mem>>) src(%arg9 : memref<100x128xf32, #tpu.memory_space<vmem>>) dst(%dma_wait3A_238 : memref<10112x128xf32, #tpu.memory_space<vmem_shared>>)
        } else {
        }
        %dma_start3A_223 = arith.constant 2 : i32
        %dma_start3A_224 = arith.constant 1 : i32
        %dma_start3A_225 = arith.constant 0 : i32
        %dma_start3A_226 = tpu.memref_slice %arg6[%dma_start3A_223, %dma_start3A_224, %dma_start3A_225] : memref<3x2x100xi32, #tpu.memory_space<vmem>> -> memref<1x1x100xi32, #tpu.memory_space<vmem>>
        %dma_start3A_227 = tpu.memref_squeeze %dma_start3A_226 : memref<1x1x100xi32, #tpu.memory_space<vmem>> -> memref<100xi32, #tpu.memory_space<vmem>>
        %dma_start3A_228 = arith.constant 0 : i32
        %dma_start3A_229 = arith.constant 0 : i32
        %dma_start3A_230 = tpu.memref_slice %arg10[%dma_start3A_228, %dma_start3A_229] : memref<10112x128xf32, #tpu.memory_space<vmem_shared>> -> memref<10112x128xf32, #tpu.memory_space<vmem_shared>>
        tpu.enqueue_indirect_dma source(%arg9 : memref<100x128xf32, #tpu.memory_space<vmem>>) target(%dma_start3A_230 : memref<10112x128xf32, #tpu.memory_space<vmem_shared>>) offsets(%dma_start3A_227 : memref<100xi32, #tpu.memory_space<vmem>>) semaphore(%arg18 : memref<!tpu.dma_semaphore, #tpu.memory_space<semaphore_mem>>) {add = true}
      } else {
      }
      %add3A_198 = arith.constant 3 : i32
      %add3A_199 = arith.addi %add3A_192, %add3A_198 : i32
      %sub3A_200 = arith.constant 1 : i32
      %sub3A_201 = arith.subi %add3A_199, %sub3A_200 : i32
      %gt3A_202 = arith.constant 0 : i32
      %gt3A_203 = arith.cmpi sgt, %add3A_192, %gt3A_202 : i32
      %lt3A_204 = arith.constant 100 : i32
      %lt3A_205 = arith.cmpi slt, %sub3A_201, %lt3A_204 : i32
      %and3A_206 = arith.andi %gt3A_203, %lt3A_205 : i1
      %convert_element_type3A_207 = arith.extui %and3A_206 : i1 to i32
      %cond3A_208 = arith.constant 0 : i32
      %cond3A_209 = arith.cmpi ne, %convert_element_type3A_207, %cond3A_208 : i32
      scf.if %cond3A_209 {
        %dma_start3A_210 = arith.constant 1 : i32
        %dma_start3A_211 = arith.constant 0 : i32
        %dma_start3A_212 = arith.constant 0 : i32
        %dma_start3A_213 = tpu.memref_slice %arg6[%dma_start3A_210, %dma_start3A_211, %dma_start3A_212] : memref<3x2x100xi32, #tpu.memory_space<vmem>> -> memref<1x2x100xi32, #tpu.memory_space<vmem>>
        %dma_start3A_214 = tpu.memref_squeeze %dma_start3A_213 : memref<1x2x100xi32, #tpu.memory_space<vmem>> -> memref<2x100xi32, #tpu.memory_space<vmem>>
        %dma_start3A_215 = arith.constant 0 : i32
        %dma_start3A_216 = arith.constant 0 : i32
        %dma_start3A_217 = tpu.memref_slice %arg2[%add3A, %sub3A_201, %dma_start3A_215, %dma_start3A_216] : memref<32x100x2x100xi32, #tpu.memory_space<hbm>> -> memref<1x1x2x100xi32, #tpu.memory_space<hbm>>
        %dma_start3A_218 = tpu.memref_squeeze %dma_start3A_217 : memref<1x1x2x100xi32, #tpu.memory_space<hbm>> -> memref<2x100xi32, #tpu.memory_space<hbm>>
        %dma_start3A_219 = arith.constant 0 : i32
        %dma_start3A_220 = arith.constant 0 : i32
        %dma_start3A_221 = tpu.memref_slice %arg6[%dma_start3A_210, %dma_start3A_219, %dma_start3A_220] : memref<3x2x100xi32, #tpu.memory_space<vmem>> -> memref<1x2x100xi32, #tpu.memory_space<vmem>>
        %dma_start3A_222 = tpu.memref_squeeze %dma_start3A_221 : memref<1x2x100xi32, #tpu.memory_space<vmem>> -> memref<2x100xi32, #tpu.memory_space<vmem>>
        %dma_start3A_223 = arith.constant 0 : i32
        %dma_start3A_224 = arith.constant 0 : i32
        %dma_start3A_225 = tpu.memref_slice %arg2[%add3A, %sub3A_201, %dma_start3A_223, %dma_start3A_224] : memref<32x100x2x100xi32, #tpu.memory_space<hbm>> -> memref<1x1x2x100xi32, #tpu.memory_space<hbm>>
        %dma_start3A_226 = tpu.memref_squeeze %dma_start3A_225 : memref<1x1x2x100xi32, #tpu.memory_space<hbm>> -> memref<2x100xi32, #tpu.memory_space<hbm>>
        tpu.enqueue_dma source(%dma_start3A_226 : memref<2x100xi32, #tpu.memory_space<hbm>>) target(%dma_start3A_222 : memref<2x100xi32, #tpu.memory_space<vmem>>) target_semaphore(%arg15 : memref<!tpu.dma_semaphore, #tpu.memory_space<semaphore_mem>>)
        %dma_wait3A_227 = arith.constant 1 : i32
        %dma_wait3A_228 = arith.constant 0 : i32
        %dma_wait3A_229 = arith.constant 0 : i32
        %dma_wait3A_230 = tpu.memref_slice %arg6[%dma_wait3A_227, %dma_wait3A_228, %dma_wait3A_229] : memref<3x2x100xi32, #tpu.memory_space<vmem>> -> memref<1x2x100xi32, #tpu.memory_space<vmem>>
        %dma_wait3A_231 = tpu.memref_squeeze %dma_wait3A_230 : memref<1x2x100xi32, #tpu.memory_space<vmem>> -> memref<2x100xi32, #tpu.memory_space<vmem>>
        %dma_wait3A_232 = arith.constant 0 : i32
        %dma_wait3A_233 = arith.constant 0 : i32
        %dma_wait3A_234 = tpu.memref_slice %arg2[%add3A, %sub3A_201, %dma_wait3A_232, %dma_wait3A_233] : memref<32x100x2x100xi32, #tpu.memory_space<hbm>> -> memref<1x1x2x100xi32, #tpu.memory_space<hbm>>
        %dma_wait3A_235 = tpu.memref_squeeze %dma_wait3A_234 : memref<1x1x2x100xi32, #tpu.memory_space<hbm>> -> memref<2x100xi32, #tpu.memory_space<hbm>>
        %dma_wait3A_236 = arith.constant 0 : i32
        %dma_wait3A_237 = arith.constant 0 : i32
        %dma_wait3A_238 = tpu.memref_slice %arg6[%dma_wait3A_227, %dma_wait3A_236, %dma_wait3A_237] : memref<3x2x100xi32, #tpu.memory_space<vmem>> -> memref<1x2x100xi32, #tpu.memory_space<vmem>>
        %dma_wait3A_239 = tpu.memref_squeeze %dma_wait3A_238 : memref<1x2x100xi32, #tpu.memory_space<vmem>> -> memref<2x100xi32, #tpu.memory_space<vmem>>
        %dma_wait3A_240 = arith.constant 0 : i32
        %dma_wait3A_241 = arith.constant 0 : i32
        %dma_wait3A_242 = tpu.memref_slice %arg2[%add3A, %sub3A_201, %dma_wait3A_240, %dma_wait3A_241] : memref<32x100x2x100xi32, #tpu.memory_space<hbm>> -> memref<1x1x2x100xi32, #tpu.memory_space<hbm>>
        %dma_wait3A_243 = tpu.memref_squeeze %dma_wait3A_242 : memref<1x1x2x100xi32, #tpu.memory_space<hbm>> -> memref<2x100xi32, #tpu.memory_space<hbm>>
        tpu.wait_dma2 semaphore(%arg15 : memref<!tpu.dma_semaphore, #tpu.memory_space<semaphore_mem>>) src(%dma_wait3A_243 : memref<2x100xi32, #tpu.memory_space<hbm>>) dst(%dma_wait3A_239 : memref<2x100xi32, #tpu.memory_space<vmem>>)
        %dma_start3A_244 = arith.constant 1 : i32
        %dma_start3A_245 = arith.constant 0 : i32
        %dma_start3A_246 = arith.constant 0 : i32
        %dma_start3A_247 = tpu.memref_slice %arg6[%dma_start3A_244, %dma_start3A_245, %dma_start3A_246] : memref<3x2x100xi32, #tpu.memory_space<vmem>> -> memref<1x1x100xi32, #tpu.memory_space<vmem>>
        %dma_start3A_248 = tpu.memref_squeeze %dma_start3A_247 : memref<1x1x100xi32, #tpu.memory_space<vmem>> -> memref<100xi32, #tpu.memory_space<vmem>>
        %dma_start3A_249 = arith.constant 0 : i32
        %dma_start3A_250 = arith.constant 0 : i32
        %dma_start3A_251 = tpu.memref_slice %arg3[%dma_start3A_249, %dma_start3A_250] : memref<10112x128xf32, #tpu.memory_space<hbm>> -> memref<10112x128xf32, #tpu.memory_space<hbm>>
        tpu.enqueue_indirect_dma source(%dma_start3A_251 : memref<10112x128xf32, #tpu.memory_space<hbm>>) target(%arg8 : memref<100x128xf32, #tpu.memory_space<vmem>>) offsets(%dma_start3A_248 : memref<100xi32, #tpu.memory_space<vmem>>) semaphore(%arg12 : memref<!tpu.dma_semaphore, #tpu.memory_space<semaphore_mem>>)
      } else {
      }
    }
    %scan3A_140 = arith.constant 34 : i32
    %dma_wait3A_141 = arith.constant 0 : i32
    %dma_wait3A_142 = arith.constant 1 : i32
    %dma_wait3A_143 = arith.constant 0 : i32
    %dma_wait3A_144 = tpu.memref_slice %arg6[%dma_wait3A_141, %dma_wait3A_142, %dma_wait3A_143] : memref<3x2x100xi32, #tpu.memory_space<vmem>> -> memref<1x1x100xi32, #tpu.memory_space<vmem>>
    %dma_wait3A_145 = tpu.memref_squeeze %dma_wait3A_144 : memref<1x1x100xi32, #tpu.memory_space<vmem>> -> memref<100xi32, #tpu.memory_space<vmem>>
    %dma_wait3A_146 = arith.constant 0 : i32
    %dma_wait3A_147 = arith.constant 0 : i32
    %dma_wait3A_148 = tpu.memref_slice %arg10[%dma_wait3A_146, %dma_wait3A_147] : memref<10112x128xf32, #tpu.memory_space<vmem_shared>> -> memref<10112x128xf32, #tpu.memory_space<vmem_shared>>
    tpu.wait_indirect_dma semaphore(%arg18 : memref<!tpu.dma_semaphore, #tpu.memory_space<semaphore_mem>>) src(%arg7 : memref<100x128xf32, #tpu.memory_space<vmem>>) dst(%dma_wait3A_148 : memref<10112x128xf32, #tpu.memory_space<vmem_shared>>)
    %barrier3A_149 = arith.constant 0 : index
    tpu.barrier barrier_id(%barrier3A_149)
    %mul3A_150 = arith.constant 632 : i32
    %mul3A_151 = arith.muli %arg1, %mul3A_150 : i32
    %mul3A_152 = arith.constant 632 : i32
    %mul3A_153 = arith.muli %arg1, %mul3A_152 : i32
    "tpu.region"() ({
      %run_scoped3A = tpu.sem_alloc : memref<!tpu.dma_semaphore, #tpu.memory_space<semaphore_mem>>
      %dma_start3A_154 = arith.constant 0 : i32
      %dma_start3A_155 = tpu.memref_slice %arg5[%arg0, %mul3A_153, %dma_start3A_154] : memref<2x10112x128xf32, #tpu.memory_space<hbm>> -> memref<1x632x128xf32, #tpu.memory_space<hbm>>
      %dma_start3A_156 = tpu.memref_squeeze %dma_start3A_155 : memref<1x632x128xf32, #tpu.memory_space<hbm>> -> memref<632x128xf32, #tpu.memory_space<hbm>>
      %dma_start3A_157 = arith.constant 0 : i32
      %dma_start3A_158 = tpu.memref_slice %arg10[%mul3A_151, %dma_start3A_157] : memref<10112x128xf32, #tpu.memory_space<vmem_shared>> -> memref<632x128xf32, #tpu.memory_space<vmem_shared>>
      tpu.enqueue_dma source(%dma_start3A_158 : memref<632x128xf32, #tpu.memory_space<vmem_shared>>) target(%dma_start3A_156 : memref<632x128xf32, #tpu.memory_space<hbm>>) target_semaphore(%run_scoped3A : memref<!tpu.dma_semaphore, #tpu.memory_space<semaphore_mem>>)
      %dma_wait3A_159 = arith.constant 0 : i32
      %dma_wait3A_160 = tpu.memref_slice %arg5[%arg0, %mul3A_153, %dma_wait3A_159] : memref<2x10112x128xf32, #tpu.memory_space<hbm>> -> memref<1x632x128xf32, #tpu.memory_space<hbm>>
      %dma_wait3A_161 = tpu.memref_squeeze %dma_wait3A_160 : memref<1x632x128xf32, #tpu.memory_space<hbm>> -> memref<632x128xf32, #tpu.memory_space<hbm>>
      %dma_wait3A_162 = arith.constant 0 : i32
      %dma_wait3A_163 = tpu.memref_slice %arg10[%mul3A_151, %dma_wait3A_162] : memref<10112x128xf32, #tpu.memory_space<vmem_shared>> -> memref<632x128xf32, #tpu.memory_space<vmem_shared>>
      tpu.wait_dma2 semaphore(%run_scoped3A : memref<!tpu.dma_semaphore, #tpu.memory_space<semaphore_mem>>) src(%dma_wait3A_163 : memref<632x128xf32, #tpu.memory_space<vmem_shared>>) dst(%dma_wait3A_161 : memref<632x128xf32, #tpu.memory_space<hbm>>)
      tpu.yield
    }) : () -> ()
    return
  }
}

module attributes {stable_mosaic.version = 14 : i64} {
  func.func @body(%arg0: i32, %arg1: memref<2x1264x128xf32, #tpu.memory_space<vmem>>, %arg2: memref<1264x1xf32, #tpu.memory_space<vmem>>, %arg3: memref<1264x128xf32, #tpu.memory_space<vmem>>, %arg4: memref<1264x128xf32, #tpu.memory_space<vmem>>) attributes {dimension_semantics = [#tpu.dimension_semantics<arbitrary>], iteration_bounds = array<i64: 8>, scalar_prefetch = 0 : i64, scratch_operands = 0 : i64, tpu.core_type = #tpu.core_type<tc>, window_params = [{transform_indices = @transform_0, window_bounds = array<i64: 2, 1264, 128>}, {transform_indices = @transform_1, window_bounds = array<i64: 1264, 1>}, {transform_indices = @transform_2, window_bounds = array<i64: 1264, 128>}, {transform_indices = @transform_3, window_bounds = array<i64: 1264, 128>}]} {
    %get3A = arith.constant 0 : index
    %get3A_0 = arith.constant 0 : index
    %get3A_1 = arith.constant 0 : index
    %get3A_2 = vector.load %arg1[%get3A, %get3A_0, %get3A_1] : memref<2x1264x128xf32, #tpu.memory_space<vmem>>, vector<2x1264x128xf32>
    %get3A_3 = arith.constant 0 : index
    %get3A_4 = arith.constant 0 : index
    %get3A_5 = vector.load %arg2[%get3A_3, %get3A_4] : memref<1264x1xf32, #tpu.memory_space<vmem>>, vector<1264x1xf32>
    %slice3A = vector.extract_strided_slice %get3A_2 {offsets = [0, 0, 0], sizes = [1, 1264, 128], strides = [1, 1, 1]} : vector<2x1264x128xf32> to vector<1x1264x128xf32>
    %squeeze3A = vector.shape_cast %slice3A : vector<1x1264x128xf32> to vector<1264x128xf32>
    %slice3A_6 = vector.extract_strided_slice %get3A_2 {offsets = [1, 0, 0], sizes = [1, 1264, 128], strides = [1, 1, 1]} : vector<2x1264x128xf32> to vector<1x1264x128xf32>
    %squeeze3A_7 = vector.shape_cast %slice3A_6 : vector<1x1264x128xf32> to vector<1264x128xf32>
    %add3A = arith.addf %squeeze3A, %squeeze3A_7 : vector<1264x128xf32>
    %mul3A = vector.broadcast %get3A_5 : vector<1264x1xf32> to vector<1264x128xf32>
    %mul3A_8 = arith.mulf %add3A, %mul3A : vector<1264x128xf32>
    %swap3A = arith.constant 0 : index
    %swap3A_9 = arith.constant 0 : index
    %swap3A_10 = vector.load %arg3[%swap3A, %swap3A_9] : memref<1264x128xf32, #tpu.memory_space<vmem>>, vector<1264x128xf32>
    tpu.vector_store %arg3[%swap3A, %swap3A_9], %mul3A_8 {strides = array<i32>} : memref<1264x128xf32, #tpu.memory_space<vmem>>, vector<1264x128xf32>,
    %mul3A_11 = vector.broadcast %get3A_5 : vector<1264x1xf32> to vector<1264x128xf32>
    %mul3A_12 = arith.mulf %mul3A_8, %mul3A_11 : vector<1264x128xf32>
    %swap3A_13 = arith.constant 0 : index
    %swap3A_14 = arith.constant 0 : index
    %swap3A_15 = vector.load %arg4[%swap3A_13, %swap3A_14] : memref<1264x128xf32, #tpu.memory_space<vmem>>, vector<1264x128xf32>
    tpu.vector_store %arg4[%swap3A_13, %swap3A_14], %mul3A_12 {strides = array<i32>} : memref<1264x128xf32, #tpu.memory_space<vmem>>, vector<1264x128xf32>,
    return
  }
  func.func @transform_0(%arg0: i32) -> (i32, i32, i32) {
    %c0_i32 = arith.constant 0 : i32
    %c0_i32_0 = arith.constant 0 : i32
    %c0_i32_1 = arith.constant 0 : i32
    return %c0_i32, %arg0, %c0_i32_0 : i32, i32, i32
  }
  func.func @transform_1(%arg0: i32) -> (i32, i32) {
    %c0_i32 = arith.constant 0 : i32
    %c0_i32_0 = arith.constant 0 : i32
    return %arg0, %c0_i32 : i32, i32
  }
  func.func @transform_2(%arg0: i32) -> (i32, i32) {
    %c0_i32 = arith.constant 0 : i32
    %c0_i32_0 = arith.constant 0 : i32
    return %arg0, %c0_i32 : i32, i32
  }
  func.func @transform_3(%arg0: i32) -> (i32, i32) {
    %c0_i32 = arith.constant 0 : i32
    %c0_i32_0 = arith.constant 0 : i32
    return %arg0, %c0_i32 : i32, i32
  }
}

module attributes {stable_mosaic.version = 14 : i64} {
  func.func @body(%arg0: i32, %arg1: memref<2x1264x128xf32, #tpu.memory_space<vmem>>, %arg2: memref<1264x1xf32, #tpu.memory_space<vmem>>, %arg3: memref<1264x128xf32, #tpu.memory_space<vmem>>, %arg4: memref<1264x128xf32, #tpu.memory_space<vmem>>) attributes {dimension_semantics = [#tpu.dimension_semantics<arbitrary>], iteration_bounds = array<i64: 8>, scalar_prefetch = 0 : i64, scratch_operands = 0 : i64, tpu.core_type = #tpu.core_type<tc>, window_params = [{transform_indices = @transform_0, window_bounds = array<i64: 2, 1264, 128>}, {transform_indices = @transform_1, window_bounds = array<i64: 1264, 1>}, {transform_indices = @transform_2, window_bounds = array<i64: 1264, 128>}, {transform_indices = @transform_3, window_bounds = array<i64: 1264, 128>}]} {
    %get3A = arith.constant 0 : index
    %get3A_0 = arith.constant 0 : index
    %get3A_1 = arith.constant 0 : index
    %get3A_2 = vector.load %arg1[%get3A, %get3A_0, %get3A_1] : memref<2x1264x128xf32, #tpu.memory_space<vmem>>, vector<2x1264x128xf32>
    %get3A_3 = arith.constant 0 : index
    %get3A_4 = arith.constant 0 : index
    %get3A_5 = vector.load %arg2[%get3A_3, %get3A_4] : memref<1264x1xf32, #tpu.memory_space<vmem>>, vector<1264x1xf32>
    %slice3A = vector.extract_strided_slice %get3A_2 {offsets = [0, 0, 0], sizes = [1, 1264, 128], strides = [1, 1, 1]} : vector<2x1264x128xf32> to vector<1x1264x128xf32>
    %squeeze3A = vector.shape_cast %slice3A : vector<1x1264x128xf32> to vector<1264x128xf32>
    %slice3A_6 = vector.extract_strided_slice %get3A_2 {offsets = [1, 0, 0], sizes = [1, 1264, 128], strides = [1, 1, 1]} : vector<2x1264x128xf32> to vector<1x1264x128xf32>
    %squeeze3A_7 = vector.shape_cast %slice3A_6 : vector<1x1264x128xf32> to vector<1264x128xf32>
    %add3A = arith.addf %squeeze3A, %squeeze3A_7 : vector<1264x128xf32>
    %mul3A = vector.broadcast %get3A_5 : vector<1264x1xf32> to vector<1264x128xf32>
    %mul3A_8 = arith.mulf %add3A, %mul3A : vector<1264x128xf32>
    %swap3A = arith.constant 0 : index
    %swap3A_9 = arith.constant 0 : index
    %swap3A_10 = vector.load %arg3[%swap3A, %swap3A_9] : memref<1264x128xf32, #tpu.memory_space<vmem>>, vector<1264x128xf32>
    tpu.vector_store %arg3[%swap3A, %swap3A_9], %mul3A_8 {strides = array<i32>} : memref<1264x128xf32, #tpu.memory_space<vmem>>, vector<1264x128xf32>,
    %mul3A_11 = vector.broadcast %get3A_5 : vector<1264x1xf32> to vector<1264x128xf32>
    %mul3A_12 = arith.mulf %mul3A_8, %mul3A_11 : vector<1264x128xf32>
    %swap3A_13 = arith.constant 0 : index
    %swap3A_14 = arith.constant 0 : index
    %swap3A_15 = vector.load %arg4[%swap3A_13, %swap3A_14] : memref<1264x128xf32, #tpu.memory_space<vmem>>, vector<1264x128xf32>
    tpu.vector_store %arg4[%swap3A_13, %swap3A_14], %mul3A_12 {strides = array<i32>} : memref<1264x128xf32, #tpu.memory_space<vmem>>, vector<1264x128xf32>,
    return
  }
  func.func @transform_0(%arg0: i32) -> (i32, i32, i32) {
    %c0_i32 = arith.constant 0 : i32
    %c0_i32_0 = arith.constant 0 : i32
    %c0_i32_1 = arith.constant 0 : i32
    return %c0_i32, %arg0, %c0_i32_0 : i32, i32, i32
  }
  func.func @transform_1(%arg0: i32) -> (i32, i32) {
    %c0_i32 = arith.constant 0 : i32
    %c0_i32_0 = arith.constant 0 : i32
    return %arg0, %c0_i32 : i32, i32
  }
  func.func @transform_2(%arg0: i32) -> (i32, i32) {
    %c0_i32 = arith.constant 0 : i32
    %c0_i32_0 = arith.constant 0 : i32
    return %arg0, %c0_i32 : i32, i32
  }
  func.func @transform_3(%arg0: i32) -> (i32, i32) {
    %c0_i32 = arith.constant 0 : i32
    %c0_i32_0 = arith.constant 0 : i32
    return %arg0, %c0_i32 : i32, i32
  }
}

module attributes {stable_mosaic.version = 14 : i64} {
  func.func @body(%arg0: i32, %arg1: memref<1264x128xf32, #tpu.memory_space<vmem>>, %arg2: memref<1264x128xf32, #tpu.memory_space<vmem>>, %arg3: memref<1264x128xf32, #tpu.memory_space<vmem>>, %arg4: memref<1264x128xf32, #tpu.memory_space<vmem>>, %arg5: memref<512x128xf32, #tpu.memory_space<vmem>>, %arg6: memref<1x128xf32, #tpu.memory_space<vmem>>, %arg7: memref<1264x128xf32, #tpu.memory_space<vmem>>) attributes {dimension_semantics = [#tpu.dimension_semantics<arbitrary>], iteration_bounds = array<i64: 8>, scalar_prefetch = 0 : i64, scratch_operands = 0 : i64, tpu.core_type = #tpu.core_type<tc>, window_params = [{transform_indices = @transform_0, window_bounds = array<i64: 1264, 128>}, {transform_indices = @transform_1, window_bounds = array<i64: 1264, 128>}, {transform_indices = @transform_2, window_bounds = array<i64: 1264, 128>}, {transform_indices = @transform_3, window_bounds = array<i64: 1264, 128>}, {pipeline_mode = #tpu.pipeline_mode<synchronous>, transform_indices = @transform_4, window_bounds = array<i64: 512, 128>}, {pipeline_mode = #tpu.pipeline_mode<synchronous>, transform_indices = @transform_5, window_bounds = array<i64: 1, 128>}, {transform_indices = @transform_6, window_bounds = array<i64: 1264, 128>}]} {
    %get3A = arith.constant 0 : index
    %get3A_0 = arith.constant 0 : index
    %get3A_1 = vector.load %arg5[%get3A, %get3A_0] : memref<512x128xf32, #tpu.memory_space<vmem>>, vector<512x128xf32>
    %get3A_2 = arith.constant 0 : index
    %get3A_3 = arith.constant 0 : index
    %get3A_4 = vector.load %arg6[%get3A_2, %get3A_3] : memref<1x128xf32, #tpu.memory_space<vmem>>, vector<1x128xf32>
    %get3A_5 = arith.constant 0 : index
    %get3A_6 = arith.constant 0 : index
    %get3A_7 = vector.load %arg1[%get3A_5, %get3A_6] : memref<1264x128xf32, #tpu.memory_space<vmem>>, vector<1264x128xf32>
    %slice3A = vector.extract_strided_slice %get3A_1 {offsets = [0, 0], sizes = [128, 128], strides = [1, 1]} : vector<512x128xf32> to vector<128x128xf32>
    %dot_general3A = arith.constant dense<0.000000e+00> : vector<1264x128xf32>
    %dot_general3A_8 = tpu.matmul %get3A_7, %slice3A, %dot_general3A {dimension_numbers = #tpu.dot_dimension_numbers<[1], [0], [0], [1], [0, 0, 1, 1], [], []>, precision = #tpu.contract_precision<fp32>, transpose_lhs_hint = false} : vector<1264x128xf32>, vector<128x128xf32>, vector<1264x128xf32> -> vector<1264x128xf32>
    %add3A = vector.broadcast %get3A_4 : vector<1x128xf32> to vector<1264x128xf32>
    %add3A_9 = arith.addf %add3A, %dot_general3A_8 : vector<1264x128xf32>
    %get3A_10 = arith.constant 0 : index
    %get3A_11 = arith.constant 0 : index
    %get3A_12 = vector.load %arg2[%get3A_10, %get3A_11] : memref<1264x128xf32, #tpu.memory_space<vmem>>, vector<1264x128xf32>
    %slice3A_13 = vector.extract_strided_slice %get3A_1 {offsets = [128, 0], sizes = [128, 128], strides = [1, 1]} : vector<512x128xf32> to vector<128x128xf32>
    %dot_general3A_14 = arith.constant dense<0.000000e+00> : vector<1264x128xf32>
    %dot_general3A_15 = tpu.matmul %get3A_12, %slice3A_13, %dot_general3A_14 {dimension_numbers = #tpu.dot_dimension_numbers<[1], [0], [0], [1], [0, 0, 1, 1], [], []>, precision = #tpu.contract_precision<fp32>, transpose_lhs_hint = false} : vector<1264x128xf32>, vector<128x128xf32>, vector<1264x128xf32> -> vector<1264x128xf32>
    %add3A_16 = arith.addf %add3A_9, %dot_general3A_15 : vector<1264x128xf32>
    %get3A_17 = arith.constant 0 : index
    %get3A_18 = arith.constant 0 : index
    %get3A_19 = vector.load %arg3[%get3A_17, %get3A_18] : memref<1264x128xf32, #tpu.memory_space<vmem>>, vector<1264x128xf32>
    %slice3A_20 = vector.extract_strided_slice %get3A_1 {offsets = [256, 0], sizes = [128, 128], strides = [1, 1]} : vector<512x128xf32> to vector<128x128xf32>
    %dot_general3A_21 = arith.constant dense<0.000000e+00> : vector<1264x128xf32>
    %dot_general3A_22 = tpu.matmul %get3A_19, %slice3A_20, %dot_general3A_21 {dimension_numbers = #tpu.dot_dimension_numbers<[1], [0], [0], [1], [0, 0, 1, 1], [], []>, precision = #tpu.contract_precision<fp32>, transpose_lhs_hint = false} : vector<1264x128xf32>, vector<128x128xf32>, vector<1264x128xf32> -> vector<1264x128xf32>
    %add3A_23 = arith.addf %add3A_16, %dot_general3A_22 : vector<1264x128xf32>
    %get3A_24 = arith.constant 0 : index
    %get3A_25 = arith.constant 0 : index
    %get3A_26 = vector.load %arg4[%get3A_24, %get3A_25] : memref<1264x128xf32, #tpu.memory_space<vmem>>, vector<1264x128xf32>
    %slice3A_27 = vector.extract_strided_slice %get3A_1 {offsets = [384, 0], sizes = [128, 128], strides = [1, 1]} : vector<512x128xf32> to vector<128x128xf32>
    %dot_general3A_28 = arith.constant dense<0.000000e+00> : vector<1264x128xf32>
    %dot_general3A_29 = tpu.matmul %get3A_26, %slice3A_27, %dot_general3A_28 {dimension_numbers = #tpu.dot_dimension_numbers<[1], [0], [0], [1], [0, 0, 1, 1], [], []>, precision = #tpu.contract_precision<fp32>, transpose_lhs_hint = false} : vector<1264x128xf32>, vector<128x128xf32>, vector<1264x128xf32> -> vector<1264x128xf32>
    %add3A_30 = arith.addf %add3A_23, %dot_general3A_29 : vector<1264x128xf32>
    %max3A = arith.constant 0.000000e+00 : f32
    %max3A_31 = vector.broadcast %max3A : f32 to vector<1264x128xf32>
    %max3A_32 = arith.maximumf %add3A_30, %max3A_31 : vector<1264x128xf32>
    %swap3A = arith.constant 0 : index
    %swap3A_33 = arith.constant 0 : index
    %swap3A_34 = vector.load %arg7[%swap3A, %swap3A_33] : memref<1264x128xf32, #tpu.memory_space<vmem>>, vector<1264x128xf32>
    tpu.vector_store %arg7[%swap3A, %swap3A_33], %max3A_32 {strides = array<i32>} : memref<1264x128xf32, #tpu.memory_space<vmem>>, vector<1264x128xf32>,
    return
  }
  func.func @transform_0(%arg0: i32) -> (i32, i32) {
    %c0_i32 = arith.constant 0 : i32
    %c0_i32_0 = arith.constant 0 : i32
    return %arg0, %c0_i32 : i32, i32
  }
  func.func @transform_1(%arg0: i32) -> (i32, i32) {
    %c0_i32 = arith.constant 0 : i32
    %c0_i32_0 = arith.constant 0 : i32
    return %arg0, %c0_i32 : i32, i32
  }
  func.func @transform_2(%arg0: i32) -> (i32, i32) {
    %c0_i32 = arith.constant 0 : i32
    %c0_i32_0 = arith.constant 0 : i32
    return %arg0, %c0_i32 : i32, i32
  }
  func.func @transform_3(%arg0: i32) -> (i32, i32) {
    %c0_i32 = arith.constant 0 : i32
    %c0_i32_0 = arith.constant 0 : i32
    return %arg0, %c0_i32 : i32, i32
  }
  func.func @transform_4(%arg0: i32) -> (i32, i32) {
    %c0_i32 = arith.constant 0 : i32
    %c0_i32_0 = arith.constant 0 : i32
    %c0_i32_1 = arith.constant 0 : i32
    return %c0_i32, %c0_i32_0 : i32, i32
  }
  func.func @transform_5(%arg0: i32) -> (i32, i32) {
    %c0_i32 = arith.constant 0 : i32
    %c0_i32_0 = arith.constant 0 : i32
    %c0_i32_1 = arith.constant 0 : i32
    return %c0_i32, %c0_i32_0 : i32, i32
  }
  func.func @transform_6(%arg0: i32) -> (i32, i32) {
    %c0_i32 = arith.constant 0 : i32
    %c0_i32_0 = arith.constant 0 : i32
    return %arg0, %c0_i32 : i32, i32
  }
}

</mosaic_0001>

<sc_bundles>
// kernel: kernel.17.cloned.1.call-start
scs
__scs_entry_jumppad:
0x0: {  	(pc) =	sbr.rel $0x88, $3  }
0x1: {  	(tag) =	ssettag $0x0;
	lr =	simm.s32 $0x1  }
0x2: {  	[smem:$0x3F9B] =	sst lr;
	_ =	strace $0xD0000000  }
0x3: {  	_ = 	snop  }
0x4: {  	_ = 	snop  }
0x5: {  	_ = 	snop  }
0x6: {  	_ = 	snop  }
0x7: {  	_ = 	snop  }
__scs_overlays_trampoline_lowered:
0x8: {  	[smem:$0x3FAA] =	sst s0  }
0x9: {  	[smem:$0x3FAB] =	sst s1  }
0xa: {  	[smem:$0x3FAC] =	sst s2  }
0xb: {  	[smem:$0x3FAD] =	sst s3  }
0xc: {  	[smem:$0x3FAE] =	sst s4  }
0xd: {  	[smem:$0x3FAF] =	sst s5  }
0xe: {  	[smem:$0x3FB0] =	sst s6  }
0xf: {  	[smem:$0x3FB1] =	sst s7  }
0x10: {  	[smem:$0x3FB2] =	sst s8  }
0x11: {  	[smem:$0x3FB3] =	sst s9;
	s0 =	simm.s32 @!p0 $0x0  }
0x12: {  	s1 =	sld [smem:$0x3F99];
	s0 =	simm.s32 @p0 $0x1  }
0x13: {  	[smem:$0x3FB4] =	sst s0;
	s0 =	simm.s32 @!p1 $0x0  }
0x14: {  	s2 =	sld [smem:$0x3F98];
	s0 =	simm.s32 @p1 $0x1  }
0x15: {  	[smem:$0x3FB5] =	sst s0;
	s0 =	simm.s32 @!p2 $0x0  }
0x16: {  	s3 =	sld [smem:$0x3FDB];
	s0 =	simm.s32 @p2 $0x1  }
0x17: {  	s4 =	simm.s32 $0x1BF5;
	[smem:$0x3FB7] =	sst s0  }
0x18: {  	s0 =	sld [smem:$0x3F9A];
	_ =	swait.ge [sflag:s4], $0x0  }
0x19: {  	s7 =	sld [smem:$0x3F9B]  }
0x1a: {  	s8 =	sadd.s32 $0xFFFFE003, lr  }
0x1b: {  	s9 =	sadd.s32 $0xFFFFFEF7, lr;
	s5 =	simm.s32 $0xFFFFFFFF;
	p2 =	slt.u32 s8, $0xFFFFF086  }
0x1c: {  	p1 =	slt.u32 s9, $0xF7A;
	s5 =	simm.s32 @!p2 $0x0  }
0x1d: {  	s5 =	simm.s32 @p1 $0x1;
	p0 =	seq.s32 s7, s2  }
0x1e: {  	s7 =	smul.u32 @!p0 $0xF7A, s2;
	p2 =	seq.s32 @!p0 s5, $0x0  }
0x1f: {  	s9 =	smul.u32 $0xF7A, s1;
	s8 =	simm.s32 @!p0 $0x1BF5;
	p2 =	por !p2, p0  }
0x20: {  	[sflag:s8] =	ssyncset.s32 @!p0 $0xFFFFF086;
	s6 =	sadd.s32 @!p0 s3, s7;
	s7 =	simm.s32 @!p0 $0x108  }
0x21: {  	s3 =	sadd.s32 s3, s9;
	s6 =	sadd.s32 @!p0 $0x88, s6;
	s7 =	simm.s32 @p2 $0x1082  }
0x22: {  	[simem:s7], [sflag:s8] =	dma.local @!p0 [hbm:s6], $0xF7A  }
0x23: {  	s9 =	sor.u32 $0xD0000000, s2;
	s6 =	simm.s32 $0x108;
	_ =	swait.ge @!p0 [sflag:s8], $0x0  }
0x24: {  	s3 =	sadd.s32 $0x88, s3;
	s6 =	simm.s32 @!p1 $0x1082;
	[sflag:s4] =	ssyncset.s32 $0xFFFFF086  }
0x25: {  	[simem:s6], [sflag:s4] =	dma.local [hbm:s3], $0xF7A  }
0x26: {  	[smem:$0x3F9B] =	sst s1;
	(tag) =	ssettag s2;
	_ =	strace s9  }
0x27: {  	s1 =	sld [smem:$0x3FAB]  }
0x28: {  	s2 =	sld [smem:$0x3FAC]  }
0x29: {  	s4 =	sld [smem:$0x3FAE]  }
0x2a: {  	p0 =	seq.s32 s5, $0x0;
	s5 =	sld [smem:$0x3FAF]  }
0x2b: {  	s6 =	sld [smem:$0x3FB0]  }
0x2c: {  	s7 =	sld [smem:$0x3FB1]  }
0x2d: {  	s3 =	simm.s32 $0x108;
	s8 =	sld [smem:$0x3FB2]  }
0x2e: {  	s3 =	simm.s32 @!p0 $0x1082;
	s9 =	sld [smem:$0x3FB3]  }
0x2f: {  	lr =	sadd.s32 s0, s3;
	s0 =	sld [smem:$0x3FAA]  }
0x30: {  	s3 =	sld [smem:$0x3FAD]  }
0x31: {  	[smem:$0x3FB6] =	sst s10  }
0x32: {  	s10 =	sld [smem:$0x3FB4];
	_ =	sdelay $0x3  }
0x33: {  	p0 =	seq.s32 s10, $0x1;
	s10 =	sld [smem:$0x3FB6];
	_ =	sdelay $0x3  }
0x34: {  	[smem:$0x3FB6] =	sst s10  }
0x35: {  	s10 =	sld [smem:$0x3FB5];
	_ =	sdelay $0x3  }
0x36: {  	p1 =	seq.s32 s10, $0x1;
	s10 =	sld [smem:$0x3FB6];
	_ =	sdelay $0x3  }
0x37: {  	[smem:$0x3FB6] =	sst s10  }
0x38: {  	s10 =	sld [smem:$0x3FB7]  }
0x39: {  	_ = 	snop;
	(pc) =	sbr.ind lr, $3  }
0x3a: {  	_ = 	snop  }
0x3b: {  	_ = 	snop  }
0x3c: {  	p2 =	seq.s32 s10, $0x1;
	s10 =	sld [smem:$0x3FB6]  }
0x3d: {  	_ =	shalt  }
0x3e: {  	_ =	shalt  }
0x3f: {  	_ =	shalt  }
0x40: {  	_ =	shalt  }
0x41: {  	_ =	shalt  }
0x42: {  	_ =	shalt  }
0x43: {  	_ =	shalt  }
0x44: {  	_ =	shalt  }
0x45: {  	_ =	shalt  }
0x46: {  	_ =	shalt  }
0x47: {  	_ =	shalt  }
0x48: {  	_ =	shalt  }
0x49: {  	_ =	shalt  }
0x4a: {  	_ =	shalt  }
0x4b: {  	_ =	shalt  }
0x4c: {  	_ =	shalt  }
0x4d: {  	_ =	shalt  }
0x4e: {  	_ =	shalt  }
0x4f: {  	_ =	shalt  }
0x50: {  	_ =	shalt  }
0x51: {  	_ =	shalt  }
0x52: {  	_ =	shalt  }
0x53: {  	_ =	shalt  }
0x54: {  	_ =	shalt  }
0x55: {  	_ =	shalt  }
0x56: {  	_ =	shalt  }
0x57: {  	_ =	shalt  }
0x58: {  	_ =	shalt  }
0x59: {  	_ =	shalt  }
0x5a: {  	_ =	shalt  }
0x5b: {  	_ =	shalt  }
0x5c: {  	_ =	shalt  }
0x5d: {  	_ =	shalt  }
0x5e: {  	_ =	shalt  }
0x5f: {  	_ =	shalt  }
0x60: {  	_ =	shalt  }
0x61: {  	_ =	shalt  }
0x62: {  	_ =	shalt  }
0x63: {  	_ =	shalt  }
0x64: {  	_ =	shalt  }
0x65: {  	_ =	shalt  }
0x66: {  	_ =	shalt  }
0x67: {  	_ =	shalt  }
0x68: {  	_ =	shalt  }
0x69: {  	_ =	shalt  }
0x6a: {  	_ =	shalt  }
0x6b: {  	_ =	shalt  }
0x6c: {  	_ =	shalt  }
0x6d: {  	_ =	shalt  }
0x6e: {  	_ =	shalt  }
0x6f: {  	_ =	shalt  }
0x70: {  	_ =	shalt  }
0x71: {  	_ =	shalt  }
0x72: {  	_ =	shalt  }
0x73: {  	_ =	shalt  }
0x74: {  	_ =	shalt  }
0x75: {  	_ =	shalt  }
0x76: {  	_ =	shalt  }
0x77: {  	_ =	shalt  }
0x78: {  	_ =	shalt  }
0x79: {  	_ =	shalt  }
0x7a: {  	_ =	shalt  }
0x7b: {  	_ =	shalt  }
0x7c: {  	_ =	shalt  }
0x7d: {  	_ =	shalt  }
0x7e: {  	_ =	shalt  }
0x7f: {  	_ =	shalt  }
0x80: {  	_ =	shalt  }
0x81: {  	_ =	shalt  }
0x82: {  	_ =	shalt  }
0x83: {  	_ =	shalt  }
0x84: {  	_ =	shalt  }
0x85: {  	_ =	shalt  }
0x86: {  	_ =	shalt  }
0x87: {  	_ =	shalt  }
.Lfunc_end0:
.L_simem_size_0:
called_computation_lowered:
.L_overlay_start_0:
0x88: {  	s2 =	sld [smem:$0x3FD9]  }
0x89: {  	s3 =	sld [smem:$0x3FFE];
	_ =	sdelay $0x1  }
0x8a: {  	s1 =	srdreg.scid  }
0x8b: {  	s0 =	sand.u32 $0x1, s1  }
0x8c: {  	s16 =	sshll.u32 s0, $0xA;
	s2 =	sadd.s32 s3, s2  }
0x8d: {  	s2 =	sadd.s32 s2, s16  }
0x8e: {  	[smem:$0x3FC2] =	sst s2  }
0x8f: {  	_ = 	snop  }
0x90: {  	(tm) =	ssettm $0x1  }
0x91: {  	s17 =	sld [smem:$0x3FFB];
	_ =	sdelay $0x3  }
0x92: {  	_ =	strace s17  }
0x93: {  	s2 =	sld [smem:$0x3FFC];
	_ =	sdelay $0x3  }
0x94: {  	_ =	strace s2  }
0x95: {  	s2 =	sld [smem:$0x3FFD];
	_ =	sdelay $0x3  }
0x96: {  	_ =	strace s2  }
0x97: {  	_ =	strace $0x8FFFFFFF  }
0x98: {  	s18 =	sld [smem:$0x3FDB];
	_ =	sdelay $0x1  }
0x99: {  	s19 =	simm.s32 $_scs_section_size  }
0x9a: {  	s4 =	simm.s32 $_size__tile_overlayer_lowered;
	s5 =	simm.s32 $_tile_overlayer_lowered  }
0x9b: {  	s22 =	simm.s32 $0x1BFF;
	s21 =	sshll.u32 s5, $0x1;
	s2 =	sadd.s32 s19, s18  }
0x9c: {  	s6 =	simm.s32 $0x0;
	s20 =	sshll.u32 s4, $0x1;
	s4 =	sadd.s32 s21, s2  }
0x9d: {  	[timem:s6], [sflag:s22] =	dma.local [hbm:s4], s20  }
0x9e: {  	_ =	swait.ge [sflag:s22], s20  }
0x9f: {  	s3 =	ssub.s32 $0x0, s20;
	[sflag:s22] =	ssyncset.done $0x0  }
0xa0: {  	[sflag:s22] =	ssyncadd.s32 s3;
	_ =	sdelay $0x1  }
0xa1: {  	s23 =	simm.s32 $0x1B8B  }
0xa2: {  	_ =	swait.ge [sflag:s23], $0x1  }
0xa3: {  	[sflag:s23] =	ssyncset.done $0x0  }
0xa4: {  	s25 =	simm.s32 $0x1B8E;
	s24 =	sld [smem:$0x3FFE];
	[sflag:s23] =	ssyncadd.s32 $0xFFFFFFFF  }
0xa5: {  	s26 =	simm.s32 $execute0_lowered;
	[smem:$0x3FD2] =	sst s25  }
0xa6: {  	s4 =	sshll.u32 s26, $0x1;
	_ =	strace $0x80000046;
	[dreg:$0x1] =	wrdreg $0xFFFFFFFF  }
0xa7: {  	s28 =	simm.s32 $_size_execute0_lowered;
	s2 =	sadd.s32 s2, s4;
	[dreg:$0x0] =	wrdreg $0x0  }
0xa8: {  	s4 =	sshll.u32 s28, $0x1;
	[dreg:$0x2] =	wrdreg s2  }
0xa9: {  	[dreg:$0x3] =	wrdreg s4  }
0xaa: {  	[dreg:$0x4] =	wrdreg $0xC0  }
0xab: {  	_ =	task [dreg:s6], $0x5FFFF  }
0xac: {  	[dreg:$0x1] =	wrdreg $0xFFFFFFFF  }
0xad: {  	[dreg:$0x0] =	wrdreg $0x60  }
0xae: {  	[dreg:$0x2] =	wrdreg s24  }
0xaf: {  	[dreg:$0x3] =	wrdreg $0x4E980  }
0xb0: {  	[dreg:$0x4] =	wrdreg $0x9  }
0xb1: {  	_ =	task.clear_ibuf [dreg:s6], $0x5FFFF;
	_ =	strace $0x90000046  }
0xb2: {  	s29 =	simm.s32 $0x9;
	_ =	strace $0x80000048  }
0xb3: {  	_ =	swait.ge [sflag:s29], $0x1  }
0xb4: {  	[sflag:s29] =	ssyncadd.s32 $0xFFFFFFFF  }
0xb5: {  	_ =	strace $0x90000048  }
0xb6: {  	_ =	sfence  }
0xb7: {  	s30 =	sld [smem:$0x0];
	_ =	sdelay $0x2  }
0xb8: {  	s31 =	sshll.u32 s1, $0xD;
	s1 =	sshrl.u32 s1, $0x2  }
0xb9: {  	s3 =	sand.u32 $0x4000, s31;
	s1 =	sadd.s32 s1, s30  }
0xba: {  	s0 =	sor.u32 s3, s0;
	s1 =	sshll.u32 s1, $0x11  }
0xbb: {  	s0 =	sor.u32 s1, s0  }
0xbc: {  	s0 =	sadd.s32 $0x8F2B, s0  }
0xbd: {  	[sflag:s0] =	ssyncadd.remote.s32 $0x1  }
0xbe: {  	_ =	sfence.sel $0xFFFF  }
0xbf: {  	[dreg:$0x0] =	wrdreg $0xFFFFFFFF;
	(pc) =	sbr.abs _section_cstart, $3  }
0xc0: {  	[dreg:$0x1] =	wrdreg $0xFFFFFFFF  }
0xc1: {  	_ =	task.clear_ibuf [dreg:s6], $0x2FFFF;
	_ =	strace $0x9FFFFFFF  }
0xc2: {  	(tm) =	ssettm $0x7FFFFFFF  }
0xc3: {  	_ =	shalt  }
tec
execute0_lowered:
.L_overlay_start_1:
0x0: {  	(tag) =	ssettag $0x1  }
0x1: {  	s5 =	rddreg [dreg:$0x0];
	s0 =	srdreg.scid  }
0x2: {  	s8 =	stileid.u32;
	s1 =	rddreg [dreg:$0x1];
	s2 =	simm.s32 $0x0  }
0x3: {  	s11 =	simm.s32 $0x2710;
	s3 =	sand.u32 $0x1, s0;
	s0 =	rddreg [dreg:$0x2]  }
0x4: {  	s12 =	simm.s32 $0x0;
	s4 =	sshll.u32 s8, $0x1;
	[smem:$0x7FF] =	sst s2  }
0x5: {  	p0 =	sne.s32 s8, $0x0;
	s8 =	simm.s32 $0x1;
	s4 =	sor.u32 s3, s4  }
0x6: {  	_ =	strace $0x80000047;
	s6 =	smul.u32 $0x4F0, s3;
	s7 =	ssub.s32 $0x2, s3  }
0x7: {  	s3 =	sadd.s32 $0xF000, s5;
	s4 =	smul.u32 $0x4E2, s4;
	s10 =	sshrl.u32 s7, $0x1  }
0x8: {  	s6 =	sadd.s32 s6, s5;
	s7 =	ssub.s32 s7, s10;
	s10 =	sshrl.u32 @!p0 s1, $0x3  }
0x9: {  	s9 =	sadd.s32 s4, s5;
	s4 =	sadd.s32 $0xEE00, s5;
	s6 =	sadd.s32 $0xF600, s6  }
0xa: {  	v0 =	vimm.f32 $0.0e+00;
	v1 =	vimm.f32 $1.000000000e+00;
	s7 =	smax.u32 s7, $0x1;
	s5 =	sadd.s32 $0x5000, s9;
	s9 =	simm.s32 $0x4E90  }
.LBB2_1:
0xb: {  	[tilespmem:s2], [sflag:$0x1] =	stream.linear.gather [hbm4b:s5+s2], $0x2710, $0x38;
	[tilespmem:$0x5110] =	vst v63  }
0xc: {  	_ =	swait.ge [sflag:s8], $0x2710  }
0xd: {  	[sflag:s8] =	ssyncset.done $0x0  }
0xe: {  	[sflag:s8] =	ssyncadd.s32 $0xFFFFD8F0  }
0xf: {  	[tilespmem:s9], [sflag:$0x1] =	stream.linear.gather [hbm4b:s4+s2], $0x8, $0x38;
	[tilespmem:$0x5110] =	vst v63  }
0x10: {  	_ =	swait.ge [sflag:s8], $0x8  }
0x11: {  	[sflag:s8] =	ssyncset.done $0x0  }
0x12: {  	s13 =	simm.s32 @!p0 $0x1C01;
	[sflag:s8] =	ssyncadd.s32 $0xFFFFFFF8  }
0x13: {  	[spmem:s10], [sflag:s13] =	dma.local @!p0 [hbm:s3], $0x4F0  }
0x14: {  	s13 =	simm.s32 @!p0 $0x1  }
0x15: {  	_ =	swait.ge @!p0 [sflag:s13], $0x4F0  }
0x16: {  	[sflag:s13] =	ssyncset.done @!p0 $0x0  }
0x17: {  	[sflag:s13] =	ssyncadd.s32 @!p0 $0xFFFFFB10;
	s13 =	simm.s32 $0x0  }
.LBB2_2:
0x18: {  	p1 =	sne.s32 s13, $0x9DC0  }
.Ltmp0:
0x19: {  	_ = 	snop;
	(pc) =	sbr.rel @p1 .LBB2_2-.Ltmp0, $3  }
0x1a: {  	_ =	sdelay $0x1  }
0x1b: {  	s14 =	sshra.s32 s13, $0x2  }
0x1c: {  	s13 =	sadd.s32 $0x40, s13;
	[tilespmem:s14+$0x2710] =	vst v0  }
0x1d: {  	s14 =	simm.s32 $0x0;
	s13 =	simm.s32 $0x40  }
.LBB2_4:
0x1e: {  	p1 =	sne.s32 s13, $0x9C00;
	v2 =	vld [tilespmem:s14+$0x0];
	_ =	sdelay $0x3  }
.Ltmp1:
0x1f: {  	(pc) =	sbr.rel @p1 .LBB2_4-.Ltmp1, $2  }
0x20: {  	_ =	sdelay $0x2  }
0x21: {  	s14 =	sshra.s32 s13, $0x2;
	s13 =	sadd.s32 $0x40, s13;
	[tilespmem:v2+s11+$0x0] =	vst.idx.add.f32.msk $0xffff, v1  }
0x22: {  	v2 =	vld [tilespmem:s14+$0x0];
	_ =	sdelay $0x7  }
0x23: {  	[tilespmem:v2+s11+$0x0] =	vst.idx.add.f32.msk $0xffff, v1  }
0x24: {  	[bflag:$0x0] =	sbarrier.arrive $0xFFFF  }
0x25: {  	[spmem:s1] =	stream.indirect.scatter.add.f32 [tilespmem:s11], [sflag:$0x1], $0x2780, s9, s8, $0xb8;
	[tilespmem:$0x5110] =	vst v63  }
0x26: {  	_ =	swait.ge [sflag:s8], $0x2780  }
0x27: {  	[sflag:s8] =	ssyncset.done $0x0  }
0x28: {  	s12 =	sadd.s32 $0x1, s12;
	[sflag:s8] =	ssyncadd.s32 $0xFFFFD880  }
0x29: {  	s13 =	simm.s32 @!p0 $0x1C01;
	p1 =	sne.s32 s12, s7;
	[bflag:$0x0] =	sbarrier.arrive $0xFFFF  }
0x2a: {  	[hbm:s6], [sflag:s13] =	dma.local @!p0 [spmem:s10], $0x4F0  }
.Ltmp2:
0x2b: {  	_ = 	snop;
	(pc) =	sbr.rel @p1 .LBB2_1-.Ltmp2, $4  }
0x2c: {  	s13 =	simm.s32 @!p0 $0x1  }
0x2d: {  	_ =	swait.ge @!p0 [sflag:s13], $0x4F0  }
0x2e: {  	[sflag:s13] =	ssyncset.done @!p0 $0x0  }
0x2f: {  	[sflag:s13] =	ssyncadd.s32 @!p0 $0xFFFFFB10  }
0x30: {  	_ =	sfence.sel $0x180000  }
0x31: {  	[bflag:$0x0] =	sbarrier.arrive $0xFFFF  }
0x32: {  	_ =	strace $0x90000047  }
0x33: {  	s0 =	sadd.s32 @!p0 $0x100000, s0;
	[bflag:$0x2] =	sbarrier.arrive $0xFFFF  }
0x34: {  	[sflag:s0] =	ssyncadd.tile.s32 @!p0 $0x1;
	_ =	shalt  }
.Lfunc_end2:
_tile_overlayer_lowered:
.L_overlay_start_2:
0x35: {  	(tag) =	ssettag $0x2  }
0x36: {  	s0 =	rddreg [dreg:$0x0];
	s2 =	stileid.u32  }
0x37: {  	s1 =	rddreg [dreg:$0x1];
	p0 =	sne.s32 s2, $0x0  }
0x38: {  	s3 =	rddreg [dreg:$0x2];
	[bflag:$0x3] =	sbarrier.arrive $0xFFFF;
	s2 =	simm.s32 @!p0 $0x1C01  }
0x39: {  	[timem:s3], [sflag:s2] =	dma.local @!p0 [hbm:s0], s1  }
0x3a: {  	s0 =	simm.s32 @!p0 $0x1  }
0x3b: {  	_ =	swait.ge @!p0 [sflag:s0], s1  }
0x3c: {  	s1 =	ssub.s32 @!p0 $0x0, s1;
	[sflag:s0] =	ssyncset.done @!p0 $0x0  }
0x3d: {  	[sflag:s0] =	ssyncadd.s32 @!p0 s1  }
0x3e: {  	[bflag:$0x3] =	sbarrier.arrive $0xFFFF  }
0x3f: {  	_ =	shalt  }

// kernel: kernel.20.cloned.1.call-start
scs
__scs_entry_jumppad:
0x0: {  	(pc) =	sbr.rel $0x88, $3  }
0x1: {  	(tag) =	ssettag $0x0;
	lr =	simm.s32 $0x1  }
0x2: {  	[smem:$0x3F9B] =	sst lr;
	_ =	strace $0xD0000000  }
0x3: {  	_ = 	snop  }
0x4: {  	_ = 	snop  }
0x5: {  	_ = 	snop  }
0x6: {  	_ = 	snop  }
0x7: {  	_ = 	snop  }
__scs_overlays_trampoline_lowered:
0x8: {  	[smem:$0x3FAA] =	sst s0  }
0x9: {  	[smem:$0x3FAB] =	sst s1  }
0xa: {  	[smem:$0x3FAC] =	sst s2  }
0xb: {  	[smem:$0x3FAD] =	sst s3  }
0xc: {  	[smem:$0x3FAE] =	sst s4  }
0xd: {  	[smem:$0x3FAF] =	sst s5  }
0xe: {  	[smem:$0x3FB0] =	sst s6  }
0xf: {  	[smem:$0x3FB1] =	sst s7  }
0x10: {  	[smem:$0x3FB2] =	sst s8  }
0x11: {  	[smem:$0x3FB3] =	sst s9;
	s0 =	simm.s32 @!p0 $0x0  }
0x12: {  	s1 =	sld [smem:$0x3F99];
	s0 =	simm.s32 @p0 $0x1  }
0x13: {  	[smem:$0x3FB4] =	sst s0;
	s0 =	simm.s32 @!p1 $0x0  }
0x14: {  	s2 =	sld [smem:$0x3F98];
	s0 =	simm.s32 @p1 $0x1  }
0x15: {  	[smem:$0x3FB5] =	sst s0;
	s0 =	simm.s32 @!p2 $0x0  }
0x16: {  	s3 =	sld [smem:$0x3FDB];
	s0 =	simm.s32 @p2 $0x1  }
0x17: {  	s4 =	simm.s32 $0x1BF5;
	[smem:$0x3FB7] =	sst s0  }
0x18: {  	s0 =	sld [smem:$0x3F9A];
	_ =	swait.ge [sflag:s4], $0x0  }
0x19: {  	s7 =	sld [smem:$0x3F9B]  }
0x1a: {  	s8 =	sadd.s32 $0xFFFFE003, lr  }
0x1b: {  	s9 =	sadd.s32 $0xFFFFFEF7, lr;
	s5 =	simm.s32 $0xFFFFFFFF;
	p2 =	slt.u32 s8, $0xFFFFF086  }
0x1c: {  	p1 =	slt.u32 s9, $0xF7A;
	s5 =	simm.s32 @!p2 $0x0  }
0x1d: {  	s5 =	simm.s32 @p1 $0x1;
	p0 =	seq.s32 s7, s2  }
0x1e: {  	s7 =	smul.u32 @!p0 $0xF7A, s2;
	p2 =	seq.s32 @!p0 s5, $0x0  }
0x1f: {  	s9 =	smul.u32 $0xF7A, s1;
	s8 =	simm.s32 @!p0 $0x1BF5;
	p2 =	por !p2, p0  }
0x20: {  	[sflag:s8] =	ssyncset.s32 @!p0 $0xFFFFF086;
	s6 =	sadd.s32 @!p0 s3, s7;
	s7 =	simm.s32 @!p0 $0x108  }
0x21: {  	s3 =	sadd.s32 s3, s9;
	s6 =	sadd.s32 @!p0 $0x88, s6;
	s7 =	simm.s32 @p2 $0x1082  }
0x22: {  	[simem:s7], [sflag:s8] =	dma.local @!p0 [hbm:s6], $0xF7A  }
0x23: {  	s9 =	sor.u32 $0xD0000000, s2;
	s6 =	simm.s32 $0x108;
	_ =	swait.ge @!p0 [sflag:s8], $0x0  }
0x24: {  	s3 =	sadd.s32 $0x88, s3;
	s6 =	simm.s32 @!p1 $0x1082;
	[sflag:s4] =	ssyncset.s32 $0xFFFFF086  }
0x25: {  	[simem:s6], [sflag:s4] =	dma.local [hbm:s3], $0xF7A  }
0x26: {  	[smem:$0x3F9B] =	sst s1;
	(tag) =	ssettag s2;
	_ =	strace s9  }
0x27: {  	s1 =	sld [smem:$0x3FAB]  }
0x28: {  	s2 =	sld [smem:$0x3FAC]  }
0x29: {  	s4 =	sld [smem:$0x3FAE]  }
0x2a: {  	p0 =	seq.s32 s5, $0x0;
	s5 =	sld [smem:$0x3FAF]  }
0x2b: {  	s6 =	sld [smem:$0x3FB0]  }
0x2c: {  	s7 =	sld [smem:$0x3FB1]  }
0x2d: {  	s3 =	simm.s32 $0x108;
	s8 =	sld [smem:$0x3FB2]  }
0x2e: {  	s3 =	simm.s32 @!p0 $0x1082;
	s9 =	sld [smem:$0x3FB3]  }
0x2f: {  	lr =	sadd.s32 s0, s3;
	s0 =	sld [smem:$0x3FAA]  }
0x30: {  	s3 =	sld [smem:$0x3FAD]  }
0x31: {  	[smem:$0x3FB6] =	sst s10  }
0x32: {  	s10 =	sld [smem:$0x3FB4];
	_ =	sdelay $0x3  }
0x33: {  	p0 =	seq.s32 s10, $0x1;
	s10 =	sld [smem:$0x3FB6];
	_ =	sdelay $0x3  }
0x34: {  	[smem:$0x3FB6] =	sst s10  }
0x35: {  	s10 =	sld [smem:$0x3FB5];
	_ =	sdelay $0x3  }
0x36: {  	p1 =	seq.s32 s10, $0x1;
	s10 =	sld [smem:$0x3FB6];
	_ =	sdelay $0x3  }
0x37: {  	[smem:$0x3FB6] =	sst s10  }
0x38: {  	s10 =	sld [smem:$0x3FB7]  }
0x39: {  	_ = 	snop;
	(pc) =	sbr.ind lr, $3  }
0x3a: {  	_ = 	snop  }
0x3b: {  	_ = 	snop  }
0x3c: {  	p2 =	seq.s32 s10, $0x1;
	s10 =	sld [smem:$0x3FB6]  }
0x3d: {  	_ =	shalt  }
0x3e: {  	_ =	shalt  }
0x3f: {  	_ =	shalt  }
0x40: {  	_ =	shalt  }
0x41: {  	_ =	shalt  }
0x42: {  	_ =	shalt  }
0x43: {  	_ =	shalt  }
0x44: {  	_ =	shalt  }
0x45: {  	_ =	shalt  }
0x46: {  	_ =	shalt  }
0x47: {  	_ =	shalt  }
0x48: {  	_ =	shalt  }
0x49: {  	_ =	shalt  }
0x4a: {  	_ =	shalt  }
0x4b: {  	_ =	shalt  }
0x4c: {  	_ =	shalt  }
0x4d: {  	_ =	shalt  }
0x4e: {  	_ =	shalt  }
0x4f: {  	_ =	shalt  }
0x50: {  	_ =	shalt  }
0x51: {  	_ =	shalt  }
0x52: {  	_ =	shalt  }
0x53: {  	_ =	shalt  }
0x54: {  	_ =	shalt  }
0x55: {  	_ =	shalt  }
0x56: {  	_ =	shalt  }
0x57: {  	_ =	shalt  }
0x58: {  	_ =	shalt  }
0x59: {  	_ =	shalt  }
0x5a: {  	_ =	shalt  }
0x5b: {  	_ =	shalt  }
0x5c: {  	_ =	shalt  }
0x5d: {  	_ =	shalt  }
0x5e: {  	_ =	shalt  }
0x5f: {  	_ =	shalt  }
0x60: {  	_ =	shalt  }
0x61: {  	_ =	shalt  }
0x62: {  	_ =	shalt  }
0x63: {  	_ =	shalt  }
0x64: {  	_ =	shalt  }
0x65: {  	_ =	shalt  }
0x66: {  	_ =	shalt  }
0x67: {  	_ =	shalt  }
0x68: {  	_ =	shalt  }
0x69: {  	_ =	shalt  }
0x6a: {  	_ =	shalt  }
0x6b: {  	_ =	shalt  }
0x6c: {  	_ =	shalt  }
0x6d: {  	_ =	shalt  }
0x6e: {  	_ =	shalt  }
0x6f: {  	_ =	shalt  }
0x70: {  	_ =	shalt  }
0x71: {  	_ =	shalt  }
0x72: {  	_ =	shalt  }
0x73: {  	_ =	shalt  }
0x74: {  	_ =	shalt  }
0x75: {  	_ =	shalt  }
0x76: {  	_ =	shalt  }
0x77: {  	_ =	shalt  }
0x78: {  	_ =	shalt  }
0x79: {  	_ =	shalt  }
0x7a: {  	_ =	shalt  }
0x7b: {  	_ =	shalt  }
0x7c: {  	_ =	shalt  }
0x7d: {  	_ =	shalt  }
0x7e: {  	_ =	shalt  }
0x7f: {  	_ =	shalt  }
0x80: {  	_ =	shalt  }
0x81: {  	_ =	shalt  }
0x82: {  	_ =	shalt  }
0x83: {  	_ =	shalt  }
0x84: {  	_ =	shalt  }
0x85: {  	_ =	shalt  }
0x86: {  	_ =	shalt  }
0x87: {  	_ =	shalt  }
.Lfunc_end0:
.L_simem_size_0:
called_computation.1_lowered:
.L_overlay_start_0:
0x88: {  	s2 =	sld [smem:$0x3FD9]  }
0x89: {  	s3 =	sld [smem:$0x3FFE];
	_ =	sdelay $0x1  }
0x8a: {  	s1 =	srdreg.scid  }
0x8b: {  	s0 =	sand.u32 $0x1, s1  }
0x8c: {  	s17 =	sshll.u32 s0, $0xA;
	s2 =	sadd.s32 s3, s2  }
0x8d: {  	s2 =	sadd.s32 s2, s17  }
0x8e: {  	[smem:$0x3FC2] =	sst s2  }
0x8f: {  	_ = 	snop  }
0x90: {  	s2 =	sld [smem:$0x3FD0];
	(tm) =	ssettm $0x1  }
0x91: {  	s18 =	sld [smem:$0x3FFB];
	_ =	sdelay $0x3  }
0x92: {  	_ =	strace s18  }
0x93: {  	s3 =	sld [smem:$0x3FFC];
	_ =	sdelay $0x3  }
0x94: {  	_ =	strace s3  }
0x95: {  	s3 =	sld [smem:$0x3FFD];
	_ =	sdelay $0x3  }
0x96: {  	_ =	strace s3  }
0x97: {  	_ =	strace $0x8FFFFFFF  }
0x98: {  	s19 =	sld [smem:$0x3FDB];
	_ =	sdelay $0x1  }
0x99: {  	s4 =	simm.s32 $_scs_section_size  }
0x9a: {  	s5 =	simm.s32 $_size__tile_overlayer_lowered;
	s6 =	simm.s32 $_tile_overlayer_lowered  }
0x9b: {  	s22 =	simm.s32 $0x1BFF;
	s21 =	sshll.u32 s6, $0x1;
	s3 =	sadd.s32 s4, s19  }
0x9c: {  	s7 =	simm.s32 $0x0;
	s20 =	sshll.u32 s5, $0x1;
	s5 =	sadd.s32 s21, s3  }
0x9d: {  	[timem:s7], [sflag:s22] =	dma.local [hbm:s5], s20  }
0x9e: {  	_ =	swait.ge [sflag:s22], s20  }
0x9f: {  	s4 =	ssub.s32 $0x0, s20;
	[sflag:s22] =	ssyncset.done $0x0  }
0xa0: {  	[sflag:s22] =	ssyncadd.s32 s4;
	_ =	sdelay $0x1  }
0xa1: {  	s23 =	simm.s32 $0x1B8B  }
0xa2: {  	_ =	swait.ge [sflag:s23], $0x1  }
0xa3: {  	[sflag:s23] =	ssyncset.done $0x0  }
0xa4: {  	s25 =	simm.s32 $0x1B8E;
	s24 =	sld [smem:$0x3FFE];
	[sflag:s23] =	ssyncadd.s32 $0xFFFFFFFF  }
0xa5: {  	s26 =	simm.s32 $execute0_lowered;
	[smem:$0x3FD2] =	sst s25  }
0xa6: {  	s5 =	sshll.u32 s26, $0x1;
	_ =	strace $0x80000049;
	[dreg:$0x1] =	wrdreg $0xFFFFFFFF  }
0xa7: {  	s28 =	simm.s32 $_size_execute0_lowered;
	s3 =	sadd.s32 s3, s5;
	[dreg:$0x0] =	wrdreg $0x0  }
0xa8: {  	s5 =	sshll.u32 s28, $0x1;
	[dreg:$0x2] =	wrdreg s3  }
0xa9: {  	[dreg:$0x3] =	wrdreg s5  }
0xaa: {  	[dreg:$0x4] =	wrdreg $0xC0  }
0xab: {  	_ =	task [dreg:s7], $0x5FFFF  }
0xac: {  	[dreg:$0x1] =	wrdreg $0xFFFFFFFF  }
0xad: {  	[dreg:$0x0] =	wrdreg $0x60  }
0xae: {  	[dreg:$0x2] =	wrdreg s2  }
0xaf: {  	[dreg:$0x3] =	wrdreg s24  }
0xb0: {  	[dreg:$0x4] =	wrdreg $0x9F000  }
0xb1: {  	[dreg:$0x5] =	wrdreg $0x9  }
0xb2: {  	_ =	task.clear_ibuf [dreg:s7], $0x6FFFF;
	_ =	strace $0x90000049  }
0xb3: {  	s29 =	simm.s32 $0x9;
	_ =	strace $0x8000004B  }
0xb4: {  	_ =	swait.ge [sflag:s29], $0x1  }
0xb5: {  	[sflag:s29] =	ssyncadd.s32 $0xFFFFFFFF  }
0xb6: {  	_ =	strace $0x9000004B  }
0xb7: {  	_ =	sfence  }
0xb8: {  	s30 =	sld [smem:$0x0];
	_ =	sdelay $0x2  }
0xb9: {  	s31 =	sshll.u32 s1, $0xD;
	s1 =	sshrl.u32 s1, $0x2  }
0xba: {  	s3 =	sand.u32 $0x4000, s31;
	s1 =	sadd.s32 s1, s30  }
0xbb: {  	s0 =	sor.u32 s3, s0;
	s1 =	sshll.u32 s1, $0x11  }
0xbc: {  	s0 =	sor.u32 s1, s0  }
0xbd: {  	s0 =	sadd.s32 $0x8F2B, s0  }
0xbe: {  	[sflag:s0] =	ssyncadd.remote.s32 $0x1  }
0xbf: {  	_ =	sfence.sel $0xFFFF  }
0xc0: {  	[dreg:$0x0] =	wrdreg $0xFFFFFFFF;
	(pc) =	sbr.abs _section_cstart, $3  }
0xc1: {  	[dreg:$0x1] =	wrdreg $0xFFFFFFFF  }
0xc2: {  	_ =	task.clear_ibuf [dreg:s7], $0x2FFFF;
	_ =	strace $0x9FFFFFFF  }
0xc3: {  	(tm) =	ssettm $0x7FFFFFFF  }
tec
execute0_lowered:
.L_overlay_start_1:
0x0: {  	(tag) =	ssettag $0x1  }
0x1: {  	s0 =	rddreg [dreg:$0x0]  }
0x2: {  	s2 =	rddreg [dreg:$0x1]  }
0x3: {  	s1 =	rddreg [dreg:$0x2]  }
0x4: {  	s3 =	srdreg.scid;
	s11 =	stileid.u32;
	s28 =	simm.s32 $0x6B00  }
0x5: {  	s29 =	simm.s32 $0x7;
	s30 =	simm.s32 $0x1;
	s31 =	simm.s32 $0x80  }
0x6: {  	s5 =	sand.u32 $0x1, s3;
	s3 =	simm.s32 $0x0;
	s7 =	smul.u32 $0x13C00, s11  }
0x7: {  	s4 =	sadd.s32 $0x5000, s2;
	s8 =	sadd.s32 $0x54000, s2;
	s9 =	smul.u32 $0x4F000, s11  }
0x8: {  	s12 =	sshll.u32 s11, $0x1;
	s16 =	sshll.u32 s11, $0x6;
	s18 =	smul.u32 $0xC800, s11  }
0x9: {  	s6 =	smul.u32 $0x13C000, s5;
	[smem:$0x7FF] =	sst s3;
	s13 =	ssub.s32 $0x2, s5  }
0xa: {  	_ =	strace $0x8000004A;
	[dreg:$0x4] =	wrdreg s8;
	s10 =	sshrl.u32 s13, $0x1  }
0xb: {  	s15 =	sshrl.u32 s9, $0x2;
	[dreg:$0x5] =	wrdreg s16;
	s6 =	sadd.s32 s7, s6  }
0xc: {  	s7 =	sor.u32 s5, s12;
	s14 =	ssub.s32 s13, s10;
	s9 =	sadd.s32 s15, s1  }
0xd: {  	s10 =	sor.u32 $0x1C07, s16;
	s5 =	smul.u32 $0x6400, s5;
	s6 =	sshrl.u32 s6, $0x3  }
0xe: {  	s7 =	smul.u32 $0x6400, s7;
	[dreg:$0x6] =	wrdreg s10;
	s2 =	sadd.s32 s6, s2  }
0xf: {  	s6 =	smax.u32 s14, $0x1;
	s22 =	sadd.s32 s5, s18;
	s18 =	sshrl.u32 s9, $0x3  }
0x10: {  	s9 =	simm.s32 $0x0;
	s17 =	sshrl.u32 s7, $0x3;
	s7 =	sor.u32 $0x300, s7  }
0x11: {  	s2 =	sadd.s32 $0x56800, s2;
	[dreg:$0xb] =	wrdreg s6;
	s24 =	sadd.s32 $0x700, s22  }
0x12: {  	s25 =	sadd.s32 $0x600, s22;
	s8 =	sadd.s32 s0, s17;
	[dreg:$0xa] =	wrdreg s2  }
0x13: {  	s21 =	sshrl.u32 s7, $0x3;
	s19 =	sadd.s32 $0x20, s8;
	[dreg:$0x7] =	wrdreg s8  }
0x14: {  	s5 =	sshrl.u32 s24, $0x3;
	s20 =	sadd.s32 $0x40, s8;
	[dreg:$0x8] =	wrdreg s19  }
0x15: {  	s6 =	sshrl.u32 s25, $0x3;
	s2 =	sadd.s32 s0, s21;
	[dreg:$0x9] =	wrdreg s20  }
0x16: {  	s24 =	simm.s32 $0x5;
	s23 =	sadd.s32 $0x80, s8;
	[dreg:$0xc] =	wrdreg s2  }
0x17: {  	s25 =	simm.s32 $0x3700;
	s5 =	sadd.s32 s5, s0;
	[dreg:$0xd] =	wrdreg s23  }
0x18: {  	s7 =	simm.s32 $0x9;
	s26 =	sadd.s32 s6, s0;
	[dreg:$0xe] =	wrdreg s5  }
0x19: {  	s21 =	simm.s32 $0x4;
	s2 =	sadd.s32 $0x500, s22;
	[dreg:$0xf] =	wrdreg s26  }
0x1a: {  	s19 =	simm.s32 $0x100;
	s22 =	simm.s32 $0x64;
	s23 =	simm.s32 $0x300  }
0x1b: {  	s26 =	simm.s32 $0x6;
	s5 =	simm.s32 $0x3;
	s2 =	sshrl.u32 s2, $0x3  }
0x1c: {  	s10 =	sadd.s32 s2, s0;
	s0 =	simm.s32 $0x2;
	s2 =	simm.s32 $0x8  }
.LBB2_1:
0x1d: {  	s6 =	rddreg [dreg:$0x4]  }
0x1e: {  	s8 =	rddreg [dreg:$0x6]  }
0x1f: {  	[spmem:s18], [sflag:s8] =	dma.local [hbm:s6], $0x2780  }
0x20: {  	s6 =	rddreg [dreg:$0x7]  }
0x21: {  	[tilespmem:s3], [sflag:$0x4] =	stream.linear.gather [hbm4b:s6+s3], $0x100, $0x38;
	[tilespmem:$0x1DB00] =	vst v63  }
0x22: {  	s12 =	rddreg [dreg:$0x8]  }
0x23: {  	[tilespmem:s19], [sflag:$0x5] =	stream.linear.gather [hbm4b:s12+s3], $0x100, $0x38;
	[tilespmem:$0x1DB00] =	vst v63  }
0x24: {  	s14 =	simm.s32 $0x200;
	s13 =	rddreg [dreg:$0x9]  }
0x25: {  	[tilespmem:s14], [sflag:$0x6] =	stream.linear.gather [hbm4b:s13+s3], $0x100, $0x38;
	[tilespmem:$0x1DB00] =	vst v63  }
0x26: {  	_ =	swait.ge [sflag:s21], $0x100  }
0x27: {  	[sflag:s21] =	ssyncset.done $0x0  }
0x28: {  	[sflag:s21] =	ssyncadd.s32 $0xFFFFFF00  }
0x29: {  	[tilespmem:s23], [sflag:$0x1] =	stream.indirect.gather [hbm4b:s4+s22], $0x80, s3, s22, $0xb8;
	[tilespmem:$0x1DB00] =	vst v63  }
0x2a: {  	_ =	swait.ge [sflag:s24], $0x100  }
0x2b: {  	[sflag:s24] =	ssyncset.done $0x0  }
0x2c: {  	[sflag:s24] =	ssyncadd.s32 $0xFFFFFF00  }
0x2d: {  	[tilespmem:s25], [sflag:$0x2] =	stream.indirect.gather [hbm4b:s4+s22], $0x80, s19, s22, $0xb8;
	[tilespmem:$0x1DB00] =	vst v63  }
0x2e: {  	_ =	swait.ge [sflag:s26], $0x100  }
0x2f: {  	[sflag:s26] =	ssyncset.done $0x0  }
0x30: {  	[sflag:s26] =	ssyncadd.s32 $0xFFFFFF00  }
0x31: {  	[tilespmem:s28], [sflag:$0x3] =	stream.indirect.gather [hbm4b:s4+s22], $0x80, s14, s22, $0xb8;
	[tilespmem:$0x1DB00] =	vst v63  }
0x32: {  	_ =	swait.ge [sflag:s29], $0x2780  }
0x33: {  	[sflag:s29] =	ssyncset.done $0x0  }
0x34: {  	[sflag:s29] =	ssyncadd.s32 $0xFFFFD880  }
0x35: {  	[bflag:$0x0] =	sbarrier.arrive $0xFFFF  }
0x36: {  	_ =	swait.ge [sflag:s30], $0x3200  }
0x37: {  	[sflag:s30] =	ssyncset.done $0x0  }
0x38: {  	[sflag:s30] =	ssyncadd.s32 $0xFFFFCE00  }
0x39: {  	[spmem:s1] =	stream.indirect.scatter.add.f32 [tilespmem:s23], [sflag:$0x8], $0x80, s31, s22, $0xb8;
	[tilespmem:$0x1DB00] =	vst v63  }
0x3a: {  	_ =	swait.ge [sflag:s0], $0x3200  }
0x3b: {  	[sflag:s0] =	ssyncset.done $0x0  }
0x3c: {  	[sflag:s0] =	ssyncadd.s32 $0xFFFFCE00  }
0x3d: {  	_ =	swait.ge [sflag:s2], $0x3200  }
0x3e: {  	[sflag:s2] =	ssyncset.done $0x0  }
0x3f: {  	s15 =	simm.s32 $0x180;
	[sflag:s2] =	ssyncadd.s32 $0xFFFFCE00  }
0x40: {  	[spmem:s1] =	stream.indirect.scatter.add.f32 [tilespmem:s25], [sflag:$0x8], $0x80, s15, s22, $0xb8;
	[tilespmem:$0x1DB00] =	vst v63  }
0x41: {  	s16 =	rddreg [dreg:$0xc]  }
0x42: {  	[tilespmem:s3], [sflag:$0x4] =	stream.linear.gather [hbm4b:s16+s3], $0x100, $0x38;
	[tilespmem:$0x1DB00] =	vst v63  }
0x43: {  	_ =	swait.ge [sflag:s21], $0x100  }
0x44: {  	[sflag:s21] =	ssyncset.done $0x0  }
0x45: {  	[sflag:s21] =	ssyncadd.s32 $0xFFFFFF00  }
0x46: {  	[tilespmem:s23], [sflag:$0x1] =	stream.indirect.gather [hbm4b:s4+s22], $0x80, s3, s22, $0xb8;
	[tilespmem:$0x1DB00] =	vst v63  }
0x47: {  	_ =	swait.ge [sflag:s5], $0x3200  }
0x48: {  	[sflag:s5] =	ssyncset.done $0x0  }
0x49: {  	[sflag:s5] =	ssyncadd.s32 $0xFFFFCE00  }
0x4a: {  	_ =	swait.ge [sflag:s2], $0x3200  }
0x4b: {  	[sflag:s2] =	ssyncset.done $0x0  }
0x4c: {  	s17 =	simm.s32 $0x280;
	[sflag:s2] =	ssyncadd.s32 $0xFFFFCE00  }
0x4d: {  	[spmem:s1] =	stream.indirect.scatter.add.f32 [tilespmem:s28], [sflag:$0x8], $0x80, s17, s22, $0xb8;
	[tilespmem:$0x1DB00] =	vst v63  }
0x4e: {  	s20 =	rddreg [dreg:$0xd]  }
0x4f: {  	[tilespmem:s19], [sflag:$0x5] =	stream.linear.gather [hbm4b:s20+s3], $0x100, $0x38;
	[tilespmem:$0x1DB00] =	vst v63  }
0x50: {  	_ =	swait.ge [sflag:s24], $0x100  }
0x51: {  	s6 =	simm.s32 $0xFFFFFFDF;
	[sflag:s24] =	ssyncset.done $0x0;
	s16 =	rddreg [dreg:$0xf]  }
0x52: {  	s17 =	smov.u32 s10;
	s15 =	rddreg [dreg:$0xe];
	[sflag:s24] =	ssyncadd.s32 $0xFFFFFF00  }
0x53: {  	[tilespmem:s25], [sflag:$0x2] =	stream.indirect.gather [hbm4b:s4+s22], $0x80, s19, s22, $0xb8;
	[tilespmem:$0x1DB00] =	vst v63  }
.LBB2_2:
0x54: {  	_ =	swait.ge [sflag:s30], $0x3200  }
0x55: {  	[sflag:s30] =	ssyncset.done $0x0  }
0x56: {  	[sflag:s30] =	ssyncadd.s32 $0xFFFFCE00  }
0x57: {  	_ =	swait.ge [sflag:s2], $0x3200  }
0x58: {  	[sflag:s2] =	ssyncset.done $0x0  }
0x59: {  	p0 =	seq.s32 s6, $0xFFFFFFFF;
	[sflag:s2] =	ssyncadd.s32 $0xFFFFCE00  }
0x5a: {  	[spmem:s1] =	stream.indirect.scatter.add.f32 [tilespmem:s23], [sflag:$0x8], $0x80, s31, s22, $0xb8;
	[tilespmem:$0x1DB00] =	vst v63  }
0x5b: {  	s13 =	simm.s32 @!p0 $0x0;
	s14 =	simm.s32 @!p0 $0x200;
	s8 =	simm.s32 @!p0 $0x6  }
0x5c: {  	[tilespmem:s14], [sflag:$0x6] =	stream.linear.gather @!p0 [hbm4b:s17+s13], $0x100, $0x38;
	[tilespmem:$0x1DB00] =	vst v63  }
0x5d: {  	_ =	swait.ge @!p0 [sflag:s8], $0x100  }
0x5e: {  	[sflag:s8] =	ssyncset.done @!p0 $0x0  }
0x5f: {  	s12 =	simm.s32 @!p0 $0x6B00;
	[sflag:s8] =	ssyncadd.s32 @!p0 $0xFFFFFF00;
	s8 =	simm.s32 @!p0 $0x64  }
0x60: {  	[tilespmem:s12], [sflag:$0x3] =	stream.indirect.gather @!p0 [hbm4b:s4+s8], $0x80, s14, s8, $0xb8;
	[tilespmem:$0x1DB00] =	vst v63  }
0x61: {  	s14 =	simm.s32 @!p0 $0x2  }
0x62: {  	_ =	swait.ge @!p0 [sflag:s14], $0x3200  }
0x63: {  	[sflag:s14] =	ssyncset.done @!p0 $0x0  }
0x64: {  	[sflag:s14] =	ssyncadd.s32 @!p0 $0xFFFFCE00;
	s14 =	simm.s32 @!p0 $0x8  }
0x65: {  	_ =	swait.ge @!p0 [sflag:s14], $0x3200  }
0x66: {  	[sflag:s14] =	ssyncset.done @!p0 $0x0  }
0x67: {  	s11 =	simm.s32 @!p0 $0x180;
	s20 =	simm.s32 @!p0 $0x3700;
	[sflag:s14] =	ssyncadd.s32 @!p0 $0xFFFFCE00  }
0x68: {  	[spmem:s1] =	stream.indirect.scatter.add.f32 @!p0 [tilespmem:s20], [sflag:$0x8], $0x80, s11, s8, $0xb8;
	[tilespmem:$0x1DB00] =	vst v63  }
0x69: {  	s11 =	simm.s32 @!p0 $0x4  }
0x6a: {  	[tilespmem:s13], [sflag:$0x4] =	stream.linear.gather @!p0 [hbm4b:s16+s13], $0x100, $0x38;
	[tilespmem:$0x1DB00] =	vst v63  }
0x6b: {  	_ =	swait.ge @!p0 [sflag:s11], $0x100  }
0x6c: {  	[sflag:s11] =	ssyncset.done @!p0 $0x0  }
0x6d: {  	[sflag:s11] =	ssyncadd.s32 @!p0 $0xFFFFFF00;
	s11 =	simm.s32 @!p0 $0x300  }
0x6e: {  	[tilespmem:s11], [sflag:$0x1] =	stream.indirect.gather @!p0 [hbm4b:s4+s8], $0x80, s13, s8, $0xb8;
	[tilespmem:$0x1DB00] =	vst v63  }
0x6f: {  	s11 =	simm.s32 @!p0 $0x3  }
0x70: {  	_ =	swait.ge @!p0 [sflag:s11], $0x3200  }
0x71: {  	[sflag:s11] =	ssyncset.done @!p0 $0x0  }
0x72: {  	[sflag:s11] =	ssyncadd.s32 @!p0 $0xFFFFCE00  }
0x73: {  	s11 =	sadd.s32 $0x22, s6;
	_ =	swait.ge @!p0 [sflag:s14], $0x3200  }
0x74: {  	p1 =	sgt.u32 @!p0 s11, $0x1F;
	[sflag:s14] =	ssyncset.done @!p0 $0x0  }
0x75: {  	s13 =	simm.s32 @!p0 $0x280;
	p1 =	por p1, p0;
	[sflag:s14] =	ssyncadd.s32 @!p0 $0xFFFFCE00  }
0x76: {  	[spmem:s1] =	stream.indirect.scatter.add.f32 @!p0 [tilespmem:s12], [sflag:$0x8], $0x80, s13, s8, $0xb8;
	[tilespmem:$0x1DB00] =	vst v63  }
0x77: {  	s11 =	simm.s32 @!p1 $0x100;
	s8 =	simm.s32 @!p1 $0x0  }
0x78: {  	[tilespmem:s11], [sflag:$0x5] =	stream.linear.gather @!p1 [hbm4b:s15+s8], $0x100, $0x38;
	[tilespmem:$0x1DB00] =	vst v63  }
0x79: {  	s8 =	simm.s32 @!p1 $0x5  }
0x7a: {  	_ =	swait.ge @!p1 [sflag:s8], $0x100  }
0x7b: {  	s6 =	sadd.s32 @!p0 $0x1, s6;
	[sflag:s8] =	ssyncset.done @!p1 $0x0  }
0x7c: {  	s12 =	simm.s32 @!p1 $0x3700;
	[sflag:s8] =	ssyncadd.s32 @!p1 $0xFFFFFF00;
	s8 =	simm.s32 @!p1 $0x64  }
0x7d: {  	[tilespmem:s12], [sflag:$0x2] =	stream.indirect.gather @!p1 [hbm4b:s4+s8], $0x80, s11, s8, $0xb8;
	[tilespmem:$0x1DB00] =	vst v63  }
0x7e: {  	p1 =	seq.s32 @!p0 s6, $0x0  }
0x7f: {  	p1 =	por p0, p1  }
.Ltmp0:
0x80: {  	_ = 	snop;
	(pc) =	sbr.rel @!p1 .LBB2_2-.Ltmp0, $2  }
0x81: {  	_ =	sdelay $0x2  }
0x82: {  	s17 =	sadd.s32 @!p0 $0x60, s17;
	s16 =	sadd.s32 @!p0 $0x60, s16;
	s15 =	sadd.s32 @!p0 $0x60, s15  }
0x83: {  	_ =	swait.ge [sflag:s2], $0x3200  }
0x84: {  	[sflag:s2] =	ssyncset.done $0x0  }
0x85: {  	[sflag:s2] =	ssyncadd.s32 $0xFFFFCE00  }
0x86: {  	[bflag:$0x0] =	sbarrier.arrive $0xFFFF  }
0x87: {  	s6 =	rddreg [dreg:$0x5]  }
0x88: {  	s8 =	rddreg [dreg:$0xa];
	s6 =	sor.u32 $0x1C09, s6  }
0x89: {  	[hbm:s8], [sflag:s6] =	dma.local [spmem:s18], $0x2780  }
0x8a: {  	_ =	swait.ge [sflag:s7], $0x2780  }
0x8b: {  	s9 =	sadd.s32 $0x1, s9;
	s20 =	rddreg [dreg:$0xb]  }
0x8c: {  	p0 =	sne.s32 s9, s20  }
.Ltmp1:
0x8d: {  	_ = 	snop;
	(pc) =	sbr.rel @p0 .LBB2_1-.Ltmp1, $3  }
0x8e: {  	_ =	sdelay $0x1  }
0x8f: {  	[sflag:s7] =	ssyncset.done $0x0  }
0x90: {  	[sflag:s7] =	ssyncadd.s32 $0xFFFFD880  }
0x91: {  	_ =	sfence.sel $0x180000  }
0x92: {  	[bflag:$0x0] =	sbarrier.arrive $0xFFFF  }
0x93: {  	_ =	strace $0x9000004A  }
0x94: {  	s0 =	stileid.u32;
	[bflag:$0x2] =	sbarrier.arrive $0xFFFF  }
0x95: {  	p0 =	sne.s32 s0, $0x0;
	s0 =	rddreg [dreg:$0x3]  }
0x96: {  	s0 =	sadd.s32 @!p0 $0x100000, s0  }
0x97: {  	[sflag:s0] =	ssyncadd.tile.s32 @!p0 $0x1;
	_ =	shalt  }
.Lfunc_end2:
_tile_overlayer_lowered:
.L_overlay_start_2:
0x98: {  	(tag) =	ssettag $0x2  }
0x99: {  	s0 =	rddreg [dreg:$0x0];
	s2 =	stileid.u32  }
0x9a: {  	s1 =	rddreg [dreg:$0x1];
	p0 =	sne.s32 s2, $0x0  }
0x9b: {  	s3 =	rddreg [dreg:$0x2];
	[bflag:$0x3] =	sbarrier.arrive $0xFFFF;
	s2 =	simm.s32 @!p0 $0x1C09  }
0x9c: {  	[timem:s3], [sflag:s2] =	dma.local @!p0 [hbm:s0], s1  }
0x9d: {  	s0 =	simm.s32 @!p0 $0x9  }
0x9e: {  	_ =	swait.ge @!p0 [sflag:s0], s1  }
0x9f: {  	s1 =	ssub.s32 @!p0 $0x0, s1;
	[sflag:s0] =	ssyncset.done @!p0 $0x0  }
0xa0: {  	[sflag:s0] =	ssyncadd.s32 @!p0 s1  }
0xa1: {  	[bflag:$0x3] =	sbarrier.arrive $0xFFFF  }
0xa2: {  	_ =	shalt  }

// kernel: kernel.23.cloned.1.call-start
scs
__scs_entry_jumppad:
0x0: {  	(pc) =	sbr.rel $0x88, $3  }
0x1: {  	(tag) =	ssettag $0x0;
	lr =	simm.s32 $0x1  }
0x2: {  	[smem:$0x3F9B] =	sst lr;
	_ =	strace $0xD0000000  }
0x3: {  	_ = 	snop  }
0x4: {  	_ = 	snop  }
0x5: {  	_ = 	snop  }
0x6: {  	_ = 	snop  }
0x7: {  	_ = 	snop  }
__scs_overlays_trampoline_lowered:
0x8: {  	[smem:$0x3FAA] =	sst s0  }
0x9: {  	[smem:$0x3FAB] =	sst s1  }
0xa: {  	[smem:$0x3FAC] =	sst s2  }
0xb: {  	[smem:$0x3FAD] =	sst s3  }
0xc: {  	[smem:$0x3FAE] =	sst s4  }
0xd: {  	[smem:$0x3FAF] =	sst s5  }
0xe: {  	[smem:$0x3FB0] =	sst s6  }
0xf: {  	[smem:$0x3FB1] =	sst s7  }
0x10: {  	[smem:$0x3FB2] =	sst s8  }
0x11: {  	[smem:$0x3FB3] =	sst s9;
	s0 =	simm.s32 @!p0 $0x0  }
0x12: {  	s1 =	sld [smem:$0x3F99];
	s0 =	simm.s32 @p0 $0x1  }
0x13: {  	[smem:$0x3FB4] =	sst s0;
	s0 =	simm.s32 @!p1 $0x0  }
0x14: {  	s2 =	sld [smem:$0x3F98];
	s0 =	simm.s32 @p1 $0x1  }
0x15: {  	[smem:$0x3FB5] =	sst s0;
	s0 =	simm.s32 @!p2 $0x0  }
0x16: {  	s3 =	sld [smem:$0x3FDB];
	s0 =	simm.s32 @p2 $0x1  }
0x17: {  	s4 =	simm.s32 $0x1BF5;
	[smem:$0x3FB7] =	sst s0  }
0x18: {  	s0 =	sld [smem:$0x3F9A];
	_ =	swait.ge [sflag:s4], $0x0  }
0x19: {  	s7 =	sld [smem:$0x3F9B]  }
0x1a: {  	s8 =	sadd.s32 $0xFFFFE003, lr  }
0x1b: {  	s9 =	sadd.s32 $0xFFFFFEF7, lr;
	s5 =	simm.s32 $0xFFFFFFFF;
	p2 =	slt.u32 s8, $0xFFFFF086  }
0x1c: {  	p1 =	slt.u32 s9, $0xF7A;
	s5 =	simm.s32 @!p2 $0x0  }
0x1d: {  	s5 =	simm.s32 @p1 $0x1;
	p0 =	seq.s32 s7, s2  }
0x1e: {  	s7 =	smul.u32 @!p0 $0xF7A, s2;
	p2 =	seq.s32 @!p0 s5, $0x0  }
0x1f: {  	s9 =	smul.u32 $0xF7A, s1;
	s8 =	simm.s32 @!p0 $0x1BF5;
	p2 =	por !p2, p0  }
0x20: {  	[sflag:s8] =	ssyncset.s32 @!p0 $0xFFFFF086;
	s6 =	sadd.s32 @!p0 s3, s7;
	s7 =	simm.s32 @!p0 $0x108  }
0x21: {  	s3 =	sadd.s32 s3, s9;
	s6 =	sadd.s32 @!p0 $0x88, s6;
	s7 =	simm.s32 @p2 $0x1082  }
0x22: {  	[simem:s7], [sflag:s8] =	dma.local @!p0 [hbm:s6], $0xF7A  }
0x23: {  	s9 =	sor.u32 $0xD0000000, s2;
	s6 =	simm.s32 $0x108;
	_ =	swait.ge @!p0 [sflag:s8], $0x0  }
0x24: {  	s3 =	sadd.s32 $0x88, s3;
	s6 =	simm.s32 @!p1 $0x1082;
	[sflag:s4] =	ssyncset.s32 $0xFFFFF086  }
0x25: {  	[simem:s6], [sflag:s4] =	dma.local [hbm:s3], $0xF7A  }
0x26: {  	[smem:$0x3F9B] =	sst s1;
	(tag) =	ssettag s2;
	_ =	strace s9  }
0x27: {  	s1 =	sld [smem:$0x3FAB]  }
0x28: {  	s2 =	sld [smem:$0x3FAC]  }
0x29: {  	s4 =	sld [smem:$0x3FAE]  }
0x2a: {  	p0 =	seq.s32 s5, $0x0;
	s5 =	sld [smem:$0x3FAF]  }
0x2b: {  	s6 =	sld [smem:$0x3FB0]  }
0x2c: {  	s7 =	sld [smem:$0x3FB1]  }
0x2d: {  	s3 =	simm.s32 $0x108;
	s8 =	sld [smem:$0x3FB2]  }
0x2e: {  	s3 =	simm.s32 @!p0 $0x1082;
	s9 =	sld [smem:$0x3FB3]  }
0x2f: {  	lr =	sadd.s32 s0, s3;
	s0 =	sld [smem:$0x3FAA]  }
0x30: {  	s3 =	sld [smem:$0x3FAD]  }
0x31: {  	[smem:$0x3FB6] =	sst s10  }
0x32: {  	s10 =	sld [smem:$0x3FB4];
	_ =	sdelay $0x3  }
0x33: {  	p0 =	seq.s32 s10, $0x1;
	s10 =	sld [smem:$0x3FB6];
	_ =	sdelay $0x3  }
0x34: {  	[smem:$0x3FB6] =	sst s10  }
0x35: {  	s10 =	sld [smem:$0x3FB5];
	_ =	sdelay $0x3  }
0x36: {  	p1 =	seq.s32 s10, $0x1;
	s10 =	sld [smem:$0x3FB6];
	_ =	sdelay $0x3  }
0x37: {  	[smem:$0x3FB6] =	sst s10  }
0x38: {  	s10 =	sld [smem:$0x3FB7]  }
0x39: {  	_ = 	snop;
	(pc) =	sbr.ind lr, $3  }
0x3a: {  	_ = 	snop  }
0x3b: {  	_ = 	snop  }
0x3c: {  	p2 =	seq.s32 s10, $0x1;
	s10 =	sld [smem:$0x3FB6]  }
0x3d: {  	_ =	shalt  }
0x3e: {  	_ =	shalt  }
0x3f: {  	_ =	shalt  }
0x40: {  	_ =	shalt  }
0x41: {  	_ =	shalt  }
0x42: {  	_ =	shalt  }
0x43: {  	_ =	shalt  }
0x44: {  	_ =	shalt  }
0x45: {  	_ =	shalt  }
0x46: {  	_ =	shalt  }
0x47: {  	_ =	shalt  }
0x48: {  	_ =	shalt  }
0x49: {  	_ =	shalt  }
0x4a: {  	_ =	shalt  }
0x4b: {  	_ =	shalt  }
0x4c: {  	_ =	shalt  }
0x4d: {  	_ =	shalt  }
0x4e: {  	_ =	shalt  }
0x4f: {  	_ =	shalt  }
0x50: {  	_ =	shalt  }
0x51: {  	_ =	shalt  }
0x52: {  	_ =	shalt  }
0x53: {  	_ =	shalt  }
0x54: {  	_ =	shalt  }
0x55: {  	_ =	shalt  }
0x56: {  	_ =	shalt  }
0x57: {  	_ =	shalt  }
0x58: {  	_ =	shalt  }
0x59: {  	_ =	shalt  }
0x5a: {  	_ =	shalt  }
0x5b: {  	_ =	shalt  }
0x5c: {  	_ =	shalt  }
0x5d: {  	_ =	shalt  }
0x5e: {  	_ =	shalt  }
0x5f: {  	_ =	shalt  }
0x60: {  	_ =	shalt  }
0x61: {  	_ =	shalt  }
0x62: {  	_ =	shalt  }
0x63: {  	_ =	shalt  }
0x64: {  	_ =	shalt  }
0x65: {  	_ =	shalt  }
0x66: {  	_ =	shalt  }
0x67: {  	_ =	shalt  }
0x68: {  	_ =	shalt  }
0x69: {  	_ =	shalt  }
0x6a: {  	_ =	shalt  }
0x6b: {  	_ =	shalt  }
0x6c: {  	_ =	shalt  }
0x6d: {  	_ =	shalt  }
0x6e: {  	_ =	shalt  }
0x6f: {  	_ =	shalt  }
0x70: {  	_ =	shalt  }
0x71: {  	_ =	shalt  }
0x72: {  	_ =	shalt  }
0x73: {  	_ =	shalt  }
0x74: {  	_ =	shalt  }
0x75: {  	_ =	shalt  }
0x76: {  	_ =	shalt  }
0x77: {  	_ =	shalt  }
0x78: {  	_ =	shalt  }
0x79: {  	_ =	shalt  }
0x7a: {  	_ =	shalt  }
0x7b: {  	_ =	shalt  }
0x7c: {  	_ =	shalt  }
0x7d: {  	_ =	shalt  }
0x7e: {  	_ =	shalt  }
0x7f: {  	_ =	shalt  }
0x80: {  	_ =	shalt  }
0x81: {  	_ =	shalt  }
0x82: {  	_ =	shalt  }
0x83: {  	_ =	shalt  }
0x84: {  	_ =	shalt  }
0x85: {  	_ =	shalt  }
0x86: {  	_ =	shalt  }
0x87: {  	_ =	shalt  }
.Lfunc_end0:
.L_simem_size_0:
called_computation.2_lowered:
.L_overlay_start_0:
0x88: {  	s2 =	sld [smem:$0x3FD9]  }
0x89: {  	s3 =	sld [smem:$0x3FFE];
	_ =	sdelay $0x1  }
0x8a: {  	s1 =	srdreg.scid  }
0x8b: {  	s0 =	sand.u32 $0x1, s1  }
0x8c: {  	s17 =	sshll.u32 s0, $0xA;
	s2 =	sadd.s32 s3, s2  }
0x8d: {  	s2 =	sadd.s32 s2, s17  }
0x8e: {  	[smem:$0x3FC2] =	sst s2  }
0x8f: {  	_ = 	snop  }
0x90: {  	s2 =	sld [smem:$0x3FD0];
	(tm) =	ssettm $0x1  }
0x91: {  	s18 =	sld [smem:$0x3FFB];
	_ =	sdelay $0x3  }
0x92: {  	_ =	strace s18  }
0x93: {  	s3 =	sld [smem:$0x3FFC];
	_ =	sdelay $0x3  }
0x94: {  	_ =	strace s3  }
0x95: {  	s3 =	sld [smem:$0x3FFD];
	_ =	sdelay $0x3  }
0x96: {  	_ =	strace s3  }
0x97: {  	_ =	strace $0x8FFFFFFF  }
0x98: {  	s19 =	sld [smem:$0x3FDB];
	_ =	sdelay $0x1  }
0x99: {  	s4 =	simm.s32 $_scs_section_size  }
0x9a: {  	s5 =	simm.s32 $_size__tile_overlayer_lowered;
	s6 =	simm.s32 $_tile_overlayer_lowered  }
0x9b: {  	s22 =	simm.s32 $0x1BFF;
	s21 =	sshll.u32 s6, $0x1;
	s3 =	sadd.s32 s4, s19  }
0x9c: {  	s7 =	simm.s32 $0x0;
	s20 =	sshll.u32 s5, $0x1;
	s5 =	sadd.s32 s21, s3  }
0x9d: {  	[timem:s7], [sflag:s22] =	dma.local [hbm:s5], s20  }
0x9e: {  	_ =	swait.ge [sflag:s22], s20  }
0x9f: {  	s4 =	ssub.s32 $0x0, s20;
	[sflag:s22] =	ssyncset.done $0x0  }
0xa0: {  	[sflag:s22] =	ssyncadd.s32 s4;
	_ =	sdelay $0x1  }
0xa1: {  	s23 =	simm.s32 $0x1B8B  }
0xa2: {  	_ =	swait.ge [sflag:s23], $0x1  }
0xa3: {  	[sflag:s23] =	ssyncset.done $0x0  }
0xa4: {  	s25 =	simm.s32 $0x1B8E;
	s24 =	sld [smem:$0x3FFE];
	[sflag:s23] =	ssyncadd.s32 $0xFFFFFFFF  }
0xa5: {  	s26 =	simm.s32 $execute0_lowered;
	[smem:$0x3FD2] =	sst s25  }
0xa6: {  	s5 =	sshll.u32 s26, $0x1;
	_ =	strace $0x8000004C;
	[dreg:$0x1] =	wrdreg $0xFFFFFFFF  }
0xa7: {  	s28 =	simm.s32 $_size_execute0_lowered;
	s3 =	sadd.s32 s3, s5;
	[dreg:$0x0] =	wrdreg $0x0  }
0xa8: {  	s5 =	sshll.u32 s28, $0x1;
	[dreg:$0x2] =	wrdreg s3  }
0xa9: {  	[dreg:$0x3] =	wrdreg s5  }
0xaa: {  	[dreg:$0x4] =	wrdreg $0xC0  }
0xab: {  	_ =	task [dreg:s7], $0x5FFFF  }
0xac: {  	[dreg:$0x1] =	wrdreg $0xFFFFFFFF  }
0xad: {  	[dreg:$0x0] =	wrdreg $0x60  }
0xae: {  	[dreg:$0x2] =	wrdreg s2  }
0xaf: {  	[dreg:$0x3] =	wrdreg s24  }
0xb0: {  	[dreg:$0x4] =	wrdreg $0x9F000  }
0xb1: {  	[dreg:$0x5] =	wrdreg $0x9  }
0xb2: {  	_ =	task.clear_ibuf [dreg:s7], $0x6FFFF;
	_ =	strace $0x9000004C  }
0xb3: {  	s29 =	simm.s32 $0x9;
	_ =	strace $0x8000004E  }
0xb4: {  	_ =	swait.ge [sflag:s29], $0x1  }
0xb5: {  	[sflag:s29] =	ssyncadd.s32 $0xFFFFFFFF  }
0xb6: {  	_ =	strace $0x9000004E  }
0xb7: {  	_ =	sfence  }
0xb8: {  	s30 =	sld [smem:$0x0];
	_ =	sdelay $0x2  }
0xb9: {  	s31 =	sshll.u32 s1, $0xD;
	s1 =	sshrl.u32 s1, $0x2  }
0xba: {  	s3 =	sand.u32 $0x4000, s31;
	s1 =	sadd.s32 s1, s30  }
0xbb: {  	s0 =	sor.u32 s3, s0;
	s1 =	sshll.u32 s1, $0x11  }
0xbc: {  	s0 =	sor.u32 s1, s0  }
0xbd: {  	s0 =	sadd.s32 $0x8F2B, s0  }
0xbe: {  	[sflag:s0] =	ssyncadd.remote.s32 $0x1  }
0xbf: {  	_ =	sfence.sel $0xFFFF  }
0xc0: {  	[dreg:$0x0] =	wrdreg $0xFFFFFFFF;
	(pc) =	sbr.abs _section_cstart, $3  }
0xc1: {  	[dreg:$0x1] =	wrdreg $0xFFFFFFFF  }
0xc2: {  	_ =	task.clear_ibuf [dreg:s7], $0x2FFFF;
	_ =	strace $0x9FFFFFFF  }
0xc3: {  	(tm) =	ssettm $0x7FFFFFFF  }
tec
execute0_lowered:
.L_overlay_start_1:
0x0: {  	(tag) =	ssettag $0x1  }
0x1: {  	s0 =	rddreg [dreg:$0x0]  }
0x2: {  	s2 =	rddreg [dreg:$0x1]  }
0x3: {  	s1 =	rddreg [dreg:$0x2]  }
0x4: {  	s3 =	srdreg.scid;
	s11 =	stileid.u32;
	s28 =	simm.s32 $0x6B00  }
0x5: {  	s29 =	simm.s32 $0x7;
	s30 =	simm.s32 $0x1;
	s31 =	simm.s32 $0x80  }
0x6: {  	s5 =	sand.u32 $0x1, s3;
	s3 =	simm.s32 $0x0;
	s7 =	smul.u32 $0x13C00, s11  }
0x7: {  	s4 =	sadd.s32 $0x5000, s2;
	s8 =	sadd.s32 $0x54000, s2;
	s9 =	smul.u32 $0x4F000, s11  }
0x8: {  	s12 =	sshll.u32 s11, $0x1;
	s16 =	sshll.u32 s11, $0x6;
	s18 =	smul.u32 $0xC800, s11  }
0x9: {  	s6 =	smul.u32 $0x13C000, s5;
	[smem:$0x7FF] =	sst s3;
	s13 =	ssub.s32 $0x2, s5  }
0xa: {  	_ =	strace $0x8000004D;
	[dreg:$0x4] =	wrdreg s8;
	s10 =	sshrl.u32 s13, $0x1  }
0xb: {  	s15 =	sshrl.u32 s9, $0x2;
	[dreg:$0x5] =	wrdreg s16;
	s6 =	sadd.s32 s7, s6  }
0xc: {  	s7 =	sor.u32 s5, s12;
	s14 =	ssub.s32 s13, s10;
	s9 =	sadd.s32 s15, s1  }
0xd: {  	s10 =	sor.u32 $0x1C07, s16;
	s5 =	smul.u32 $0x6400, s5;
	s6 =	sshrl.u32 s6, $0x3  }
0xe: {  	s7 =	smul.u32 $0x6400, s7;
	[dreg:$0x6] =	wrdreg s10;
	s2 =	sadd.s32 s6, s2  }
0xf: {  	s6 =	smax.u32 s14, $0x1;
	s22 =	sadd.s32 s5, s18;
	s18 =	sshrl.u32 s9, $0x3  }
0x10: {  	s9 =	simm.s32 $0x0;
	s17 =	sshrl.u32 s7, $0x3;
	s7 =	sor.u32 $0x300, s7  }
0x11: {  	s2 =	sadd.s32 $0x56800, s2;
	[dreg:$0xb] =	wrdreg s6;
	s24 =	sadd.s32 $0x700, s22  }
0x12: {  	s25 =	sadd.s32 $0x600, s22;
	s8 =	sadd.s32 s0, s17;
	[dreg:$0xa] =	wrdreg s2  }
0x13: {  	s21 =	sshrl.u32 s7, $0x3;
	s19 =	sadd.s32 $0x20, s8;
	[dreg:$0x7] =	wrdreg s8  }
0x14: {  	s5 =	sshrl.u32 s24, $0x3;
	s20 =	sadd.s32 $0x40, s8;
	[dreg:$0x8] =	wrdreg s19  }
0x15: {  	s6 =	sshrl.u32 s25, $0x3;
	s2 =	sadd.s32 s0, s21;
	[dreg:$0x9] =	wrdreg s20  }
0x16: {  	s24 =	simm.s32 $0x5;
	s23 =	sadd.s32 $0x80, s8;
	[dreg:$0xc] =	wrdreg s2  }
0x17: {  	s25 =	simm.s32 $0x3700;
	s5 =	sadd.s32 s5, s0;
	[dreg:$0xd] =	wrdreg s23  }
0x18: {  	s7 =	simm.s32 $0x9;
	s26 =	sadd.s32 s6, s0;
	[dreg:$0xe] =	wrdreg s5  }
0x19: {  	s21 =	simm.s32 $0x4;
	s2 =	sadd.s32 $0x500, s22;
	[dreg:$0xf] =	wrdreg s26  }
0x1a: {  	s19 =	simm.s32 $0x100;
	s22 =	simm.s32 $0x64;
	s23 =	simm.s32 $0x300  }
0x1b: {  	s26 =	simm.s32 $0x6;
	s5 =	simm.s32 $0x3;
	s2 =	sshrl.u32 s2, $0x3  }
0x1c: {  	s10 =	sadd.s32 s2, s0;
	s0 =	simm.s32 $0x2;
	s2 =	simm.s32 $0x8  }
.LBB2_1:
0x1d: {  	s6 =	rddreg [dreg:$0x4]  }
0x1e: {  	s8 =	rddreg [dreg:$0x6]  }
0x1f: {  	[spmem:s18], [sflag:s8] =	dma.local [hbm:s6], $0x2780  }
0x20: {  	s6 =	rddreg [dreg:$0x7]  }
0x21: {  	[tilespmem:s3], [sflag:$0x4] =	stream.linear.gather [hbm4b:s6+s3], $0x100, $0x38;
	[tilespmem:$0x1DB00] =	vst v63  }
0x22: {  	s12 =	rddreg [dreg:$0x8]  }
0x23: {  	[tilespmem:s19], [sflag:$0x5] =	stream.linear.gather [hbm4b:s12+s3], $0x100, $0x38;
	[tilespmem:$0x1DB00] =	vst v63  }
0x24: {  	s14 =	simm.s32 $0x200;
	s13 =	rddreg [dreg:$0x9]  }
0x25: {  	[tilespmem:s14], [sflag:$0x6] =	stream.linear.gather [hbm4b:s13+s3], $0x100, $0x38;
	[tilespmem:$0x1DB00] =	vst v63  }
0x26: {  	_ =	swait.ge [sflag:s21], $0x100  }
0x27: {  	[sflag:s21] =	ssyncset.done $0x0  }
0x28: {  	[sflag:s21] =	ssyncadd.s32 $0xFFFFFF00  }
0x29: {  	[tilespmem:s23], [sflag:$0x1] =	stream.indirect.gather [hbm4b:s4+s22], $0x80, s3, s22, $0xb8;
	[tilespmem:$0x1DB00] =	vst v63  }
0x2a: {  	_ =	swait.ge [sflag:s24], $0x100  }
0x2b: {  	[sflag:s24] =	ssyncset.done $0x0  }
0x2c: {  	[sflag:s24] =	ssyncadd.s32 $0xFFFFFF00  }
0x2d: {  	[tilespmem:s25], [sflag:$0x2] =	stream.indirect.gather [hbm4b:s4+s22], $0x80, s19, s22, $0xb8;
	[tilespmem:$0x1DB00] =	vst v63  }
0x2e: {  	_ =	swait.ge [sflag:s26], $0x100  }
0x2f: {  	[sflag:s26] =	ssyncset.done $0x0  }
0x30: {  	[sflag:s26] =	ssyncadd.s32 $0xFFFFFF00  }
0x31: {  	[tilespmem:s28], [sflag:$0x3] =	stream.indirect.gather [hbm4b:s4+s22], $0x80, s14, s22, $0xb8;
	[tilespmem:$0x1DB00] =	vst v63  }
0x32: {  	_ =	swait.ge [sflag:s29], $0x2780  }
0x33: {  	[sflag:s29] =	ssyncset.done $0x0  }
0x34: {  	[sflag:s29] =	ssyncadd.s32 $0xFFFFD880  }
0x35: {  	[bflag:$0x0] =	sbarrier.arrive $0xFFFF  }
0x36: {  	_ =	swait.ge [sflag:s30], $0x3200  }
0x37: {  	[sflag:s30] =	ssyncset.done $0x0  }
0x38: {  	[sflag:s30] =	ssyncadd.s32 $0xFFFFCE00  }
0x39: {  	[spmem:s1] =	stream.indirect.scatter.add.f32 [tilespmem:s23], [sflag:$0x8], $0x80, s31, s22, $0xb8;
	[tilespmem:$0x1DB00] =	vst v63  }
0x3a: {  	_ =	swait.ge [sflag:s0], $0x3200  }
0x3b: {  	[sflag:s0] =	ssyncset.done $0x0  }
0x3c: {  	[sflag:s0] =	ssyncadd.s32 $0xFFFFCE00  }
0x3d: {  	_ =	swait.ge [sflag:s2], $0x3200  }
0x3e: {  	[sflag:s2] =	ssyncset.done $0x0  }
0x3f: {  	s15 =	simm.s32 $0x180;
	[sflag:s2] =	ssyncadd.s32 $0xFFFFCE00  }
0x40: {  	[spmem:s1] =	stream.indirect.scatter.add.f32 [tilespmem:s25], [sflag:$0x8], $0x80, s15, s22, $0xb8;
	[tilespmem:$0x1DB00] =	vst v63  }
0x41: {  	s16 =	rddreg [dreg:$0xc]  }
0x42: {  	[tilespmem:s3], [sflag:$0x4] =	stream.linear.gather [hbm4b:s16+s3], $0x100, $0x38;
	[tilespmem:$0x1DB00] =	vst v63  }
0x43: {  	_ =	swait.ge [sflag:s21], $0x100  }
0x44: {  	[sflag:s21] =	ssyncset.done $0x0  }
0x45: {  	[sflag:s21] =	ssyncadd.s32 $0xFFFFFF00  }
0x46: {  	[tilespmem:s23], [sflag:$0x1] =	stream.indirect.gather [hbm4b:s4+s22], $0x80, s3, s22, $0xb8;
	[tilespmem:$0x1DB00] =	vst v63  }
0x47: {  	_ =	swait.ge [sflag:s5], $0x3200  }
0x48: {  	[sflag:s5] =	ssyncset.done $0x0  }
0x49: {  	[sflag:s5] =	ssyncadd.s32 $0xFFFFCE00  }
0x4a: {  	_ =	swait.ge [sflag:s2], $0x3200  }
0x4b: {  	[sflag:s2] =	ssyncset.done $0x0  }
0x4c: {  	s17 =	simm.s32 $0x280;
	[sflag:s2] =	ssyncadd.s32 $0xFFFFCE00  }
0x4d: {  	[spmem:s1] =	stream.indirect.scatter.add.f32 [tilespmem:s28], [sflag:$0x8], $0x80, s17, s22, $0xb8;
	[tilespmem:$0x1DB00] =	vst v63  }
0x4e: {  	s20 =	rddreg [dreg:$0xd]  }
0x4f: {  	[tilespmem:s19], [sflag:$0x5] =	stream.linear.gather [hbm4b:s20+s3], $0x100, $0x38;
	[tilespmem:$0x1DB00] =	vst v63  }
0x50: {  	_ =	swait.ge [sflag:s24], $0x100  }
0x51: {  	s6 =	simm.s32 $0xFFFFFFDF;
	[sflag:s24] =	ssyncset.done $0x0;
	s16 =	rddreg [dreg:$0xf]  }
0x52: {  	s17 =	smov.u32 s10;
	s15 =	rddreg [dreg:$0xe];
	[sflag:s24] =	ssyncadd.s32 $0xFFFFFF00  }
0x53: {  	[tilespmem:s25], [sflag:$0x2] =	stream.indirect.gather [hbm4b:s4+s22], $0x80, s19, s22, $0xb8;
	[tilespmem:$0x1DB00] =	vst v63  }
.LBB2_2:
0x54: {  	_ =	swait.ge [sflag:s30], $0x3200  }
0x55: {  	[sflag:s30] =	ssyncset.done $0x0  }
0x56: {  	[sflag:s30] =	ssyncadd.s32 $0xFFFFCE00  }
0x57: {  	_ =	swait.ge [sflag:s2], $0x3200  }
0x58: {  	[sflag:s2] =	ssyncset.done $0x0  }
0x59: {  	p0 =	seq.s32 s6, $0xFFFFFFFF;
	[sflag:s2] =	ssyncadd.s32 $0xFFFFCE00  }
0x5a: {  	[spmem:s1] =	stream.indirect.scatter.add.f32 [tilespmem:s23], [sflag:$0x8], $0x80, s31, s22, $0xb8;
	[tilespmem:$0x1DB00] =	vst v63  }
0x5b: {  	s13 =	simm.s32 @!p0 $0x0;
	s14 =	simm.s32 @!p0 $0x200;
	s8 =	simm.s32 @!p0 $0x6  }
0x5c: {  	[tilespmem:s14], [sflag:$0x6] =	stream.linear.gather @!p0 [hbm4b:s17+s13], $0x100, $0x38;
	[tilespmem:$0x1DB00] =	vst v63  }
0x5d: {  	_ =	swait.ge @!p0 [sflag:s8], $0x100  }
0x5e: {  	[sflag:s8] =	ssyncset.done @!p0 $0x0  }
0x5f: {  	s12 =	simm.s32 @!p0 $0x6B00;
	[sflag:s8] =	ssyncadd.s32 @!p0 $0xFFFFFF00;
	s8 =	simm.s32 @!p0 $0x64  }
0x60: {  	[tilespmem:s12], [sflag:$0x3] =	stream.indirect.gather @!p0 [hbm4b:s4+s8], $0x80, s14, s8, $0xb8;
	[tilespmem:$0x1DB00] =	vst v63  }
0x61: {  	s14 =	simm.s32 @!p0 $0x2  }
0x62: {  	_ =	swait.ge @!p0 [sflag:s14], $0x3200  }
0x63: {  	[sflag:s14] =	ssyncset.done @!p0 $0x0  }
0x64: {  	[sflag:s14] =	ssyncadd.s32 @!p0 $0xFFFFCE00;
	s14 =	simm.s32 @!p0 $0x8  }
0x65: {  	_ =	swait.ge @!p0 [sflag:s14], $0x3200  }
0x66: {  	[sflag:s14] =	ssyncset.done @!p0 $0x0  }
0x67: {  	s11 =	simm.s32 @!p0 $0x180;
	s20 =	simm.s32 @!p0 $0x3700;
	[sflag:s14] =	ssyncadd.s32 @!p0 $0xFFFFCE00  }
0x68: {  	[spmem:s1] =	stream.indirect.scatter.add.f32 @!p0 [tilespmem:s20], [sflag:$0x8], $0x80, s11, s8, $0xb8;
	[tilespmem:$0x1DB00] =	vst v63  }
0x69: {  	s11 =	simm.s32 @!p0 $0x4  }
0x6a: {  	[tilespmem:s13], [sflag:$0x4] =	stream.linear.gather @!p0 [hbm4b:s16+s13], $0x100, $0x38;
	[tilespmem:$0x1DB00] =	vst v63  }
0x6b: {  	_ =	swait.ge @!p0 [sflag:s11], $0x100  }
0x6c: {  	[sflag:s11] =	ssyncset.done @!p0 $0x0  }
0x6d: {  	[sflag:s11] =	ssyncadd.s32 @!p0 $0xFFFFFF00;
	s11 =	simm.s32 @!p0 $0x300  }
0x6e: {  	[tilespmem:s11], [sflag:$0x1] =	stream.indirect.gather @!p0 [hbm4b:s4+s8], $0x80, s13, s8, $0xb8;
	[tilespmem:$0x1DB00] =	vst v63  }
0x6f: {  	s11 =	simm.s32 @!p0 $0x3  }
0x70: {  	_ =	swait.ge @!p0 [sflag:s11], $0x3200  }
0x71: {  	[sflag:s11] =	ssyncset.done @!p0 $0x0  }
0x72: {  	[sflag:s11] =	ssyncadd.s32 @!p0 $0xFFFFCE00  }
0x73: {  	s11 =	sadd.s32 $0x22, s6;
	_ =	swait.ge @!p0 [sflag:s14], $0x3200  }
0x74: {  	p1 =	sgt.u32 @!p0 s11, $0x1F;
	[sflag:s14] =	ssyncset.done @!p0 $0x0  }
0x75: {  	s13 =	simm.s32 @!p0 $0x280;
	p1 =	por p1, p0;
	[sflag:s14] =	ssyncadd.s32 @!p0 $0xFFFFCE00  }
0x76: {  	[spmem:s1] =	stream.indirect.scatter.add.f32 @!p0 [tilespmem:s12], [sflag:$0x8], $0x80, s13, s8, $0xb8;
	[tilespmem:$0x1DB00] =	vst v63  }
0x77: {  	s11 =	simm.s32 @!p1 $0x100;
	s8 =	simm.s32 @!p1 $0x0  }
0x78: {  	[tilespmem:s11], [sflag:$0x5] =	stream.linear.gather @!p1 [hbm4b:s15+s8], $0x100, $0x38;
	[tilespmem:$0x1DB00] =	vst v63  }
0x79: {  	s8 =	simm.s32 @!p1 $0x5  }
0x7a: {  	_ =	swait.ge @!p1 [sflag:s8], $0x100  }
0x7b: {  	s6 =	sadd.s32 @!p0 $0x1, s6;
	[sflag:s8] =	ssyncset.done @!p1 $0x0  }
0x7c: {  	s12 =	simm.s32 @!p1 $0x3700;
	[sflag:s8] =	ssyncadd.s32 @!p1 $0xFFFFFF00;
	s8 =	simm.s32 @!p1 $0x64  }
0x7d: {  	[tilespmem:s12], [sflag:$0x2] =	stream.indirect.gather @!p1 [hbm4b:s4+s8], $0x80, s11, s8, $0xb8;
	[tilespmem:$0x1DB00] =	vst v63  }
0x7e: {  	p1 =	seq.s32 @!p0 s6, $0x0  }
0x7f: {  	p1 =	por p0, p1  }
.Ltmp0:
0x80: {  	_ = 	snop;
	(pc) =	sbr.rel @!p1 .LBB2_2-.Ltmp0, $2  }
0x81: {  	_ =	sdelay $0x2  }
0x82: {  	s17 =	sadd.s32 @!p0 $0x60, s17;
	s16 =	sadd.s32 @!p0 $0x60, s16;
	s15 =	sadd.s32 @!p0 $0x60, s15  }
0x83: {  	_ =	swait.ge [sflag:s2], $0x3200  }
0x84: {  	[sflag:s2] =	ssyncset.done $0x0  }
0x85: {  	[sflag:s2] =	ssyncadd.s32 $0xFFFFCE00  }
0x86: {  	[bflag:$0x0] =	sbarrier.arrive $0xFFFF  }
0x87: {  	s6 =	rddreg [dreg:$0x5]  }
0x88: {  	s8 =	rddreg [dreg:$0xa];
	s6 =	sor.u32 $0x1C09, s6  }
0x89: {  	[hbm:s8], [sflag:s6] =	dma.local [spmem:s18], $0x2780  }
0x8a: {  	_ =	swait.ge [sflag:s7], $0x2780  }
0x8b: {  	s9 =	sadd.s32 $0x1, s9;
	s20 =	rddreg [dreg:$0xb]  }
0x8c: {  	p0 =	sne.s32 s9, s20  }
.Ltmp1:
0x8d: {  	_ = 	snop;
	(pc) =	sbr.rel @p0 .LBB2_1-.Ltmp1, $3  }
0x8e: {  	_ =	sdelay $0x1  }
0x8f: {  	[sflag:s7] =	ssyncset.done $0x0  }
0x90: {  	[sflag:s7] =	ssyncadd.s32 $0xFFFFD880  }
0x91: {  	_ =	sfence.sel $0x180000  }
0x92: {  	[bflag:$0x0] =	sbarrier.arrive $0xFFFF  }
0x93: {  	_ =	strace $0x9000004D  }
0x94: {  	s0 =	stileid.u32;
	[bflag:$0x2] =	sbarrier.arrive $0xFFFF  }
0x95: {  	p0 =	sne.s32 s0, $0x0;
	s0 =	rddreg [dreg:$0x3]  }
0x96: {  	s0 =	sadd.s32 @!p0 $0x100000, s0  }
0x97: {  	[sflag:s0] =	ssyncadd.tile.s32 @!p0 $0x1;
	_ =	shalt  }
.Lfunc_end2:
_tile_overlayer_lowered:
.L_overlay_start_2:
0x98: {  	(tag) =	ssettag $0x2  }
0x99: {  	s0 =	rddreg [dreg:$0x0];
	s2 =	stileid.u32  }
0x9a: {  	s1 =	rddreg [dreg:$0x1];
	p0 =	sne.s32 s2, $0x0  }
0x9b: {  	s3 =	rddreg [dreg:$0x2];
	[bflag:$0x3] =	sbarrier.arrive $0xFFFF;
	s2 =	simm.s32 @!p0 $0x1C09  }
0x9c: {  	[timem:s3], [sflag:s2] =	dma.local @!p0 [hbm:s0], s1  }
0x9d: {  	s0 =	simm.s32 @!p0 $0x9  }
0x9e: {  	_ =	swait.ge @!p0 [sflag:s0], s1  }
0x9f: {  	s1 =	ssub.s32 @!p0 $0x0, s1;
	[sflag:s0] =	ssyncset.done @!p0 $0x0  }
0xa0: {  	[sflag:s0] =	ssyncadd.s32 @!p0 s1  }
0xa1: {  	[bflag:$0x3] =	sbarrier.arrive $0xFFFF  }
0xa2: {  	_ =	shalt  }

// kernel: kernel.26.cloned.1.call-start
scs
__scs_entry_jumppad:
0x0: {  	(pc) =	sbr.rel $0x88, $3  }
0x1: {  	(tag) =	ssettag $0x0;
	lr =	simm.s32 $0x1  }
0x2: {  	[smem:$0x3F9B] =	sst lr;
	_ =	strace $0xD0000000  }
0x3: {  	_ = 	snop  }
0x4: {  	_ = 	snop  }
0x5: {  	_ = 	snop  }
0x6: {  	_ = 	snop  }
0x7: {  	_ = 	snop  }
__scs_overlays_trampoline_lowered:
0x8: {  	[smem:$0x3FAA] =	sst s0  }
0x9: {  	[smem:$0x3FAB] =	sst s1  }
0xa: {  	[smem:$0x3FAC] =	sst s2  }
0xb: {  	[smem:$0x3FAD] =	sst s3  }
0xc: {  	[smem:$0x3FAE] =	sst s4  }
0xd: {  	[smem:$0x3FAF] =	sst s5  }
0xe: {  	[smem:$0x3FB0] =	sst s6  }
0xf: {  	[smem:$0x3FB1] =	sst s7  }
0x10: {  	[smem:$0x3FB2] =	sst s8  }
0x11: {  	[smem:$0x3FB3] =	sst s9;
	s0 =	simm.s32 @!p0 $0x0  }
0x12: {  	s1 =	sld [smem:$0x3F99];
	s0 =	simm.s32 @p0 $0x1  }
0x13: {  	[smem:$0x3FB4] =	sst s0;
	s0 =	simm.s32 @!p1 $0x0  }
0x14: {  	s2 =	sld [smem:$0x3F98];
	s0 =	simm.s32 @p1 $0x1  }
0x15: {  	[smem:$0x3FB5] =	sst s0;
	s0 =	simm.s32 @!p2 $0x0  }
0x16: {  	s3 =	sld [smem:$0x3FDB];
	s0 =	simm.s32 @p2 $0x1  }
0x17: {  	s4 =	simm.s32 $0x1BF5;
	[smem:$0x3FB7] =	sst s0  }
0x18: {  	s0 =	sld [smem:$0x3F9A];
	_ =	swait.ge [sflag:s4], $0x0  }
0x19: {  	s7 =	sld [smem:$0x3F9B]  }
0x1a: {  	s8 =	sadd.s32 $0xFFFFE003, lr  }
0x1b: {  	s9 =	sadd.s32 $0xFFFFFEF7, lr;
	s5 =	simm.s32 $0xFFFFFFFF;
	p2 =	slt.u32 s8, $0xFFFFF086  }
0x1c: {  	p1 =	slt.u32 s9, $0xF7A;
	s5 =	simm.s32 @!p2 $0x0  }
0x1d: {  	s5 =	simm.s32 @p1 $0x1;
	p0 =	seq.s32 s7, s2  }
0x1e: {  	s7 =	smul.u32 @!p0 $0xF7A, s2;
	p2 =	seq.s32 @!p0 s5, $0x0  }
0x1f: {  	s9 =	smul.u32 $0xF7A, s1;
	s8 =	simm.s32 @!p0 $0x1BF5;
	p2 =	por !p2, p0  }
0x20: {  	[sflag:s8] =	ssyncset.s32 @!p0 $0xFFFFF086;
	s6 =	sadd.s32 @!p0 s3, s7;
	s7 =	simm.s32 @!p0 $0x108  }
0x21: {  	s3 =	sadd.s32 s3, s9;
	s6 =	sadd.s32 @!p0 $0x88, s6;
	s7 =	simm.s32 @p2 $0x1082  }
0x22: {  	[simem:s7], [sflag:s8] =	dma.local @!p0 [hbm:s6], $0xF7A  }
0x23: {  	s9 =	sor.u32 $0xD0000000, s2;
	s6 =	simm.s32 $0x108;
	_ =	swait.ge @!p0 [sflag:s8], $0x0  }
0x24: {  	s3 =	sadd.s32 $0x88, s3;
	s6 =	simm.s32 @!p1 $0x1082;
	[sflag:s4] =	ssyncset.s32 $0xFFFFF086  }
0x25: {  	[simem:s6], [sflag:s4] =	dma.local [hbm:s3], $0xF7A  }
0x26: {  	[smem:$0x3F9B] =	sst s1;
	(tag) =	ssettag s2;
	_ =	strace s9  }
0x27: {  	s1 =	sld [smem:$0x3FAB]  }
0x28: {  	s2 =	sld [smem:$0x3FAC]  }
0x29: {  	s4 =	sld [smem:$0x3FAE]  }
0x2a: {  	p0 =	seq.s32 s5, $0x0;
	s5 =	sld [smem:$0x3FAF]  }
0x2b: {  	s6 =	sld [smem:$0x3FB0]  }
0x2c: {  	s7 =	sld [smem:$0x3FB1]  }
0x2d: {  	s3 =	simm.s32 $0x108;
	s8 =	sld [smem:$0x3FB2]  }
0x2e: {  	s3 =	simm.s32 @!p0 $0x1082;
	s9 =	sld [smem:$0x3FB3]  }
0x2f: {  	lr =	sadd.s32 s0, s3;
	s0 =	sld [smem:$0x3FAA]  }
0x30: {  	s3 =	sld [smem:$0x3FAD]  }
0x31: {  	[smem:$0x3FB6] =	sst s10  }
0x32: {  	s10 =	sld [smem:$0x3FB4];
	_ =	sdelay $0x3  }
0x33: {  	p0 =	seq.s32 s10, $0x1;
	s10 =	sld [smem:$0x3FB6];
	_ =	sdelay $0x3  }
0x34: {  	[smem:$0x3FB6] =	sst s10  }
0x35: {  	s10 =	sld [smem:$0x3FB5];
	_ =	sdelay $0x3  }
0x36: {  	p1 =	seq.s32 s10, $0x1;
	s10 =	sld [smem:$0x3FB6];
	_ =	sdelay $0x3  }
0x37: {  	[smem:$0x3FB6] =	sst s10  }
0x38: {  	s10 =	sld [smem:$0x3FB7]  }
0x39: {  	_ = 	snop;
	(pc) =	sbr.ind lr, $3  }
0x3a: {  	_ = 	snop  }
0x3b: {  	_ = 	snop  }
0x3c: {  	p2 =	seq.s32 s10, $0x1;
	s10 =	sld [smem:$0x3FB6]  }
0x3d: {  	_ =	shalt  }
0x3e: {  	_ =	shalt  }
0x3f: {  	_ =	shalt  }
0x40: {  	_ =	shalt  }
0x41: {  	_ =	shalt  }
0x42: {  	_ =	shalt  }
0x43: {  	_ =	shalt  }
0x44: {  	_ =	shalt  }
0x45: {  	_ =	shalt  }
0x46: {  	_ =	shalt  }
0x47: {  	_ =	shalt  }
0x48: {  	_ =	shalt  }
0x49: {  	_ =	shalt  }
0x4a: {  	_ =	shalt  }
0x4b: {  	_ =	shalt  }
0x4c: {  	_ =	shalt  }
0x4d: {  	_ =	shalt  }
0x4e: {  	_ =	shalt  }
0x4f: {  	_ =	shalt  }
0x50: {  	_ =	shalt  }
0x51: {  	_ =	shalt  }
0x52: {  	_ =	shalt  }
0x53: {  	_ =	shalt  }
0x54: {  	_ =	shalt  }
0x55: {  	_ =	shalt  }
0x56: {  	_ =	shalt  }
0x57: {  	_ =	shalt  }
0x58: {  	_ =	shalt  }
0x59: {  	_ =	shalt  }
0x5a: {  	_ =	shalt  }
0x5b: {  	_ =	shalt  }
0x5c: {  	_ =	shalt  }
0x5d: {  	_ =	shalt  }
0x5e: {  	_ =	shalt  }
0x5f: {  	_ =	shalt  }
0x60: {  	_ =	shalt  }
0x61: {  	_ =	shalt  }
0x62: {  	_ =	shalt  }
0x63: {  	_ =	shalt  }
0x64: {  	_ =	shalt  }
0x65: {  	_ =	shalt  }
0x66: {  	_ =	shalt  }
0x67: {  	_ =	shalt  }
0x68: {  	_ =	shalt  }
0x69: {  	_ =	shalt  }
0x6a: {  	_ =	shalt  }
0x6b: {  	_ =	shalt  }
0x6c: {  	_ =	shalt  }
0x6d: {  	_ =	shalt  }
0x6e: {  	_ =	shalt  }
0x6f: {  	_ =	shalt  }
0x70: {  	_ =	shalt  }
0x71: {  	_ =	shalt  }
0x72: {  	_ =	shalt  }
0x73: {  	_ =	shalt  }
0x74: {  	_ =	shalt  }
0x75: {  	_ =	shalt  }
0x76: {  	_ =	shalt  }
0x77: {  	_ =	shalt  }
0x78: {  	_ =	shalt  }
0x79: {  	_ =	shalt  }
0x7a: {  	_ =	shalt  }
0x7b: {  	_ =	shalt  }
0x7c: {  	_ =	shalt  }
0x7d: {  	_ =	shalt  }
0x7e: {  	_ =	shalt  }
0x7f: {  	_ =	shalt  }
0x80: {  	_ =	shalt  }
0x81: {  	_ =	shalt  }
0x82: {  	_ =	shalt  }
0x83: {  	_ =	shalt  }
0x84: {  	_ =	shalt  }
0x85: {  	_ =	shalt  }
0x86: {  	_ =	shalt  }
0x87: {  	_ =	shalt  }
.Lfunc_end0:
.L_simem_size_0:
called_computation.3_lowered:
.L_overlay_start_0:
0x88: {  	s2 =	sld [smem:$0x3FD9]  }
0x89: {  	s3 =	sld [smem:$0x3FFE];
	_ =	sdelay $0x1  }
0x8a: {  	s1 =	srdreg.scid  }
0x8b: {  	s0 =	sand.u32 $0x1, s1  }
0x8c: {  	s17 =	sshll.u32 s0, $0xA;
	s2 =	sadd.s32 s3, s2  }
0x8d: {  	s2 =	sadd.s32 s2, s17  }
0x8e: {  	[smem:$0x3FC2] =	sst s2  }
0x8f: {  	_ = 	snop  }
0x90: {  	s2 =	sld [smem:$0x3FD0];
	(tm) =	ssettm $0x1  }
0x91: {  	s18 =	sld [smem:$0x3FFB];
	_ =	sdelay $0x3  }
0x92: {  	_ =	strace s18  }
0x93: {  	s3 =	sld [smem:$0x3FFC];
	_ =	sdelay $0x3  }
0x94: {  	_ =	strace s3  }
0x95: {  	s3 =	sld [smem:$0x3FFD];
	_ =	sdelay $0x3  }
0x96: {  	_ =	strace s3  }
0x97: {  	_ =	strace $0x8FFFFFFF  }
0x98: {  	s19 =	sld [smem:$0x3FDB];
	_ =	sdelay $0x1  }
0x99: {  	s4 =	simm.s32 $_scs_section_size  }
0x9a: {  	s5 =	simm.s32 $_size__tile_overlayer_lowered;
	s6 =	simm.s32 $_tile_overlayer_lowered  }
0x9b: {  	s22 =	simm.s32 $0x1BFF;
	s21 =	sshll.u32 s6, $0x1;
	s3 =	sadd.s32 s4, s19  }
0x9c: {  	s7 =	simm.s32 $0x0;
	s20 =	sshll.u32 s5, $0x1;
	s5 =	sadd.s32 s21, s3  }
0x9d: {  	[timem:s7], [sflag:s22] =	dma.local [hbm:s5], s20  }
0x9e: {  	_ =	swait.ge [sflag:s22], s20  }
0x9f: {  	s4 =	ssub.s32 $0x0, s20;
	[sflag:s22] =	ssyncset.done $0x0  }
0xa0: {  	[sflag:s22] =	ssyncadd.s32 s4;
	_ =	sdelay $0x1  }
0xa1: {  	s23 =	simm.s32 $0x1B8B  }
0xa2: {  	_ =	swait.ge [sflag:s23], $0x1  }
0xa3: {  	[sflag:s23] =	ssyncset.done $0x0  }
0xa4: {  	s25 =	simm.s32 $0x1B8E;
	s24 =	sld [smem:$0x3FFE];
	[sflag:s23] =	ssyncadd.s32 $0xFFFFFFFF  }
0xa5: {  	s26 =	simm.s32 $execute0_lowered;
	[smem:$0x3FD2] =	sst s25  }
0xa6: {  	s5 =	sshll.u32 s26, $0x1;
	_ =	strace $0x8000004F;
	[dreg:$0x1] =	wrdreg $0xFFFFFFFF  }
0xa7: {  	s28 =	simm.s32 $_size_execute0_lowered;
	s3 =	sadd.s32 s3, s5;
	[dreg:$0x0] =	wrdreg $0x0  }
0xa8: {  	s5 =	sshll.u32 s28, $0x1;
	[dreg:$0x2] =	wrdreg s3  }
0xa9: {  	[dreg:$0x3] =	wrdreg s5  }
0xaa: {  	[dreg:$0x4] =	wrdreg $0xC0  }
0xab: {  	_ =	task [dreg:s7], $0x5FFFF  }
0xac: {  	[dreg:$0x1] =	wrdreg $0xFFFFFFFF  }
0xad: {  	[dreg:$0x0] =	wrdreg $0x60  }
0xae: {  	[dreg:$0x2] =	wrdreg s2  }
0xaf: {  	[dreg:$0x3] =	wrdreg s24  }
0xb0: {  	[dreg:$0x4] =	wrdreg $0x9F000  }
0xb1: {  	[dreg:$0x5] =	wrdreg $0x9  }
0xb2: {  	_ =	task.clear_ibuf [dreg:s7], $0x6FFFF;
	_ =	strace $0x9000004F  }
0xb3: {  	s29 =	simm.s32 $0x9;
	_ =	strace $0x80000051  }
0xb4: {  	_ =	swait.ge [sflag:s29], $0x1  }
0xb5: {  	[sflag:s29] =	ssyncadd.s32 $0xFFFFFFFF  }
0xb6: {  	_ =	strace $0x90000051  }
0xb7: {  	_ =	sfence  }
0xb8: {  	s30 =	sld [smem:$0x0];
	_ =	sdelay $0x2  }
0xb9: {  	s31 =	sshll.u32 s1, $0xD;
	s1 =	sshrl.u32 s1, $0x2  }
0xba: {  	s3 =	sand.u32 $0x4000, s31;
	s1 =	sadd.s32 s1, s30  }
0xbb: {  	s0 =	sor.u32 s3, s0;
	s1 =	sshll.u32 s1, $0x11  }
0xbc: {  	s0 =	sor.u32 s1, s0  }
0xbd: {  	s0 =	sadd.s32 $0x8F2B, s0  }
0xbe: {  	[sflag:s0] =	ssyncadd.remote.s32 $0x1  }
0xbf: {  	_ =	sfence.sel $0xFFFF  }
0xc0: {  	[dreg:$0x0] =	wrdreg $0xFFFFFFFF;
	(pc) =	sbr.abs _section_cstart, $3  }
0xc1: {  	[dreg:$0x1] =	wrdreg $0xFFFFFFFF  }
0xc2: {  	_ =	task.clear_ibuf [dreg:s7], $0x2FFFF;
	_ =	strace $0x9FFFFFFF  }
0xc3: {  	(tm) =	ssettm $0x7FFFFFFF  }
tec
execute0_lowered:
.L_overlay_start_1:
0x0: {  	(tag) =	ssettag $0x1  }
0x1: {  	s0 =	rddreg [dreg:$0x0]  }
0x2: {  	s2 =	rddreg [dreg:$0x1]  }
0x3: {  	s1 =	rddreg [dreg:$0x2]  }
0x4: {  	s3 =	srdreg.scid;
	s11 =	stileid.u32;
	s28 =	simm.s32 $0x6B00  }
0x5: {  	s29 =	simm.s32 $0x7;
	s30 =	simm.s32 $0x1;
	s31 =	simm.s32 $0x80  }
0x6: {  	s5 =	sand.u32 $0x1, s3;
	s3 =	simm.s32 $0x0;
	s7 =	smul.u32 $0x13C00, s11  }
0x7: {  	s4 =	sadd.s32 $0x5000, s2;
	s8 =	sadd.s32 $0x54000, s2;
	s9 =	smul.u32 $0x4F000, s11  }
0x8: {  	s12 =	sshll.u32 s11, $0x1;
	s16 =	sshll.u32 s11, $0x6;
	s18 =	smul.u32 $0xC800, s11  }
0x9: {  	s6 =	smul.u32 $0x13C000, s5;
	[smem:$0x7FF] =	sst s3;
	s13 =	ssub.s32 $0x2, s5  }
0xa: {  	_ =	strace $0x80000050;
	[dreg:$0x4] =	wrdreg s8;
	s10 =	sshrl.u32 s13, $0x1  }
0xb: {  	s15 =	sshrl.u32 s9, $0x2;
	[dreg:$0x5] =	wrdreg s16;
	s6 =	sadd.s32 s7, s6  }
0xc: {  	s7 =	sor.u32 s5, s12;
	s14 =	ssub.s32 s13, s10;
	s9 =	sadd.s32 s15, s1  }
0xd: {  	s10 =	sor.u32 $0x1C07, s16;
	s5 =	smul.u32 $0x6400, s5;
	s6 =	sshrl.u32 s6, $0x3  }
0xe: {  	s7 =	smul.u32 $0x6400, s7;
	[dreg:$0x6] =	wrdreg s10;
	s2 =	sadd.s32 s6, s2  }
0xf: {  	s6 =	smax.u32 s14, $0x1;
	s22 =	sadd.s32 s5, s18;
	s18 =	sshrl.u32 s9, $0x3  }
0x10: {  	s9 =	simm.s32 $0x0;
	s17 =	sshrl.u32 s7, $0x3;
	s7 =	sor.u32 $0x300, s7  }
0x11: {  	s2 =	sadd.s32 $0x7E000, s2;
	[dreg:$0xb] =	wrdreg s6;
	s24 =	sadd.s32 $0x700, s22  }
0x12: {  	s25 =	sadd.s32 $0x600, s22;
	s8 =	sadd.s32 s0, s17;
	[dreg:$0xa] =	wrdreg s2  }
0x13: {  	s21 =	sshrl.u32 s7, $0x3;
	s19 =	sadd.s32 $0x20, s8;
	[dreg:$0x7] =	wrdreg s8  }
0x14: {  	s5 =	sshrl.u32 s24, $0x3;
	s20 =	sadd.s32 $0x40, s8;
	[dreg:$0x8] =	wrdreg s19  }
0x15: {  	s6 =	sshrl.u32 s25, $0x3;
	s2 =	sadd.s32 s0, s21;
	[dreg:$0x9] =	wrdreg s20  }
0x16: {  	s24 =	simm.s32 $0x5;
	s23 =	sadd.s32 $0x80, s8;
	[dreg:$0xc] =	wrdreg s2  }
0x17: {  	s25 =	simm.s32 $0x3700;
	s5 =	sadd.s32 s5, s0;
	[dreg:$0xd] =	wrdreg s23  }
0x18: {  	s7 =	simm.s32 $0x9;
	s26 =	sadd.s32 s6, s0;
	[dreg:$0xe] =	wrdreg s5  }
0x19: {  	s21 =	simm.s32 $0x4;
	s2 =	sadd.s32 $0x500, s22;
	[dreg:$0xf] =	wrdreg s26  }
0x1a: {  	s19 =	simm.s32 $0x100;
	s22 =	simm.s32 $0x64;
	s23 =	simm.s32 $0x300  }
0x1b: {  	s26 =	simm.s32 $0x6;
	s5 =	simm.s32 $0x3;
	s2 =	sshrl.u32 s2, $0x3  }
0x1c: {  	s10 =	sadd.s32 s2, s0;
	s0 =	simm.s32 $0x2;
	s2 =	simm.s32 $0x8  }
.LBB2_1:
0x1d: {  	s6 =	rddreg [dreg:$0x4]  }
0x1e: {  	s8 =	rddreg [dreg:$0x6]  }
0x1f: {  	[spmem:s18], [sflag:s8] =	dma.local [hbm:s6], $0x2780  }
0x20: {  	s6 =	rddreg [dreg:$0x7]  }
0x21: {  	[tilespmem:s3], [sflag:$0x4] =	stream.linear.gather [hbm4b:s6+s3], $0x100, $0x38;
	[tilespmem:$0x1DB00] =	vst v63  }
0x22: {  	s12 =	rddreg [dreg:$0x8]  }
0x23: {  	[tilespmem:s19], [sflag:$0x5] =	stream.linear.gather [hbm4b:s12+s3], $0x100, $0x38;
	[tilespmem:$0x1DB00] =	vst v63  }
0x24: {  	s14 =	simm.s32 $0x200;
	s13 =	rddreg [dreg:$0x9]  }
0x25: {  	[tilespmem:s14], [sflag:$0x6] =	stream.linear.gather [hbm4b:s13+s3], $0x100, $0x38;
	[tilespmem:$0x1DB00] =	vst v63  }
0x26: {  	_ =	swait.ge [sflag:s21], $0x100  }
0x27: {  	[sflag:s21] =	ssyncset.done $0x0  }
0x28: {  	[sflag:s21] =	ssyncadd.s32 $0xFFFFFF00  }
0x29: {  	[tilespmem:s23], [sflag:$0x1] =	stream.indirect.gather [hbm4b:s4+s22], $0x80, s3, s22, $0xb8;
	[tilespmem:$0x1DB00] =	vst v63  }
0x2a: {  	_ =	swait.ge [sflag:s24], $0x100  }
0x2b: {  	[sflag:s24] =	ssyncset.done $0x0  }
0x2c: {  	[sflag:s24] =	ssyncadd.s32 $0xFFFFFF00  }
0x2d: {  	[tilespmem:s25], [sflag:$0x2] =	stream.indirect.gather [hbm4b:s4+s22], $0x80, s19, s22, $0xb8;
	[tilespmem:$0x1DB00] =	vst v63  }
0x2e: {  	_ =	swait.ge [sflag:s26], $0x100  }
0x2f: {  	[sflag:s26] =	ssyncset.done $0x0  }
0x30: {  	[sflag:s26] =	ssyncadd.s32 $0xFFFFFF00  }
0x31: {  	[tilespmem:s28], [sflag:$0x3] =	stream.indirect.gather [hbm4b:s4+s22], $0x80, s14, s22, $0xb8;
	[tilespmem:$0x1DB00] =	vst v63  }
0x32: {  	_ =	swait.ge [sflag:s29], $0x2780  }
0x33: {  	[sflag:s29] =	ssyncset.done $0x0  }
0x34: {  	[sflag:s29] =	ssyncadd.s32 $0xFFFFD880  }
0x35: {  	[bflag:$0x0] =	sbarrier.arrive $0xFFFF  }
0x36: {  	_ =	swait.ge [sflag:s30], $0x3200  }
0x37: {  	[sflag:s30] =	ssyncset.done $0x0  }
0x38: {  	[sflag:s30] =	ssyncadd.s32 $0xFFFFCE00  }
0x39: {  	[spmem:s1] =	stream.indirect.scatter.add.f32 [tilespmem:s23], [sflag:$0x8], $0x80, s31, s22, $0xb8;
	[tilespmem:$0x1DB00] =	vst v63  }
0x3a: {  	_ =	swait.ge [sflag:s0], $0x3200  }
0x3b: {  	[sflag:s0] =	ssyncset.done $0x0  }
0x3c: {  	[sflag:s0] =	ssyncadd.s32 $0xFFFFCE00  }
0x3d: {  	_ =	swait.ge [sflag:s2], $0x3200  }
0x3e: {  	[sflag:s2] =	ssyncset.done $0x0  }
0x3f: {  	s15 =	simm.s32 $0x180;
	[sflag:s2] =	ssyncadd.s32 $0xFFFFCE00  }
0x40: {  	[spmem:s1] =	stream.indirect.scatter.add.f32 [tilespmem:s25], [sflag:$0x8], $0x80, s15, s22, $0xb8;
	[tilespmem:$0x1DB00] =	vst v63  }
0x41: {  	s16 =	rddreg [dreg:$0xc]  }
0x42: {  	[tilespmem:s3], [sflag:$0x4] =	stream.linear.gather [hbm4b:s16+s3], $0x100, $0x38;
	[tilespmem:$0x1DB00] =	vst v63  }
0x43: {  	_ =	swait.ge [sflag:s21], $0x100  }
0x44: {  	[sflag:s21] =	ssyncset.done $0x0  }
0x45: {  	[sflag:s21] =	ssyncadd.s32 $0xFFFFFF00  }
0x46: {  	[tilespmem:s23], [sflag:$0x1] =	stream.indirect.gather [hbm4b:s4+s22], $0x80, s3, s22, $0xb8;
	[tilespmem:$0x1DB00] =	vst v63  }
0x47: {  	_ =	swait.ge [sflag:s5], $0x3200  }
0x48: {  	[sflag:s5] =	ssyncset.done $0x0  }
0x49: {  	[sflag:s5] =	ssyncadd.s32 $0xFFFFCE00  }
0x4a: {  	_ =	swait.ge [sflag:s2], $0x3200  }
0x4b: {  	[sflag:s2] =	ssyncset.done $0x0  }
0x4c: {  	s17 =	simm.s32 $0x280;
	[sflag:s2] =	ssyncadd.s32 $0xFFFFCE00  }
0x4d: {  	[spmem:s1] =	stream.indirect.scatter.add.f32 [tilespmem:s28], [sflag:$0x8], $0x80, s17, s22, $0xb8;
	[tilespmem:$0x1DB00] =	vst v63  }
0x4e: {  	s20 =	rddreg [dreg:$0xd]  }
0x4f: {  	[tilespmem:s19], [sflag:$0x5] =	stream.linear.gather [hbm4b:s20+s3], $0x100, $0x38;
	[tilespmem:$0x1DB00] =	vst v63  }
0x50: {  	_ =	swait.ge [sflag:s24], $0x100  }
0x51: {  	s6 =	simm.s32 $0xFFFFFFDF;
	[sflag:s24] =	ssyncset.done $0x0;
	s16 =	rddreg [dreg:$0xf]  }
0x52: {  	s17 =	smov.u32 s10;
	s15 =	rddreg [dreg:$0xe];
	[sflag:s24] =	ssyncadd.s32 $0xFFFFFF00  }
0x53: {  	[tilespmem:s25], [sflag:$0x2] =	stream.indirect.gather [hbm4b:s4+s22], $0x80, s19, s22, $0xb8;
	[tilespmem:$0x1DB00] =	vst v63  }
.LBB2_2:
0x54: {  	_ =	swait.ge [sflag:s30], $0x3200  }
0x55: {  	[sflag:s30] =	ssyncset.done $0x0  }
0x56: {  	[sflag:s30] =	ssyncadd.s32 $0xFFFFCE00  }
0x57: {  	_ =	swait.ge [sflag:s2], $0x3200  }
0x58: {  	[sflag:s2] =	ssyncset.done $0x0  }
0x59: {  	p0 =	seq.s32 s6, $0xFFFFFFFF;
	[sflag:s2] =	ssyncadd.s32 $0xFFFFCE00  }
0x5a: {  	[spmem:s1] =	stream.indirect.scatter.add.f32 [tilespmem:s23], [sflag:$0x8], $0x80, s31, s22, $0xb8;
	[tilespmem:$0x1DB00] =	vst v63  }
0x5b: {  	s13 =	simm.s32 @!p0 $0x0;
	s14 =	simm.s32 @!p0 $0x200;
	s8 =	simm.s32 @!p0 $0x6  }
0x5c: {  	[tilespmem:s14], [sflag:$0x6] =	stream.linear.gather @!p0 [hbm4b:s17+s13], $0x100, $0x38;
	[tilespmem:$0x1DB00] =	vst v63  }
0x5d: {  	_ =	swait.ge @!p0 [sflag:s8], $0x100  }
0x5e: {  	[sflag:s8] =	ssyncset.done @!p0 $0x0  }
0x5f: {  	s12 =	simm.s32 @!p0 $0x6B00;
	[sflag:s8] =	ssyncadd.s32 @!p0 $0xFFFFFF00;
	s8 =	simm.s32 @!p0 $0x64  }
0x60: {  	[tilespmem:s12], [sflag:$0x3] =	stream.indirect.gather @!p0 [hbm4b:s4+s8], $0x80, s14, s8, $0xb8;
	[tilespmem:$0x1DB00] =	vst v63  }
0x61: {  	s14 =	simm.s32 @!p0 $0x2  }
0x62: {  	_ =	swait.ge @!p0 [sflag:s14], $0x3200  }
0x63: {  	[sflag:s14] =	ssyncset.done @!p0 $0x0  }
0x64: {  	[sflag:s14] =	ssyncadd.s32 @!p0 $0xFFFFCE00;
	s14 =	simm.s32 @!p0 $0x8  }
0x65: {  	_ =	swait.ge @!p0 [sflag:s14], $0x3200  }
0x66: {  	[sflag:s14] =	ssyncset.done @!p0 $0x0  }
0x67: {  	s11 =	simm.s32 @!p0 $0x180;
	s20 =	simm.s32 @!p0 $0x3700;
	[sflag:s14] =	ssyncadd.s32 @!p0 $0xFFFFCE00  }
0x68: {  	[spmem:s1] =	stream.indirect.scatter.add.f32 @!p0 [tilespmem:s20], [sflag:$0x8], $0x80, s11, s8, $0xb8;
	[tilespmem:$0x1DB00] =	vst v63  }
0x69: {  	s11 =	simm.s32 @!p0 $0x4  }
0x6a: {  	[tilespmem:s13], [sflag:$0x4] =	stream.linear.gather @!p0 [hbm4b:s16+s13], $0x100, $0x38;
	[tilespmem:$0x1DB00] =	vst v63  }
0x6b: {  	_ =	swait.ge @!p0 [sflag:s11], $0x100  }
0x6c: {  	[sflag:s11] =	ssyncset.done @!p0 $0x0  }
0x6d: {  	[sflag:s11] =	ssyncadd.s32 @!p0 $0xFFFFFF00;
	s11 =	simm.s32 @!p0 $0x300  }
0x6e: {  	[tilespmem:s11], [sflag:$0x1] =	stream.indirect.gather @!p0 [hbm4b:s4+s8], $0x80, s13, s8, $0xb8;
	[tilespmem:$0x1DB00] =	vst v63  }
0x6f: {  	s11 =	simm.s32 @!p0 $0x3  }
0x70: {  	_ =	swait.ge @!p0 [sflag:s11], $0x3200  }
0x71: {  	[sflag:s11] =	ssyncset.done @!p0 $0x0  }
0x72: {  	[sflag:s11] =	ssyncadd.s32 @!p0 $0xFFFFCE00  }
0x73: {  	s11 =	sadd.s32 $0x22, s6;
	_ =	swait.ge @!p0 [sflag:s14], $0x3200  }
0x74: {  	p1 =	sgt.u32 @!p0 s11, $0x1F;
	[sflag:s14] =	ssyncset.done @!p0 $0x0  }
0x75: {  	s13 =	simm.s32 @!p0 $0x280;
	p1 =	por p1, p0;
	[sflag:s14] =	ssyncadd.s32 @!p0 $0xFFFFCE00  }
0x76: {  	[spmem:s1] =	stream.indirect.scatter.add.f32 @!p0 [tilespmem:s12], [sflag:$0x8], $0x80, s13, s8, $0xb8;
	[tilespmem:$0x1DB00] =	vst v63  }
0x77: {  	s11 =	simm.s32 @!p1 $0x100;
	s8 =	simm.s32 @!p1 $0x0  }
0x78: {  	[tilespmem:s11], [sflag:$0x5] =	stream.linear.gather @!p1 [hbm4b:s15+s8], $0x100, $0x38;
	[tilespmem:$0x1DB00] =	vst v63  }
0x79: {  	s8 =	simm.s32 @!p1 $0x5  }
0x7a: {  	_ =	swait.ge @!p1 [sflag:s8], $0x100  }
0x7b: {  	s6 =	sadd.s32 @!p0 $0x1, s6;
	[sflag:s8] =	ssyncset.done @!p1 $0x0  }
0x7c: {  	s12 =	simm.s32 @!p1 $0x3700;
	[sflag:s8] =	ssyncadd.s32 @!p1 $0xFFFFFF00;
	s8 =	simm.s32 @!p1 $0x64  }
0x7d: {  	[tilespmem:s12], [sflag:$0x2] =	stream.indirect.gather @!p1 [hbm4b:s4+s8], $0x80, s11, s8, $0xb8;
	[tilespmem:$0x1DB00] =	vst v63  }
0x7e: {  	p1 =	seq.s32 @!p0 s6, $0x0  }
0x7f: {  	p1 =	por p0, p1  }
.Ltmp0:
0x80: {  	_ = 	snop;
	(pc) =	sbr.rel @!p1 .LBB2_2-.Ltmp0, $2  }
0x81: {  	_ =	sdelay $0x2  }
0x82: {  	s17 =	sadd.s32 @!p0 $0x60, s17;
	s16 =	sadd.s32 @!p0 $0x60, s16;
	s15 =	sadd.s32 @!p0 $0x60, s15  }
0x83: {  	_ =	swait.ge [sflag:s2], $0x3200  }
0x84: {  	[sflag:s2] =	ssyncset.done $0x0  }
0x85: {  	[sflag:s2] =	ssyncadd.s32 $0xFFFFCE00  }
0x86: {  	[bflag:$0x0] =	sbarrier.arrive $0xFFFF  }
0x87: {  	s6 =	rddreg [dreg:$0x5]  }
0x88: {  	s8 =	rddreg [dreg:$0xa];
	s6 =	sor.u32 $0x1C09, s6  }
0x89: {  	[hbm:s8], [sflag:s6] =	dma.local [spmem:s18], $0x2780  }
0x8a: {  	_ =	swait.ge [sflag:s7], $0x2780  }
0x8b: {  	s9 =	sadd.s32 $0x1, s9;
	s20 =	rddreg [dreg:$0xb]  }
0x8c: {  	p0 =	sne.s32 s9, s20  }
.Ltmp1:
0x8d: {  	_ = 	snop;
	(pc) =	sbr.rel @p0 .LBB2_1-.Ltmp1, $3  }
0x8e: {  	_ =	sdelay $0x1  }
0x8f: {  	[sflag:s7] =	ssyncset.done $0x0  }
0x90: {  	[sflag:s7] =	ssyncadd.s32 $0xFFFFD880  }
0x91: {  	_ =	sfence.sel $0x180000  }
0x92: {  	[bflag:$0x0] =	sbarrier.arrive $0xFFFF  }
0x93: {  	_ =	strace $0x90000050  }
0x94: {  	s0 =	stileid.u32;
	[bflag:$0x2] =	sbarrier.arrive $0xFFFF  }
0x95: {  	p0 =	sne.s32 s0, $0x0;
	s0 =	rddreg [dreg:$0x3]  }
0x96: {  	s0 =	sadd.s32 @!p0 $0x100000, s0  }
0x97: {  	[sflag:s0] =	ssyncadd.tile.s32 @!p0 $0x1;
	_ =	shalt  }
.Lfunc_end2:
_tile_overlayer_lowered:
.L_overlay_start_2:
0x98: {  	(tag) =	ssettag $0x2  }
0x99: {  	s0 =	rddreg [dreg:$0x0];
	s2 =	stileid.u32  }
0x9a: {  	s1 =	rddreg [dreg:$0x1];
	p0 =	sne.s32 s2, $0x0  }
0x9b: {  	s3 =	rddreg [dreg:$0x2];
	[bflag:$0x3] =	sbarrier.arrive $0xFFFF;
	s2 =	simm.s32 @!p0 $0x1C09  }
0x9c: {  	[timem:s3], [sflag:s2] =	dma.local @!p0 [hbm:s0], s1  }
0x9d: {  	s0 =	simm.s32 @!p0 $0x9  }
0x9e: {  	_ =	swait.ge @!p0 [sflag:s0], s1  }
0x9f: {  	s1 =	ssub.s32 @!p0 $0x0, s1;
	[sflag:s0] =	ssyncset.done @!p0 $0x0  }
0xa0: {  	[sflag:s0] =	ssyncadd.s32 @!p0 s1  }
0xa1: {  	[bflag:$0x3] =	sbarrier.arrive $0xFFFF  }
0xa2: {  	_ =	shalt  }

// kernel: kernel.29.cloned.1.call-start
scs
__scs_entry_jumppad:
0x0: {  	(pc) =	sbr.rel $0x88, $3  }
0x1: {  	(tag) =	ssettag $0x0;
	lr =	simm.s32 $0x1  }
0x2: {  	[smem:$0x3F9B] =	sst lr;
	_ =	strace $0xD0000000  }
0x3: {  	_ = 	snop  }
0x4: {  	_ = 	snop  }
0x5: {  	_ = 	snop  }
0x6: {  	_ = 	snop  }
0x7: {  	_ = 	snop  }
__scs_overlays_trampoline_lowered:
0x8: {  	[smem:$0x3FAA] =	sst s0  }
0x9: {  	[smem:$0x3FAB] =	sst s1  }
0xa: {  	[smem:$0x3FAC] =	sst s2  }
0xb: {  	[smem:$0x3FAD] =	sst s3  }
0xc: {  	[smem:$0x3FAE] =	sst s4  }
0xd: {  	[smem:$0x3FAF] =	sst s5  }
0xe: {  	[smem:$0x3FB0] =	sst s6  }
0xf: {  	[smem:$0x3FB1] =	sst s7  }
0x10: {  	[smem:$0x3FB2] =	sst s8  }
0x11: {  	[smem:$0x3FB3] =	sst s9;
	s0 =	simm.s32 @!p0 $0x0  }
0x12: {  	s1 =	sld [smem:$0x3F99];
	s0 =	simm.s32 @p0 $0x1  }
0x13: {  	[smem:$0x3FB4] =	sst s0;
	s0 =	simm.s32 @!p1 $0x0  }
0x14: {  	s2 =	sld [smem:$0x3F98];
	s0 =	simm.s32 @p1 $0x1  }
0x15: {  	[smem:$0x3FB5] =	sst s0;
	s0 =	simm.s32 @!p2 $0x0  }
0x16: {  	s3 =	sld [smem:$0x3FDB];
	s0 =	simm.s32 @p2 $0x1  }
0x17: {  	s4 =	simm.s32 $0x1BF5;
	[smem:$0x3FB7] =	sst s0  }
0x18: {  	s0 =	sld [smem:$0x3F9A];
	_ =	swait.ge [sflag:s4], $0x0  }
0x19: {  	s7 =	sld [smem:$0x3F9B]  }
0x1a: {  	s8 =	sadd.s32 $0xFFFFE003, lr  }
0x1b: {  	s9 =	sadd.s32 $0xFFFFFEF7, lr;
	s5 =	simm.s32 $0xFFFFFFFF;
	p2 =	slt.u32 s8, $0xFFFFF086  }
0x1c: {  	p1 =	slt.u32 s9, $0xF7A;
	s5 =	simm.s32 @!p2 $0x0  }
0x1d: {  	s5 =	simm.s32 @p1 $0x1;
	p0 =	seq.s32 s7, s2  }
0x1e: {  	s7 =	smul.u32 @!p0 $0xF7A, s2;
	p2 =	seq.s32 @!p0 s5, $0x0  }
0x1f: {  	s9 =	smul.u32 $0xF7A, s1;
	s8 =	simm.s32 @!p0 $0x1BF5;
	p2 =	por !p2, p0  }
0x20: {  	[sflag:s8] =	ssyncset.s32 @!p0 $0xFFFFF086;
	s6 =	sadd.s32 @!p0 s3, s7;
	s7 =	simm.s32 @!p0 $0x108  }
0x21: {  	s3 =	sadd.s32 s3, s9;
	s6 =	sadd.s32 @!p0 $0x88, s6;
	s7 =	simm.s32 @p2 $0x1082  }
0x22: {  	[simem:s7], [sflag:s8] =	dma.local @!p0 [hbm:s6], $0xF7A  }
0x23: {  	s9 =	sor.u32 $0xD0000000, s2;
	s6 =	simm.s32 $0x108;
	_ =	swait.ge @!p0 [sflag:s8], $0x0  }
0x24: {  	s3 =	sadd.s32 $0x88, s3;
	s6 =	simm.s32 @!p1 $0x1082;
	[sflag:s4] =	ssyncset.s32 $0xFFFFF086  }
0x25: {  	[simem:s6], [sflag:s4] =	dma.local [hbm:s3], $0xF7A  }
0x26: {  	[smem:$0x3F9B] =	sst s1;
	(tag) =	ssettag s2;
	_ =	strace s9  }
0x27: {  	s1 =	sld [smem:$0x3FAB]  }
0x28: {  	s2 =	sld [smem:$0x3FAC]  }
0x29: {  	s4 =	sld [smem:$0x3FAE]  }
0x2a: {  	p0 =	seq.s32 s5, $0x0;
	s5 =	sld [smem:$0x3FAF]  }
0x2b: {  	s6 =	sld [smem:$0x3FB0]  }
0x2c: {  	s7 =	sld [smem:$0x3FB1]  }
0x2d: {  	s3 =	simm.s32 $0x108;
	s8 =	sld [smem:$0x3FB2]  }
0x2e: {  	s3 =	simm.s32 @!p0 $0x1082;
	s9 =	sld [smem:$0x3FB3]  }
0x2f: {  	lr =	sadd.s32 s0, s3;
	s0 =	sld [smem:$0x3FAA]  }
0x30: {  	s3 =	sld [smem:$0x3FAD]  }
0x31: {  	[smem:$0x3FB6] =	sst s10  }
0x32: {  	s10 =	sld [smem:$0x3FB4];
	_ =	sdelay $0x3  }
0x33: {  	p0 =	seq.s32 s10, $0x1;
	s10 =	sld [smem:$0x3FB6];
	_ =	sdelay $0x3  }
0x34: {  	[smem:$0x3FB6] =	sst s10  }
0x35: {  	s10 =	sld [smem:$0x3FB5];
	_ =	sdelay $0x3  }
0x36: {  	p1 =	seq.s32 s10, $0x1;
	s10 =	sld [smem:$0x3FB6];
	_ =	sdelay $0x3  }
0x37: {  	[smem:$0x3FB6] =	sst s10  }
0x38: {  	s10 =	sld [smem:$0x3FB7]  }
0x39: {  	_ = 	snop;
	(pc) =	sbr.ind lr, $3  }
0x3a: {  	_ = 	snop  }
0x3b: {  	_ = 	snop  }
0x3c: {  	p2 =	seq.s32 s10, $0x1;
	s10 =	sld [smem:$0x3FB6]  }
0x3d: {  	_ =	shalt  }
0x3e: {  	_ =	shalt  }
0x3f: {  	_ =	shalt  }
0x40: {  	_ =	shalt  }
0x41: {  	_ =	shalt  }
0x42: {  	_ =	shalt  }
0x43: {  	_ =	shalt  }
0x44: {  	_ =	shalt  }
0x45: {  	_ =	shalt  }
0x46: {  	_ =	shalt  }
0x47: {  	_ =	shalt  }
0x48: {  	_ =	shalt  }
0x49: {  	_ =	shalt  }
0x4a: {  	_ =	shalt  }
0x4b: {  	_ =	shalt  }
0x4c: {  	_ =	shalt  }
0x4d: {  	_ =	shalt  }
0x4e: {  	_ =	shalt  }
0x4f: {  	_ =	shalt  }
0x50: {  	_ =	shalt  }
0x51: {  	_ =	shalt  }
0x52: {  	_ =	shalt  }
0x53: {  	_ =	shalt  }
0x54: {  	_ =	shalt  }
0x55: {  	_ =	shalt  }
0x56: {  	_ =	shalt  }
0x57: {  	_ =	shalt  }
0x58: {  	_ =	shalt  }
0x59: {  	_ =	shalt  }
0x5a: {  	_ =	shalt  }
0x5b: {  	_ =	shalt  }
0x5c: {  	_ =	shalt  }
0x5d: {  	_ =	shalt  }
0x5e: {  	_ =	shalt  }
0x5f: {  	_ =	shalt  }
0x60: {  	_ =	shalt  }
0x61: {  	_ =	shalt  }
0x62: {  	_ =	shalt  }
0x63: {  	_ =	shalt  }
0x64: {  	_ =	shalt  }
0x65: {  	_ =	shalt  }
0x66: {  	_ =	shalt  }
0x67: {  	_ =	shalt  }
0x68: {  	_ =	shalt  }
0x69: {  	_ =	shalt  }
0x6a: {  	_ =	shalt  }
0x6b: {  	_ =	shalt  }
0x6c: {  	_ =	shalt  }
0x6d: {  	_ =	shalt  }
0x6e: {  	_ =	shalt  }
0x6f: {  	_ =	shalt  }
0x70: {  	_ =	shalt  }
0x71: {  	_ =	shalt  }
0x72: {  	_ =	shalt  }
0x73: {  	_ =	shalt  }
0x74: {  	_ =	shalt  }
0x75: {  	_ =	shalt  }
0x76: {  	_ =	shalt  }
0x77: {  	_ =	shalt  }
0x78: {  	_ =	shalt  }
0x79: {  	_ =	shalt  }
0x7a: {  	_ =	shalt  }
0x7b: {  	_ =	shalt  }
0x7c: {  	_ =	shalt  }
0x7d: {  	_ =	shalt  }
0x7e: {  	_ =	shalt  }
0x7f: {  	_ =	shalt  }
0x80: {  	_ =	shalt  }
0x81: {  	_ =	shalt  }
0x82: {  	_ =	shalt  }
0x83: {  	_ =	shalt  }
0x84: {  	_ =	shalt  }
0x85: {  	_ =	shalt  }
0x86: {  	_ =	shalt  }
0x87: {  	_ =	shalt  }
.Lfunc_end0:
.L_simem_size_0:
called_computation.4_lowered:
.L_overlay_start_0:
0x88: {  	s2 =	sld [smem:$0x3FD9]  }
0x89: {  	s3 =	sld [smem:$0x3FFE];
	_ =	sdelay $0x1  }
0x8a: {  	s1 =	srdreg.scid  }
0x8b: {  	s0 =	sand.u32 $0x1, s1  }
0x8c: {  	s17 =	sshll.u32 s0, $0xA;
	s2 =	sadd.s32 s3, s2  }
0x8d: {  	s2 =	sadd.s32 s2, s17  }
0x8e: {  	[smem:$0x3FC2] =	sst s2  }
0x8f: {  	_ = 	snop  }
0x90: {  	s2 =	sld [smem:$0x3FD0];
	(tm) =	ssettm $0x1  }
0x91: {  	s18 =	sld [smem:$0x3FFB];
	_ =	sdelay $0x3  }
0x92: {  	_ =	strace s18  }
0x93: {  	s3 =	sld [smem:$0x3FFC];
	_ =	sdelay $0x3  }
0x94: {  	_ =	strace s3  }
0x95: {  	s3 =	sld [smem:$0x3FFD];
	_ =	sdelay $0x3  }
0x96: {  	_ =	strace s3  }
0x97: {  	_ =	strace $0x8FFFFFFF  }
0x98: {  	s19 =	sld [smem:$0x3FDB];
	_ =	sdelay $0x1  }
0x99: {  	s4 =	simm.s32 $_scs_section_size  }
0x9a: {  	s5 =	simm.s32 $_size__tile_overlayer_lowered;
	s6 =	simm.s32 $_tile_overlayer_lowered  }
0x9b: {  	s22 =	simm.s32 $0x1BFF;
	s21 =	sshll.u32 s6, $0x1;
	s3 =	sadd.s32 s4, s19  }
0x9c: {  	s7 =	simm.s32 $0x0;
	s20 =	sshll.u32 s5, $0x1;
	s5 =	sadd.s32 s21, s3  }
0x9d: {  	[timem:s7], [sflag:s22] =	dma.local [hbm:s5], s20  }
0x9e: {  	_ =	swait.ge [sflag:s22], s20  }
0x9f: {  	s4 =	ssub.s32 $0x0, s20;
	[sflag:s22] =	ssyncset.done $0x0  }
0xa0: {  	[sflag:s22] =	ssyncadd.s32 s4;
	_ =	sdelay $0x1  }
0xa1: {  	s23 =	simm.s32 $0x1B8B  }
0xa2: {  	_ =	swait.ge [sflag:s23], $0x1  }
0xa3: {  	[sflag:s23] =	ssyncset.done $0x0  }
0xa4: {  	s25 =	simm.s32 $0x1B8E;
	s24 =	sld [smem:$0x3FFE];
	[sflag:s23] =	ssyncadd.s32 $0xFFFFFFFF  }
0xa5: {  	s26 =	simm.s32 $execute0_lowered;
	[smem:$0x3FD2] =	sst s25  }
0xa6: {  	s5 =	sshll.u32 s26, $0x1;
	_ =	strace $0x80000052;
	[dreg:$0x1] =	wrdreg $0xFFFFFFFF  }
0xa7: {  	s28 =	simm.s32 $_size_execute0_lowered;
	s3 =	sadd.s32 s3, s5;
	[dreg:$0x0] =	wrdreg $0x0  }
0xa8: {  	s5 =	sshll.u32 s28, $0x1;
	[dreg:$0x2] =	wrdreg s3  }
0xa9: {  	[dreg:$0x3] =	wrdreg s5  }
0xaa: {  	[dreg:$0x4] =	wrdreg $0xC0  }
0xab: {  	_ =	task [dreg:s7], $0x5FFFF  }
0xac: {  	[dreg:$0x1] =	wrdreg $0xFFFFFFFF  }
0xad: {  	[dreg:$0x0] =	wrdreg $0x60  }
0xae: {  	[dreg:$0x2] =	wrdreg s2  }
0xaf: {  	[dreg:$0x3] =	wrdreg s24  }
0xb0: {  	[dreg:$0x4] =	wrdreg $0x9F000  }
0xb1: {  	[dreg:$0x5] =	wrdreg $0x9  }
0xb2: {  	_ =	task.clear_ibuf [dreg:s7], $0x6FFFF;
	_ =	strace $0x90000052  }
0xb3: {  	s29 =	simm.s32 $0x9;
	_ =	strace $0x80000054  }
0xb4: {  	_ =	swait.ge [sflag:s29], $0x1  }
0xb5: {  	[sflag:s29] =	ssyncadd.s32 $0xFFFFFFFF  }
0xb6: {  	_ =	strace $0x90000054  }
0xb7: {  	_ =	sfence  }
0xb8: {  	s30 =	sld [smem:$0x0];
	_ =	sdelay $0x2  }
0xb9: {  	s31 =	sshll.u32 s1, $0xD;
	s1 =	sshrl.u32 s1, $0x2  }
0xba: {  	s3 =	sand.u32 $0x4000, s31;
	s1 =	sadd.s32 s1, s30  }
0xbb: {  	s0 =	sor.u32 s3, s0;
	s1 =	sshll.u32 s1, $0x11  }
0xbc: {  	s0 =	sor.u32 s1, s0  }
0xbd: {  	s0 =	sadd.s32 $0x8F2B, s0  }
0xbe: {  	[sflag:s0] =	ssyncadd.remote.s32 $0x1  }
0xbf: {  	_ =	sfence.sel $0xFFFF  }
0xc0: {  	[dreg:$0x0] =	wrdreg $0xFFFFFFFF;
	(pc) =	sbr.abs _section_cstart, $3  }
0xc1: {  	[dreg:$0x1] =	wrdreg $0xFFFFFFFF  }
0xc2: {  	_ =	task.clear_ibuf [dreg:s7], $0x2FFFF;
	_ =	strace $0x9FFFFFFF  }
0xc3: {  	(tm) =	ssettm $0x7FFFFFFF  }
tec
execute0_lowered:
.L_overlay_start_1:
0x0: {  	(tag) =	ssettag $0x1  }
0x1: {  	s0 =	rddreg [dreg:$0x0]  }
0x2: {  	s2 =	rddreg [dreg:$0x1]  }
0x3: {  	s1 =	rddreg [dreg:$0x2]  }
0x4: {  	s3 =	srdreg.scid;
	s11 =	stileid.u32;
	s28 =	simm.s32 $0x6B00  }
0x5: {  	s29 =	simm.s32 $0x7;
	s30 =	simm.s32 $0x1;
	s31 =	simm.s32 $0x80  }
0x6: {  	s5 =	sand.u32 $0x1, s3;
	s3 =	simm.s32 $0x0;
	s7 =	smul.u32 $0x13C00, s11  }
0x7: {  	s4 =	sadd.s32 $0x5000, s2;
	s8 =	sadd.s32 $0x54000, s2;
	s9 =	smul.u32 $0x4F000, s11  }
0x8: {  	s12 =	sshll.u32 s11, $0x1;
	s16 =	sshll.u32 s11, $0x6;
	s18 =	smul.u32 $0xC800, s11  }
0x9: {  	s6 =	smul.u32 $0x13C000, s5;
	[smem:$0x7FF] =	sst s3;
	s13 =	ssub.s32 $0x2, s5  }
0xa: {  	_ =	strace $0x80000053;
	[dreg:$0x4] =	wrdreg s8;
	s10 =	sshrl.u32 s13, $0x1  }
0xb: {  	s15 =	sshrl.u32 s9, $0x2;
	[dreg:$0x5] =	wrdreg s16;
	s6 =	sadd.s32 s7, s6  }
0xc: {  	s7 =	sor.u32 s5, s12;
	s14 =	ssub.s32 s13, s10;
	s9 =	sadd.s32 s15, s1  }
0xd: {  	s10 =	sor.u32 $0x1C07, s16;
	s5 =	smul.u32 $0x6400, s5;
	s6 =	sshrl.u32 s6, $0x3  }
0xe: {  	s7 =	smul.u32 $0x6400, s7;
	[dreg:$0x6] =	wrdreg s10;
	s2 =	sadd.s32 s6, s2  }
0xf: {  	s6 =	smax.u32 s14, $0x1;
	s22 =	sadd.s32 s5, s18;
	s18 =	sshrl.u32 s9, $0x3  }
0x10: {  	s9 =	simm.s32 $0x0;
	s17 =	sshrl.u32 s7, $0x3;
	s7 =	sor.u32 $0x300, s7  }
0x11: {  	s2 =	sadd.s32 $0x56800, s2;
	[dreg:$0xb] =	wrdreg s6;
	s24 =	sadd.s32 $0x700, s22  }
0x12: {  	s25 =	sadd.s32 $0x600, s22;
	s8 =	sadd.s32 s0, s17;
	[dreg:$0xa] =	wrdreg s2  }
0x13: {  	s21 =	sshrl.u32 s7, $0x3;
	s19 =	sadd.s32 $0x20, s8;
	[dreg:$0x7] =	wrdreg s8  }
0x14: {  	s5 =	sshrl.u32 s24, $0x3;
	s20 =	sadd.s32 $0x40, s8;
	[dreg:$0x8] =	wrdreg s19  }
0x15: {  	s6 =	sshrl.u32 s25, $0x3;
	s2 =	sadd.s32 s0, s21;
	[dreg:$0x9] =	wrdreg s20  }
0x16: {  	s24 =	simm.s32 $0x5;
	s23 =	sadd.s32 $0x80, s8;
	[dreg:$0xc] =	wrdreg s2  }
0x17: {  	s25 =	simm.s32 $0x3700;
	s5 =	sadd.s32 s5, s0;
	[dreg:$0xd] =	wrdreg s23  }
0x18: {  	s7 =	simm.s32 $0x9;
	s26 =	sadd.s32 s6, s0;
	[dreg:$0xe] =	wrdreg s5  }
0x19: {  	s21 =	simm.s32 $0x4;
	s2 =	sadd.s32 $0x500, s22;
	[dreg:$0xf] =	wrdreg s26  }
0x1a: {  	s19 =	simm.s32 $0x100;
	s22 =	simm.s32 $0x64;
	s23 =	simm.s32 $0x300  }
0x1b: {  	s26 =	simm.s32 $0x6;
	s5 =	simm.s32 $0x3;
	s2 =	sshrl.u32 s2, $0x3  }
0x1c: {  	s10 =	sadd.s32 s2, s0;
	s0 =	simm.s32 $0x2;
	s2 =	simm.s32 $0x8  }
.LBB2_1:
0x1d: {  	s6 =	rddreg [dreg:$0x4]  }
0x1e: {  	s8 =	rddreg [dreg:$0x6]  }
0x1f: {  	[spmem:s18], [sflag:s8] =	dma.local [hbm:s6], $0x2780  }
0x20: {  	s6 =	rddreg [dreg:$0x7]  }
0x21: {  	[tilespmem:s3], [sflag:$0x4] =	stream.linear.gather [hbm4b:s6+s3], $0x100, $0x38;
	[tilespmem:$0x1DB00] =	vst v63  }
0x22: {  	s12 =	rddreg [dreg:$0x8]  }
0x23: {  	[tilespmem:s19], [sflag:$0x5] =	stream.linear.gather [hbm4b:s12+s3], $0x100, $0x38;
	[tilespmem:$0x1DB00] =	vst v63  }
0x24: {  	s14 =	simm.s32 $0x200;
	s13 =	rddreg [dreg:$0x9]  }
0x25: {  	[tilespmem:s14], [sflag:$0x6] =	stream.linear.gather [hbm4b:s13+s3], $0x100, $0x38;
	[tilespmem:$0x1DB00] =	vst v63  }
0x26: {  	_ =	swait.ge [sflag:s21], $0x100  }
0x27: {  	[sflag:s21] =	ssyncset.done $0x0  }
0x28: {  	[sflag:s21] =	ssyncadd.s32 $0xFFFFFF00  }
0x29: {  	[tilespmem:s23], [sflag:$0x1] =	stream.indirect.gather [hbm4b:s4+s22], $0x80, s3, s22, $0xb8;
	[tilespmem:$0x1DB00] =	vst v63  }
0x2a: {  	_ =	swait.ge [sflag:s24], $0x100  }
0x2b: {  	[sflag:s24] =	ssyncset.done $0x0  }
0x2c: {  	[sflag:s24] =	ssyncadd.s32 $0xFFFFFF00  }
0x2d: {  	[tilespmem:s25], [sflag:$0x2] =	stream.indirect.gather [hbm4b:s4+s22], $0x80, s19, s22, $0xb8;
	[tilespmem:$0x1DB00] =	vst v63  }
0x2e: {  	_ =	swait.ge [sflag:s26], $0x100  }
0x2f: {  	[sflag:s26] =	ssyncset.done $0x0  }
0x30: {  	[sflag:s26] =	ssyncadd.s32 $0xFFFFFF00  }
0x31: {  	[tilespmem:s28], [sflag:$0x3] =	stream.indirect.gather [hbm4b:s4+s22], $0x80, s14, s22, $0xb8;
	[tilespmem:$0x1DB00] =	vst v63  }
0x32: {  	_ =	swait.ge [sflag:s29], $0x2780  }
0x33: {  	[sflag:s29] =	ssyncset.done $0x0  }
0x34: {  	[sflag:s29] =	ssyncadd.s32 $0xFFFFD880  }
0x35: {  	[bflag:$0x0] =	sbarrier.arrive $0xFFFF  }
0x36: {  	_ =	swait.ge [sflag:s30], $0x3200  }
0x37: {  	[sflag:s30] =	ssyncset.done $0x0  }
0x38: {  	[sflag:s30] =	ssyncadd.s32 $0xFFFFCE00  }
0x39: {  	[spmem:s1] =	stream.indirect.scatter.add.f32 [tilespmem:s23], [sflag:$0x8], $0x80, s31, s22, $0xb8;
	[tilespmem:$0x1DB00] =	vst v63  }
0x3a: {  	_ =	swait.ge [sflag:s0], $0x3200  }
0x3b: {  	[sflag:s0] =	ssyncset.done $0x0  }
0x3c: {  	[sflag:s0] =	ssyncadd.s32 $0xFFFFCE00  }
0x3d: {  	_ =	swait.ge [sflag:s2], $0x3200  }
0x3e: {  	[sflag:s2] =	ssyncset.done $0x0  }
0x3f: {  	s15 =	simm.s32 $0x180;
	[sflag:s2] =	ssyncadd.s32 $0xFFFFCE00  }
0x40: {  	[spmem:s1] =	stream.indirect.scatter.add.f32 [tilespmem:s25], [sflag:$0x8], $0x80, s15, s22, $0xb8;
	[tilespmem:$0x1DB00] =	vst v63  }
0x41: {  	s16 =	rddreg [dreg:$0xc]  }
0x42: {  	[tilespmem:s3], [sflag:$0x4] =	stream.linear.gather [hbm4b:s16+s3], $0x100, $0x38;
	[tilespmem:$0x1DB00] =	vst v63  }
0x43: {  	_ =	swait.ge [sflag:s21], $0x100  }
0x44: {  	[sflag:s21] =	ssyncset.done $0x0  }
0x45: {  	[sflag:s21] =	ssyncadd.s32 $0xFFFFFF00  }
0x46: {  	[tilespmem:s23], [sflag:$0x1] =	stream.indirect.gather [hbm4b:s4+s22], $0x80, s3, s22, $0xb8;
	[tilespmem:$0x1DB00] =	vst v63  }
0x47: {  	_ =	swait.ge [sflag:s5], $0x3200  }
0x48: {  	[sflag:s5] =	ssyncset.done $0x0  }
0x49: {  	[sflag:s5] =	ssyncadd.s32 $0xFFFFCE00  }
0x4a: {  	_ =	swait.ge [sflag:s2], $0x3200  }
0x4b: {  	[sflag:s2] =	ssyncset.done $0x0  }
0x4c: {  	s17 =	simm.s32 $0x280;
	[sflag:s2] =	ssyncadd.s32 $0xFFFFCE00  }
0x4d: {  	[spmem:s1] =	stream.indirect.scatter.add.f32 [tilespmem:s28], [sflag:$0x8], $0x80, s17, s22, $0xb8;
	[tilespmem:$0x1DB00] =	vst v63  }
0x4e: {  	s20 =	rddreg [dreg:$0xd]  }
0x4f: {  	[tilespmem:s19], [sflag:$0x5] =	stream.linear.gather [hbm4b:s20+s3], $0x100, $0x38;
	[tilespmem:$0x1DB00] =	vst v63  }
0x50: {  	_ =	swait.ge [sflag:s24], $0x100  }
0x51: {  	s6 =	simm.s32 $0xFFFFFFDF;
	[sflag:s24] =	ssyncset.done $0x0;
	s16 =	rddreg [dreg:$0xf]  }
0x52: {  	s17 =	smov.u32 s10;
	s15 =	rddreg [dreg:$0xe];
	[sflag:s24] =	ssyncadd.s32 $0xFFFFFF00  }
0x53: {  	[tilespmem:s25], [sflag:$0x2] =	stream.indirect.gather [hbm4b:s4+s22], $0x80, s19, s22, $0xb8;
	[tilespmem:$0x1DB00] =	vst v63  }
.LBB2_2:
0x54: {  	_ =	swait.ge [sflag:s30], $0x3200  }
0x55: {  	[sflag:s30] =	ssyncset.done $0x0  }
0x56: {  	[sflag:s30] =	ssyncadd.s32 $0xFFFFCE00  }
0x57: {  	_ =	swait.ge [sflag:s2], $0x3200  }
0x58: {  	[sflag:s2] =	ssyncset.done $0x0  }
0x59: {  	p0 =	seq.s32 s6, $0xFFFFFFFF;
	[sflag:s2] =	ssyncadd.s32 $0xFFFFCE00  }
0x5a: {  	[spmem:s1] =	stream.indirect.scatter.add.f32 [tilespmem:s23], [sflag:$0x8], $0x80, s31, s22, $0xb8;
	[tilespmem:$0x1DB00] =	vst v63  }
0x5b: {  	s13 =	simm.s32 @!p0 $0x0;
	s14 =	simm.s32 @!p0 $0x200;
	s8 =	simm.s32 @!p0 $0x6  }
0x5c: {  	[tilespmem:s14], [sflag:$0x6] =	stream.linear.gather @!p0 [hbm4b:s17+s13], $0x100, $0x38;
	[tilespmem:$0x1DB00] =	vst v63  }
0x5d: {  	_ =	swait.ge @!p0 [sflag:s8], $0x100  }
0x5e: {  	[sflag:s8] =	ssyncset.done @!p0 $0x0  }
0x5f: {  	s12 =	simm.s32 @!p0 $0x6B00;
	[sflag:s8] =	ssyncadd.s32 @!p0 $0xFFFFFF00;
	s8 =	simm.s32 @!p0 $0x64  }
0x60: {  	[tilespmem:s12], [sflag:$0x3] =	stream.indirect.gather @!p0 [hbm4b:s4+s8], $0x80, s14, s8, $0xb8;
	[tilespmem:$0x1DB00] =	vst v63  }
0x61: {  	s14 =	simm.s32 @!p0 $0x2  }
0x62: {  	_ =	swait.ge @!p0 [sflag:s14], $0x3200  }
0x63: {  	[sflag:s14] =	ssyncset.done @!p0 $0x0  }
0x64: {  	[sflag:s14] =	ssyncadd.s32 @!p0 $0xFFFFCE00;
	s14 =	simm.s32 @!p0 $0x8  }
0x65: {  	_ =	swait.ge @!p0 [sflag:s14], $0x3200  }
0x66: {  	[sflag:s14] =	ssyncset.done @!p0 $0x0  }
0x67: {  	s11 =	simm.s32 @!p0 $0x180;
	s20 =	simm.s32 @!p0 $0x3700;
	[sflag:s14] =	ssyncadd.s32 @!p0 $0xFFFFCE00  }
0x68: {  	[spmem:s1] =	stream.indirect.scatter.add.f32 @!p0 [tilespmem:s20], [sflag:$0x8], $0x80, s11, s8, $0xb8;
	[tilespmem:$0x1DB00] =	vst v63  }
0x69: {  	s11 =	simm.s32 @!p0 $0x4  }
0x6a: {  	[tilespmem:s13], [sflag:$0x4] =	stream.linear.gather @!p0 [hbm4b:s16+s13], $0x100, $0x38;
	[tilespmem:$0x1DB00] =	vst v63  }
0x6b: {  	_ =	swait.ge @!p0 [sflag:s11], $0x100  }
0x6c: {  	[sflag:s11] =	ssyncset.done @!p0 $0x0  }
0x6d: {  	[sflag:s11] =	ssyncadd.s32 @!p0 $0xFFFFFF00;
	s11 =	simm.s32 @!p0 $0x300  }
0x6e: {  	[tilespmem:s11], [sflag:$0x1] =	stream.indirect.gather @!p0 [hbm4b:s4+s8], $0x80, s13, s8, $0xb8;
	[tilespmem:$0x1DB00] =	vst v63  }
0x6f: {  	s11 =	simm.s32 @!p0 $0x3  }
0x70: {  	_ =	swait.ge @!p0 [sflag:s11], $0x3200  }
0x71: {  	[sflag:s11] =	ssyncset.done @!p0 $0x0  }
0x72: {  	[sflag:s11] =	ssyncadd.s32 @!p0 $0xFFFFCE00  }
0x73: {  	s11 =	sadd.s32 $0x22, s6;
	_ =	swait.ge @!p0 [sflag:s14], $0x3200  }
0x74: {  	p1 =	sgt.u32 @!p0 s11, $0x1F;
	[sflag:s14] =	ssyncset.done @!p0 $0x0  }
0x75: {  	s13 =	simm.s32 @!p0 $0x280;
	p1 =	por p1, p0;
	[sflag:s14] =	ssyncadd.s32 @!p0 $0xFFFFCE00  }
0x76: {  	[spmem:s1] =	stream.indirect.scatter.add.f32 @!p0 [tilespmem:s12], [sflag:$0x8], $0x80, s13, s8, $0xb8;
	[tilespmem:$0x1DB00] =	vst v63  }
0x77: {  	s11 =	simm.s32 @!p1 $0x100;
	s8 =	simm.s32 @!p1 $0x0  }
0x78: {  	[tilespmem:s11], [sflag:$0x5] =	stream.linear.gather @!p1 [hbm4b:s15+s8], $0x100, $0x38;
	[tilespmem:$0x1DB00] =	vst v63  }
0x79: {  	s8 =	simm.s32 @!p1 $0x5  }
0x7a: {  	_ =	swait.ge @!p1 [sflag:s8], $0x100  }
0x7b: {  	s6 =	sadd.s32 @!p0 $0x1, s6;
	[sflag:s8] =	ssyncset.done @!p1 $0x0  }
0x7c: {  	s12 =	simm.s32 @!p1 $0x3700;
	[sflag:s8] =	ssyncadd.s32 @!p1 $0xFFFFFF00;
	s8 =	simm.s32 @!p1 $0x64  }
0x7d: {  	[tilespmem:s12], [sflag:$0x2] =	stream.indirect.gather @!p1 [hbm4b:s4+s8], $0x80, s11, s8, $0xb8;
	[tilespmem:$0x1DB00] =	vst v63  }
0x7e: {  	p1 =	seq.s32 @!p0 s6, $0x0  }
0x7f: {  	p1 =	por p0, p1  }
.Ltmp0:
0x80: {  	_ = 	snop;
	(pc) =	sbr.rel @!p1 .LBB2_2-.Ltmp0, $2  }
0x81: {  	_ =	sdelay $0x2  }
0x82: {  	s17 =	sadd.s32 @!p0 $0x60, s17;
	s16 =	sadd.s32 @!p0 $0x60, s16;
	s15 =	sadd.s32 @!p0 $0x60, s15  }
0x83: {  	_ =	swait.ge [sflag:s2], $0x3200  }
0x84: {  	[sflag:s2] =	ssyncset.done $0x0  }
0x85: {  	[sflag:s2] =	ssyncadd.s32 $0xFFFFCE00  }
0x86: {  	[bflag:$0x0] =	sbarrier.arrive $0xFFFF  }
0x87: {  	s6 =	rddreg [dreg:$0x5]  }
0x88: {  	s8 =	rddreg [dreg:$0xa];
	s6 =	sor.u32 $0x1C09, s6  }
0x89: {  	[hbm:s8], [sflag:s6] =	dma.local [spmem:s18], $0x2780  }
0x8a: {  	_ =	swait.ge [sflag:s7], $0x2780  }
0x8b: {  	s9 =	sadd.s32 $0x1, s9;
	s20 =	rddreg [dreg:$0xb]  }
0x8c: {  	p0 =	sne.s32 s9, s20  }
.Ltmp1:
0x8d: {  	_ = 	snop;
	(pc) =	sbr.rel @p0 .LBB2_1-.Ltmp1, $3  }
0x8e: {  	_ =	sdelay $0x1  }
0x8f: {  	[sflag:s7] =	ssyncset.done $0x0  }
0x90: {  	[sflag:s7] =	ssyncadd.s32 $0xFFFFD880  }
0x91: {  	_ =	sfence.sel $0x180000  }
0x92: {  	[bflag:$0x0] =	sbarrier.arrive $0xFFFF  }
0x93: {  	_ =	strace $0x90000053  }
0x94: {  	s0 =	stileid.u32;
	[bflag:$0x2] =	sbarrier.arrive $0xFFFF  }
0x95: {  	p0 =	sne.s32 s0, $0x0;
	s0 =	rddreg [dreg:$0x3]  }
0x96: {  	s0 =	sadd.s32 @!p0 $0x100000, s0  }
0x97: {  	[sflag:s0] =	ssyncadd.tile.s32 @!p0 $0x1;
	_ =	shalt  }
.Lfunc_end2:
_tile_overlayer_lowered:
.L_overlay_start_2:
0x98: {  	(tag) =	ssettag $0x2  }
0x99: {  	s0 =	rddreg [dreg:$0x0];
	s2 =	stileid.u32  }
0x9a: {  	s1 =	rddreg [dreg:$0x1];
	p0 =	sne.s32 s2, $0x0  }
0x9b: {  	s3 =	rddreg [dreg:$0x2];
	[bflag:$0x3] =	sbarrier.arrive $0xFFFF;
	s2 =	simm.s32 @!p0 $0x1C09  }
0x9c: {  	[timem:s3], [sflag:s2] =	dma.local @!p0 [hbm:s0], s1  }
0x9d: {  	s0 =	simm.s32 @!p0 $0x9  }
0x9e: {  	_ =	swait.ge @!p0 [sflag:s0], s1  }
0x9f: {  	s1 =	ssub.s32 @!p0 $0x0, s1;
	[sflag:s0] =	ssyncset.done @!p0 $0x0  }
0xa0: {  	[sflag:s0] =	ssyncadd.s32 @!p0 s1  }
0xa1: {  	[bflag:$0x3] =	sbarrier.arrive $0xFFFF  }
0xa2: {  	_ =	shalt  }

// kernel: kernel.32.cloned.1.call-start
scs
__scs_entry_jumppad:
0x0: {  	(pc) =	sbr.rel $0x88, $3  }
0x1: {  	(tag) =	ssettag $0x0;
	lr =	simm.s32 $0x1  }
0x2: {  	[smem:$0x3F9B] =	sst lr;
	_ =	strace $0xD0000000  }
0x3: {  	_ = 	snop  }
0x4: {  	_ = 	snop  }
0x5: {  	_ = 	snop  }
0x6: {  	_ = 	snop  }
0x7: {  	_ = 	snop  }
__scs_overlays_trampoline_lowered:
0x8: {  	[smem:$0x3FAA] =	sst s0  }
0x9: {  	[smem:$0x3FAB] =	sst s1  }
0xa: {  	[smem:$0x3FAC] =	sst s2  }
0xb: {  	[smem:$0x3FAD] =	sst s3  }
0xc: {  	[smem:$0x3FAE] =	sst s4  }
0xd: {  	[smem:$0x3FAF] =	sst s5  }
0xe: {  	[smem:$0x3FB0] =	sst s6  }
0xf: {  	[smem:$0x3FB1] =	sst s7  }
0x10: {  	[smem:$0x3FB2] =	sst s8  }
0x11: {  	[smem:$0x3FB3] =	sst s9;
	s0 =	simm.s32 @!p0 $0x0  }
0x12: {  	s1 =	sld [smem:$0x3F99];
	s0 =	simm.s32 @p0 $0x1  }
0x13: {  	[smem:$0x3FB4] =	sst s0;
	s0 =	simm.s32 @!p1 $0x0  }
0x14: {  	s2 =	sld [smem:$0x3F98];
	s0 =	simm.s32 @p1 $0x1  }
0x15: {  	[smem:$0x3FB5] =	sst s0;
	s0 =	simm.s32 @!p2 $0x0  }
0x16: {  	s3 =	sld [smem:$0x3FDB];
	s0 =	simm.s32 @p2 $0x1  }
0x17: {  	s4 =	simm.s32 $0x1BF5;
	[smem:$0x3FB7] =	sst s0  }
0x18: {  	s0 =	sld [smem:$0x3F9A];
	_ =	swait.ge [sflag:s4], $0x0  }
0x19: {  	s7 =	sld [smem:$0x3F9B]  }
0x1a: {  	s8 =	sadd.s32 $0xFFFFE003, lr  }
0x1b: {  	s9 =	sadd.s32 $0xFFFFFEF7, lr;
	s5 =	simm.s32 $0xFFFFFFFF;
	p2 =	slt.u32 s8, $0xFFFFF086  }
0x1c: {  	p1 =	slt.u32 s9, $0xF7A;
	s5 =	simm.s32 @!p2 $0x0  }
0x1d: {  	s5 =	simm.s32 @p1 $0x1;
	p0 =	seq.s32 s7, s2  }
0x1e: {  	s7 =	smul.u32 @!p0 $0xF7A, s2;
	p2 =	seq.s32 @!p0 s5, $0x0  }
0x1f: {  	s9 =	smul.u32 $0xF7A, s1;
	s8 =	simm.s32 @!p0 $0x1BF5;
	p2 =	por !p2, p0  }
0x20: {  	[sflag:s8] =	ssyncset.s32 @!p0 $0xFFFFF086;
	s6 =	sadd.s32 @!p0 s3, s7;
	s7 =	simm.s32 @!p0 $0x108  }
0x21: {  	s3 =	sadd.s32 s3, s9;
	s6 =	sadd.s32 @!p0 $0x88, s6;
	s7 =	simm.s32 @p2 $0x1082  }
0x22: {  	[simem:s7], [sflag:s8] =	dma.local @!p0 [hbm:s6], $0xF7A  }
0x23: {  	s9 =	sor.u32 $0xD0000000, s2;
	s6 =	simm.s32 $0x108;
	_ =	swait.ge @!p0 [sflag:s8], $0x0  }
0x24: {  	s3 =	sadd.s32 $0x88, s3;
	s6 =	simm.s32 @!p1 $0x1082;
	[sflag:s4] =	ssyncset.s32 $0xFFFFF086  }
0x25: {  	[simem:s6], [sflag:s4] =	dma.local [hbm:s3], $0xF7A  }
0x26: {  	[smem:$0x3F9B] =	sst s1;
	(tag) =	ssettag s2;
	_ =	strace s9  }
0x27: {  	s1 =	sld [smem:$0x3FAB]  }
0x28: {  	s2 =	sld [smem:$0x3FAC]  }
0x29: {  	s4 =	sld [smem:$0x3FAE]  }
0x2a: {  	p0 =	seq.s32 s5, $0x0;
	s5 =	sld [smem:$0x3FAF]  }
0x2b: {  	s6 =	sld [smem:$0x3FB0]  }
0x2c: {  	s7 =	sld [smem:$0x3FB1]  }
0x2d: {  	s3 =	simm.s32 $0x108;
	s8 =	sld [smem:$0x3FB2]  }
0x2e: {  	s3 =	simm.s32 @!p0 $0x1082;
	s9 =	sld [smem:$0x3FB3]  }
0x2f: {  	lr =	sadd.s32 s0, s3;
	s0 =	sld [smem:$0x3FAA]  }
0x30: {  	s3 =	sld [smem:$0x3FAD]  }
0x31: {  	[smem:$0x3FB6] =	sst s10  }
0x32: {  	s10 =	sld [smem:$0x3FB4];
	_ =	sdelay $0x3  }
0x33: {  	p0 =	seq.s32 s10, $0x1;
	s10 =	sld [smem:$0x3FB6];
	_ =	sdelay $0x3  }
0x34: {  	[smem:$0x3FB6] =	sst s10  }
0x35: {  	s10 =	sld [smem:$0x3FB5];
	_ =	sdelay $0x3  }
0x36: {  	p1 =	seq.s32 s10, $0x1;
	s10 =	sld [smem:$0x3FB6];
	_ =	sdelay $0x3  }
0x37: {  	[smem:$0x3FB6] =	sst s10  }
0x38: {  	s10 =	sld [smem:$0x3FB7]  }
0x39: {  	_ = 	snop;
	(pc) =	sbr.ind lr, $3  }
0x3a: {  	_ = 	snop  }
0x3b: {  	_ = 	snop  }
0x3c: {  	p2 =	seq.s32 s10, $0x1;
	s10 =	sld [smem:$0x3FB6]  }
0x3d: {  	_ =	shalt  }
0x3e: {  	_ =	shalt  }
0x3f: {  	_ =	shalt  }
0x40: {  	_ =	shalt  }
0x41: {  	_ =	shalt  }
0x42: {  	_ =	shalt  }
0x43: {  	_ =	shalt  }
0x44: {  	_ =	shalt  }
0x45: {  	_ =	shalt  }
0x46: {  	_ =	shalt  }
0x47: {  	_ =	shalt  }
0x48: {  	_ =	shalt  }
0x49: {  	_ =	shalt  }
0x4a: {  	_ =	shalt  }
0x4b: {  	_ =	shalt  }
0x4c: {  	_ =	shalt  }
0x4d: {  	_ =	shalt  }
0x4e: {  	_ =	shalt  }
0x4f: {  	_ =	shalt  }
0x50: {  	_ =	shalt  }
0x51: {  	_ =	shalt  }
0x52: {  	_ =	shalt  }
0x53: {  	_ =	shalt  }
0x54: {  	_ =	shalt  }
0x55: {  	_ =	shalt  }
0x56: {  	_ =	shalt  }
0x57: {  	_ =	shalt  }
0x58: {  	_ =	shalt  }
0x59: {  	_ =	shalt  }
0x5a: {  	_ =	shalt  }
0x5b: {  	_ =	shalt  }
0x5c: {  	_ =	shalt  }
0x5d: {  	_ =	shalt  }
0x5e: {  	_ =	shalt  }
0x5f: {  	_ =	shalt  }
0x60: {  	_ =	shalt  }
0x61: {  	_ =	shalt  }
0x62: {  	_ =	shalt  }
0x63: {  	_ =	shalt  }
0x64: {  	_ =	shalt  }
0x65: {  	_ =	shalt  }
0x66: {  	_ =	shalt  }
0x67: {  	_ =	shalt  }
0x68: {  	_ =	shalt  }
0x69: {  	_ =	shalt  }
0x6a: {  	_ =	shalt  }
0x6b: {  	_ =	shalt  }
0x6c: {  	_ =	shalt  }
0x6d: {  	_ =	shalt  }
0x6e: {  	_ =	shalt  }
0x6f: {  	_ =	shalt  }
0x70: {  	_ =	shalt  }
0x71: {  	_ =	shalt  }
0x72: {  	_ =	shalt  }
0x73: {  	_ =	shalt  }
0x74: {  	_ =	shalt  }
0x75: {  	_ =	shalt  }
0x76: {  	_ =	shalt  }
0x77: {  	_ =	shalt  }
0x78: {  	_ =	shalt  }
0x79: {  	_ =	shalt  }
0x7a: {  	_ =	shalt  }
0x7b: {  	_ =	shalt  }
0x7c: {  	_ =	shalt  }
0x7d: {  	_ =	shalt  }
0x7e: {  	_ =	shalt  }
0x7f: {  	_ =	shalt  }
0x80: {  	_ =	shalt  }
0x81: {  	_ =	shalt  }
0x82: {  	_ =	shalt  }
0x83: {  	_ =	shalt  }
0x84: {  	_ =	shalt  }
0x85: {  	_ =	shalt  }
0x86: {  	_ =	shalt  }
0x87: {  	_ =	shalt  }
.Lfunc_end0:
.L_simem_size_0:
called_computation.5_lowered:
.L_overlay_start_0:
0x88: {  	s2 =	sld [smem:$0x3FD9]  }
0x89: {  	s3 =	sld [smem:$0x3FFE];
	_ =	sdelay $0x1  }
0x8a: {  	s1 =	srdreg.scid  }
0x8b: {  	s0 =	sand.u32 $0x1, s1  }
0x8c: {  	s17 =	sshll.u32 s0, $0xA;
	s2 =	sadd.s32 s3, s2  }
0x8d: {  	s2 =	sadd.s32 s2, s17  }
0x8e: {  	[smem:$0x3FC2] =	sst s2  }
0x8f: {  	_ = 	snop  }
0x90: {  	s2 =	sld [smem:$0x3FD0];
	(tm) =	ssettm $0x1  }
0x91: {  	s18 =	sld [smem:$0x3FFB];
	_ =	sdelay $0x3  }
0x92: {  	_ =	strace s18  }
0x93: {  	s3 =	sld [smem:$0x3FFC];
	_ =	sdelay $0x3  }
0x94: {  	_ =	strace s3  }
0x95: {  	s3 =	sld [smem:$0x3FFD];
	_ =	sdelay $0x3  }
0x96: {  	_ =	strace s3  }
0x97: {  	_ =	strace $0x8FFFFFFF  }
0x98: {  	s19 =	sld [smem:$0x3FDB];
	_ =	sdelay $0x1  }
0x99: {  	s4 =	simm.s32 $_scs_section_size  }
0x9a: {  	s5 =	simm.s32 $_size__tile_overlayer_lowered;
	s6 =	simm.s32 $_tile_overlayer_lowered  }
0x9b: {  	s22 =	simm.s32 $0x1BFF;
	s21 =	sshll.u32 s6, $0x1;
	s3 =	sadd.s32 s4, s19  }
0x9c: {  	s7 =	simm.s32 $0x0;
	s20 =	sshll.u32 s5, $0x1;
	s5 =	sadd.s32 s21, s3  }
0x9d: {  	[timem:s7], [sflag:s22] =	dma.local [hbm:s5], s20  }
0x9e: {  	_ =	swait.ge [sflag:s22], s20  }
0x9f: {  	s4 =	ssub.s32 $0x0, s20;
	[sflag:s22] =	ssyncset.done $0x0  }
0xa0: {  	[sflag:s22] =	ssyncadd.s32 s4;
	_ =	sdelay $0x1  }
0xa1: {  	s23 =	simm.s32 $0x1B8B  }
0xa2: {  	_ =	swait.ge [sflag:s23], $0x1  }
0xa3: {  	[sflag:s23] =	ssyncset.done $0x0  }
0xa4: {  	s25 =	simm.s32 $0x1B8E;
	s24 =	sld [smem:$0x3FFE];
	[sflag:s23] =	ssyncadd.s32 $0xFFFFFFFF  }
0xa5: {  	s26 =	simm.s32 $execute0_lowered;
	[smem:$0x3FD2] =	sst s25  }
0xa6: {  	s5 =	sshll.u32 s26, $0x1;
	_ =	strace $0x80000055;
	[dreg:$0x1] =	wrdreg $0xFFFFFFFF  }
0xa7: {  	s28 =	simm.s32 $_size_execute0_lowered;
	s3 =	sadd.s32 s3, s5;
	[dreg:$0x0] =	wrdreg $0x0  }
0xa8: {  	s5 =	sshll.u32 s28, $0x1;
	[dreg:$0x2] =	wrdreg s3  }
0xa9: {  	[dreg:$0x3] =	wrdreg s5  }
0xaa: {  	[dreg:$0x4] =	wrdreg $0xC0  }
0xab: {  	_ =	task [dreg:s7], $0x5FFFF  }
0xac: {  	[dreg:$0x1] =	wrdreg $0xFFFFFFFF  }
0xad: {  	[dreg:$0x0] =	wrdreg $0x60  }
0xae: {  	[dreg:$0x2] =	wrdreg s2  }
0xaf: {  	[dreg:$0x3] =	wrdreg s24  }
0xb0: {  	[dreg:$0x4] =	wrdreg $0x9F000  }
0xb1: {  	[dreg:$0x5] =	wrdreg $0x9  }
0xb2: {  	_ =	task.clear_ibuf [dreg:s7], $0x6FFFF;
	_ =	strace $0x90000055  }
0xb3: {  	s29 =	simm.s32 $0x9;
	_ =	strace $0x80000057  }
0xb4: {  	_ =	swait.ge [sflag:s29], $0x1  }
0xb5: {  	[sflag:s29] =	ssyncadd.s32 $0xFFFFFFFF  }
0xb6: {  	_ =	strace $0x90000057  }
0xb7: {  	_ =	sfence  }
0xb8: {  	s30 =	sld [smem:$0x0];
	_ =	sdelay $0x2  }
0xb9: {  	s31 =	sshll.u32 s1, $0xD;
	s1 =	sshrl.u32 s1, $0x2  }
0xba: {  	s3 =	sand.u32 $0x4000, s31;
	s1 =	sadd.s32 s1, s30  }
0xbb: {  	s0 =	sor.u32 s3, s0;
	s1 =	sshll.u32 s1, $0x11  }
0xbc: {  	s0 =	sor.u32 s1, s0  }
0xbd: {  	s0 =	sadd.s32 $0x8F2B, s0  }
0xbe: {  	[sflag:s0] =	ssyncadd.remote.s32 $0x1  }
0xbf: {  	_ =	sfence.sel $0xFFFF  }
0xc0: {  	[dreg:$0x0] =	wrdreg $0xFFFFFFFF;
	(pc) =	sbr.abs _section_cstart, $3  }
0xc1: {  	[dreg:$0x1] =	wrdreg $0xFFFFFFFF  }
0xc2: {  	_ =	task.clear_ibuf [dreg:s7], $0x2FFFF;
	_ =	strace $0x9FFFFFFF  }
0xc3: {  	(tm) =	ssettm $0x7FFFFFFF  }
tec
execute0_lowered:
.L_overlay_start_1:
0x0: {  	(tag) =	ssettag $0x1  }
0x1: {  	s0 =	rddreg [dreg:$0x0]  }
0x2: {  	s2 =	rddreg [dreg:$0x1]  }
0x3: {  	s1 =	rddreg [dreg:$0x2]  }
0x4: {  	s3 =	srdreg.scid;
	s11 =	stileid.u32;
	s28 =	simm.s32 $0x6B00  }
0x5: {  	s29 =	simm.s32 $0x7;
	s30 =	simm.s32 $0x1;
	s31 =	simm.s32 $0x80  }
0x6: {  	s5 =	sand.u32 $0x1, s3;
	s3 =	simm.s32 $0x0;
	s7 =	smul.u32 $0x13C00, s11  }
0x7: {  	s4 =	sadd.s32 $0x5000, s2;
	s8 =	sadd.s32 $0x54000, s2;
	s9 =	smul.u32 $0x4F000, s11  }
0x8: {  	s12 =	sshll.u32 s11, $0x1;
	s16 =	sshll.u32 s11, $0x6;
	s18 =	smul.u32 $0xC800, s11  }
0x9: {  	s6 =	smul.u32 $0x13C000, s5;
	[smem:$0x7FF] =	sst s3;
	s13 =	ssub.s32 $0x2, s5  }
0xa: {  	_ =	strace $0x80000056;
	[dreg:$0x4] =	wrdreg s8;
	s10 =	sshrl.u32 s13, $0x1  }
0xb: {  	s15 =	sshrl.u32 s9, $0x2;
	[dreg:$0x5] =	wrdreg s16;
	s6 =	sadd.s32 s7, s6  }
0xc: {  	s7 =	sor.u32 s5, s12;
	s14 =	ssub.s32 s13, s10;
	s9 =	sadd.s32 s15, s1  }
0xd: {  	s10 =	sor.u32 $0x1C07, s16;
	s5 =	smul.u32 $0x6400, s5;
	s6 =	sshrl.u32 s6, $0x3  }
0xe: {  	s7 =	smul.u32 $0x6400, s7;
	[dreg:$0x6] =	wrdreg s10;
	s2 =	sadd.s32 s6, s2  }
0xf: {  	s6 =	smax.u32 s14, $0x1;
	s22 =	sadd.s32 s5, s18;
	s18 =	sshrl.u32 s9, $0x3  }
0x10: {  	s9 =	simm.s32 $0x0;
	s17 =	sshrl.u32 s7, $0x3;
	s7 =	sor.u32 $0x300, s7  }
0x11: {  	s2 =	sadd.s32 $0x56800, s2;
	[dreg:$0xb] =	wrdreg s6;
	s24 =	sadd.s32 $0x700, s22  }
0x12: {  	s25 =	sadd.s32 $0x600, s22;
	s8 =	sadd.s32 s0, s17;
	[dreg:$0xa] =	wrdreg s2  }
0x13: {  	s21 =	sshrl.u32 s7, $0x3;
	s19 =	sadd.s32 $0x20, s8;
	[dreg:$0x7] =	wrdreg s8  }
0x14: {  	s5 =	sshrl.u32 s24, $0x3;
	s20 =	sadd.s32 $0x40, s8;
	[dreg:$0x8] =	wrdreg s19  }
0x15: {  	s6 =	sshrl.u32 s25, $0x3;
	s2 =	sadd.s32 s0, s21;
	[dreg:$0x9] =	wrdreg s20  }
0x16: {  	s24 =	simm.s32 $0x5;
	s23 =	sadd.s32 $0x80, s8;
	[dreg:$0xc] =	wrdreg s2  }
0x17: {  	s25 =	simm.s32 $0x3700;
	s5 =	sadd.s32 s5, s0;
	[dreg:$0xd] =	wrdreg s23  }
0x18: {  	s7 =	simm.s32 $0x9;
	s26 =	sadd.s32 s6, s0;
	[dreg:$0xe] =	wrdreg s5  }
0x19: {  	s21 =	simm.s32 $0x4;
	s2 =	sadd.s32 $0x500, s22;
	[dreg:$0xf] =	wrdreg s26  }
0x1a: {  	s19 =	simm.s32 $0x100;
	s22 =	simm.s32 $0x64;
	s23 =	simm.s32 $0x300  }
0x1b: {  	s26 =	simm.s32 $0x6;
	s5 =	simm.s32 $0x3;
	s2 =	sshrl.u32 s2, $0x3  }
0x1c: {  	s10 =	sadd.s32 s2, s0;
	s0 =	simm.s32 $0x2;
	s2 =	simm.s32 $0x8  }
.LBB2_1:
0x1d: {  	s6 =	rddreg [dreg:$0x4]  }
0x1e: {  	s8 =	rddreg [dreg:$0x6]  }
0x1f: {  	[spmem:s18], [sflag:s8] =	dma.local [hbm:s6], $0x2780  }
0x20: {  	s6 =	rddreg [dreg:$0x7]  }
0x21: {  	[tilespmem:s3], [sflag:$0x4] =	stream.linear.gather [hbm4b:s6+s3], $0x100, $0x38;
	[tilespmem:$0x1DB00] =	vst v63  }
0x22: {  	s12 =	rddreg [dreg:$0x8]  }
0x23: {  	[tilespmem:s19], [sflag:$0x5] =	stream.linear.gather [hbm4b:s12+s3], $0x100, $0x38;
	[tilespmem:$0x1DB00] =	vst v63  }
0x24: {  	s14 =	simm.s32 $0x200;
	s13 =	rddreg [dreg:$0x9]  }
0x25: {  	[tilespmem:s14], [sflag:$0x6] =	stream.linear.gather [hbm4b:s13+s3], $0x100, $0x38;
	[tilespmem:$0x1DB00] =	vst v63  }
0x26: {  	_ =	swait.ge [sflag:s21], $0x100  }
0x27: {  	[sflag:s21] =	ssyncset.done $0x0  }
0x28: {  	[sflag:s21] =	ssyncadd.s32 $0xFFFFFF00  }
0x29: {  	[tilespmem:s23], [sflag:$0x1] =	stream.indirect.gather [hbm4b:s4+s22], $0x80, s3, s22, $0xb8;
	[tilespmem:$0x1DB00] =	vst v63  }
0x2a: {  	_ =	swait.ge [sflag:s24], $0x100  }
0x2b: {  	[sflag:s24] =	ssyncset.done $0x0  }
0x2c: {  	[sflag:s24] =	ssyncadd.s32 $0xFFFFFF00  }
0x2d: {  	[tilespmem:s25], [sflag:$0x2] =	stream.indirect.gather [hbm4b:s4+s22], $0x80, s19, s22, $0xb8;
	[tilespmem:$0x1DB00] =	vst v63  }
0x2e: {  	_ =	swait.ge [sflag:s26], $0x100  }
0x2f: {  	[sflag:s26] =	ssyncset.done $0x0  }
0x30: {  	[sflag:s26] =	ssyncadd.s32 $0xFFFFFF00  }
0x31: {  	[tilespmem:s28], [sflag:$0x3] =	stream.indirect.gather [hbm4b:s4+s22], $0x80, s14, s22, $0xb8;
	[tilespmem:$0x1DB00] =	vst v63  }
0x32: {  	_ =	swait.ge [sflag:s29], $0x2780  }
0x33: {  	[sflag:s29] =	ssyncset.done $0x0  }
0x34: {  	[sflag:s29] =	ssyncadd.s32 $0xFFFFD880  }
0x35: {  	[bflag:$0x0] =	sbarrier.arrive $0xFFFF  }
0x36: {  	_ =	swait.ge [sflag:s30], $0x3200  }
0x37: {  	[sflag:s30] =	ssyncset.done $0x0  }
0x38: {  	[sflag:s30] =	ssyncadd.s32 $0xFFFFCE00  }
0x39: {  	[spmem:s1] =	stream.indirect.scatter.add.f32 [tilespmem:s23], [sflag:$0x8], $0x80, s31, s22, $0xb8;
	[tilespmem:$0x1DB00] =	vst v63  }
0x3a: {  	_ =	swait.ge [sflag:s0], $0x3200  }
0x3b: {  	[sflag:s0] =	ssyncset.done $0x0  }
0x3c: {  	[sflag:s0] =	ssyncadd.s32 $0xFFFFCE00  }
0x3d: {  	_ =	swait.ge [sflag:s2], $0x3200  }
0x3e: {  	[sflag:s2] =	ssyncset.done $0x0  }
0x3f: {  	s15 =	simm.s32 $0x180;
	[sflag:s2] =	ssyncadd.s32 $0xFFFFCE00  }
0x40: {  	[spmem:s1] =	stream.indirect.scatter.add.f32 [tilespmem:s25], [sflag:$0x8], $0x80, s15, s22, $0xb8;
	[tilespmem:$0x1DB00] =	vst v63  }
0x41: {  	s16 =	rddreg [dreg:$0xc]  }
0x42: {  	[tilespmem:s3], [sflag:$0x4] =	stream.linear.gather [hbm4b:s16+s3], $0x100, $0x38;
	[tilespmem:$0x1DB00] =	vst v63  }
0x43: {  	_ =	swait.ge [sflag:s21], $0x100  }
0x44: {  	[sflag:s21] =	ssyncset.done $0x0  }
0x45: {  	[sflag:s21] =	ssyncadd.s32 $0xFFFFFF00  }
0x46: {  	[tilespmem:s23], [sflag:$0x1] =	stream.indirect.gather [hbm4b:s4+s22], $0x80, s3, s22, $0xb8;
	[tilespmem:$0x1DB00] =	vst v63  }
0x47: {  	_ =	swait.ge [sflag:s5], $0x3200  }
0x48: {  	[sflag:s5] =	ssyncset.done $0x0  }
0x49: {  	[sflag:s5] =	ssyncadd.s32 $0xFFFFCE00  }
0x4a: {  	_ =	swait.ge [sflag:s2], $0x3200  }
0x4b: {  	[sflag:s2] =	ssyncset.done $0x0  }
0x4c: {  	s17 =	simm.s32 $0x280;
	[sflag:s2] =	ssyncadd.s32 $0xFFFFCE00  }
0x4d: {  	[spmem:s1] =	stream.indirect.scatter.add.f32 [tilespmem:s28], [sflag:$0x8], $0x80, s17, s22, $0xb8;
	[tilespmem:$0x1DB00] =	vst v63  }
0x4e: {  	s20 =	rddreg [dreg:$0xd]  }
0x4f: {  	[tilespmem:s19], [sflag:$0x5] =	stream.linear.gather [hbm4b:s20+s3], $0x100, $0x38;
	[tilespmem:$0x1DB00] =	vst v63  }
0x50: {  	_ =	swait.ge [sflag:s24], $0x100  }
0x51: {  	s6 =	simm.s32 $0xFFFFFFDF;
	[sflag:s24] =	ssyncset.done $0x0;
	s16 =	rddreg [dreg:$0xf]  }
0x52: {  	s17 =	smov.u32 s10;
	s15 =	rddreg [dreg:$0xe];
	[sflag:s24] =	ssyncadd.s32 $0xFFFFFF00  }
0x53: {  	[tilespmem:s25], [sflag:$0x2] =	stream.indirect.gather [hbm4b:s4+s22], $0x80, s19, s22, $0xb8;
	[tilespmem:$0x1DB00] =	vst v63  }
.LBB2_2:
0x54: {  	_ =	swait.ge [sflag:s30], $0x3200  }
0x55: {  	[sflag:s30] =	ssyncset.done $0x0  }
0x56: {  	[sflag:s30] =	ssyncadd.s32 $0xFFFFCE00  }
0x57: {  	_ =	swait.ge [sflag:s2], $0x3200  }
0x58: {  	[sflag:s2] =	ssyncset.done $0x0  }
0x59: {  	p0 =	seq.s32 s6, $0xFFFFFFFF;
	[sflag:s2] =	ssyncadd.s32 $0xFFFFCE00  }
0x5a: {  	[spmem:s1] =	stream.indirect.scatter.add.f32 [tilespmem:s23], [sflag:$0x8], $0x80, s31, s22, $0xb8;
	[tilespmem:$0x1DB00] =	vst v63  }
0x5b: {  	s13 =	simm.s32 @!p0 $0x0;
	s14 =	simm.s32 @!p0 $0x200;
	s8 =	simm.s32 @!p0 $0x6  }
0x5c: {  	[tilespmem:s14], [sflag:$0x6] =	stream.linear.gather @!p0 [hbm4b:s17+s13], $0x100, $0x38;
	[tilespmem:$0x1DB00] =	vst v63  }
0x5d: {  	_ =	swait.ge @!p0 [sflag:s8], $0x100  }
0x5e: {  	[sflag:s8] =	ssyncset.done @!p0 $0x0  }
0x5f: {  	s12 =	simm.s32 @!p0 $0x6B00;
	[sflag:s8] =	ssyncadd.s32 @!p0 $0xFFFFFF00;
	s8 =	simm.s32 @!p0 $0x64  }
0x60: {  	[tilespmem:s12], [sflag:$0x3] =	stream.indirect.gather @!p0 [hbm4b:s4+s8], $0x80, s14, s8, $0xb8;
	[tilespmem:$0x1DB00] =	vst v63  }
0x61: {  	s14 =	simm.s32 @!p0 $0x2  }
0x62: {  	_ =	swait.ge @!p0 [sflag:s14], $0x3200  }
0x63: {  	[sflag:s14] =	ssyncset.done @!p0 $0x0  }
0x64: {  	[sflag:s14] =	ssyncadd.s32 @!p0 $0xFFFFCE00;
	s14 =	simm.s32 @!p0 $0x8  }
0x65: {  	_ =	swait.ge @!p0 [sflag:s14], $0x3200  }
0x66: {  	[sflag:s14] =	ssyncset.done @!p0 $0x0  }
0x67: {  	s11 =	simm.s32 @!p0 $0x180;
	s20 =	simm.s32 @!p0 $0x3700;
	[sflag:s14] =	ssyncadd.s32 @!p0 $0xFFFFCE00  }
0x68: {  	[spmem:s1] =	stream.indirect.scatter.add.f32 @!p0 [tilespmem:s20], [sflag:$0x8], $0x80, s11, s8, $0xb8;
	[tilespmem:$0x1DB00] =	vst v63  }
0x69: {  	s11 =	simm.s32 @!p0 $0x4  }
0x6a: {  	[tilespmem:s13], [sflag:$0x4] =	stream.linear.gather @!p0 [hbm4b:s16+s13], $0x100, $0x38;
	[tilespmem:$0x1DB00] =	vst v63  }
0x6b: {  	_ =	swait.ge @!p0 [sflag:s11], $0x100  }
0x6c: {  	[sflag:s11] =	ssyncset.done @!p0 $0x0  }
0x6d: {  	[sflag:s11] =	ssyncadd.s32 @!p0 $0xFFFFFF00;
	s11 =	simm.s32 @!p0 $0x300  }
0x6e: {  	[tilespmem:s11], [sflag:$0x1] =	stream.indirect.gather @!p0 [hbm4b:s4+s8], $0x80, s13, s8, $0xb8;
	[tilespmem:$0x1DB00] =	vst v63  }
0x6f: {  	s11 =	simm.s32 @!p0 $0x3  }
0x70: {  	_ =	swait.ge @!p0 [sflag:s11], $0x3200  }
0x71: {  	[sflag:s11] =	ssyncset.done @!p0 $0x0  }
0x72: {  	[sflag:s11] =	ssyncadd.s32 @!p0 $0xFFFFCE00  }
0x73: {  	s11 =	sadd.s32 $0x22, s6;
	_ =	swait.ge @!p0 [sflag:s14], $0x3200  }
0x74: {  	p1 =	sgt.u32 @!p0 s11, $0x1F;
	[sflag:s14] =	ssyncset.done @!p0 $0x0  }
0x75: {  	s13 =	simm.s32 @!p0 $0x280;
	p1 =	por p1, p0;
	[sflag:s14] =	ssyncadd.s32 @!p0 $0xFFFFCE00  }
0x76: {  	[spmem:s1] =	stream.indirect.scatter.add.f32 @!p0 [tilespmem:s12], [sflag:$0x8], $0x80, s13, s8, $0xb8;
	[tilespmem:$0x1DB00] =	vst v63  }
0x77: {  	s11 =	simm.s32 @!p1 $0x100;
	s8 =	simm.s32 @!p1 $0x0  }
0x78: {  	[tilespmem:s11], [sflag:$0x5] =	stream.linear.gather @!p1 [hbm4b:s15+s8], $0x100, $0x38;
	[tilespmem:$0x1DB00] =	vst v63  }
0x79: {  	s8 =	simm.s32 @!p1 $0x5  }
0x7a: {  	_ =	swait.ge @!p1 [sflag:s8], $0x100  }
0x7b: {  	s6 =	sadd.s32 @!p0 $0x1, s6;
	[sflag:s8] =	ssyncset.done @!p1 $0x0  }
0x7c: {  	s12 =	simm.s32 @!p1 $0x3700;
	[sflag:s8] =	ssyncadd.s32 @!p1 $0xFFFFFF00;
	s8 =	simm.s32 @!p1 $0x64  }
0x7d: {  	[tilespmem:s12], [sflag:$0x2] =	stream.indirect.gather @!p1 [hbm4b:s4+s8], $0x80, s11, s8, $0xb8;
	[tilespmem:$0x1DB00] =	vst v63  }
0x7e: {  	p1 =	seq.s32 @!p0 s6, $0x0  }
0x7f: {  	p1 =	por p0, p1  }
.Ltmp0:
0x80: {  	_ = 	snop;
	(pc) =	sbr.rel @!p1 .LBB2_2-.Ltmp0, $2  }
0x81: {  	_ =	sdelay $0x2  }
0x82: {  	s17 =	sadd.s32 @!p0 $0x60, s17;
	s16 =	sadd.s32 @!p0 $0x60, s16;
	s15 =	sadd.s32 @!p0 $0x60, s15  }
0x83: {  	_ =	swait.ge [sflag:s2], $0x3200  }
0x84: {  	[sflag:s2] =	ssyncset.done $0x0  }
0x85: {  	[sflag:s2] =	ssyncadd.s32 $0xFFFFCE00  }
0x86: {  	[bflag:$0x0] =	sbarrier.arrive $0xFFFF  }
0x87: {  	s6 =	rddreg [dreg:$0x5]  }
0x88: {  	s8 =	rddreg [dreg:$0xa];
	s6 =	sor.u32 $0x1C09, s6  }
0x89: {  	[hbm:s8], [sflag:s6] =	dma.local [spmem:s18], $0x2780  }
0x8a: {  	_ =	swait.ge [sflag:s7], $0x2780  }
0x8b: {  	s9 =	sadd.s32 $0x1, s9;
	s20 =	rddreg [dreg:$0xb]  }
0x8c: {  	p0 =	sne.s32 s9, s20  }
.Ltmp1:
0x8d: {  	_ = 	snop;
	(pc) =	sbr.rel @p0 .LBB2_1-.Ltmp1, $3  }
0x8e: {  	_ =	sdelay $0x1  }
0x8f: {  	[sflag:s7] =	ssyncset.done $0x0  }
0x90: {  	[sflag:s7] =	ssyncadd.s32 $0xFFFFD880  }
0x91: {  	_ =	sfence.sel $0x180000  }
0x92: {  	[bflag:$0x0] =	sbarrier.arrive $0xFFFF  }
0x93: {  	_ =	strace $0x90000056  }
0x94: {  	s0 =	stileid.u32;
	[bflag:$0x2] =	sbarrier.arrive $0xFFFF  }
0x95: {  	p0 =	sne.s32 s0, $0x0;
	s0 =	rddreg [dreg:$0x3]  }
0x96: {  	s0 =	sadd.s32 @!p0 $0x100000, s0  }
0x97: {  	[sflag:s0] =	ssyncadd.tile.s32 @!p0 $0x1;
	_ =	shalt  }
.Lfunc_end2:
_tile_overlayer_lowered:
.L_overlay_start_2:
0x98: {  	(tag) =	ssettag $0x2  }
0x99: {  	s0 =	rddreg [dreg:$0x0];
	s2 =	stileid.u32  }
0x9a: {  	s1 =	rddreg [dreg:$0x1];
	p0 =	sne.s32 s2, $0x0  }
0x9b: {  	s3 =	rddreg [dreg:$0x2];
	[bflag:$0x3] =	sbarrier.arrive $0xFFFF;
	s2 =	simm.s32 @!p0 $0x1C09  }
0x9c: {  	[timem:s3], [sflag:s2] =	dma.local @!p0 [hbm:s0], s1  }
0x9d: {  	s0 =	simm.s32 @!p0 $0x9  }
0x9e: {  	_ =	swait.ge @!p0 [sflag:s0], s1  }
0x9f: {  	s1 =	ssub.s32 @!p0 $0x0, s1;
	[sflag:s0] =	ssyncset.done @!p0 $0x0  }
0xa0: {  	[sflag:s0] =	ssyncadd.s32 @!p0 s1  }
0xa1: {  	[bflag:$0x3] =	sbarrier.arrive $0xFFFF  }
0xa2: {  	_ =	shalt  }

// kernel: kernel.35.cloned.1.call-start
scs
__scs_entry_jumppad:
0x0: {  	(pc) =	sbr.rel $0x88, $3  }
0x1: {  	(tag) =	ssettag $0x0;
	lr =	simm.s32 $0x1  }
0x2: {  	[smem:$0x3F9B] =	sst lr;
	_ =	strace $0xD0000000  }
0x3: {  	_ = 	snop  }
0x4: {  	_ = 	snop  }
0x5: {  	_ = 	snop  }
0x6: {  	_ = 	snop  }
0x7: {  	_ = 	snop  }
__scs_overlays_trampoline_lowered:
0x8: {  	[smem:$0x3FAA] =	sst s0  }
0x9: {  	[smem:$0x3FAB] =	sst s1  }
0xa: {  	[smem:$0x3FAC] =	sst s2  }
0xb: {  	[smem:$0x3FAD] =	sst s3  }
0xc: {  	[smem:$0x3FAE] =	sst s4  }
0xd: {  	[smem:$0x3FAF] =	sst s5  }
0xe: {  	[smem:$0x3FB0] =	sst s6  }
0xf: {  	[smem:$0x3FB1] =	sst s7  }
0x10: {  	[smem:$0x3FB2] =	sst s8  }
0x11: {  	[smem:$0x3FB3] =	sst s9;
	s0 =	simm.s32 @!p0 $0x0  }
0x12: {  	s1 =	sld [smem:$0x3F99];
	s0 =	simm.s32 @p0 $0x1  }
0x13: {  	[smem:$0x3FB4] =	sst s0;
	s0 =	simm.s32 @!p1 $0x0  }
0x14: {  	s2 =	sld [smem:$0x3F98];
	s0 =	simm.s32 @p1 $0x1  }
0x15: {  	[smem:$0x3FB5] =	sst s0;
	s0 =	simm.s32 @!p2 $0x0  }
0x16: {  	s3 =	sld [smem:$0x3FDB];
	s0 =	simm.s32 @p2 $0x1  }
0x17: {  	s4 =	simm.s32 $0x1BF5;
	[smem:$0x3FB7] =	sst s0  }
0x18: {  	s0 =	sld [smem:$0x3F9A];
	_ =	swait.ge [sflag:s4], $0x0  }
0x19: {  	s7 =	sld [smem:$0x3F9B]  }
0x1a: {  	s8 =	sadd.s32 $0xFFFFE003, lr  }
0x1b: {  	s9 =	sadd.s32 $0xFFFFFEF7, lr;
	s5 =	simm.s32 $0xFFFFFFFF;
	p2 =	slt.u32 s8, $0xFFFFF086  }
0x1c: {  	p1 =	slt.u32 s9, $0xF7A;
	s5 =	simm.s32 @!p2 $0x0  }
0x1d: {  	s5 =	simm.s32 @p1 $0x1;
	p0 =	seq.s32 s7, s2  }
0x1e: {  	s7 =	smul.u32 @!p0 $0xF7A, s2;
	p2 =	seq.s32 @!p0 s5, $0x0  }
0x1f: {  	s9 =	smul.u32 $0xF7A, s1;
	s8 =	simm.s32 @!p0 $0x1BF5;
	p2 =	por !p2, p0  }
0x20: {  	[sflag:s8] =	ssyncset.s32 @!p0 $0xFFFFF086;
	s6 =	sadd.s32 @!p0 s3, s7;
	s7 =	simm.s32 @!p0 $0x108  }
0x21: {  	s3 =	sadd.s32 s3, s9;
	s6 =	sadd.s32 @!p0 $0x88, s6;
	s7 =	simm.s32 @p2 $0x1082  }
0x22: {  	[simem:s7], [sflag:s8] =	dma.local @!p0 [hbm:s6], $0xF7A  }
0x23: {  	s9 =	sor.u32 $0xD0000000, s2;
	s6 =	simm.s32 $0x108;
	_ =	swait.ge @!p0 [sflag:s8], $0x0  }
0x24: {  	s3 =	sadd.s32 $0x88, s3;
	s6 =	simm.s32 @!p1 $0x1082;
	[sflag:s4] =	ssyncset.s32 $0xFFFFF086  }
0x25: {  	[simem:s6], [sflag:s4] =	dma.local [hbm:s3], $0xF7A  }
0x26: {  	[smem:$0x3F9B] =	sst s1;
	(tag) =	ssettag s2;
	_ =	strace s9  }
0x27: {  	s1 =	sld [smem:$0x3FAB]  }
0x28: {  	s2 =	sld [smem:$0x3FAC]  }
0x29: {  	s4 =	sld [smem:$0x3FAE]  }
0x2a: {  	p0 =	seq.s32 s5, $0x0;
	s5 =	sld [smem:$0x3FAF]  }
0x2b: {  	s6 =	sld [smem:$0x3FB0]  }
0x2c: {  	s7 =	sld [smem:$0x3FB1]  }
0x2d: {  	s3 =	simm.s32 $0x108;
	s8 =	sld [smem:$0x3FB2]  }
0x2e: {  	s3 =	simm.s32 @!p0 $0x1082;
	s9 =	sld [smem:$0x3FB3]  }
0x2f: {  	lr =	sadd.s32 s0, s3;
	s0 =	sld [smem:$0x3FAA]  }
0x30: {  	s3 =	sld [smem:$0x3FAD]  }
0x31: {  	[smem:$0x3FB6] =	sst s10  }
0x32: {  	s10 =	sld [smem:$0x3FB4];
	_ =	sdelay $0x3  }
0x33: {  	p0 =	seq.s32 s10, $0x1;
	s10 =	sld [smem:$0x3FB6];
	_ =	sdelay $0x3  }
0x34: {  	[smem:$0x3FB6] =	sst s10  }
0x35: {  	s10 =	sld [smem:$0x3FB5];
	_ =	sdelay $0x3  }
0x36: {  	p1 =	seq.s32 s10, $0x1;
	s10 =	sld [smem:$0x3FB6];
	_ =	sdelay $0x3  }
0x37: {  	[smem:$0x3FB6] =	sst s10  }
0x38: {  	s10 =	sld [smem:$0x3FB7]  }
0x39: {  	_ = 	snop;
	(pc) =	sbr.ind lr, $3  }
0x3a: {  	_ = 	snop  }
0x3b: {  	_ = 	snop  }
0x3c: {  	p2 =	seq.s32 s10, $0x1;
	s10 =	sld [smem:$0x3FB6]  }
0x3d: {  	_ =	shalt  }
0x3e: {  	_ =	shalt  }
0x3f: {  	_ =	shalt  }
0x40: {  	_ =	shalt  }
0x41: {  	_ =	shalt  }
0x42: {  	_ =	shalt  }
0x43: {  	_ =	shalt  }
0x44: {  	_ =	shalt  }
0x45: {  	_ =	shalt  }
0x46: {  	_ =	shalt  }
0x47: {  	_ =	shalt  }
0x48: {  	_ =	shalt  }
0x49: {  	_ =	shalt  }
0x4a: {  	_ =	shalt  }
0x4b: {  	_ =	shalt  }
0x4c: {  	_ =	shalt  }
0x4d: {  	_ =	shalt  }
0x4e: {  	_ =	shalt  }
0x4f: {  	_ =	shalt  }
0x50: {  	_ =	shalt  }
0x51: {  	_ =	shalt  }
0x52: {  	_ =	shalt  }
0x53: {  	_ =	shalt  }
0x54: {  	_ =	shalt  }
0x55: {  	_ =	shalt  }
0x56: {  	_ =	shalt  }
0x57: {  	_ =	shalt  }
0x58: {  	_ =	shalt  }
0x59: {  	_ =	shalt  }
0x5a: {  	_ =	shalt  }
0x5b: {  	_ =	shalt  }
0x5c: {  	_ =	shalt  }
0x5d: {  	_ =	shalt  }
0x5e: {  	_ =	shalt  }
0x5f: {  	_ =	shalt  }
0x60: {  	_ =	shalt  }
0x61: {  	_ =	shalt  }
0x62: {  	_ =	shalt  }
0x63: {  	_ =	shalt  }
0x64: {  	_ =	shalt  }
0x65: {  	_ =	shalt  }
0x66: {  	_ =	shalt  }
0x67: {  	_ =	shalt  }
0x68: {  	_ =	shalt  }
0x69: {  	_ =	shalt  }
0x6a: {  	_ =	shalt  }
0x6b: {  	_ =	shalt  }
0x6c: {  	_ =	shalt  }
0x6d: {  	_ =	shalt  }
0x6e: {  	_ =	shalt  }
0x6f: {  	_ =	shalt  }
0x70: {  	_ =	shalt  }
0x71: {  	_ =	shalt  }
0x72: {  	_ =	shalt  }
0x73: {  	_ =	shalt  }
0x74: {  	_ =	shalt  }
0x75: {  	_ =	shalt  }
0x76: {  	_ =	shalt  }
0x77: {  	_ =	shalt  }
0x78: {  	_ =	shalt  }
0x79: {  	_ =	shalt  }
0x7a: {  	_ =	shalt  }
0x7b: {  	_ =	shalt  }
0x7c: {  	_ =	shalt  }
0x7d: {  	_ =	shalt  }
0x7e: {  	_ =	shalt  }
0x7f: {  	_ =	shalt  }
0x80: {  	_ =	shalt  }
0x81: {  	_ =	shalt  }
0x82: {  	_ =	shalt  }
0x83: {  	_ =	shalt  }
0x84: {  	_ =	shalt  }
0x85: {  	_ =	shalt  }
0x86: {  	_ =	shalt  }
0x87: {  	_ =	shalt  }
.Lfunc_end0:
.L_simem_size_0:
called_computation.6_lowered:
.L_overlay_start_0:
0x88: {  	s2 =	sld [smem:$0x3FD9]  }
0x89: {  	s3 =	sld [smem:$0x3FFE];
	_ =	sdelay $0x1  }
0x8a: {  	s1 =	srdreg.scid  }
0x8b: {  	s0 =	sand.u32 $0x1, s1  }
0x8c: {  	s17 =	sshll.u32 s0, $0xA;
	s2 =	sadd.s32 s3, s2  }
0x8d: {  	s2 =	sadd.s32 s2, s17  }
0x8e: {  	[smem:$0x3FC2] =	sst s2  }
0x8f: {  	_ = 	snop  }
0x90: {  	s2 =	sld [smem:$0x3FD0];
	(tm) =	ssettm $0x1  }
0x91: {  	s18 =	sld [smem:$0x3FFB];
	_ =	sdelay $0x3  }
0x92: {  	_ =	strace s18  }
0x93: {  	s3 =	sld [smem:$0x3FFC];
	_ =	sdelay $0x3  }
0x94: {  	_ =	strace s3  }
0x95: {  	s3 =	sld [smem:$0x3FFD];
	_ =	sdelay $0x3  }
0x96: {  	_ =	strace s3  }
0x97: {  	_ =	strace $0x8FFFFFFF  }
0x98: {  	s19 =	sld [smem:$0x3FDB];
	_ =	sdelay $0x1  }
0x99: {  	s4 =	simm.s32 $_scs_section_size  }
0x9a: {  	s5 =	simm.s32 $_size__tile_overlayer_lowered;
	s6 =	simm.s32 $_tile_overlayer_lowered  }
0x9b: {  	s22 =	simm.s32 $0x1BFF;
	s21 =	sshll.u32 s6, $0x1;
	s3 =	sadd.s32 s4, s19  }
0x9c: {  	s7 =	simm.s32 $0x0;
	s20 =	sshll.u32 s5, $0x1;
	s5 =	sadd.s32 s21, s3  }
0x9d: {  	[timem:s7], [sflag:s22] =	dma.local [hbm:s5], s20  }
0x9e: {  	_ =	swait.ge [sflag:s22], s20  }
0x9f: {  	s4 =	ssub.s32 $0x0, s20;
	[sflag:s22] =	ssyncset.done $0x0  }
0xa0: {  	[sflag:s22] =	ssyncadd.s32 s4;
	_ =	sdelay $0x1  }
0xa1: {  	s23 =	simm.s32 $0x1B8B  }
0xa2: {  	_ =	swait.ge [sflag:s23], $0x1  }
0xa3: {  	[sflag:s23] =	ssyncset.done $0x0  }
0xa4: {  	s25 =	simm.s32 $0x1B8E;
	s24 =	sld [smem:$0x3FFE];
	[sflag:s23] =	ssyncadd.s32 $0xFFFFFFFF  }
0xa5: {  	s26 =	simm.s32 $execute0_lowered;
	[smem:$0x3FD2] =	sst s25  }
0xa6: {  	s5 =	sshll.u32 s26, $0x1;
	_ =	strace $0x80000058;
	[dreg:$0x1] =	wrdreg $0xFFFFFFFF  }
0xa7: {  	s28 =	simm.s32 $_size_execute0_lowered;
	s3 =	sadd.s32 s3, s5;
	[dreg:$0x0] =	wrdreg $0x0  }
0xa8: {  	s5 =	sshll.u32 s28, $0x1;
	[dreg:$0x2] =	wrdreg s3  }
0xa9: {  	[dreg:$0x3] =	wrdreg s5  }
0xaa: {  	[dreg:$0x4] =	wrdreg $0xC0  }
0xab: {  	_ =	task [dreg:s7], $0x5FFFF  }
0xac: {  	[dreg:$0x1] =	wrdreg $0xFFFFFFFF  }
0xad: {  	[dreg:$0x0] =	wrdreg $0x60  }
0xae: {  	[dreg:$0x2] =	wrdreg s2  }
0xaf: {  	[dreg:$0x3] =	wrdreg s24  }
0xb0: {  	[dreg:$0x4] =	wrdreg $0x9F000  }
0xb1: {  	[dreg:$0x5] =	wrdreg $0x9  }
0xb2: {  	_ =	task.clear_ibuf [dreg:s7], $0x6FFFF;
	_ =	strace $0x90000058  }
0xb3: {  	s29 =	simm.s32 $0x9;
	_ =	strace $0x8000005A  }
0xb4: {  	_ =	swait.ge [sflag:s29], $0x1  }
0xb5: {  	[sflag:s29] =	ssyncadd.s32 $0xFFFFFFFF  }
0xb6: {  	_ =	strace $0x9000005A  }
0xb7: {  	_ =	sfence  }
0xb8: {  	s30 =	sld [smem:$0x0];
	_ =	sdelay $0x2  }
0xb9: {  	s31 =	sshll.u32 s1, $0xD;
	s1 =	sshrl.u32 s1, $0x2  }
0xba: {  	s3 =	sand.u32 $0x4000, s31;
	s1 =	sadd.s32 s1, s30  }
0xbb: {  	s0 =	sor.u32 s3, s0;
	s1 =	sshll.u32 s1, $0x11  }
0xbc: {  	s0 =	sor.u32 s1, s0  }
0xbd: {  	s0 =	sadd.s32 $0x8F2B, s0  }
0xbe: {  	[sflag:s0] =	ssyncadd.remote.s32 $0x1  }
0xbf: {  	_ =	sfence.sel $0xFFFF  }
0xc0: {  	[dreg:$0x0] =	wrdreg $0xFFFFFFFF;
	(pc) =	sbr.abs _section_cstart, $3  }
0xc1: {  	[dreg:$0x1] =	wrdreg $0xFFFFFFFF  }
0xc2: {  	_ =	task.clear_ibuf [dreg:s7], $0x2FFFF;
	_ =	strace $0x9FFFFFFF  }
0xc3: {  	(tm) =	ssettm $0x7FFFFFFF  }
tec
execute0_lowered:
.L_overlay_start_1:
0x0: {  	(tag) =	ssettag $0x1  }
0x1: {  	s0 =	rddreg [dreg:$0x0]  }
0x2: {  	s2 =	rddreg [dreg:$0x1]  }
0x3: {  	s1 =	rddreg [dreg:$0x2]  }
0x4: {  	s3 =	srdreg.scid;
	s11 =	stileid.u32;
	s28 =	simm.s32 $0x6B00  }
0x5: {  	s29 =	simm.s32 $0x7;
	s30 =	simm.s32 $0x1;
	s31 =	simm.s32 $0x80  }
0x6: {  	s5 =	sand.u32 $0x1, s3;
	s3 =	simm.s32 $0x0;
	s7 =	smul.u32 $0x13C00, s11  }
0x7: {  	s4 =	sadd.s32 $0x5000, s2;
	s8 =	sadd.s32 $0x54000, s2;
	s9 =	smul.u32 $0x4F000, s11  }
0x8: {  	s12 =	sshll.u32 s11, $0x1;
	s16 =	sshll.u32 s11, $0x6;
	s18 =	smul.u32 $0xC800, s11  }
0x9: {  	s6 =	smul.u32 $0x13C000, s5;
	[smem:$0x7FF] =	sst s3;
	s13 =	ssub.s32 $0x2, s5  }
0xa: {  	_ =	strace $0x80000059;
	[dreg:$0x4] =	wrdreg s8;
	s10 =	sshrl.u32 s13, $0x1  }
0xb: {  	s15 =	sshrl.u32 s9, $0x2;
	[dreg:$0x5] =	wrdreg s16;
	s6 =	sadd.s32 s7, s6  }
0xc: {  	s7 =	sor.u32 s5, s12;
	s14 =	ssub.s32 s13, s10;
	s9 =	sadd.s32 s15, s1  }
0xd: {  	s10 =	sor.u32 $0x1C07, s16;
	s5 =	smul.u32 $0x6400, s5;
	s6 =	sshrl.u32 s6, $0x3  }
0xe: {  	s7 =	smul.u32 $0x6400, s7;
	[dreg:$0x6] =	wrdreg s10;
	s2 =	sadd.s32 s6, s2  }
0xf: {  	s6 =	smax.u32 s14, $0x1;
	s22 =	sadd.s32 s5, s18;
	s18 =	sshrl.u32 s9, $0x3  }
0x10: {  	s9 =	simm.s32 $0x0;
	s17 =	sshrl.u32 s7, $0x3;
	s7 =	sor.u32 $0x300, s7  }
0x11: {  	s2 =	sadd.s32 $0x7E000, s2;
	[dreg:$0xb] =	wrdreg s6;
	s24 =	sadd.s32 $0x700, s22  }
0x12: {  	s25 =	sadd.s32 $0x600, s22;
	s8 =	sadd.s32 s0, s17;
	[dreg:$0xa] =	wrdreg s2  }
0x13: {  	s21 =	sshrl.u32 s7, $0x3;
	s19 =	sadd.s32 $0x20, s8;
	[dreg:$0x7] =	wrdreg s8  }
0x14: {  	s5 =	sshrl.u32 s24, $0x3;
	s20 =	sadd.s32 $0x40, s8;
	[dreg:$0x8] =	wrdreg s19  }
0x15: {  	s6 =	sshrl.u32 s25, $0x3;
	s2 =	sadd.s32 s0, s21;
	[dreg:$0x9] =	wrdreg s20  }
0x16: {  	s24 =	simm.s32 $0x5;
	s23 =	sadd.s32 $0x80, s8;
	[dreg:$0xc] =	wrdreg s2  }
0x17: {  	s25 =	simm.s32 $0x3700;
	s5 =	sadd.s32 s5, s0;
	[dreg:$0xd] =	wrdreg s23  }
0x18: {  	s7 =	simm.s32 $0x9;
	s26 =	sadd.s32 s6, s0;
	[dreg:$0xe] =	wrdreg s5  }
0x19: {  	s21 =	simm.s32 $0x4;
	s2 =	sadd.s32 $0x500, s22;
	[dreg:$0xf] =	wrdreg s26  }
0x1a: {  	s19 =	simm.s32 $0x100;
	s22 =	simm.s32 $0x64;
	s23 =	simm.s32 $0x300  }
0x1b: {  	s26 =	simm.s32 $0x6;
	s5 =	simm.s32 $0x3;
	s2 =	sshrl.u32 s2, $0x3  }
0x1c: {  	s10 =	sadd.s32 s2, s0;
	s0 =	simm.s32 $0x2;
	s2 =	simm.s32 $0x8  }
.LBB2_1:
0x1d: {  	s6 =	rddreg [dreg:$0x4]  }
0x1e: {  	s8 =	rddreg [dreg:$0x6]  }
0x1f: {  	[spmem:s18], [sflag:s8] =	dma.local [hbm:s6], $0x2780  }
0x20: {  	s6 =	rddreg [dreg:$0x7]  }
0x21: {  	[tilespmem:s3], [sflag:$0x4] =	stream.linear.gather [hbm4b:s6+s3], $0x100, $0x38;
	[tilespmem:$0x1DB00] =	vst v63  }
0x22: {  	s12 =	rddreg [dreg:$0x8]  }
0x23: {  	[tilespmem:s19], [sflag:$0x5] =	stream.linear.gather [hbm4b:s12+s3], $0x100, $0x38;
	[tilespmem:$0x1DB00] =	vst v63  }
0x24: {  	s14 =	simm.s32 $0x200;
	s13 =	rddreg [dreg:$0x9]  }
0x25: {  	[tilespmem:s14], [sflag:$0x6] =	stream.linear.gather [hbm4b:s13+s3], $0x100, $0x38;
	[tilespmem:$0x1DB00] =	vst v63  }
0x26: {  	_ =	swait.ge [sflag:s21], $0x100  }
0x27: {  	[sflag:s21] =	ssyncset.done $0x0  }
0x28: {  	[sflag:s21] =	ssyncadd.s32 $0xFFFFFF00  }
0x29: {  	[tilespmem:s23], [sflag:$0x1] =	stream.indirect.gather [hbm4b:s4+s22], $0x80, s3, s22, $0xb8;
	[tilespmem:$0x1DB00] =	vst v63  }
0x2a: {  	_ =	swait.ge [sflag:s24], $0x100  }
0x2b: {  	[sflag:s24] =	ssyncset.done $0x0  }
0x2c: {  	[sflag:s24] =	ssyncadd.s32 $0xFFFFFF00  }
0x2d: {  	[tilespmem:s25], [sflag:$0x2] =	stream.indirect.gather [hbm4b:s4+s22], $0x80, s19, s22, $0xb8;
	[tilespmem:$0x1DB00] =	vst v63  }
0x2e: {  	_ =	swait.ge [sflag:s26], $0x100  }
0x2f: {  	[sflag:s26] =	ssyncset.done $0x0  }
0x30: {  	[sflag:s26] =	ssyncadd.s32 $0xFFFFFF00  }
0x31: {  	[tilespmem:s28], [sflag:$0x3] =	stream.indirect.gather [hbm4b:s4+s22], $0x80, s14, s22, $0xb8;
	[tilespmem:$0x1DB00] =	vst v63  }
0x32: {  	_ =	swait.ge [sflag:s29], $0x2780  }
0x33: {  	[sflag:s29] =	ssyncset.done $0x0  }
0x34: {  	[sflag:s29] =	ssyncadd.s32 $0xFFFFD880  }
0x35: {  	[bflag:$0x0] =	sbarrier.arrive $0xFFFF  }
0x36: {  	_ =	swait.ge [sflag:s30], $0x3200  }
0x37: {  	[sflag:s30] =	ssyncset.done $0x0  }
0x38: {  	[sflag:s30] =	ssyncadd.s32 $0xFFFFCE00  }
0x39: {  	[spmem:s1] =	stream.indirect.scatter.add.f32 [tilespmem:s23], [sflag:$0x8], $0x80, s31, s22, $0xb8;
	[tilespmem:$0x1DB00] =	vst v63  }
0x3a: {  	_ =	swait.ge [sflag:s0], $0x3200  }
0x3b: {  	[sflag:s0] =	ssyncset.done $0x0  }
0x3c: {  	[sflag:s0] =	ssyncadd.s32 $0xFFFFCE00  }
0x3d: {  	_ =	swait.ge [sflag:s2], $0x3200  }
0x3e: {  	[sflag:s2] =	ssyncset.done $0x0  }
0x3f: {  	s15 =	simm.s32 $0x180;
	[sflag:s2] =	ssyncadd.s32 $0xFFFFCE00  }
0x40: {  	[spmem:s1] =	stream.indirect.scatter.add.f32 [tilespmem:s25], [sflag:$0x8], $0x80, s15, s22, $0xb8;
	[tilespmem:$0x1DB00] =	vst v63  }
0x41: {  	s16 =	rddreg [dreg:$0xc]  }
0x42: {  	[tilespmem:s3], [sflag:$0x4] =	stream.linear.gather [hbm4b:s16+s3], $0x100, $0x38;
	[tilespmem:$0x1DB00] =	vst v63  }
0x43: {  	_ =	swait.ge [sflag:s21], $0x100  }
0x44: {  	[sflag:s21] =	ssyncset.done $0x0  }
0x45: {  	[sflag:s21] =	ssyncadd.s32 $0xFFFFFF00  }
0x46: {  	[tilespmem:s23], [sflag:$0x1] =	stream.indirect.gather [hbm4b:s4+s22], $0x80, s3, s22, $0xb8;
	[tilespmem:$0x1DB00] =	vst v63  }
0x47: {  	_ =	swait.ge [sflag:s5], $0x3200  }
0x48: {  	[sflag:s5] =	ssyncset.done $0x0  }
0x49: {  	[sflag:s5] =	ssyncadd.s32 $0xFFFFCE00  }
0x4a: {  	_ =	swait.ge [sflag:s2], $0x3200  }
0x4b: {  	[sflag:s2] =	ssyncset.done $0x0  }
0x4c: {  	s17 =	simm.s32 $0x280;
	[sflag:s2] =	ssyncadd.s32 $0xFFFFCE00  }
0x4d: {  	[spmem:s1] =	stream.indirect.scatter.add.f32 [tilespmem:s28], [sflag:$0x8], $0x80, s17, s22, $0xb8;
	[tilespmem:$0x1DB00] =	vst v63  }
0x4e: {  	s20 =	rddreg [dreg:$0xd]  }
0x4f: {  	[tilespmem:s19], [sflag:$0x5] =	stream.linear.gather [hbm4b:s20+s3], $0x100, $0x38;
	[tilespmem:$0x1DB00] =	vst v63  }
0x50: {  	_ =	swait.ge [sflag:s24], $0x100  }
0x51: {  	s6 =	simm.s32 $0xFFFFFFDF;
	[sflag:s24] =	ssyncset.done $0x0;
	s16 =	rddreg [dreg:$0xf]  }
0x52: {  	s17 =	smov.u32 s10;
	s15 =	rddreg [dreg:$0xe];
	[sflag:s24] =	ssyncadd.s32 $0xFFFFFF00  }
0x53: {  	[tilespmem:s25], [sflag:$0x2] =	stream.indirect.gather [hbm4b:s4+s22], $0x80, s19, s22, $0xb8;
	[tilespmem:$0x1DB00] =	vst v63  }
.LBB2_2:
0x54: {  	_ =	swait.ge [sflag:s30], $0x3200  }
0x55: {  	[sflag:s30] =	ssyncset.done $0x0  }
0x56: {  	[sflag:s30] =	ssyncadd.s32 $0xFFFFCE00  }
0x57: {  	_ =	swait.ge [sflag:s2], $0x3200  }
0x58: {  	[sflag:s2] =	ssyncset.done $0x0  }
0x59: {  	p0 =	seq.s32 s6, $0xFFFFFFFF;
	[sflag:s2] =	ssyncadd.s32 $0xFFFFCE00  }
0x5a: {  	[spmem:s1] =	stream.indirect.scatter.add.f32 [tilespmem:s23], [sflag:$0x8], $0x80, s31, s22, $0xb8;
	[tilespmem:$0x1DB00] =	vst v63  }
0x5b: {  	s13 =	simm.s32 @!p0 $0x0;
	s14 =	simm.s32 @!p0 $0x200;
	s8 =	simm.s32 @!p0 $0x6  }
0x5c: {  	[tilespmem:s14], [sflag:$0x6] =	stream.linear.gather @!p0 [hbm4b:s17+s13], $0x100, $0x38;
	[tilespmem:$0x1DB00] =	vst v63  }
0x5d: {  	_ =	swait.ge @!p0 [sflag:s8], $0x100  }
0x5e: {  	[sflag:s8] =	ssyncset.done @!p0 $0x0  }
0x5f: {  	s12 =	simm.s32 @!p0 $0x6B00;
	[sflag:s8] =	ssyncadd.s32 @!p0 $0xFFFFFF00;
	s8 =	simm.s32 @!p0 $0x64  }
0x60: {  	[tilespmem:s12], [sflag:$0x3] =	stream.indirect.gather @!p0 [hbm4b:s4+s8], $0x80, s14, s8, $0xb8;
	[tilespmem:$0x1DB00] =	vst v63  }
0x61: {  	s14 =	simm.s32 @!p0 $0x2  }
0x62: {  	_ =	swait.ge @!p0 [sflag:s14], $0x3200  }
0x63: {  	[sflag:s14] =	ssyncset.done @!p0 $0x0  }
0x64: {  	[sflag:s14] =	ssyncadd.s32 @!p0 $0xFFFFCE00;
	s14 =	simm.s32 @!p0 $0x8  }
0x65: {  	_ =	swait.ge @!p0 [sflag:s14], $0x3200  }
0x66: {  	[sflag:s14] =	ssyncset.done @!p0 $0x0  }
0x67: {  	s11 =	simm.s32 @!p0 $0x180;
	s20 =	simm.s32 @!p0 $0x3700;
	[sflag:s14] =	ssyncadd.s32 @!p0 $0xFFFFCE00  }
0x68: {  	[spmem:s1] =	stream.indirect.scatter.add.f32 @!p0 [tilespmem:s20], [sflag:$0x8], $0x80, s11, s8, $0xb8;
	[tilespmem:$0x1DB00] =	vst v63  }
0x69: {  	s11 =	simm.s32 @!p0 $0x4  }
0x6a: {  	[tilespmem:s13], [sflag:$0x4] =	stream.linear.gather @!p0 [hbm4b:s16+s13], $0x100, $0x38;
	[tilespmem:$0x1DB00] =	vst v63  }
0x6b: {  	_ =	swait.ge @!p0 [sflag:s11], $0x100  }
0x6c: {  	[sflag:s11] =	ssyncset.done @!p0 $0x0  }
0x6d: {  	[sflag:s11] =	ssyncadd.s32 @!p0 $0xFFFFFF00;
	s11 =	simm.s32 @!p0 $0x300  }
0x6e: {  	[tilespmem:s11], [sflag:$0x1] =	stream.indirect.gather @!p0 [hbm4b:s4+s8], $0x80, s13, s8, $0xb8;
	[tilespmem:$0x1DB00] =	vst v63  }
0x6f: {  	s11 =	simm.s32 @!p0 $0x3  }
0x70: {  	_ =	swait.ge @!p0 [sflag:s11], $0x3200  }
0x71: {  	[sflag:s11] =	ssyncset.done @!p0 $0x0  }
0x72: {  	[sflag:s11] =	ssyncadd.s32 @!p0 $0xFFFFCE00  }
0x73: {  	s11 =	sadd.s32 $0x22, s6;
	_ =	swait.ge @!p0 [sflag:s14], $0x3200  }
0x74: {  	p1 =	sgt.u32 @!p0 s11, $0x1F;
	[sflag:s14] =	ssyncset.done @!p0 $0x0  }
0x75: {  	s13 =	simm.s32 @!p0 $0x280;
	p1 =	por p1, p0;
	[sflag:s14] =	ssyncadd.s32 @!p0 $0xFFFFCE00  }
0x76: {  	[spmem:s1] =	stream.indirect.scatter.add.f32 @!p0 [tilespmem:s12], [sflag:$0x8], $0x80, s13, s8, $0xb8;
	[tilespmem:$0x1DB00] =	vst v63  }
0x77: {  	s11 =	simm.s32 @!p1 $0x100;
	s8 =	simm.s32 @!p1 $0x0  }
0x78: {  	[tilespmem:s11], [sflag:$0x5] =	stream.linear.gather @!p1 [hbm4b:s15+s8], $0x100, $0x38;
	[tilespmem:$0x1DB00] =	vst v63  }
0x79: {  	s8 =	simm.s32 @!p1 $0x5  }
0x7a: {  	_ =	swait.ge @!p1 [sflag:s8], $0x100  }
0x7b: {  	s6 =	sadd.s32 @!p0 $0x1, s6;
	[sflag:s8] =	ssyncset.done @!p1 $0x0  }
0x7c: {  	s12 =	simm.s32 @!p1 $0x3700;
	[sflag:s8] =	ssyncadd.s32 @!p1 $0xFFFFFF00;
	s8 =	simm.s32 @!p1 $0x64  }
0x7d: {  	[tilespmem:s12], [sflag:$0x2] =	stream.indirect.gather @!p1 [hbm4b:s4+s8], $0x80, s11, s8, $0xb8;
	[tilespmem:$0x1DB00] =	vst v63  }
0x7e: {  	p1 =	seq.s32 @!p0 s6, $0x0  }
0x7f: {  	p1 =	por p0, p1  }
.Ltmp0:
0x80: {  	_ = 	snop;
	(pc) =	sbr.rel @!p1 .LBB2_2-.Ltmp0, $2  }
0x81: {  	_ =	sdelay $0x2  }
0x82: {  	s17 =	sadd.s32 @!p0 $0x60, s17;
	s16 =	sadd.s32 @!p0 $0x60, s16;
	s15 =	sadd.s32 @!p0 $0x60, s15  }
0x83: {  	_ =	swait.ge [sflag:s2], $0x3200  }
0x84: {  	[sflag:s2] =	ssyncset.done $0x0  }
0x85: {  	[sflag:s2] =	ssyncadd.s32 $0xFFFFCE00  }
0x86: {  	[bflag:$0x0] =	sbarrier.arrive $0xFFFF  }
0x87: {  	s6 =	rddreg [dreg:$0x5]  }
0x88: {  	s8 =	rddreg [dreg:$0xa];
	s6 =	sor.u32 $0x1C09, s6  }
0x89: {  	[hbm:s8], [sflag:s6] =	dma.local [spmem:s18], $0x2780  }
0x8a: {  	_ =	swait.ge [sflag:s7], $0x2780  }
0x8b: {  	s9 =	sadd.s32 $0x1, s9;
	s20 =	rddreg [dreg:$0xb]  }
0x8c: {  	p0 =	sne.s32 s9, s20  }
.Ltmp1:
0x8d: {  	_ = 	snop;
	(pc) =	sbr.rel @p0 .LBB2_1-.Ltmp1, $3  }
0x8e: {  	_ =	sdelay $0x1  }
0x8f: {  	[sflag:s7] =	ssyncset.done $0x0  }
0x90: {  	[sflag:s7] =	ssyncadd.s32 $0xFFFFD880  }
0x91: {  	_ =	sfence.sel $0x180000  }
0x92: {  	[bflag:$0x0] =	sbarrier.arrive $0xFFFF  }
0x93: {  	_ =	strace $0x90000059  }
0x94: {  	s0 =	stileid.u32;
	[bflag:$0x2] =	sbarrier.arrive $0xFFFF  }
0x95: {  	p0 =	sne.s32 s0, $0x0;
	s0 =	rddreg [dreg:$0x3]  }
0x96: {  	s0 =	sadd.s32 @!p0 $0x100000, s0  }
0x97: {  	[sflag:s0] =	ssyncadd.tile.s32 @!p0 $0x1;
	_ =	shalt  }
.Lfunc_end2:
_tile_overlayer_lowered:
.L_overlay_start_2:
0x98: {  	(tag) =	ssettag $0x2  }
0x99: {  	s0 =	rddreg [dreg:$0x0];
	s2 =	stileid.u32  }
0x9a: {  	s1 =	rddreg [dreg:$0x1];
	p0 =	sne.s32 s2, $0x0  }
0x9b: {  	s3 =	rddreg [dreg:$0x2];
	[bflag:$0x3] =	sbarrier.arrive $0xFFFF;
	s2 =	simm.s32 @!p0 $0x1C09  }
0x9c: {  	[timem:s3], [sflag:s2] =	dma.local @!p0 [hbm:s0], s1  }
0x9d: {  	s0 =	simm.s32 @!p0 $0x9  }
0x9e: {  	_ =	swait.ge @!p0 [sflag:s0], s1  }
0x9f: {  	s1 =	ssub.s32 @!p0 $0x0, s1;
	[sflag:s0] =	ssyncset.done @!p0 $0x0  }
0xa0: {  	[sflag:s0] =	ssyncadd.s32 @!p0 s1  }
0xa1: {  	[bflag:$0x3] =	sbarrier.arrive $0xFFFF  }
0xa2: {  	_ =	shalt  }

</sc_bundles>
